<compile_context>
chip_gen: v7x
topology: tpu7x:2x2x1
jax: 0.10.2.dev20260603
libtpu: 0.0.44.dev20260713+nightly
codegen_flags: <defaults>
</compile_context>

<pallas_src>
import functools
import numpy as np
import jax
import jax.numpy as jnp
from jax import lax
from jax.experimental import pallas as pl
from jax.experimental.pallas import tpu as pltpu
from jax.experimental.pallas import tpu_sc as plsc

_BN_DIV = np.sqrt(1.0 + 1e-5)
_INTERPRET = False



def _sqdist(src, dst):
    return (jnp.sum(src ** 2, -1)[:, :, None]
            + jnp.sum(dst ** 2, -1)[:, None, :]
            - 2.0 * jnp.einsum('bnc,bmc->bnm', src, dst))


def _gather_rows(points, idx):
    return jax.vmap(lambda p, i: p[i])(points, idx)


def _bn_relu(x, g, be):
    return jax.nn.relu(x / _BN_DIV * g + be)


def _mlp(layers, x):
    for (W, b, g, be) in layers:
        x = _bn_relu(x @ W + b, g, be)
    return x



def _fps_body(npoint, xs_ref, ys_ref, zs_ref, lane_ref, kiota_ref,
              ci_ref, cx_ref, cy_ref, cz_ref):
    xs, ys, zs = xs_ref[...], ys_ref[...], zs_ref[...]
    B, N = xs.shape
    lane = lane_ref[...]
    kiota = kiota_ref[...]

    def body(i, c):
        dist, far, ci, cxa, cya, cza = c
        sel = lane == far
        cx = jnp.sum(jnp.where(sel, xs, 0.0), -1, keepdims=True)
        cy = jnp.sum(jnp.where(sel, ys, 0.0), -1, keepdims=True)
        cz = jnp.sum(jnp.where(sel, zs, 0.0), -1, keepdims=True)
        dx, dy, dz = xs - cx, ys - cy, zs - cz
        d = dx * dx + dy * dy + dz * dz
        dist = jnp.minimum(dist, d)
        m = jnp.max(dist, -1, keepdims=True)
        nfar = jnp.min(jnp.where(dist == m, lane, N), -1, keepdims=True)
        ui = (kiota == i).astype(jnp.int32)
        uf = ui.astype(jnp.float32)
        ci = ci + ui * (far - ci)
        cxa = cxa + uf * (cx - cxa)
        cya = cya + uf * (cy - cya)
        cza = cza + uf * (cz - cza)
        return dist, nfar, ci, cxa, cya, cza

    init = (jnp.full((B, N), 1e10, jnp.float32),
            jnp.zeros((B, 1), jnp.int32),
            jnp.zeros((B, npoint), jnp.int32),
            jnp.zeros((B, npoint), jnp.float32),
            jnp.zeros((B, npoint), jnp.float32),
            jnp.zeros((B, npoint), jnp.float32))
    _, _, ci, cxa, cya, cza = lax.fori_loop(0, npoint, body, init)
    ci_ref[...] = ci
    cx_ref[...] = cxa
    cy_ref[...] = cya
    cz_ref[...] = cza


def _fps(xyz, npoint):
    B, N, _ = xyz.shape
    xs, ys, zs = xyz[..., 0], xyz[..., 1], xyz[..., 2]
    lane = jnp.broadcast_to(jnp.arange(N, dtype=jnp.int32), (B, N))
    kiota = jnp.broadcast_to(jnp.arange(npoint, dtype=jnp.int32), (B, npoint))
    ci, cx, cy, cz = pl.pallas_call(
        functools.partial(_fps_body, npoint),
        grid=(1,),
        in_specs=[pl.BlockSpec((B, N), lambda i: (0, 0))] * 4
        + [pl.BlockSpec((B, npoint), lambda i: (0, 0))],
        out_specs=[pl.BlockSpec((B, npoint), lambda i: (0, 0))] * 4,
        out_shape=[jax.ShapeDtypeStruct((B, npoint), jnp.int32)]
        + [jax.ShapeDtypeStruct((B, npoint), jnp.float32)] * 3,
        interpret=_INTERPRET,
    )(xs, ys, zs, lane, kiota)
    return ci, jnp.stack([cx, cy, cz], -1)



_SC_NB = 16
_SC_NW = 32


def _sc_select(dist2, S, N, branches):
    R = dist2.shape[0]
    Rper = R // _SC_NW
    nblk = Rper // _SC_NB
    nbr = len(branches)
    out_type = [jax.ShapeDtypeStruct((R * K,), jnp.int32) for _, K in branches]
    scratch = ([pltpu.VMEM((_SC_NB, N), jnp.float32)]
               + [pltpu.VMEM((_SC_NB * K + 16,), jnp.int32)
                  for _, K in branches])
    mesh = plsc.VectorSubcoreMesh(core_axis_name="c", subcore_axis_name="s")

    @functools.partial(
        pl.kernel, out_type=out_type, mesh=mesh, scratch_types=scratch,
        compiler_params=pltpu.CompilerParams(use_tc_tiling_on_sc=False))
    def sel_kernel(dist_hbm, *refs):
        gidx_hbm = refs[0:nbr]
        dist_v = refs[nbr]
        out_v = refs[nbr + 1:nbr + 1 + nbr]
        wid = lax.axis_index("s") * 2 + lax.axis_index("c")
        iota16 = lax.broadcasted_iota(jnp.int32, (16,), 0)

        def do_block(blk, carry0):
            r0 = wid * Rper + blk * _SC_NB
            pltpu.sync_copy(dist_hbm.at[pl.ds(r0, _SC_NB)], dist_v)

            def do_row(rr, carry1):
                base = ((r0 + rr) // S) * N
                basev = iota16 * 0 + base
                for j, (_, K) in enumerate(branches):
                    for w in range(K // 16):
                        out_v[j][pl.ds(rr * K + w * 16, 16)] = basev

                def chunk(c, offs):
                    d = dist_v[rr, pl.ds(c * 16, 16)]
                    nf = iota16 + (base + c * 16)
                    new = []
                    for j, (r2, K) in enumerate(branches):
                        mj = d <= r2
                        mi = mj.astype(jnp.int32)
                        off = offs[j]
                        excl = plsc.cumsum(mi) - mi
                        tgt = jnp.minimum(rr * K + off + excl,
                                          _SC_NB * K + 15)
                        plsc.store_scatter(out_v[j], [tgt], nf, mask=mj)
                        pc = jnp.sum(mi)
                        new.append(jnp.minimum(off + pc, K))
                    return tuple(new)

                lax.fori_loop(0, N // 16, chunk,
                              tuple(jnp.int32(0) for _ in range(nbr)))
                return carry1

            lax.fori_loop(0, _SC_NB, do_row, 0)
            for j, (_, K) in enumerate(branches):
                pltpu.sync_copy(out_v[j].at[pl.ds(0, _SC_NB * K)],
                                gidx_hbm[j].at[pl.ds(r0 * K, _SC_NB * K)])
            return carry0

        lax.fori_loop(0, nblk, do_block, 0)

    return sel_kernel(dist2)



def _sc_gather(table, idx):
    T, D = table.shape
    G = idx.shape[0]
    Gper = G // _SC_NW
    RI = min(2048, 65536 // D)
    RI = min(RI, Gper)
    niter = Gper // RI
    nsub = RI // 128
    idx2 = idx.reshape(G // RI, nsub, 128)

    mesh = plsc.VectorSubcoreMesh(core_axis_name="c", subcore_axis_name="s")

    @functools.partial(
        pl.kernel, out_type=jax.ShapeDtypeStruct((G, D), jnp.float32),
        mesh=mesh,
        scratch_types=[pltpu.VMEM((nsub, 128), jnp.int32),
                       pltpu.VMEM((RI, D), jnp.float32),
                       pltpu.SemaphoreType.DMA],
        compiler_params=pltpu.CompilerParams(use_tc_tiling_on_sc=False))
    def gather_kernel(table_hbm, idx_hbm, out_hbm, idx_v, rows_v, sem):
        wid = lax.axis_index("s") * 2 + lax.axis_index("c")

        def do_iter(it, carry):
            g0 = wid * Gper + it * RI
            pltpu.sync_copy(idx_hbm.at[wid * niter + it], idx_v)
            copies = []
            for j in range(nsub):
                copies.append(pltpu.async_copy(
                    table_hbm.at[idx_v.at[j]],
                    rows_v.at[pl.ds(j * 128, 128)], sem))
            for c in copies:
                c.wait()
            pltpu.sync_copy(rows_v, out_hbm.at[pl.ds(g0, RI)])
            return carry

        lax.fori_loop(0, niter, do_iter, 0)

    return gather_kernel(table, idx2)


def _ball_query_all(radii, Ks, xyz, new_xyz):
    B, S, _ = new_xyz.shape
    N = xyz.shape[1]
    sq = _sqdist(new_xyz, xyz)
    counts = [jnp.minimum(jnp.sum((sq <= r ** 2).astype(jnp.int32), -1), K)
              for r, K in zip(radii, Ks)]
    flats = []
    base = (jnp.arange(B, dtype=jnp.int32) * N)[:, None, None]
    for r, K in zip(radii, Ks):
        cand = jnp.where(sq > r ** 2, N,
                         jnp.broadcast_to(jnp.arange(N, dtype=jnp.int32),
                                          sq.shape))
        g = -lax.top_k(-cand, K)[0]
        g = jnp.where(g == N, 0, g)
        flats.append(g + base)
    return flats, counts



def _sa_branch(xyz, pts, new_xyz, gflat, count, layers):
    B, S, K = gflat.shape
    N = xyz.shape[1]
    W1, b1, g1, be1 = layers[0]
    C = pts.shape[-1]
    A1 = pts @ W1[:C] + xyz @ W1[C:] + b1
    cW = new_xyz @ W1[C:]
    H = A1.shape[-1]
    g = _sc_gather(A1.reshape(B * N, H), gflat.reshape(-1)).reshape(B, S, K, H)
    h = _bn_relu(g - cW[:, :, None, :], g1, be1)
    for (W, b, gg, bb) in layers[1:]:
        h = _bn_relu(h @ W + b, gg, bb)
    valid = (jnp.arange(K, dtype=jnp.int32)[None, None, :]
             < count[:, :, None])
    h = jnp.where(valid[..., None], h, -jnp.inf)
    return jnp.max(h, axis=2)


def _sa_level(xyz, pts, npoint, radii, Ks, branches):
    fi, new_xyz = _fps(xyz, npoint)
    gflats, counts = _ball_query_all(radii, Ks, xyz, new_xyz)
    outs = [_sa_branch(xyz, pts, new_xyz, gf, cnt, ls)
            for gf, cnt, ls in zip(gflats, counts, branches)]
    return new_xyz, jnp.concatenate(outs, -1)



def _fp(x1, x2, p1, p2, layers):
    B, N, _ = x1.shape
    S = x2.shape[1]
    if S == 1:
        interp = jnp.broadcast_to(p2, (B, N, p2.shape[-1]))
    else:
        d = _sqdist(x1, x2)
        iota = jnp.arange(S, dtype=jnp.int32)[None, None, :]
        dd = d
        idxs, dvs = [], []
        for _ in range(3):
            i = jnp.argmin(dd, -1).astype(jnp.int32)
            dvs.append(jnp.min(dd, -1))
            idxs.append(i)
            dd = jnp.where(iota == i[..., None], jnp.inf, dd)
        d3 = jnp.stack(dvs, -1)
        w = 1.0 / (d3 + 1e-8)
        w = w / jnp.sum(w, -1, keepdims=True)
        wmat = (w[..., 0:1] * (iota == idxs[0][..., None])
                + w[..., 1:2] * (iota == idxs[1][..., None])
                + w[..., 2:3] * (iota == idxs[2][..., None]))
        interp = jnp.einsum('bns,bsc->bnc', wmat, p2)
    return _mlp(layers, jnp.concatenate([p1, interp], -1))



def _head_body(h_ref, W1_ref, b1_ref, g1_ref, be1_ref, W2_ref, b2_ref, out_ref):
    x = h_ref[...] @ W1_ref[...] + b1_ref[...]
    x = jax.nn.relu(x / _BN_DIV * g1_ref[...] + be1_ref[...])
    x = x @ W2_ref[...] + b2_ref[...]
    m = jnp.max(x, -1, keepdims=True)
    s = x - m
    out_ref[...] = s - jnp.log(jnp.sum(jnp.exp(s), -1, keepdims=True))


def _head(h, head1, head2):
    B, N, C = h.shape
    W1, b1, g1, be1 = head1
    W2, b2 = head2
    rows = B * N
    BLK = 2048
    hf = h.reshape(rows, C)
    out = pl.pallas_call(
        _head_body,
        grid=(rows // BLK,),
        in_specs=[
            pl.BlockSpec((BLK, C), lambda i: (i, 0)),
            pl.BlockSpec((C, W1.shape[1]), lambda i: (0, 0)),
            pl.BlockSpec((1, W1.shape[1]), lambda i: (0, 0)),
            pl.BlockSpec((1, W1.shape[1]), lambda i: (0, 0)),
            pl.BlockSpec((1, W1.shape[1]), lambda i: (0, 0)),
            pl.BlockSpec((C, W2.shape[1]), lambda i: (0, 0)),
            pl.BlockSpec((1, W2.shape[1]), lambda i: (0, 0)),
        ],
        out_specs=pl.BlockSpec((BLK, W2.shape[1]), lambda i: (i, 0)),
        out_shape=jax.ShapeDtypeStruct((rows, W2.shape[1]), jnp.float32),
        interpret=_INTERPRET,
    )(hf, W1, b1.reshape(1, -1), g1.reshape(1, -1), be1.reshape(1, -1),
      W2, b2.reshape(1, -1))
    return out.reshape(B, N, -1)



@jax.jit
def _forward(xyz, cls_label, params):
    B, C, N = xyz.shape
    x0 = jnp.transpose(xyz, (0, 2, 1))

    x1, f1 = _sa_level(x0, x0, 1024, [0.1, 0.2, 0.4], [32, 64, 128],
                       params['sa1'])
    x2, f2 = _sa_level(x1, f1, 512, [0.4, 0.8], [64, 128], params['sa2'])

    h = jnp.concatenate([x2, f2], -1)
    f3 = jnp.max(_mlp(params['sa3'], h), axis=1, keepdims=True)
    x3 = jnp.zeros((B, 1, 3), jnp.float32)

    f2 = _fp(x2, x3, f2, f3, params['fp3'])
    f1 = _fp(x1, x2, f1, f2, params['fp2'])

    cls_oh = jnp.broadcast_to(cls_label.reshape(B, 1, 1), (B, N, 1))
    p1 = jnp.concatenate([cls_oh, x0, x0], -1)
    f0 = _fp(x0, x1, p1, f1, params['fp1'])

    out = _head(f0, params['head1'], params['head2'])
    l3_points = jnp.transpose(f3, (0, 2, 1))
    return out, l3_points


def kernel(xyz, cls_label, params):
    return _forward(xyz, cls_label, params)

# --- scband reference (transcript-rebuilt; emitter-appended) ---
"""Pipeline reference for scband-get-model-1821066134014 (READ-ONLY COPY).

The authoritative reference and input builder live on the scoring server;
editing this copy changes nothing except your own understanding.
"""

import jax, jax.numpy as jnp
import numpy as np

BN_EPS = 1e-5

def square_distance(src, dst):
    return jnp.sum(src ** 2, -1)[:, :, None] + jnp.sum(dst ** 2, -1)[:, None, :] - 2.0 * jnp.einsum('bnc,bmc->bnm', src, dst)

def index_points(points, idx):
    return jax.vmap(lambda p, i: p[i])(points, idx)

def farthest_point_sample(xyz, npoint):
    xyz = jax.lax.stop_gradient(xyz)
    B, N, _ = xyz.shape
    def body(i, state):
        distance, farthest, centroids = state
        centroids = centroids.at[:, i].set(farthest)
        centroid = index_points(xyz, farthest[:, None])
        dist = jnp.sum((xyz - centroid) ** 2, -1)
        distance = jnp.minimum(distance, dist)
        farthest = jnp.argmax(distance, axis=-1).astype(jnp.int32)
        return distance, farthest, centroids
    state = (jnp.full((B, N), 1e10, jnp.float32), jnp.zeros((B,), jnp.int32), jnp.zeros((B, npoint), jnp.int32))
    _, _, centroids = jax.lax.fori_loop(0, npoint, body, state)
    return centroids

def query_ball_point(radius, nsample, xyz, new_xyz):
    B, S, _ = new_xyz.shape
    N = xyz.shape[1]
    sqrdists = jax.lax.stop_gradient(square_distance(new_xyz, xyz))
    gidx = jnp.broadcast_to(jnp.arange(N, dtype=jnp.int32), (B, S, N))
    gidx = jnp.where(sqrdists > radius ** 2, N, gidx)
    gidx = jnp.sort(gidx, axis=-1)[:, :, :nsample]
    first = jnp.broadcast_to(gidx[:, :, :1], gidx.shape)
    return jnp.where(gidx == N, first, gidx)

def apply_mlp(layers, x):
    for (W, b, g, be) in layers:
        x = x @ W + b
        x = x / np.sqrt(1.0 + BN_EPS) * g + be
        x = jax.nn.relu(x)
    return x

def sa_msg(xyz, points, npoint, radii, nsamples, branches):
    xyz_t = jnp.transpose(xyz, (0, 2, 1))
    pts_t = jnp.transpose(points, (0, 2, 1))
    fps_idx = farthest_point_sample(xyz_t, npoint)
    new_xyz = index_points(xyz_t, fps_idx)
    outs = []
    for r, K, layers in zip(radii, nsamples, branches):
        gidx = query_ball_point(r, K, xyz_t, new_xyz)
        g_xyz = index_points(xyz_t, gidx) - new_xyz[:, :, None, :]
        g_pts = jnp.concatenate([index_points(pts_t, gidx), g_xyz], axis=-1)
        outs.append(jnp.max(apply_mlp(layers, g_pts), axis=2))
    return jnp.transpose(new_xyz, (0, 2, 1)), jnp.transpose(jnp.concatenate(outs, -1), (0, 2, 1))

def sa_group_all(xyz, points, layers):
    xyz_t = jnp.transpose(xyz, (0, 2, 1))
    pts_t = jnp.transpose(points, (0, 2, 1))
    h = jnp.concatenate([xyz_t, pts_t], -1)[:, None]
    h = jnp.max(apply_mlp(layers, h), axis=2)
    B = xyz.shape[0]
    return jnp.zeros((B, 3, 1), jnp.float32), jnp.transpose(h, (0, 2, 1))

def fp(xyz1, xyz2, points1, points2, layers):
    x1 = jnp.transpose(xyz1, (0, 2, 1))
    x2 = jnp.transpose(xyz2, (0, 2, 1))
    p2 = jnp.transpose(points2, (0, 2, 1))
    B, N, _ = x1.shape
    S = x2.shape[1]
    if S == 1:
        interp = jnp.broadcast_to(p2, (B, N, p2.shape[-1]))
    else:
        dists = square_distance(x1, x2)
        idx = jnp.argsort(jax.lax.stop_gradient(dists), axis=-1)[:, :, :3]
        d3 = jnp.take_along_axis(dists, idx, axis=-1)
        w = 1.0 / (d3 + 1e-8)
        w = w / jnp.sum(w, -1, keepdims=True)
        interp = jnp.sum(index_points(p2, idx) * w[..., None], axis=2)
    p1 = jnp.transpose(points1, (0, 2, 1))
    h = apply_mlp(layers, jnp.concatenate([p1, interp], -1))
    return jnp.transpose(h, (0, 2, 1))

def forward(xyz, cls_label, params):
    B, C, N = xyz.shape
    l0_xyz, l0_points = xyz, xyz
    l1_xyz, l1_points = sa_msg(l0_xyz, l0_points, 1024, [0.1, 0.2, 0.4], [32, 64, 128], params['sa1'])
    l2_xyz, l2_points = sa_msg(l1_xyz, l1_points, 512, [0.4, 0.8], [64, 128], params['sa2'])
    l3_xyz, l3_points = sa_group_all(l2_xyz, l2_points, params['sa3'])
    l2_points = fp(l2_xyz, l3_xyz, l2_points, l3_points, params['fp3'])
    l1_points = fp(l1_xyz, l2_xyz, l1_points, l2_points, params['fp2'])
    cls_oh = jnp.broadcast_to(cls_label.reshape(B, 1, 1), (B, 1, N))
    p1 = jnp.concatenate([cls_oh, l0_xyz, l0_points], axis=1)
    l0p = fp(l0_xyz, l1_xyz, p1, l1_points, params['fp1'])
    h = jnp.transpose(l0p, (0, 2, 1))
    W1, b1, g1, be1 = params['head1']
    h = jax.nn.relu((h @ W1 + b1) / np.sqrt(1.0 + BN_EPS) * g1 + be1)
    W2, b2 = params['head2']
    h = h @ W2 + b2
    return jax.nn.log_softmax(h, axis=-1), l3_points

def make_mlp(key, chans):
    layers = []
    for i in range(len(chans) - 1):
        key, k1 = jax.random.split(key)
        layers.append((jax.random.normal(k1, (chans[i], chans[i + 1]), jnp.float32) * 0.05,
                       jnp.zeros((chans[i + 1],), jnp.float32),
                       jnp.ones((chans[i + 1],), jnp.float32),
                       jnp.zeros((chans[i + 1],), jnp.float32)))
    return layers

def setup_inputs(seed: int = 0):
    key = jax.random.key(seed)
    k = lambda i: jax.random.fold_in(key, i)
    params = {
        'sa1': [make_mlp(k(1), [6, 32, 32, 64]), make_mlp(k(2), [6, 64, 64, 128]), make_mlp(k(3), [6, 64, 96, 128])],
        'sa2': [make_mlp(k(4), [323, 128, 128, 256]), make_mlp(k(5), [323, 128, 196, 256])],
        'sa3': make_mlp(k(6), [515, 256, 512, 1024]),
        'fp3': make_mlp(k(7), [1536, 256, 256]),
        'fp2': make_mlp(k(8), [576, 256, 128]),
        'fp1': make_mlp(k(9), [135, 128, 128]),
        'head1': (jax.random.normal(k(10), (128, 128), jnp.float32) * 0.05, jnp.zeros((128,), jnp.float32), jnp.ones((128,), jnp.float32), jnp.zeros((128,), jnp.float32)),
        'head2': (jax.random.normal(k(11), (128, 50), jnp.float32) * 0.05, jnp.zeros((50,), jnp.float32)),
    }
    xyz = jax.random.normal(k(20), (8, 3, 2048), jnp.float32)
    cls_label = jax.random.uniform(k(21), (8,), jnp.float32)
    return {'xyz': xyz, 'cls_label': cls_label, 'params': params}

def reference(xyz, cls_label, params):
    return forward(xyz, cls_label, params)

if __name__ == "__main__":
    import jax
    _d = setup_inputs()
    print(jax.jit(kernel)(*tuple(_d.values())))

</pallas_src>

<mosaic_0001>
#map = affine_map<(d0, d1) -> (0, 0)>
#map1 = affine_map<(d0, d1) -> (0, 0, 0)>
module attributes {stable_mosaic.version = 14 : i64} {
  func.func @gather_kernel(%arg0: i32, %arg1: i32, %arg2: memref<16384x64xf32, #tpu.memory_space<hbm>>, %arg3: memref<512x8x128xi32, #tpu.memory_space<hbm>>, %arg4: memref<524288x64xf32, #tpu.memory_space<hbm>>, %arg5: memref<8x128xi32, #tpu.memory_space<vmem>>, %arg6: memref<1024x64xf32, #tpu.memory_space<vmem>>, %arg7: memref<!tpu.dma_semaphore, #tpu.memory_space<semaphore_mem>>) attributes {dimension_semantics = [#tpu.dimension_semantics<core_parallel>, #tpu.dimension_semantics<subcore_parallel>], iteration_bounds = array<i64: 2, 16>, scalar_prefetch = 0 : i64, scratch_operands = 3 : i64, tpu.core_type = #tpu.core_type<sc_vector_subcore>, window_params = [{transform_indices = #map}, {transform_indices = #map1}, {transform_indices = #map}]} {
    %mul3A = arith.constant 2 : i32
    %mul3A_0 = arith.muli %arg1, %mul3A : i32
    %add3A = arith.addi %mul3A_0, %arg0 : i32
    %scan3A = arith.constant 0 : i32
    %scan3A_1 = arith.constant 0 : i32
    %scan3A_2 = arith.constant 16 : i32
    %scan3A_3 = arith.addi %scan3A_1, %scan3A_2 : i32
    %scan3A_4 = arith.constant 1 : i32
    scf.for %scan3A_6 = %scan3A_1 to %scan3A_3 step %scan3A_4  : i32 {
      %mul3A_7 = arith.constant 16384 : i32
      %mul3A_8 = arith.muli %add3A, %mul3A_7 : i32
      %mul3A_9 = arith.constant 1024 : i32
      %mul3A_10 = arith.muli %scan3A_6, %mul3A_9 : i32
      %add3A_11 = arith.addi %mul3A_8, %mul3A_10 : i32
      %mul3A_12 = arith.constant 16 : i32
      %mul3A_13 = arith.muli %add3A, %mul3A_12 : i32
      %add3A_14 = arith.addi %mul3A_13, %scan3A_6 : i32
      "tpu.region"() ({
        %run_scoped3A = tpu.sem_alloc : memref<!tpu.dma_semaphore, #tpu.memory_space<semaphore_mem>>
        %dma_start3A_173 = arith.constant 0 : i32
        %dma_start3A_174 = arith.constant 0 : i32
        %dma_start3A_175 = tpu.memref_slice %arg3[%add3A_14, %dma_start3A_173, %dma_start3A_174] : memref<512x8x128xi32, #tpu.memory_space<hbm>> -> memref<1x8x128xi32, #tpu.memory_space<hbm>>
        %dma_start3A_176 = tpu.memref_squeeze %dma_start3A_175 : memref<1x8x128xi32, #tpu.memory_space<hbm>> -> memref<8x128xi32, #tpu.memory_space<hbm>>
        %dma_start3A_177 = arith.constant 0 : i32
        %dma_start3A_178 = arith.constant 0 : i32
        %dma_start3A_179 = tpu.memref_slice %arg3[%add3A_14, %dma_start3A_177, %dma_start3A_178] : memref<512x8x128xi32, #tpu.memory_space<hbm>> -> memref<1x8x128xi32, #tpu.memory_space<hbm>>
        %dma_start3A_180 = tpu.memref_squeeze %dma_start3A_179 : memref<1x8x128xi32, #tpu.memory_space<hbm>> -> memref<8x128xi32, #tpu.memory_space<hbm>>
        tpu.enqueue_dma source(%dma_start3A_180 : memref<8x128xi32, #tpu.memory_space<hbm>>) target(%arg5 : memref<8x128xi32, #tpu.memory_space<vmem>>) target_semaphore(%run_scoped3A : memref<!tpu.dma_semaphore, #tpu.memory_space<semaphore_mem>>)
        %dma_wait3A_181 = arith.constant 0 : i32
        %dma_wait3A_182 = arith.constant 0 : i32
        %dma_wait3A_183 = tpu.memref_slice %arg3[%add3A_14, %dma_wait3A_181, %dma_wait3A_182] : memref<512x8x128xi32, #tpu.memory_space<hbm>> -> memref<1x8x128xi32, #tpu.memory_space<hbm>>
        %dma_wait3A_184 = tpu.memref_squeeze %dma_wait3A_183 : memref<1x8x128xi32, #tpu.memory_space<hbm>> -> memref<8x128xi32, #tpu.memory_space<hbm>>
        %dma_wait3A_185 = arith.constant 0 : i32
        %dma_wait3A_186 = arith.constant 0 : i32
        %dma_wait3A_187 = tpu.memref_slice %arg3[%add3A_14, %dma_wait3A_185, %dma_wait3A_186] : memref<512x8x128xi32, #tpu.memory_space<hbm>> -> memref<1x8x128xi32, #tpu.memory_space<hbm>>
        %dma_wait3A_188 = tpu.memref_squeeze %dma_wait3A_187 : memref<1x8x128xi32, #tpu.memory_space<hbm>> -> memref<8x128xi32, #tpu.memory_space<hbm>>
        tpu.wait_dma2 semaphore(%run_scoped3A : memref<!tpu.dma_semaphore, #tpu.memory_space<semaphore_mem>>) src(%dma_wait3A_188 : memref<8x128xi32, #tpu.memory_space<hbm>>) dst(%arg5 : memref<8x128xi32, #tpu.memory_space<vmem>>)
        tpu.yield
      }) : () -> ()
      %dma_start3A = arith.constant 0 : i32
      %dma_start3A_15 = arith.constant 0 : i32
      %dma_start3A_16 = arith.constant 0 : i32
      %dma_start3A_17 = tpu.memref_slice %arg6[%dma_start3A_15, %dma_start3A_16] : memref<1024x64xf32, #tpu.memory_space<vmem>> -> memref<128x64xf32, #tpu.memory_space<vmem>>
      %dma_start3A_18 = arith.constant 0 : i32
      %dma_start3A_19 = tpu.memref_slice %arg5[%dma_start3A, %dma_start3A_18] : memref<8x128xi32, #tpu.memory_space<vmem>> -> memref<1x128xi32, #tpu.memory_space<vmem>>
      %dma_start3A_20 = tpu.memref_squeeze %dma_start3A_19 : memref<1x128xi32, #tpu.memory_space<vmem>> -> memref<128xi32, #tpu.memory_space<vmem>>
      %dma_start3A_21 = arith.constant 0 : i32
      %dma_start3A_22 = arith.constant 0 : i32
      %dma_start3A_23 = tpu.memref_slice %arg2[%dma_start3A_21, %dma_start3A_22] : memref<16384x64xf32, #tpu.memory_space<hbm>> -> memref<16384x64xf32, #tpu.memory_space<hbm>>
      tpu.enqueue_indirect_dma source(%dma_start3A_23 : memref<16384x64xf32, #tpu.memory_space<hbm>>) target(%dma_start3A_17 : memref<128x64xf32, #tpu.memory_space<vmem>>) offsets(%dma_start3A_20 : memref<128xi32, #tpu.memory_space<vmem>>) semaphore(%arg7 : memref<!tpu.dma_semaphore, #tpu.memory_space<semaphore_mem>>)
      %dma_start3A_24 = arith.constant 1 : i32
      %dma_start3A_25 = arith.constant 128 : i32
      %dma_start3A_26 = arith.constant 0 : i32
      %dma_start3A_27 = tpu.memref_slice %arg6[%dma_start3A_25, %dma_start3A_26] : memref<1024x64xf32, #tpu.memory_space<vmem>> -> memref<128x64xf32, #tpu.memory_space<vmem>>
      %dma_start3A_28 = arith.constant 0 : i32
      %dma_start3A_29 = tpu.memref_slice %arg5[%dma_start3A_24, %dma_start3A_28] : memref<8x128xi32, #tpu.memory_space<vmem>> -> memref<1x128xi32, #tpu.memory_space<vmem>>
      %dma_start3A_30 = tpu.memref_squeeze %dma_start3A_29 : memref<1x128xi32, #tpu.memory_space<vmem>> -> memref<128xi32, #tpu.memory_space<vmem>>
      %dma_start3A_31 = arith.constant 0 : i32
      %dma_start3A_32 = arith.constant 0 : i32
      %dma_start3A_33 = tpu.memref_slice %arg2[%dma_start3A_31, %dma_start3A_32] : memref<16384x64xf32, #tpu.memory_space<hbm>> -> memref<16384x64xf32, #tpu.memory_space<hbm>>
      tpu.enqueue_indirect_dma source(%dma_start3A_33 : memref<16384x64xf32, #tpu.memory_space<hbm>>) target(%dma_start3A_27 : memref<128x64xf32, #tpu.memory_space<vmem>>) offsets(%dma_start3A_30 : memref<128xi32, #tpu.memory_space<vmem>>) semaphore(%arg7 : memref<!tpu.dma_semaphore, #tpu.memory_space<semaphore_mem>>)
      %dma_start3A_34 = arith.constant 2 : i32
      %dma_start3A_35 = arith.constant 256 : i32
      %dma_start3A_36 = arith.constant 0 : i32
      %dma_start3A_37 = tpu.memref_slice %arg6[%dma_start3A_35, %dma_start3A_36] : memref<1024x64xf32, #tpu.memory_space<vmem>> -> memref<128x64xf32, #tpu.memory_space<vmem>>
      %dma_start3A_38 = arith.constant 0 : i32
      %dma_start3A_39 = tpu.memref_slice %arg5[%dma_start3A_34, %dma_start3A_38] : memref<8x128xi32, #tpu.memory_space<vmem>> -> memref<1x128xi32, #tpu.memory_space<vmem>>
      %dma_start3A_40 = tpu.memref_squeeze %dma_start3A_39 : memref<1x128xi32, #tpu.memory_space<vmem>> -> memref<128xi32, #tpu.memory_space<vmem>>
      %dma_start3A_41 = arith.constant 0 : i32
      %dma_start3A_42 = arith.constant 0 : i32
      %dma_start3A_43 = tpu.memref_slice %arg2[%dma_start3A_41, %dma_start3A_42] : memref<16384x64xf32, #tpu.memory_space<hbm>> -> memref<16384x64xf32, #tpu.memory_space<hbm>>
      tpu.enqueue_indirect_dma source(%dma_start3A_43 : memref<16384x64xf32, #tpu.memory_space<hbm>>) target(%dma_start3A_37 : memref<128x64xf32, #tpu.memory_space<vmem>>) offsets(%dma_start3A_40 : memref<128xi32, #tpu.memory_space<vmem>>) semaphore(%arg7 : memref<!tpu.dma_semaphore, #tpu.memory_space<semaphore_mem>>)
      %dma_start3A_44 = arith.constant 3 : i32
      %dma_start3A_45 = arith.constant 384 : i32
      %dma_start3A_46 = arith.constant 0 : i32
      %dma_start3A_47 = tpu.memref_slice %arg6[%dma_start3A_45, %dma_start3A_46] : memref<1024x64xf32, #tpu.memory_space<vmem>> -> memref<128x64xf32, #tpu.memory_space<vmem>>
      %dma_start3A_48 = arith.constant 0 : i32
      %dma_start3A_49 = tpu.memref_slice %arg5[%dma_start3A_44, %dma_start3A_48] : memref<8x128xi32, #tpu.memory_space<vmem>> -> memref<1x128xi32, #tpu.memory_space<vmem>>
      %dma_start3A_50 = tpu.memref_squeeze %dma_start3A_49 : memref<1x128xi32, #tpu.memory_space<vmem>> -> memref<128xi32, #tpu.memory_space<vmem>>
      %dma_start3A_51 = arith.constant 0 : i32
      %dma_start3A_52 = arith.constant 0 : i32
      %dma_start3A_53 = tpu.memref_slice %arg2[%dma_start3A_51, %dma_start3A_52] : memref<16384x64xf32, #tpu.memory_space<hbm>> -> memref<16384x64xf32, #tpu.memory_space<hbm>>
      tpu.enqueue_indirect_dma source(%dma_start3A_53 : memref<16384x64xf32, #tpu.memory_space<hbm>>) target(%dma_start3A_47 : memref<128x64xf32, #tpu.memory_space<vmem>>) offsets(%dma_start3A_50 : memref<128xi32, #tpu.memory_space<vmem>>) semaphore(%arg7 : memref<!tpu.dma_semaphore, #tpu.memory_space<semaphore_mem>>)
      %dma_start3A_54 = arith.constant 4 : i32
      %dma_start3A_55 = arith.constant 512 : i32
      %dma_start3A_56 = arith.constant 0 : i32
      %dma_start3A_57 = tpu.memref_slice %arg6[%dma_start3A_55, %dma_start3A_56] : memref<1024x64xf32, #tpu.memory_space<vmem>> -> memref<128x64xf32, #tpu.memory_space<vmem>>
      %dma_start3A_58 = arith.constant 0 : i32
      %dma_start3A_59 = tpu.memref_slice %arg5[%dma_start3A_54, %dma_start3A_58] : memref<8x128xi32, #tpu.memory_space<vmem>> -> memref<1x128xi32, #tpu.memory_space<vmem>>
      %dma_start3A_60 = tpu.memref_squeeze %dma_start3A_59 : memref<1x128xi32, #tpu.memory_space<vmem>> -> memref<128xi32, #tpu.memory_space<vmem>>
      %dma_start3A_61 = arith.constant 0 : i32
      %dma_start3A_62 = arith.constant 0 : i32
      %dma_start3A_63 = tpu.memref_slice %arg2[%dma_start3A_61, %dma_start3A_62] : memref<16384x64xf32, #tpu.memory_space<hbm>> -> memref<16384x64xf32, #tpu.memory_space<hbm>>
      tpu.enqueue_indirect_dma source(%dma_start3A_63 : memref<16384x64xf32, #tpu.memory_space<hbm>>) target(%dma_start3A_57 : memref<128x64xf32, #tpu.memory_space<vmem>>) offsets(%dma_start3A_60 : memref<128xi32, #tpu.memory_space<vmem>>) semaphore(%arg7 : memref<!tpu.dma_semaphore, #tpu.memory_space<semaphore_mem>>)
      %dma_start3A_64 = arith.constant 5 : i32
      %dma_start3A_65 = arith.constant 640 : i32
      %dma_start3A_66 = arith.constant 0 : i32
      %dma_start3A_67 = tpu.memref_slice %arg6[%dma_start3A_65, %dma_start3A_66] : memref<1024x64xf32, #tpu.memory_space<vmem>> -> memref<128x64xf32, #tpu.memory_space<vmem>>
      %dma_start3A_68 = arith.constant 0 : i32
      %dma_start3A_69 = tpu.memref_slice %arg5[%dma_start3A_64, %dma_start3A_68] : memref<8x128xi32, #tpu.memory_space<vmem>> -> memref<1x128xi32, #tpu.memory_space<vmem>>
      %dma_start3A_70 = tpu.memref_squeeze %dma_start3A_69 : memref<1x128xi32, #tpu.memory_space<vmem>> -> memref<128xi32, #tpu.memory_space<vmem>>
      %dma_start3A_71 = arith.constant 0 : i32
      %dma_start3A_72 = arith.constant 0 : i32
      %dma_start3A_73 = tpu.memref_slice %arg2[%dma_start3A_71, %dma_start3A_72] : memref<16384x64xf32, #tpu.memory_space<hbm>> -> memref<16384x64xf32, #tpu.memory_space<hbm>>
      tpu.enqueue_indirect_dma source(%dma_start3A_73 : memref<16384x64xf32, #tpu.memory_space<hbm>>) target(%dma_start3A_67 : memref<128x64xf32, #tpu.memory_space<vmem>>) offsets(%dma_start3A_70 : memref<128xi32, #tpu.memory_space<vmem>>) semaphore(%arg7 : memref<!tpu.dma_semaphore, #tpu.memory_space<semaphore_mem>>)
      %dma_start3A_74 = arith.constant 6 : i32
      %dma_start3A_75 = arith.constant 768 : i32
      %dma_start3A_76 = arith.constant 0 : i32
      %dma_start3A_77 = tpu.memref_slice %arg6[%dma_start3A_75, %dma_start3A_76] : memref<1024x64xf32, #tpu.memory_space<vmem>> -> memref<128x64xf32, #tpu.memory_space<vmem>>
      %dma_start3A_78 = arith.constant 0 : i32
      %dma_start3A_79 = tpu.memref_slice %arg5[%dma_start3A_74, %dma_start3A_78] : memref<8x128xi32, #tpu.memory_space<vmem>> -> memref<1x128xi32, #tpu.memory_space<vmem>>
      %dma_start3A_80 = tpu.memref_squeeze %dma_start3A_79 : memref<1x128xi32, #tpu.memory_space<vmem>> -> memref<128xi32, #tpu.memory_space<vmem>>
      %dma_start3A_81 = arith.constant 0 : i32
      %dma_start3A_82 = arith.constant 0 : i32
      %dma_start3A_83 = tpu.memref_slice %arg2[%dma_start3A_81, %dma_start3A_82] : memref<16384x64xf32, #tpu.memory_space<hbm>> -> memref<16384x64xf32, #tpu.memory_space<hbm>>
      tpu.enqueue_indirect_dma source(%dma_start3A_83 : memref<16384x64xf32, #tpu.memory_space<hbm>>) target(%dma_start3A_77 : memref<128x64xf32, #tpu.memory_space<vmem>>) offsets(%dma_start3A_80 : memref<128xi32, #tpu.memory_space<vmem>>) semaphore(%arg7 : memref<!tpu.dma_semaphore, #tpu.memory_space<semaphore_mem>>)
      %dma_start3A_84 = arith.constant 7 : i32
      %dma_start3A_85 = arith.constant 896 : i32
      %dma_start3A_86 = arith.constant 0 : i32
      %dma_start3A_87 = tpu.memref_slice %arg6[%dma_start3A_85, %dma_start3A_86] : memref<1024x64xf32, #tpu.memory_space<vmem>> -> memref<128x64xf32, #tpu.memory_space<vmem>>
      %dma_start3A_88 = arith.constant 0 : i32
      %dma_start3A_89 = tpu.memref_slice %arg5[%dma_start3A_84, %dma_start3A_88] : memref<8x128xi32, #tpu.memory_space<vmem>> -> memref<1x128xi32, #tpu.memory_space<vmem>>
      %dma_start3A_90 = tpu.memref_squeeze %dma_start3A_89 : memref<1x128xi32, #tpu.memory_space<vmem>> -> memref<128xi32, #tpu.memory_space<vmem>>
      %dma_start3A_91 = arith.constant 0 : i32
      %dma_start3A_92 = arith.constant 0 : i32
      %dma_start3A_93 = tpu.memref_slice %arg2[%dma_start3A_91, %dma_start3A_92] : memref<16384x64xf32, #tpu.memory_space<hbm>> -> memref<16384x64xf32, #tpu.memory_space<hbm>>
      tpu.enqueue_indirect_dma source(%dma_start3A_93 : memref<16384x64xf32, #tpu.memory_space<hbm>>) target(%dma_start3A_87 : memref<128x64xf32, #tpu.memory_space<vmem>>) offsets(%dma_start3A_90 : memref<128xi32, #tpu.memory_space<vmem>>) semaphore(%arg7 : memref<!tpu.dma_semaphore, #tpu.memory_space<semaphore_mem>>)
      %dma_wait3A = arith.constant 0 : i32
      %dma_wait3A_94 = arith.constant 0 : i32
      %dma_wait3A_95 = arith.constant 0 : i32
      %dma_wait3A_96 = tpu.memref_slice %arg6[%dma_wait3A_94, %dma_wait3A_95] : memref<1024x64xf32, #tpu.memory_space<vmem>> -> memref<128x64xf32, #tpu.memory_space<vmem>>
      %dma_wait3A_97 = arith.constant 0 : i32
      %dma_wait3A_98 = tpu.memref_slice %arg5[%dma_wait3A, %dma_wait3A_97] : memref<8x128xi32, #tpu.memory_space<vmem>> -> memref<1x128xi32, #tpu.memory_space<vmem>>
      %dma_wait3A_99 = tpu.memref_squeeze %dma_wait3A_98 : memref<1x128xi32, #tpu.memory_space<vmem>> -> memref<128xi32, #tpu.memory_space<vmem>>
      %dma_wait3A_100 = arith.constant 0 : i32
      %dma_wait3A_101 = arith.constant 0 : i32
      %dma_wait3A_102 = tpu.memref_slice %arg2[%dma_wait3A_100, %dma_wait3A_101] : memref<16384x64xf32, #tpu.memory_space<hbm>> -> memref<16384x64xf32, #tpu.memory_space<hbm>>
      tpu.wait_indirect_dma semaphore(%arg7 : memref<!tpu.dma_semaphore, #tpu.memory_space<semaphore_mem>>) src(%dma_wait3A_102 : memref<16384x64xf32, #tpu.memory_space<hbm>>) dst(%dma_wait3A_96 : memref<128x64xf32, #tpu.memory_space<vmem>>)
      %dma_wait3A_103 = arith.constant 1 : i32
      %dma_wait3A_104 = arith.constant 128 : i32
      %dma_wait3A_105 = arith.constant 0 : i32
      %dma_wait3A_106 = tpu.memref_slice %arg6[%dma_wait3A_104, %dma_wait3A_105] : memref<1024x64xf32, #tpu.memory_space<vmem>> -> memref<128x64xf32, #tpu.memory_space<vmem>>
      %dma_wait3A_107 = arith.constant 0 : i32
      %dma_wait3A_108 = tpu.memref_slice %arg5[%dma_wait3A_103, %dma_wait3A_107] : memref<8x128xi32, #tpu.memory_space<vmem>> -> memref<1x128xi32, #tpu.memory_space<vmem>>
      %dma_wait3A_109 = tpu.memref_squeeze %dma_wait3A_108 : memref<1x128xi32, #tpu.memory_space<vmem>> -> memref<128xi32, #tpu.memory_space<vmem>>
      %dma_wait3A_110 = arith.constant 0 : i32
      %dma_wait3A_111 = arith.constant 0 : i32
      %dma_wait3A_112 = tpu.memref_slice %arg2[%dma_wait3A_110, %dma_wait3A_111] : memref<16384x64xf32, #tpu.memory_space<hbm>> -> memref<16384x64xf32, #tpu.memory_space<hbm>>
      tpu.wait_indirect_dma semaphore(%arg7 : memref<!tpu.dma_semaphore, #tpu.memory_space<semaphore_mem>>) src(%dma_wait3A_112 : memref<16384x64xf32, #tpu.memory_space<hbm>>) dst(%dma_wait3A_106 : memref<128x64xf32, #tpu.memory_space<vmem>>)
      %dma_wait3A_113 = arith.constant 2 : i32
      %dma_wait3A_114 = arith.constant 256 : i32
      %dma_wait3A_115 = arith.constant 0 : i32
      %dma_wait3A_116 = tpu.memref_slice %arg6[%dma_wait3A_114, %dma_wait3A_115] : memref<1024x64xf32, #tpu.memory_space<vmem>> -> memref<128x64xf32, #tpu.memory_space<vmem>>
      %dma_wait3A_117 = arith.constant 0 : i32
      %dma_wait3A_118 = tpu.memref_slice %arg5[%dma_wait3A_113, %dma_wait3A_117] : memref<8x128xi32, #tpu.memory_space<vmem>> -> memref<1x128xi32, #tpu.memory_space<vmem>>
      %dma_wait3A_119 = tpu.memref_squeeze %dma_wait3A_118 : memref<1x128xi32, #tpu.memory_space<vmem>> -> memref<128xi32, #tpu.memory_space<vmem>>
      %dma_wait3A_120 = arith.constant 0 : i32
      %dma_wait3A_121 = arith.constant 0 : i32
      %dma_wait3A_122 = tpu.memref_slice %arg2[%dma_wait3A_120, %dma_wait3A_121] : memref<16384x64xf32, #tpu.memory_space<hbm>> -> memref<16384x64xf32, #tpu.memory_space<hbm>>
      tpu.wait_indirect_dma semaphore(%arg7 : memref<!tpu.dma_semaphore, #tpu.memory_space<semaphore_mem>>) src(%dma_wait3A_122 : memref<16384x64xf32, #tpu.memory_space<hbm>>) dst(%dma_wait3A_116 : memref<128x64xf32, #tpu.memory_space<vmem>>)
      %dma_wait3A_123 = arith.constant 3 : i32
      %dma_wait3A_124 = arith.constant 384 : i32
      %dma_wait3A_125 = arith.constant 0 : i32
      %dma_wait3A_126 = tpu.memref_slice %arg6[%dma_wait3A_124, %dma_wait3A_125] : memref<1024x64xf32, #tpu.memory_space<vmem>> -> memref<128x64xf32, #tpu.memory_space<vmem>>
      %dma_wait3A_127 = arith.constant 0 : i32
      %dma_wait3A_128 = tpu.memref_slice %arg5[%dma_wait3A_123, %dma_wait3A_127] : memref<8x128xi32, #tpu.memory_space<vmem>> -> memref<1x128xi32, #tpu.memory_space<vmem>>
      %dma_wait3A_129 = tpu.memref_squeeze %dma_wait3A_128 : memref<1x128xi32, #tpu.memory_space<vmem>> -> memref<128xi32, #tpu.memory_space<vmem>>
      %dma_wait3A_130 = arith.constant 0 : i32
      %dma_wait3A_131 = arith.constant 0 : i32
      %dma_wait3A_132 = tpu.memref_slice %arg2[%dma_wait3A_130, %dma_wait3A_131] : memref<16384x64xf32, #tpu.memory_space<hbm>> -> memref<16384x64xf32, #tpu.memory_space<hbm>>
      tpu.wait_indirect_dma semaphore(%arg7 : memref<!tpu.dma_semaphore, #tpu.memory_space<semaphore_mem>>) src(%dma_wait3A_132 : memref<16384x64xf32, #tpu.memory_space<hbm>>) dst(%dma_wait3A_126 : memref<128x64xf32, #tpu.memory_space<vmem>>)
      %dma_wait3A_133 = arith.constant 4 : i32
      %dma_wait3A_134 = arith.constant 512 : i32
      %dma_wait3A_135 = arith.constant 0 : i32
      %dma_wait3A_136 = tpu.memref_slice %arg6[%dma_wait3A_134, %dma_wait3A_135] : memref<1024x64xf32, #tpu.memory_space<vmem>> -> memref<128x64xf32, #tpu.memory_space<vmem>>
      %dma_wait3A_137 = arith.constant 0 : i32
      %dma_wait3A_138 = tpu.memref_slice %arg5[%dma_wait3A_133, %dma_wait3A_137] : memref<8x128xi32, #tpu.memory_space<vmem>> -> memref<1x128xi32, #tpu.memory_space<vmem>>
      %dma_wait3A_139 = tpu.memref_squeeze %dma_wait3A_138 : memref<1x128xi32, #tpu.memory_space<vmem>> -> memref<128xi32, #tpu.memory_space<vmem>>
      %dma_wait3A_140 = arith.constant 0 : i32
      %dma_wait3A_141 = arith.constant 0 : i32
      %dma_wait3A_142 = tpu.memref_slice %arg2[%dma_wait3A_140, %dma_wait3A_141] : memref<16384x64xf32, #tpu.memory_space<hbm>> -> memref<16384x64xf32, #tpu.memory_space<hbm>>
      tpu.wait_indirect_dma semaphore(%arg7 : memref<!tpu.dma_semaphore, #tpu.memory_space<semaphore_mem>>) src(%dma_wait3A_142 : memref<16384x64xf32, #tpu.memory_space<hbm>>) dst(%dma_wait3A_136 : memref<128x64xf32, #tpu.memory_space<vmem>>)
      %dma_wait3A_143 = arith.constant 5 : i32
      %dma_wait3A_144 = arith.constant 640 : i32
      %dma_wait3A_145 = arith.constant 0 : i32
      %dma_wait3A_146 = tpu.memref_slice %arg6[%dma_wait3A_144, %dma_wait3A_145] : memref<1024x64xf32, #tpu.memory_space<vmem>> -> memref<128x64xf32, #tpu.memory_space<vmem>>
      %dma_wait3A_147 = arith.constant 0 : i32
      %dma_wait3A_148 = tpu.memref_slice %arg5[%dma_wait3A_143, %dma_wait3A_147] : memref<8x128xi32, #tpu.memory_space<vmem>> -> memref<1x128xi32, #tpu.memory_space<vmem>>
      %dma_wait3A_149 = tpu.memref_squeeze %dma_wait3A_148 : memref<1x128xi32, #tpu.memory_space<vmem>> -> memref<128xi32, #tpu.memory_space<vmem>>
      %dma_wait3A_150 = arith.constant 0 : i32
      %dma_wait3A_151 = arith.constant 0 : i32
      %dma_wait3A_152 = tpu.memref_slice %arg2[%dma_wait3A_150, %dma_wait3A_151] : memref<16384x64xf32, #tpu.memory_space<hbm>> -> memref<16384x64xf32, #tpu.memory_space<hbm>>
      tpu.wait_indirect_dma semaphore(%arg7 : memref<!tpu.dma_semaphore, #tpu.memory_space<semaphore_mem>>) src(%dma_wait3A_152 : memref<16384x64xf32, #tpu.memory_space<hbm>>) dst(%dma_wait3A_146 : memref<128x64xf32, #tpu.memory_space<vmem>>)
      %dma_wait3A_153 = arith.constant 6 : i32
      %dma_wait3A_154 = arith.constant 768 : i32
      %dma_wait3A_155 = arith.constant 0 : i32
      %dma_wait3A_156 = tpu.memref_slice %arg6[%dma_wait3A_154, %dma_wait3A_155] : memref<1024x64xf32, #tpu.memory_space<vmem>> -> memref<128x64xf32, #tpu.memory_space<vmem>>
      %dma_wait3A_157 = arith.constant 0 : i32
      %dma_wait3A_158 = tpu.memref_slice %arg5[%dma_wait3A_153, %dma_wait3A_157] : memref<8x128xi32, #tpu.memory_space<vmem>> -> memref<1x128xi32, #tpu.memory_space<vmem>>
      %dma_wait3A_159 = tpu.memref_squeeze %dma_wait3A_158 : memref<1x128xi32, #tpu.memory_space<vmem>> -> memref<128xi32, #tpu.memory_space<vmem>>
      %dma_wait3A_160 = arith.constant 0 : i32
      %dma_wait3A_161 = arith.constant 0 : i32
      %dma_wait3A_162 = tpu.memref_slice %arg2[%dma_wait3A_160, %dma_wait3A_161] : memref<16384x64xf32, #tpu.memory_space<hbm>> -> memref<16384x64xf32, #tpu.memory_space<hbm>>
      tpu.wait_indirect_dma semaphore(%arg7 : memref<!tpu.dma_semaphore, #tpu.memory_space<semaphore_mem>>) src(%dma_wait3A_162 : memref<16384x64xf32, #tpu.memory_space<hbm>>) dst(%dma_wait3A_156 : memref<128x64xf32, #tpu.memory_space<vmem>>)
      %dma_wait3A_163 = arith.constant 7 : i32
      %dma_wait3A_164 = arith.constant 896 : i32
      %dma_wait3A_165 = arith.constant 0 : i32
      %dma_wait3A_166 = tpu.memref_slice %arg6[%dma_wait3A_164, %dma_wait3A_165] : memref<1024x64xf32, #tpu.memory_space<vmem>> -> memref<128x64xf32, #tpu.memory_space<vmem>>
      %dma_wait3A_167 = arith.constant 0 : i32
      %dma_wait3A_168 = tpu.memref_slice %arg5[%dma_wait3A_163, %dma_wait3A_167] : memref<8x128xi32, #tpu.memory_space<vmem>> -> memref<1x128xi32, #tpu.memory_space<vmem>>
      %dma_wait3A_169 = tpu.memref_squeeze %dma_wait3A_168 : memref<1x128xi32, #tpu.memory_space<vmem>> -> memref<128xi32, #tpu.memory_space<vmem>>
      %dma_wait3A_170 = arith.constant 0 : i32
      %dma_wait3A_171 = arith.constant 0 : i32
      %dma_wait3A_172 = tpu.memref_slice %arg2[%dma_wait3A_170, %dma_wait3A_171] : memref<16384x64xf32, #tpu.memory_space<hbm>> -> memref<16384x64xf32, #tpu.memory_space<hbm>>
      tpu.wait_indirect_dma semaphore(%arg7 : memref<!tpu.dma_semaphore, #tpu.memory_space<semaphore_mem>>) src(%dma_wait3A_172 : memref<16384x64xf32, #tpu.memory_space<hbm>>) dst(%dma_wait3A_166 : memref<128x64xf32, #tpu.memory_space<vmem>>)
      "tpu.region"() ({
        %run_scoped3A = tpu.sem_alloc : memref<!tpu.dma_semaphore, #tpu.memory_space<semaphore_mem>>
        %dma_start3A_173 = arith.constant 0 : i32
        %dma_start3A_174 = tpu.memref_slice %arg4[%add3A_11, %dma_start3A_173] : memref<524288x64xf32, #tpu.memory_space<hbm>> -> memref<1024x64xf32, #tpu.memory_space<hbm>>
        %dma_start3A_175 = arith.constant 0 : i32
        %dma_start3A_176 = tpu.memref_slice %arg4[%add3A_11, %dma_start3A_175] : memref<524288x64xf32, #tpu.memory_space<hbm>> -> memref<1024x64xf32, #tpu.memory_space<hbm>>
        tpu.enqueue_dma source(%arg6 : memref<1024x64xf32, #tpu.memory_space<vmem>>) target(%dma_start3A_176 : memref<1024x64xf32, #tpu.memory_space<hbm>>) target_semaphore(%run_scoped3A : memref<!tpu.dma_semaphore, #tpu.memory_space<semaphore_mem>>)
        %dma_wait3A_177 = arith.constant 0 : i32
        %dma_wait3A_178 = tpu.memref_slice %arg4[%add3A_11, %dma_wait3A_177] : memref<524288x64xf32, #tpu.memory_space<hbm>> -> memref<1024x64xf32, #tpu.memory_space<hbm>>
        %dma_wait3A_179 = arith.constant 0 : i32
        %dma_wait3A_180 = tpu.memref_slice %arg4[%add3A_11, %dma_wait3A_179] : memref<524288x64xf32, #tpu.memory_space<hbm>> -> memref<1024x64xf32, #tpu.memory_space<hbm>>
        tpu.wait_dma2 semaphore(%run_scoped3A : memref<!tpu.dma_semaphore, #tpu.memory_space<semaphore_mem>>) src(%arg6 : memref<1024x64xf32, #tpu.memory_space<vmem>>) dst(%dma_wait3A_180 : memref<1024x64xf32, #tpu.memory_space<hbm>>)
        tpu.yield
      }) : () -> ()
    }
    %scan3A_5 = arith.constant 16 : i32
    return
  }
}

#map = affine_map<(d0, d1) -> (0, 0)>
#map1 = affine_map<(d0, d1) -> (0, 0, 0)>
module attributes {stable_mosaic.version = 14 : i64} {
  func.func @gather_kernel(%arg0: i32, %arg1: i32, %arg2: memref<16384x32xf32, #tpu.memory_space<hbm>>, %arg3: memref<128x16x128xi32, #tpu.memory_space<hbm>>, %arg4: memref<262144x32xf32, #tpu.memory_space<hbm>>, %arg5: memref<16x128xi32, #tpu.memory_space<vmem>>, %arg6: memref<2048x32xf32, #tpu.memory_space<vmem>>, %arg7: memref<!tpu.dma_semaphore, #tpu.memory_space<semaphore_mem>>) attributes {dimension_semantics = [#tpu.dimension_semantics<core_parallel>, #tpu.dimension_semantics<subcore_parallel>], iteration_bounds = array<i64: 2, 16>, scalar_prefetch = 0 : i64, scratch_operands = 3 : i64, tpu.core_type = #tpu.core_type<sc_vector_subcore>, window_params = [{transform_indices = #map}, {transform_indices = #map1}, {transform_indices = #map}]} {
    %mul3A = arith.constant 2 : i32
    %mul3A_0 = arith.muli %arg1, %mul3A : i32
    %add3A = arith.addi %mul3A_0, %arg0 : i32
    %scan3A = arith.constant 0 : i32
    %scan3A_1 = arith.constant 0 : i32
    %scan3A_2 = arith.constant 4 : i32
    %scan3A_3 = arith.addi %scan3A_1, %scan3A_2 : i32
    %scan3A_4 = arith.constant 1 : i32
    scf.for %scan3A_6 = %scan3A_1 to %scan3A_3 step %scan3A_4  : i32 {
      %mul3A_7 = arith.constant 8192 : i32
      %mul3A_8 = arith.muli %add3A, %mul3A_7 : i32
      %mul3A_9 = arith.constant 2048 : i32
      %mul3A_10 = arith.muli %scan3A_6, %mul3A_9 : i32
      %add3A_11 = arith.addi %mul3A_8, %mul3A_10 : i32
      %mul3A_12 = arith.constant 4 : i32
      %mul3A_13 = arith.muli %add3A, %mul3A_12 : i32
      %add3A_14 = arith.addi %mul3A_13, %scan3A_6 : i32
      "tpu.region"() ({
        %run_scoped3A = tpu.sem_alloc : memref<!tpu.dma_semaphore, #tpu.memory_space<semaphore_mem>>
        %dma_start3A_333 = arith.constant 0 : i32
        %dma_start3A_334 = arith.constant 0 : i32
        %dma_start3A_335 = tpu.memref_slice %arg3[%add3A_14, %dma_start3A_333, %dma_start3A_334] : memref<128x16x128xi32, #tpu.memory_space<hbm>> -> memref<1x16x128xi32, #tpu.memory_space<hbm>>
        %dma_start3A_336 = tpu.memref_squeeze %dma_start3A_335 : memref<1x16x128xi32, #tpu.memory_space<hbm>> -> memref<16x128xi32, #tpu.memory_space<hbm>>
        %dma_start3A_337 = arith.constant 0 : i32
        %dma_start3A_338 = arith.constant 0 : i32
        %dma_start3A_339 = tpu.memref_slice %arg3[%add3A_14, %dma_start3A_337, %dma_start3A_338] : memref<128x16x128xi32, #tpu.memory_space<hbm>> -> memref<1x16x128xi32, #tpu.memory_space<hbm>>
        %dma_start3A_340 = tpu.memref_squeeze %dma_start3A_339 : memref<1x16x128xi32, #tpu.memory_space<hbm>> -> memref<16x128xi32, #tpu.memory_space<hbm>>
        tpu.enqueue_dma source(%dma_start3A_340 : memref<16x128xi32, #tpu.memory_space<hbm>>) target(%arg5 : memref<16x128xi32, #tpu.memory_space<vmem>>) target_semaphore(%run_scoped3A : memref<!tpu.dma_semaphore, #tpu.memory_space<semaphore_mem>>)
        %dma_wait3A_341 = arith.constant 0 : i32
        %dma_wait3A_342 = arith.constant 0 : i32
        %dma_wait3A_343 = tpu.memref_slice %arg3[%add3A_14, %dma_wait3A_341, %dma_wait3A_342] : memref<128x16x128xi32, #tpu.memory_space<hbm>> -> memref<1x16x128xi32, #tpu.memory_space<hbm>>
        %dma_wait3A_344 = tpu.memref_squeeze %dma_wait3A_343 : memref<1x16x128xi32, #tpu.memory_space<hbm>> -> memref<16x128xi32, #tpu.memory_space<hbm>>
        %dma_wait3A_345 = arith.constant 0 : i32
        %dma_wait3A_346 = arith.constant 0 : i32
        %dma_wait3A_347 = tpu.memref_slice %arg3[%add3A_14, %dma_wait3A_345, %dma_wait3A_346] : memref<128x16x128xi32, #tpu.memory_space<hbm>> -> memref<1x16x128xi32, #tpu.memory_space<hbm>>
        %dma_wait3A_348 = tpu.memref_squeeze %dma_wait3A_347 : memref<1x16x128xi32, #tpu.memory_space<hbm>> -> memref<16x128xi32, #tpu.memory_space<hbm>>
        tpu.wait_dma2 semaphore(%run_scoped3A : memref<!tpu.dma_semaphore, #tpu.memory_space<semaphore_mem>>) src(%dma_wait3A_348 : memref<16x128xi32, #tpu.memory_space<hbm>>) dst(%arg5 : memref<16x128xi32, #tpu.memory_space<vmem>>)
        tpu.yield
      }) : () -> ()
      %dma_start3A = arith.constant 0 : i32
      %dma_start3A_15 = arith.constant 0 : i32
      %dma_start3A_16 = arith.constant 0 : i32
      %dma_start3A_17 = tpu.memref_slice %arg6[%dma_start3A_15, %dma_start3A_16] : memref<2048x32xf32, #tpu.memory_space<vmem>> -> memref<128x32xf32, #tpu.memory_space<vmem>>
      %dma_start3A_18 = arith.constant 0 : i32
      %dma_start3A_19 = tpu.memref_slice %arg5[%dma_start3A, %dma_start3A_18] : memref<16x128xi32, #tpu.memory_space<vmem>> -> memref<1x128xi32, #tpu.memory_space<vmem>>
      %dma_start3A_20 = tpu.memref_squeeze %dma_start3A_19 : memref<1x128xi32, #tpu.memory_space<vmem>> -> memref<128xi32, #tpu.memory_space<vmem>>
      %dma_start3A_21 = arith.constant 0 : i32
      %dma_start3A_22 = arith.constant 0 : i32
      %dma_start3A_23 = tpu.memref_slice %arg2[%dma_start3A_21, %dma_start3A_22] : memref<16384x32xf32, #tpu.memory_space<hbm>> -> memref<16384x32xf32, #tpu.memory_space<hbm>>
      tpu.enqueue_indirect_dma source(%dma_start3A_23 : memref<16384x32xf32, #tpu.memory_space<hbm>>) target(%dma_start3A_17 : memref<128x32xf32, #tpu.memory_space<vmem>>) offsets(%dma_start3A_20 : memref<128xi32, #tpu.memory_space<vmem>>) semaphore(%arg7 : memref<!tpu.dma_semaphore, #tpu.memory_space<semaphore_mem>>)
      %dma_start3A_24 = arith.constant 1 : i32
      %dma_start3A_25 = arith.constant 128 : i32
      %dma_start3A_26 = arith.constant 0 : i32
      %dma_start3A_27 = tpu.memref_slice %arg6[%dma_start3A_25, %dma_start3A_26] : memref<2048x32xf32, #tpu.memory_space<vmem>> -> memref<128x32xf32, #tpu.memory_space<vmem>>
      %dma_start3A_28 = arith.constant 0 : i32
      %dma_start3A_29 = tpu.memref_slice %arg5[%dma_start3A_24, %dma_start3A_28] : memref<16x128xi32, #tpu.memory_space<vmem>> -> memref<1x128xi32, #tpu.memory_space<vmem>>
      %dma_start3A_30 = tpu.memref_squeeze %dma_start3A_29 : memref<1x128xi32, #tpu.memory_space<vmem>> -> memref<128xi32, #tpu.memory_space<vmem>>
      %dma_start3A_31 = arith.constant 0 : i32
      %dma_start3A_32 = arith.constant 0 : i32
      %dma_start3A_33 = tpu.memref_slice %arg2[%dma_start3A_31, %dma_start3A_32] : memref<16384x32xf32, #tpu.memory_space<hbm>> -> memref<16384x32xf32, #tpu.memory_space<hbm>>
      tpu.enqueue_indirect_dma source(%dma_start3A_33 : memref<16384x32xf32, #tpu.memory_space<hbm>>) target(%dma_start3A_27 : memref<128x32xf32, #tpu.memory_space<vmem>>) offsets(%dma_start3A_30 : memref<128xi32, #tpu.memory_space<vmem>>) semaphore(%arg7 : memref<!tpu.dma_semaphore, #tpu.memory_space<semaphore_mem>>)
      %dma_start3A_34 = arith.constant 2 : i32
      %dma_start3A_35 = arith.constant 256 : i32
      %dma_start3A_36 = arith.constant 0 : i32
      %dma_start3A_37 = tpu.memref_slice %arg6[%dma_start3A_35, %dma_start3A_36] : memref<2048x32xf32, #tpu.memory_space<vmem>> -> memref<128x32xf32, #tpu.memory_space<vmem>>
      %dma_start3A_38 = arith.constant 0 : i32
      %dma_start3A_39 = tpu.memref_slice %arg5[%dma_start3A_34, %dma_start3A_38] : memref<16x128xi32, #tpu.memory_space<vmem>> -> memref<1x128xi32, #tpu.memory_space<vmem>>
      %dma_start3A_40 = tpu.memref_squeeze %dma_start3A_39 : memref<1x128xi32, #tpu.memory_space<vmem>> -> memref<128xi32, #tpu.memory_space<vmem>>
      %dma_start3A_41 = arith.constant 0 : i32
      %dma_start3A_42 = arith.constant 0 : i32
      %dma_start3A_43 = tpu.memref_slice %arg2[%dma_start3A_41, %dma_start3A_42] : memref<16384x32xf32, #tpu.memory_space<hbm>> -> memref<16384x32xf32, #tpu.memory_space<hbm>>
      tpu.enqueue_indirect_dma source(%dma_start3A_43 : memref<16384x32xf32, #tpu.memory_space<hbm>>) target(%dma_start3A_37 : memref<128x32xf32, #tpu.memory_space<vmem>>) offsets(%dma_start3A_40 : memref<128xi32, #tpu.memory_space<vmem>>) semaphore(%arg7 : memref<!tpu.dma_semaphore, #tpu.memory_space<semaphore_mem>>)
      %dma_start3A_44 = arith.constant 3 : i32
      %dma_start3A_45 = arith.constant 384 : i32
      %dma_start3A_46 = arith.constant 0 : i32
      %dma_start3A_47 = tpu.memref_slice %arg6[%dma_start3A_45, %dma_start3A_46] : memref<2048x32xf32, #tpu.memory_space<vmem>> -> memref<128x32xf32, #tpu.memory_space<vmem>>
      %dma_start3A_48 = arith.constant 0 : i32
      %dma_start3A_49 = tpu.memref_slice %arg5[%dma_start3A_44, %dma_start3A_48] : memref<16x128xi32, #tpu.memory_space<vmem>> -> memref<1x128xi32, #tpu.memory_space<vmem>>
      %dma_start3A_50 = tpu.memref_squeeze %dma_start3A_49 : memref<1x128xi32, #tpu.memory_space<vmem>> -> memref<128xi32, #tpu.memory_space<vmem>>
      %dma_start3A_51 = arith.constant 0 : i32
      %dma_start3A_52 = arith.constant 0 : i32
      %dma_start3A_53 = tpu.memref_slice %arg2[%dma_start3A_51, %dma_start3A_52] : memref<16384x32xf32, #tpu.memory_space<hbm>> -> memref<16384x32xf32, #tpu.memory_space<hbm>>
      tpu.enqueue_indirect_dma source(%dma_start3A_53 : memref<16384x32xf32, #tpu.memory_space<hbm>>) target(%dma_start3A_47 : memref<128x32xf32, #tpu.memory_space<vmem>>) offsets(%dma_start3A_50 : memref<128xi32, #tpu.memory_space<vmem>>) semaphore(%arg7 : memref<!tpu.dma_semaphore, #tpu.memory_space<semaphore_mem>>)
      %dma_start3A_54 = arith.constant 4 : i32
      %dma_start3A_55 = arith.constant 512 : i32
      %dma_start3A_56 = arith.constant 0 : i32
      %dma_start3A_57 = tpu.memref_slice %arg6[%dma_start3A_55, %dma_start3A_56] : memref<2048x32xf32, #tpu.memory_space<vmem>> -> memref<128x32xf32, #tpu.memory_space<vmem>>
      %dma_start3A_58 = arith.constant 0 : i32
      %dma_start3A_59 = tpu.memref_slice %arg5[%dma_start3A_54, %dma_start3A_58] : memref<16x128xi32, #tpu.memory_space<vmem>> -> memref<1x128xi32, #tpu.memory_space<vmem>>
      %dma_start3A_60 = tpu.memref_squeeze %dma_start3A_59 : memref<1x128xi32, #tpu.memory_space<vmem>> -> memref<128xi32, #tpu.memory_space<vmem>>
      %dma_start3A_61 = arith.constant 0 : i32
      %dma_start3A_62 = arith.constant 0 : i32
      %dma_start3A_63 = tpu.memref_slice %arg2[%dma_start3A_61, %dma_start3A_62] : memref<16384x32xf32, #tpu.memory_space<hbm>> -> memref<16384x32xf32, #tpu.memory_space<hbm>>
      tpu.enqueue_indirect_dma source(%dma_start3A_63 : memref<16384x32xf32, #tpu.memory_space<hbm>>) target(%dma_start3A_57 : memref<128x32xf32, #tpu.memory_space<vmem>>) offsets(%dma_start3A_60 : memref<128xi32, #tpu.memory_space<vmem>>) semaphore(%arg7 : memref<!tpu.dma_semaphore, #tpu.memory_space<semaphore_mem>>)
      %dma_start3A_64 = arith.constant 5 : i32
      %dma_start3A_65 = arith.constant 640 : i32
      %dma_start3A_66 = arith.constant 0 : i32
      %dma_start3A_67 = tpu.memref_slice %arg6[%dma_start3A_65, %dma_start3A_66] : memref<2048x32xf32, #tpu.memory_space<vmem>> -> memref<128x32xf32, #tpu.memory_space<vmem>>
      %dma_start3A_68 = arith.constant 0 : i32
      %dma_start3A_69 = tpu.memref_slice %arg5[%dma_start3A_64, %dma_start3A_68] : memref<16x128xi32, #tpu.memory_space<vmem>> -> memref<1x128xi32, #tpu.memory_space<vmem>>
      %dma_start3A_70 = tpu.memref_squeeze %dma_start3A_69 : memref<1x128xi32, #tpu.memory_space<vmem>> -> memref<128xi32, #tpu.memory_space<vmem>>
      %dma_start3A_71 = arith.constant 0 : i32
      %dma_start3A_72 = arith.constant 0 : i32
      %dma_start3A_73 = tpu.memref_slice %arg2[%dma_start3A_71, %dma_start3A_72] : memref<16384x32xf32, #tpu.memory_space<hbm>> -> memref<16384x32xf32, #tpu.memory_space<hbm>>
      tpu.enqueue_indirect_dma source(%dma_start3A_73 : memref<16384x32xf32, #tpu.memory_space<hbm>>) target(%dma_start3A_67 : memref<128x32xf32, #tpu.memory_space<vmem>>) offsets(%dma_start3A_70 : memref<128xi32, #tpu.memory_space<vmem>>) semaphore(%arg7 : memref<!tpu.dma_semaphore, #tpu.memory_space<semaphore_mem>>)
      %dma_start3A_74 = arith.constant 6 : i32
      %dma_start3A_75 = arith.constant 768 : i32
      %dma_start3A_76 = arith.constant 0 : i32
      %dma_start3A_77 = tpu.memref_slice %arg6[%dma_start3A_75, %dma_start3A_76] : memref<2048x32xf32, #tpu.memory_space<vmem>> -> memref<128x32xf32, #tpu.memory_space<vmem>>
      %dma_start3A_78 = arith.constant 0 : i32
      %dma_start3A_79 = tpu.memref_slice %arg5[%dma_start3A_74, %dma_start3A_78] : memref<16x128xi32, #tpu.memory_space<vmem>> -> memref<1x128xi32, #tpu.memory_space<vmem>>
      %dma_start3A_80 = tpu.memref_squeeze %dma_start3A_79 : memref<1x128xi32, #tpu.memory_space<vmem>> -> memref<128xi32, #tpu.memory_space<vmem>>
      %dma_start3A_81 = arith.constant 0 : i32
      %dma_start3A_82 = arith.constant 0 : i32
      %dma_start3A_83 = tpu.memref_slice %arg2[%dma_start3A_81, %dma_start3A_82] : memref<16384x32xf32, #tpu.memory_space<hbm>> -> memref<16384x32xf32, #tpu.memory_space<hbm>>
      tpu.enqueue_indirect_dma source(%dma_start3A_83 : memref<16384x32xf32, #tpu.memory_space<hbm>>) target(%dma_start3A_77 : memref<128x32xf32, #tpu.memory_space<vmem>>) offsets(%dma_start3A_80 : memref<128xi32, #tpu.memory_space<vmem>>) semaphore(%arg7 : memref<!tpu.dma_semaphore, #tpu.memory_space<semaphore_mem>>)
      %dma_start3A_84 = arith.constant 7 : i32
      %dma_start3A_85 = arith.constant 896 : i32
      %dma_start3A_86 = arith.constant 0 : i32
      %dma_start3A_87 = tpu.memref_slice %arg6[%dma_start3A_85, %dma_start3A_86] : memref<2048x32xf32, #tpu.memory_space<vmem>> -> memref<128x32xf32, #tpu.memory_space<vmem>>
      %dma_start3A_88 = arith.constant 0 : i32
      %dma_start3A_89 = tpu.memref_slice %arg5[%dma_start3A_84, %dma_start3A_88] : memref<16x128xi32, #tpu.memory_space<vmem>> -> memref<1x128xi32, #tpu.memory_space<vmem>>
      %dma_start3A_90 = tpu.memref_squeeze %dma_start3A_89 : memref<1x128xi32, #tpu.memory_space<vmem>> -> memref<128xi32, #tpu.memory_space<vmem>>
      %dma_start3A_91 = arith.constant 0 : i32
      %dma_start3A_92 = arith.constant 0 : i32
      %dma_start3A_93 = tpu.memref_slice %arg2[%dma_start3A_91, %dma_start3A_92] : memref<16384x32xf32, #tpu.memory_space<hbm>> -> memref<16384x32xf32, #tpu.memory_space<hbm>>
      tpu.enqueue_indirect_dma source(%dma_start3A_93 : memref<16384x32xf32, #tpu.memory_space<hbm>>) target(%dma_start3A_87 : memref<128x32xf32, #tpu.memory_space<vmem>>) offsets(%dma_start3A_90 : memref<128xi32, #tpu.memory_space<vmem>>) semaphore(%arg7 : memref<!tpu.dma_semaphore, #tpu.memory_space<semaphore_mem>>)
      %dma_start3A_94 = arith.constant 8 : i32
      %dma_start3A_95 = arith.constant 1024 : i32
      %dma_start3A_96 = arith.constant 0 : i32
      %dma_start3A_97 = tpu.memref_slice %arg6[%dma_start3A_95, %dma_start3A_96] : memref<2048x32xf32, #tpu.memory_space<vmem>> -> memref<128x32xf32, #tpu.memory_space<vmem>>
      %dma_start3A_98 = arith.constant 0 : i32
      %dma_start3A_99 = tpu.memref_slice %arg5[%dma_start3A_94, %dma_start3A_98] : memref<16x128xi32, #tpu.memory_space<vmem>> -> memref<1x128xi32, #tpu.memory_space<vmem>>
      %dma_start3A_100 = tpu.memref_squeeze %dma_start3A_99 : memref<1x128xi32, #tpu.memory_space<vmem>> -> memref<128xi32, #tpu.memory_space<vmem>>
      %dma_start3A_101 = arith.constant 0 : i32
      %dma_start3A_102 = arith.constant 0 : i32
      %dma_start3A_103 = tpu.memref_slice %arg2[%dma_start3A_101, %dma_start3A_102] : memref<16384x32xf32, #tpu.memory_space<hbm>> -> memref<16384x32xf32, #tpu.memory_space<hbm>>
      tpu.enqueue_indirect_dma source(%dma_start3A_103 : memref<16384x32xf32, #tpu.memory_space<hbm>>) target(%dma_start3A_97 : memref<128x32xf32, #tpu.memory_space<vmem>>) offsets(%dma_start3A_100 : memref<128xi32, #tpu.memory_space<vmem>>) semaphore(%arg7 : memref<!tpu.dma_semaphore, #tpu.memory_space<semaphore_mem>>)
      %dma_start3A_104 = arith.constant 9 : i32
      %dma_start3A_105 = arith.constant 1152 : i32
      %dma_start3A_106 = arith.constant 0 : i32
      %dma_start3A_107 = tpu.memref_slice %arg6[%dma_start3A_105, %dma_start3A_106] : memref<2048x32xf32, #tpu.memory_space<vmem>> -> memref<128x32xf32, #tpu.memory_space<vmem>>
      %dma_start3A_108 = arith.constant 0 : i32
      %dma_start3A_109 = tpu.memref_slice %arg5[%dma_start3A_104, %dma_start3A_108] : memref<16x128xi32, #tpu.memory_space<vmem>> -> memref<1x128xi32, #tpu.memory_space<vmem>>
      %dma_start3A_110 = tpu.memref_squeeze %dma_start3A_109 : memref<1x128xi32, #tpu.memory_space<vmem>> -> memref<128xi32, #tpu.memory_space<vmem>>
      %dma_start3A_111 = arith.constant 0 : i32
      %dma_start3A_112 = arith.constant 0 : i32
      %dma_start3A_113 = tpu.memref_slice %arg2[%dma_start3A_111, %dma_start3A_112] : memref<16384x32xf32, #tpu.memory_space<hbm>> -> memref<16384x32xf32, #tpu.memory_space<hbm>>
      tpu.enqueue_indirect_dma source(%dma_start3A_113 : memref<16384x32xf32, #tpu.memory_space<hbm>>) target(%dma_start3A_107 : memref<128x32xf32, #tpu.memory_space<vmem>>) offsets(%dma_start3A_110 : memref<128xi32, #tpu.memory_space<vmem>>) semaphore(%arg7 : memref<!tpu.dma_semaphore, #tpu.memory_space<semaphore_mem>>)
      %dma_start3A_114 = arith.constant 10 : i32
      %dma_start3A_115 = arith.constant 1280 : i32
      %dma_start3A_116 = arith.constant 0 : i32
      %dma_start3A_117 = tpu.memref_slice %arg6[%dma_start3A_115, %dma_start3A_116] : memref<2048x32xf32, #tpu.memory_space<vmem>> -> memref<128x32xf32, #tpu.memory_space<vmem>>
      %dma_start3A_118 = arith.constant 0 : i32
      %dma_start3A_119 = tpu.memref_slice %arg5[%dma_start3A_114, %dma_start3A_118] : memref<16x128xi32, #tpu.memory_space<vmem>> -> memref<1x128xi32, #tpu.memory_space<vmem>>
      %dma_start3A_120 = tpu.memref_squeeze %dma_start3A_119 : memref<1x128xi32, #tpu.memory_space<vmem>> -> memref<128xi32, #tpu.memory_space<vmem>>
      %dma_start3A_121 = arith.constant 0 : i32
      %dma_start3A_122 = arith.constant 0 : i32
      %dma_start3A_123 = tpu.memref_slice %arg2[%dma_start3A_121, %dma_start3A_122] : memref<16384x32xf32, #tpu.memory_space<hbm>> -> memref<16384x32xf32, #tpu.memory_space<hbm>>
      tpu.enqueue_indirect_dma source(%dma_start3A_123 : memref<16384x32xf32, #tpu.memory_space<hbm>>) target(%dma_start3A_117 : memref<128x32xf32, #tpu.memory_space<vmem>>) offsets(%dma_start3A_120 : memref<128xi32, #tpu.memory_space<vmem>>) semaphore(%arg7 : memref<!tpu.dma_semaphore, #tpu.memory_space<semaphore_mem>>)
      %dma_start3A_124 = arith.constant 11 : i32
      %dma_start3A_125 = arith.constant 1408 : i32
      %dma_start3A_126 = arith.constant 0 : i32
      %dma_start3A_127 = tpu.memref_slice %arg6[%dma_start3A_125, %dma_start3A_126] : memref<2048x32xf32, #tpu.memory_space<vmem>> -> memref<128x32xf32, #tpu.memory_space<vmem>>
      %dma_start3A_128 = arith.constant 0 : i32
      %dma_start3A_129 = tpu.memref_slice %arg5[%dma_start3A_124, %dma_start3A_128] : memref<16x128xi32, #tpu.memory_space<vmem>> -> memref<1x128xi32, #tpu.memory_space<vmem>>
      %dma_start3A_130 = tpu.memref_squeeze %dma_start3A_129 : memref<1x128xi32, #tpu.memory_space<vmem>> -> memref<128xi32, #tpu.memory_space<vmem>>
      %dma_start3A_131 = arith.constant 0 : i32
      %dma_start3A_132 = arith.constant 0 : i32
      %dma_start3A_133 = tpu.memref_slice %arg2[%dma_start3A_131, %dma_start3A_132] : memref<16384x32xf32, #tpu.memory_space<hbm>> -> memref<16384x32xf32, #tpu.memory_space<hbm>>
      tpu.enqueue_indirect_dma source(%dma_start3A_133 : memref<16384x32xf32, #tpu.memory_space<hbm>>) target(%dma_start3A_127 : memref<128x32xf32, #tpu.memory_space<vmem>>) offsets(%dma_start3A_130 : memref<128xi32, #tpu.memory_space<vmem>>) semaphore(%arg7 : memref<!tpu.dma_semaphore, #tpu.memory_space<semaphore_mem>>)
      %dma_start3A_134 = arith.constant 12 : i32
      %dma_start3A_135 = arith.constant 1536 : i32
      %dma_start3A_136 = arith.constant 0 : i32
      %dma_start3A_137 = tpu.memref_slice %arg6[%dma_start3A_135, %dma_start3A_136] : memref<2048x32xf32, #tpu.memory_space<vmem>> -> memref<128x32xf32, #tpu.memory_space<vmem>>
      %dma_start3A_138 = arith.constant 0 : i32
      %dma_start3A_139 = tpu.memref_slice %arg5[%dma_start3A_134, %dma_start3A_138] : memref<16x128xi32, #tpu.memory_space<vmem>> -> memref<1x128xi32, #tpu.memory_space<vmem>>
      %dma_start3A_140 = tpu.memref_squeeze %dma_start3A_139 : memref<1x128xi32, #tpu.memory_space<vmem>> -> memref<128xi32, #tpu.memory_space<vmem>>
      %dma_start3A_141 = arith.constant 0 : i32
      %dma_start3A_142 = arith.constant 0 : i32
      %dma_start3A_143 = tpu.memref_slice %arg2[%dma_start3A_141, %dma_start3A_142] : memref<16384x32xf32, #tpu.memory_space<hbm>> -> memref<16384x32xf32, #tpu.memory_space<hbm>>
      tpu.enqueue_indirect_dma source(%dma_start3A_143 : memref<16384x32xf32, #tpu.memory_space<hbm>>) target(%dma_start3A_137 : memref<128x32xf32, #tpu.memory_space<vmem>>) offsets(%dma_start3A_140 : memref<128xi32, #tpu.memory_space<vmem>>) semaphore(%arg7 : memref<!tpu.dma_semaphore, #tpu.memory_space<semaphore_mem>>)
      %dma_start3A_144 = arith.constant 13 : i32
      %dma_start3A_145 = arith.constant 1664 : i32
      %dma_start3A_146 = arith.constant 0 : i32
      %dma_start3A_147 = tpu.memref_slice %arg6[%dma_start3A_145, %dma_start3A_146] : memref<2048x32xf32, #tpu.memory_space<vmem>> -> memref<128x32xf32, #tpu.memory_space<vmem>>
      %dma_start3A_148 = arith.constant 0 : i32
      %dma_start3A_149 = tpu.memref_slice %arg5[%dma_start3A_144, %dma_start3A_148] : memref<16x128xi32, #tpu.memory_space<vmem>> -> memref<1x128xi32, #tpu.memory_space<vmem>>
      %dma_start3A_150 = tpu.memref_squeeze %dma_start3A_149 : memref<1x128xi32, #tpu.memory_space<vmem>> -> memref<128xi32, #tpu.memory_space<vmem>>
      %dma_start3A_151 = arith.constant 0 : i32
      %dma_start3A_152 = arith.constant 0 : i32
      %dma_start3A_153 = tpu.memref_slice %arg2[%dma_start3A_151, %dma_start3A_152] : memref<16384x32xf32, #tpu.memory_space<hbm>> -> memref<16384x32xf32, #tpu.memory_space<hbm>>
      tpu.enqueue_indirect_dma source(%dma_start3A_153 : memref<16384x32xf32, #tpu.memory_space<hbm>>) target(%dma_start3A_147 : memref<128x32xf32, #tpu.memory_space<vmem>>) offsets(%dma_start3A_150 : memref<128xi32, #tpu.memory_space<vmem>>) semaphore(%arg7 : memref<!tpu.dma_semaphore, #tpu.memory_space<semaphore_mem>>)
      %dma_start3A_154 = arith.constant 14 : i32
      %dma_start3A_155 = arith.constant 1792 : i32
      %dma_start3A_156 = arith.constant 0 : i32
      %dma_start3A_157 = tpu.memref_slice %arg6[%dma_start3A_155, %dma_start3A_156] : memref<2048x32xf32, #tpu.memory_space<vmem>> -> memref<128x32xf32, #tpu.memory_space<vmem>>
      %dma_start3A_158 = arith.constant 0 : i32
      %dma_start3A_159 = tpu.memref_slice %arg5[%dma_start3A_154, %dma_start3A_158] : memref<16x128xi32, #tpu.memory_space<vmem>> -> memref<1x128xi32, #tpu.memory_space<vmem>>
      %dma_start3A_160 = tpu.memref_squeeze %dma_start3A_159 : memref<1x128xi32, #tpu.memory_space<vmem>> -> memref<128xi32, #tpu.memory_space<vmem>>
      %dma_start3A_161 = arith.constant 0 : i32
      %dma_start3A_162 = arith.constant 0 : i32
      %dma_start3A_163 = tpu.memref_slice %arg2[%dma_start3A_161, %dma_start3A_162] : memref<16384x32xf32, #tpu.memory_space<hbm>> -> memref<16384x32xf32, #tpu.memory_space<hbm>>
      tpu.enqueue_indirect_dma source(%dma_start3A_163 : memref<16384x32xf32, #tpu.memory_space<hbm>>) target(%dma_start3A_157 : memref<128x32xf32, #tpu.memory_space<vmem>>) offsets(%dma_start3A_160 : memref<128xi32, #tpu.memory_space<vmem>>) semaphore(%arg7 : memref<!tpu.dma_semaphore, #tpu.memory_space<semaphore_mem>>)
      %dma_start3A_164 = arith.constant 15 : i32
      %dma_start3A_165 = arith.constant 1920 : i32
      %dma_start3A_166 = arith.constant 0 : i32
      %dma_start3A_167 = tpu.memref_slice %arg6[%dma_start3A_165, %dma_start3A_166] : memref<2048x32xf32, #tpu.memory_space<vmem>> -> memref<128x32xf32, #tpu.memory_space<vmem>>
      %dma_start3A_168 = arith.constant 0 : i32
      %dma_start3A_169 = tpu.memref_slice %arg5[%dma_start3A_164, %dma_start3A_168] : memref<16x128xi32, #tpu.memory_space<vmem>> -> memref<1x128xi32, #tpu.memory_space<vmem>>
      %dma_start3A_170 = tpu.memref_squeeze %dma_start3A_169 : memref<1x128xi32, #tpu.memory_space<vmem>> -> memref<128xi32, #tpu.memory_space<vmem>>
      %dma_start3A_171 = arith.constant 0 : i32
      %dma_start3A_172 = arith.constant 0 : i32
      %dma_start3A_173 = tpu.memref_slice %arg2[%dma_start3A_171, %dma_start3A_172] : memref<16384x32xf32, #tpu.memory_space<hbm>> -> memref<16384x32xf32, #tpu.memory_space<hbm>>
      tpu.enqueue_indirect_dma source(%dma_start3A_173 : memref<16384x32xf32, #tpu.memory_space<hbm>>) target(%dma_start3A_167 : memref<128x32xf32, #tpu.memory_space<vmem>>) offsets(%dma_start3A_170 : memref<128xi32, #tpu.memory_space<vmem>>) semaphore(%arg7 : memref<!tpu.dma_semaphore, #tpu.memory_space<semaphore_mem>>)
      %dma_wait3A = arith.constant 0 : i32
      %dma_wait3A_174 = arith.constant 0 : i32
      %dma_wait3A_175 = arith.constant 0 : i32
      %dma_wait3A_176 = tpu.memref_slice %arg6[%dma_wait3A_174, %dma_wait3A_175] : memref<2048x32xf32, #tpu.memory_space<vmem>> -> memref<128x32xf32, #tpu.memory_space<vmem>>
      %dma_wait3A_177 = arith.constant 0 : i32
      %dma_wait3A_178 = tpu.memref_slice %arg5[%dma_wait3A, %dma_wait3A_177] : memref<16x128xi32, #tpu.memory_space<vmem>> -> memref<1x128xi32, #tpu.memory_space<vmem>>
      %dma_wait3A_179 = tpu.memref_squeeze %dma_wait3A_178 : memref<1x128xi32, #tpu.memory_space<vmem>> -> memref<128xi32, #tpu.memory_space<vmem>>
      %dma_wait3A_180 = arith.constant 0 : i32
      %dma_wait3A_181 = arith.constant 0 : i32
      %dma_wait3A_182 = tpu.memref_slice %arg2[%dma_wait3A_180, %dma_wait3A_181] : memref<16384x32xf32, #tpu.memory_space<hbm>> -> memref<16384x32xf32, #tpu.memory_space<hbm>>
      tpu.wait_indirect_dma semaphore(%arg7 : memref<!tpu.dma_semaphore, #tpu.memory_space<semaphore_mem>>) src(%dma_wait3A_182 : memref<16384x32xf32, #tpu.memory_space<hbm>>) dst(%dma_wait3A_176 : memref<128x32xf32, #tpu.memory_space<vmem>>)
      %dma_wait3A_183 = arith.constant 1 : i32
      %dma_wait3A_184 = arith.constant 128 : i32
      %dma_wait3A_185 = arith.constant 0 : i32
      %dma_wait3A_186 = tpu.memref_slice %arg6[%dma_wait3A_184, %dma_wait3A_185] : memref<2048x32xf32, #tpu.memory_space<vmem>> -> memref<128x32xf32, #tpu.memory_space<vmem>>
      %dma_wait3A_187 = arith.constant 0 : i32
      %dma_wait3A_188 = tpu.memref_slice %arg5[%dma_wait3A_183, %dma_wait3A_187] : memref<16x128xi32, #tpu.memory_space<vmem>> -> memref<1x128xi32, #tpu.memory_space<vmem>>
      %dma_wait3A_189 = tpu.memref_squeeze %dma_wait3A_188 : memref<1x128xi32, #tpu.memory_space<vmem>> -> memref<128xi32, #tpu.memory_space<vmem>>
      %dma_wait3A_190 = arith.constant 0 : i32
      %dma_wait3A_191 = arith.constant 0 : i32
      %dma_wait3A_192 = tpu.memref_slice %arg2[%dma_wait3A_190, %dma_wait3A_191] : memref<16384x32xf32, #tpu.memory_space<hbm>> -> memref<16384x32xf32, #tpu.memory_space<hbm>>
      tpu.wait_indirect_dma semaphore(%arg7 : memref<!tpu.dma_semaphore, #tpu.memory_space<semaphore_mem>>) src(%dma_wait3A_192 : memref<16384x32xf32, #tpu.memory_space<hbm>>) dst(%dma_wait3A_186 : memref<128x32xf32, #tpu.memory_space<vmem>>)
      %dma_wait3A_193 = arith.constant 2 : i32
      %dma_wait3A_194 = arith.constant 256 : i32
      %dma_wait3A_195 = arith.constant 0 : i32
      %dma_wait3A_196 = tpu.memref_slice %arg6[%dma_wait3A_194, %dma_wait3A_195] : memref<2048x32xf32, #tpu.memory_space<vmem>> -> memref<128x32xf32, #tpu.memory_space<vmem>>
      %dma_wait3A_197 = arith.constant 0 : i32
      %dma_wait3A_198 = tpu.memref_slice %arg5[%dma_wait3A_193, %dma_wait3A_197] : memref<16x128xi32, #tpu.memory_space<vmem>> -> memref<1x128xi32, #tpu.memory_space<vmem>>
      %dma_wait3A_199 = tpu.memref_squeeze %dma_wait3A_198 : memref<1x128xi32, #tpu.memory_space<vmem>> -> memref<128xi32, #tpu.memory_space<vmem>>
      %dma_wait3A_200 = arith.constant 0 : i32
      %dma_wait3A_201 = arith.constant 0 : i32
      %dma_wait3A_202 = tpu.memref_slice %arg2[%dma_wait3A_200, %dma_wait3A_201] : memref<16384x32xf32, #tpu.memory_space<hbm>> -> memref<16384x32xf32, #tpu.memory_space<hbm>>
      tpu.wait_indirect_dma semaphore(%arg7 : memref<!tpu.dma_semaphore, #tpu.memory_space<semaphore_mem>>) src(%dma_wait3A_202 : memref<16384x32xf32, #tpu.memory_space<hbm>>) dst(%dma_wait3A_196 : memref<128x32xf32, #tpu.memory_space<vmem>>)
      %dma_wait3A_203 = arith.constant 3 : i32
      %dma_wait3A_204 = arith.constant 384 : i32
      %dma_wait3A_205 = arith.constant 0 : i32
      %dma_wait3A_206 = tpu.memref_slice %arg6[%dma_wait3A_204, %dma_wait3A_205] : memref<2048x32xf32, #tpu.memory_space<vmem>> -> memref<128x32xf32, #tpu.memory_space<vmem>>
      %dma_wait3A_207 = arith.constant 0 : i32
      %dma_wait3A_208 = tpu.memref_slice %arg5[%dma_wait3A_203, %dma_wait3A_207] : memref<16x128xi32, #tpu.memory_space<vmem>> -> memref<1x128xi32, #tpu.memory_space<vmem>>
      %dma_wait3A_209 = tpu.memref_squeeze %dma_wait3A_208 : memref<1x128xi32, #tpu.memory_space<vmem>> -> memref<128xi32, #tpu.memory_space<vmem>>
      %dma_wait3A_210 = arith.constant 0 : i32
      %dma_wait3A_211 = arith.constant 0 : i32
      %dma_wait3A_212 = tpu.memref_slice %arg2[%dma_wait3A_210, %dma_wait3A_211] : memref<16384x32xf32, #tpu.memory_space<hbm>> -> memref<16384x32xf32, #tpu.memory_space<hbm>>
      tpu.wait_indirect_dma semaphore(%arg7 : memref<!tpu.dma_semaphore, #tpu.memory_space<semaphore_mem>>) src(%dma_wait3A_212 : memref<16384x32xf32, #tpu.memory_space<hbm>>) dst(%dma_wait3A_206 : memref<128x32xf32, #tpu.memory_space<vmem>>)
      %dma_wait3A_213 = arith.constant 4 : i32
      %dma_wait3A_214 = arith.constant 512 : i32
      %dma_wait3A_215 = arith.constant 0 : i32
      %dma_wait3A_216 = tpu.memref_slice %arg6[%dma_wait3A_214, %dma_wait3A_215] : memref<2048x32xf32, #tpu.memory_space<vmem>> -> memref<128x32xf32, #tpu.memory_space<vmem>>
      %dma_wait3A_217 = arith.constant 0 : i32
      %dma_wait3A_218 = tpu.memref_slice %arg5[%dma_wait3A_213, %dma_wait3A_217] : memref<16x128xi32, #tpu.memory_space<vmem>> -> memref<1x128xi32, #tpu.memory_space<vmem>>
      %dma_wait3A_219 = tpu.memref_squeeze %dma_wait3A_218 : memref<1x128xi32, #tpu.memory_space<vmem>> -> memref<128xi32, #tpu.memory_space<vmem>>
      %dma_wait3A_220 = arith.constant 0 : i32
      %dma_wait3A_221 = arith.constant 0 : i32
      %dma_wait3A_222 = tpu.memref_slice %arg2[%dma_wait3A_220, %dma_wait3A_221] : memref<16384x32xf32, #tpu.memory_space<hbm>> -> memref<16384x32xf32, #tpu.memory_space<hbm>>
      tpu.wait_indirect_dma semaphore(%arg7 : memref<!tpu.dma_semaphore, #tpu.memory_space<semaphore_mem>>) src(%dma_wait3A_222 : memref<16384x32xf32, #tpu.memory_space<hbm>>) dst(%dma_wait3A_216 : memref<128x32xf32, #tpu.memory_space<vmem>>)
      %dma_wait3A_223 = arith.constant 5 : i32
      %dma_wait3A_224 = arith.constant 640 : i32
      %dma_wait3A_225 = arith.constant 0 : i32
      %dma_wait3A_226 = tpu.memref_slice %arg6[%dma_wait3A_224, %dma_wait3A_225] : memref<2048x32xf32, #tpu.memory_space<vmem>> -> memref<128x32xf32, #tpu.memory_space<vmem>>
      %dma_wait3A_227 = arith.constant 0 : i32
      %dma_wait3A_228 = tpu.memref_slice %arg5[%dma_wait3A_223, %dma_wait3A_227] : memref<16x128xi32, #tpu.memory_space<vmem>> -> memref<1x128xi32, #tpu.memory_space<vmem>>
      %dma_wait3A_229 = tpu.memref_squeeze %dma_wait3A_228 : memref<1x128xi32, #tpu.memory_space<vmem>> -> memref<128xi32, #tpu.memory_space<vmem>>
      %dma_wait3A_230 = arith.constant 0 : i32
      %dma_wait3A_231 = arith.constant 0 : i32
      %dma_wait3A_232 = tpu.memref_slice %arg2[%dma_wait3A_230, %dma_wait3A_231] : memref<16384x32xf32, #tpu.memory_space<hbm>> -> memref<16384x32xf32, #tpu.memory_space<hbm>>
      tpu.wait_indirect_dma semaphore(%arg7 : memref<!tpu.dma_semaphore, #tpu.memory_space<semaphore_mem>>) src(%dma_wait3A_232 : memref<16384x32xf32, #tpu.memory_space<hbm>>) dst(%dma_wait3A_226 : memref<128x32xf32, #tpu.memory_space<vmem>>)
      %dma_wait3A_233 = arith.constant 6 : i32
      %dma_wait3A_234 = arith.constant 768 : i32
      %dma_wait3A_235 = arith.constant 0 : i32
      %dma_wait3A_236 = tpu.memref_slice %arg6[%dma_wait3A_234, %dma_wait3A_235] : memref<2048x32xf32, #tpu.memory_space<vmem>> -> memref<128x32xf32, #tpu.memory_space<vmem>>
      %dma_wait3A_237 = arith.constant 0 : i32
      %dma_wait3A_238 = tpu.memref_slice %arg5[%dma_wait3A_233, %dma_wait3A_237] : memref<16x128xi32, #tpu.memory_space<vmem>> -> memref<1x128xi32, #tpu.memory_space<vmem>>
      %dma_wait3A_239 = tpu.memref_squeeze %dma_wait3A_238 : memref<1x128xi32, #tpu.memory_space<vmem>> -> memref<128xi32, #tpu.memory_space<vmem>>
      %dma_wait3A_240 = arith.constant 0 : i32
      %dma_wait3A_241 = arith.constant 0 : i32
      %dma_wait3A_242 = tpu.memref_slice %arg2[%dma_wait3A_240, %dma_wait3A_241] : memref<16384x32xf32, #tpu.memory_space<hbm>> -> memref<16384x32xf32, #tpu.memory_space<hbm>>
      tpu.wait_indirect_dma semaphore(%arg7 : memref<!tpu.dma_semaphore, #tpu.memory_space<semaphore_mem>>) src(%dma_wait3A_242 : memref<16384x32xf32, #tpu.memory_space<hbm>>) dst(%dma_wait3A_236 : memref<128x32xf32, #tpu.memory_space<vmem>>)
      %dma_wait3A_243 = arith.constant 7 : i32
      %dma_wait3A_244 = arith.constant 896 : i32
      %dma_wait3A_245 = arith.constant 0 : i32
      %dma_wait3A_246 = tpu.memref_slice %arg6[%dma_wait3A_244, %dma_wait3A_245] : memref<2048x32xf32, #tpu.memory_space<vmem>> -> memref<128x32xf32, #tpu.memory_space<vmem>>
      %dma_wait3A_247 = arith.constant 0 : i32
      %dma_wait3A_248 = tpu.memref_slice %arg5[%dma_wait3A_243, %dma_wait3A_247] : memref<16x128xi32, #tpu.memory_space<vmem>> -> memref<1x128xi32, #tpu.memory_space<vmem>>
      %dma_wait3A_249 = tpu.memref_squeeze %dma_wait3A_248 : memref<1x128xi32, #tpu.memory_space<vmem>> -> memref<128xi32, #tpu.memory_space<vmem>>
      %dma_wait3A_250 = arith.constant 0 : i32
      %dma_wait3A_251 = arith.constant 0 : i32
      %dma_wait3A_252 = tpu.memref_slice %arg2[%dma_wait3A_250, %dma_wait3A_251] : memref<16384x32xf32, #tpu.memory_space<hbm>> -> memref<16384x32xf32, #tpu.memory_space<hbm>>
      tpu.wait_indirect_dma semaphore(%arg7 : memref<!tpu.dma_semaphore, #tpu.memory_space<semaphore_mem>>) src(%dma_wait3A_252 : memref<16384x32xf32, #tpu.memory_space<hbm>>) dst(%dma_wait3A_246 : memref<128x32xf32, #tpu.memory_space<vmem>>)
      %dma_wait3A_253 = arith.constant 8 : i32
      %dma_wait3A_254 = arith.constant 1024 : i32
      %dma_wait3A_255 = arith.constant 0 : i32
      %dma_wait3A_256 = tpu.memref_slice %arg6[%dma_wait3A_254, %dma_wait3A_255] : memref<2048x32xf32, #tpu.memory_space<vmem>> -> memref<128x32xf32, #tpu.memory_space<vmem>>
      %dma_wait3A_257 = arith.constant 0 : i32
      %dma_wait3A_258 = tpu.memref_slice %arg5[%dma_wait3A_253, %dma_wait3A_257] : memref<16x128xi32, #tpu.memory_space<vmem>> -> memref<1x128xi32, #tpu.memory_space<vmem>>
      %dma_wait3A_259 = tpu.memref_squeeze %dma_wait3A_258 : memref<1x128xi32, #tpu.memory_space<vmem>> -> memref<128xi32, #tpu.memory_space<vmem>>
      %dma_wait3A_260 = arith.constant 0 : i32
      %dma_wait3A_261 = arith.constant 0 : i32
      %dma_wait3A_262 = tpu.memref_slice %arg2[%dma_wait3A_260, %dma_wait3A_261] : memref<16384x32xf32, #tpu.memory_space<hbm>> -> memref<16384x32xf32, #tpu.memory_space<hbm>>
      tpu.wait_indirect_dma semaphore(%arg7 : memref<!tpu.dma_semaphore, #tpu.memory_space<semaphore_mem>>) src(%dma_wait3A_262 : memref<16384x32xf32, #tpu.memory_space<hbm>>) dst(%dma_wait3A_256 : memref<128x32xf32, #tpu.memory_space<vmem>>)
      %dma_wait3A_263 = arith.constant 9 : i32
      %dma_wait3A_264 = arith.constant 1152 : i32
      %dma_wait3A_265 = arith.constant 0 : i32
      %dma_wait3A_266 = tpu.memref_slice %arg6[%dma_wait3A_264, %dma_wait3A_265] : memref<2048x32xf32, #tpu.memory_space<vmem>> -> memref<128x32xf32, #tpu.memory_space<vmem>>
      %dma_wait3A_267 = arith.constant 0 : i32
      %dma_wait3A_268 = tpu.memref_slice %arg5[%dma_wait3A_263, %dma_wait3A_267] : memref<16x128xi32, #tpu.memory_space<vmem>> -> memref<1x128xi32, #tpu.memory_space<vmem>>
      %dma_wait3A_269 = tpu.memref_squeeze %dma_wait3A_268 : memref<1x128xi32, #tpu.memory_space<vmem>> -> memref<128xi32, #tpu.memory_space<vmem>>
      %dma_wait3A_270 = arith.constant 0 : i32
      %dma_wait3A_271 = arith.constant 0 : i32
      %dma_wait3A_272 = tpu.memref_slice %arg2[%dma_wait3A_270, %dma_wait3A_271] : memref<16384x32xf32, #tpu.memory_space<hbm>> -> memref<16384x32xf32, #tpu.memory_space<hbm>>
      tpu.wait_indirect_dma semaphore(%arg7 : memref<!tpu.dma_semaphore, #tpu.memory_space<semaphore_mem>>) src(%dma_wait3A_272 : memref<16384x32xf32, #tpu.memory_space<hbm>>) dst(%dma_wait3A_266 : memref<128x32xf32, #tpu.memory_space<vmem>>)
      %dma_wait3A_273 = arith.constant 10 : i32
      %dma_wait3A_274 = arith.constant 1280 : i32
      %dma_wait3A_275 = arith.constant 0 : i32
      %dma_wait3A_276 = tpu.memref_slice %arg6[%dma_wait3A_274, %dma_wait3A_275] : memref<2048x32xf32, #tpu.memory_space<vmem>> -> memref<128x32xf32, #tpu.memory_space<vmem>>
      %dma_wait3A_277 = arith.constant 0 : i32
      %dma_wait3A_278 = tpu.memref_slice %arg5[%dma_wait3A_273, %dma_wait3A_277] : memref<16x128xi32, #tpu.memory_space<vmem>> -> memref<1x128xi32, #tpu.memory_space<vmem>>
      %dma_wait3A_279 = tpu.memref_squeeze %dma_wait3A_278 : memref<1x128xi32, #tpu.memory_space<vmem>> -> memref<128xi32, #tpu.memory_space<vmem>>
      %dma_wait3A_280 = arith.constant 0 : i32
      %dma_wait3A_281 = arith.constant 0 : i32
      %dma_wait3A_282 = tpu.memref_slice %arg2[%dma_wait3A_280, %dma_wait3A_281] : memref<16384x32xf32, #tpu.memory_space<hbm>> -> memref<16384x32xf32, #tpu.memory_space<hbm>>
      tpu.wait_indirect_dma semaphore(%arg7 : memref<!tpu.dma_semaphore, #tpu.memory_space<semaphore_mem>>) src(%dma_wait3A_282 : memref<16384x32xf32, #tpu.memory_space<hbm>>) dst(%dma_wait3A_276 : memref<128x32xf32, #tpu.memory_space<vmem>>)
      %dma_wait3A_283 = arith.constant 11 : i32
      %dma_wait3A_284 = arith.constant 1408 : i32
      %dma_wait3A_285 = arith.constant 0 : i32
      %dma_wait3A_286 = tpu.memref_slice %arg6[%dma_wait3A_284, %dma_wait3A_285] : memref<2048x32xf32, #tpu.memory_space<vmem>> -> memref<128x32xf32, #tpu.memory_space<vmem>>
      %dma_wait3A_287 = arith.constant 0 : i32
      %dma_wait3A_288 = tpu.memref_slice %arg5[%dma_wait3A_283, %dma_wait3A_287] : memref<16x128xi32, #tpu.memory_space<vmem>> -> memref<1x128xi32, #tpu.memory_space<vmem>>
      %dma_wait3A_289 = tpu.memref_squeeze %dma_wait3A_288 : memref<1x128xi32, #tpu.memory_space<vmem>> -> memref<128xi32, #tpu.memory_space<vmem>>
      %dma_wait3A_290 = arith.constant 0 : i32
      %dma_wait3A_291 = arith.constant 0 : i32
      %dma_wait3A_292 = tpu.memref_slice %arg2[%dma_wait3A_290, %dma_wait3A_291] : memref<16384x32xf32, #tpu.memory_space<hbm>> -> memref<16384x32xf32, #tpu.memory_space<hbm>>
      tpu.wait_indirect_dma semaphore(%arg7 : memref<!tpu.dma_semaphore, #tpu.memory_space<semaphore_mem>>) src(%dma_wait3A_292 : memref<16384x32xf32, #tpu.memory_space<hbm>>) dst(%dma_wait3A_286 : memref<128x32xf32, #tpu.memory_space<vmem>>)
      %dma_wait3A_293 = arith.constant 12 : i32
      %dma_wait3A_294 = arith.constant 1536 : i32
      %dma_wait3A_295 = arith.constant 0 : i32
      %dma_wait3A_296 = tpu.memref_slice %arg6[%dma_wait3A_294, %dma_wait3A_295] : memref<2048x32xf32, #tpu.memory_space<vmem>> -> memref<128x32xf32, #tpu.memory_space<vmem>>
      %dma_wait3A_297 = arith.constant 0 : i32
      %dma_wait3A_298 = tpu.memref_slice %arg5[%dma_wait3A_293, %dma_wait3A_297] : memref<16x128xi32, #tpu.memory_space<vmem>> -> memref<1x128xi32, #tpu.memory_space<vmem>>
      %dma_wait3A_299 = tpu.memref_squeeze %dma_wait3A_298 : memref<1x128xi32, #tpu.memory_space<vmem>> -> memref<128xi32, #tpu.memory_space<vmem>>
      %dma_wait3A_300 = arith.constant 0 : i32
      %dma_wait3A_301 = arith.constant 0 : i32
      %dma_wait3A_302 = tpu.memref_slice %arg2[%dma_wait3A_300, %dma_wait3A_301] : memref<16384x32xf32, #tpu.memory_space<hbm>> -> memref<16384x32xf32, #tpu.memory_space<hbm>>
      tpu.wait_indirect_dma semaphore(%arg7 : memref<!tpu.dma_semaphore, #tpu.memory_space<semaphore_mem>>) src(%dma_wait3A_302 : memref<16384x32xf32, #tpu.memory_space<hbm>>) dst(%dma_wait3A_296 : memref<128x32xf32, #tpu.memory_space<vmem>>)
      %dma_wait3A_303 = arith.constant 13 : i32
      %dma_wait3A_304 = arith.constant 1664 : i32
      %dma_wait3A_305 = arith.constant 0 : i32
      %dma_wait3A_306 = tpu.memref_slice %arg6[%dma_wait3A_304, %dma_wait3A_305] : memref<2048x32xf32, #tpu.memory_space<vmem>> -> memref<128x32xf32, #tpu.memory_space<vmem>>
      %dma_wait3A_307 = arith.constant 0 : i32
      %dma_wait3A_308 = tpu.memref_slice %arg5[%dma_wait3A_303, %dma_wait3A_307] : memref<16x128xi32, #tpu.memory_space<vmem>> -> memref<1x128xi32, #tpu.memory_space<vmem>>
      %dma_wait3A_309 = tpu.memref_squeeze %dma_wait3A_308 : memref<1x128xi32, #tpu.memory_space<vmem>> -> memref<128xi32, #tpu.memory_space<vmem>>
      %dma_wait3A_310 = arith.constant 0 : i32
      %dma_wait3A_311 = arith.constant 0 : i32
      %dma_wait3A_312 = tpu.memref_slice %arg2[%dma_wait3A_310, %dma_wait3A_311] : memref<16384x32xf32, #tpu.memory_space<hbm>> -> memref<16384x32xf32, #tpu.memory_space<hbm>>
      tpu.wait_indirect_dma semaphore(%arg7 : memref<!tpu.dma_semaphore, #tpu.memory_space<semaphore_mem>>) src(%dma_wait3A_312 : memref<16384x32xf32, #tpu.memory_space<hbm>>) dst(%dma_wait3A_306 : memref<128x32xf32, #tpu.memory_space<vmem>>)
      %dma_wait3A_313 = arith.constant 14 : i32
      %dma_wait3A_314 = arith.constant 1792 : i32
      %dma_wait3A_315 = arith.constant 0 : i32
      %dma_wait3A_316 = tpu.memref_slice %arg6[%dma_wait3A_314, %dma_wait3A_315] : memref<2048x32xf32, #tpu.memory_space<vmem>> -> memref<128x32xf32, #tpu.memory_space<vmem>>
      %dma_wait3A_317 = arith.constant 0 : i32
      %dma_wait3A_318 = tpu.memref_slice %arg5[%dma_wait3A_313, %dma_wait3A_317] : memref<16x128xi32, #tpu.memory_space<vmem>> -> memref<1x128xi32, #tpu.memory_space<vmem>>
      %dma_wait3A_319 = tpu.memref_squeeze %dma_wait3A_318 : memref<1x128xi32, #tpu.memory_space<vmem>> -> memref<128xi32, #tpu.memory_space<vmem>>
      %dma_wait3A_320 = arith.constant 0 : i32
      %dma_wait3A_321 = arith.constant 0 : i32
      %dma_wait3A_322 = tpu.memref_slice %arg2[%dma_wait3A_320, %dma_wait3A_321] : memref<16384x32xf32, #tpu.memory_space<hbm>> -> memref<16384x32xf32, #tpu.memory_space<hbm>>
      tpu.wait_indirect_dma semaphore(%arg7 : memref<!tpu.dma_semaphore, #tpu.memory_space<semaphore_mem>>) src(%dma_wait3A_322 : memref<16384x32xf32, #tpu.memory_space<hbm>>) dst(%dma_wait3A_316 : memref<128x32xf32, #tpu.memory_space<vmem>>)
      %dma_wait3A_323 = arith.constant 15 : i32
      %dma_wait3A_324 = arith.constant 1920 : i32
      %dma_wait3A_325 = arith.constant 0 : i32
      %dma_wait3A_326 = tpu.memref_slice %arg6[%dma_wait3A_324, %dma_wait3A_325] : memref<2048x32xf32, #tpu.memory_space<vmem>> -> memref<128x32xf32, #tpu.memory_space<vmem>>
      %dma_wait3A_327 = arith.constant 0 : i32
      %dma_wait3A_328 = tpu.memref_slice %arg5[%dma_wait3A_323, %dma_wait3A_327] : memref<16x128xi32, #tpu.memory_space<vmem>> -> memref<1x128xi32, #tpu.memory_space<vmem>>
      %dma_wait3A_329 = tpu.memref_squeeze %dma_wait3A_328 : memref<1x128xi32, #tpu.memory_space<vmem>> -> memref<128xi32, #tpu.memory_space<vmem>>
      %dma_wait3A_330 = arith.constant 0 : i32
      %dma_wait3A_331 = arith.constant 0 : i32
      %dma_wait3A_332 = tpu.memref_slice %arg2[%dma_wait3A_330, %dma_wait3A_331] : memref<16384x32xf32, #tpu.memory_space<hbm>> -> memref<16384x32xf32, #tpu.memory_space<hbm>>
      tpu.wait_indirect_dma semaphore(%arg7 : memref<!tpu.dma_semaphore, #tpu.memory_space<semaphore_mem>>) src(%dma_wait3A_332 : memref<16384x32xf32, #tpu.memory_space<hbm>>) dst(%dma_wait3A_326 : memref<128x32xf32, #tpu.memory_space<vmem>>)
      "tpu.region"() ({
        %run_scoped3A = tpu.sem_alloc : memref<!tpu.dma_semaphore, #tpu.memory_space<semaphore_mem>>
        %dma_start3A_333 = arith.constant 0 : i32
        %dma_start3A_334 = tpu.memref_slice %arg4[%add3A_11, %dma_start3A_333] : memref<262144x32xf32, #tpu.memory_space<hbm>> -> memref<2048x32xf32, #tpu.memory_space<hbm>>
        %dma_start3A_335 = arith.constant 0 : i32
        %dma_start3A_336 = tpu.memref_slice %arg4[%add3A_11, %dma_start3A_335] : memref<262144x32xf32, #tpu.memory_space<hbm>> -> memref<2048x32xf32, #tpu.memory_space<hbm>>
        tpu.enqueue_dma source(%arg6 : memref<2048x32xf32, #tpu.memory_space<vmem>>) target(%dma_start3A_336 : memref<2048x32xf32, #tpu.memory_space<hbm>>) target_semaphore(%run_scoped3A : memref<!tpu.dma_semaphore, #tpu.memory_space<semaphore_mem>>)
        %dma_wait3A_337 = arith.constant 0 : i32
        %dma_wait3A_338 = tpu.memref_slice %arg4[%add3A_11, %dma_wait3A_337] : memref<262144x32xf32, #tpu.memory_space<hbm>> -> memref<2048x32xf32, #tpu.memory_space<hbm>>
        %dma_wait3A_339 = arith.constant 0 : i32
        %dma_wait3A_340 = tpu.memref_slice %arg4[%add3A_11, %dma_wait3A_339] : memref<262144x32xf32, #tpu.memory_space<hbm>> -> memref<2048x32xf32, #tpu.memory_space<hbm>>
        tpu.wait_dma2 semaphore(%run_scoped3A : memref<!tpu.dma_semaphore, #tpu.memory_space<semaphore_mem>>) src(%arg6 : memref<2048x32xf32, #tpu.memory_space<vmem>>) dst(%dma_wait3A_340 : memref<2048x32xf32, #tpu.memory_space<hbm>>)
        tpu.yield
      }) : () -> ()
    }
    %scan3A_5 = arith.constant 4 : i32
    return
  }
}

#map = affine_map<(d0, d1) -> (0, 0)>
#map1 = affine_map<(d0, d1) -> (0, 0, 0)>
module attributes {stable_mosaic.version = 14 : i64} {
  func.func @gather_kernel(%arg0: i32, %arg1: i32, %arg2: memref<16384x64xf32, #tpu.memory_space<hbm>>, %arg3: memref<1024x8x128xi32, #tpu.memory_space<hbm>>, %arg4: memref<1048576x64xf32, #tpu.memory_space<hbm>>, %arg5: memref<8x128xi32, #tpu.memory_space<vmem>>, %arg6: memref<1024x64xf32, #tpu.memory_space<vmem>>, %arg7: memref<!tpu.dma_semaphore, #tpu.memory_space<semaphore_mem>>) attributes {dimension_semantics = [#tpu.dimension_semantics<core_parallel>, #tpu.dimension_semantics<subcore_parallel>], iteration_bounds = array<i64: 2, 16>, scalar_prefetch = 0 : i64, scratch_operands = 3 : i64, tpu.core_type = #tpu.core_type<sc_vector_subcore>, window_params = [{transform_indices = #map}, {transform_indices = #map1}, {transform_indices = #map}]} {
    %mul3A = arith.constant 2 : i32
    %mul3A_0 = arith.muli %arg1, %mul3A : i32
    %add3A = arith.addi %mul3A_0, %arg0 : i32
    %scan3A = arith.constant 0 : i32
    %scan3A_1 = arith.constant 0 : i32
    %scan3A_2 = arith.constant 32 : i32
    %scan3A_3 = arith.addi %scan3A_1, %scan3A_2 : i32
    %scan3A_4 = arith.constant 1 : i32
    scf.for %scan3A_6 = %scan3A_1 to %scan3A_3 step %scan3A_4  : i32 {
      %mul3A_7 = arith.constant 32768 : i32
      %mul3A_8 = arith.muli %add3A, %mul3A_7 : i32
      %mul3A_9 = arith.constant 1024 : i32
      %mul3A_10 = arith.muli %scan3A_6, %mul3A_9 : i32
      %add3A_11 = arith.addi %mul3A_8, %mul3A_10 : i32
      %mul3A_12 = arith.constant 32 : i32
      %mul3A_13 = arith.muli %add3A, %mul3A_12 : i32
      %add3A_14 = arith.addi %mul3A_13, %scan3A_6 : i32
      "tpu.region"() ({
        %run_scoped3A = tpu.sem_alloc : memref<!tpu.dma_semaphore, #tpu.memory_space<semaphore_mem>>
        %dma_start3A_173 = arith.constant 0 : i32
        %dma_start3A_174 = arith.constant 0 : i32
        %dma_start3A_175 = tpu.memref_slice %arg3[%add3A_14, %dma_start3A_173, %dma_start3A_174] : memref<1024x8x128xi32, #tpu.memory_space<hbm>> -> memref<1x8x128xi32, #tpu.memory_space<hbm>>
        %dma_start3A_176 = tpu.memref_squeeze %dma_start3A_175 : memref<1x8x128xi32, #tpu.memory_space<hbm>> -> memref<8x128xi32, #tpu.memory_space<hbm>>
        %dma_start3A_177 = arith.constant 0 : i32
        %dma_start3A_178 = arith.constant 0 : i32
        %dma_start3A_179 = tpu.memref_slice %arg3[%add3A_14, %dma_start3A_177, %dma_start3A_178] : memref<1024x8x128xi32, #tpu.memory_space<hbm>> -> memref<1x8x128xi32, #tpu.memory_space<hbm>>
        %dma_start3A_180 = tpu.memref_squeeze %dma_start3A_179 : memref<1x8x128xi32, #tpu.memory_space<hbm>> -> memref<8x128xi32, #tpu.memory_space<hbm>>
        tpu.enqueue_dma source(%dma_start3A_180 : memref<8x128xi32, #tpu.memory_space<hbm>>) target(%arg5 : memref<8x128xi32, #tpu.memory_space<vmem>>) target_semaphore(%run_scoped3A : memref<!tpu.dma_semaphore, #tpu.memory_space<semaphore_mem>>)
        %dma_wait3A_181 = arith.constant 0 : i32
        %dma_wait3A_182 = arith.constant 0 : i32
        %dma_wait3A_183 = tpu.memref_slice %arg3[%add3A_14, %dma_wait3A_181, %dma_wait3A_182] : memref<1024x8x128xi32, #tpu.memory_space<hbm>> -> memref<1x8x128xi32, #tpu.memory_space<hbm>>
        %dma_wait3A_184 = tpu.memref_squeeze %dma_wait3A_183 : memref<1x8x128xi32, #tpu.memory_space<hbm>> -> memref<8x128xi32, #tpu.memory_space<hbm>>
        %dma_wait3A_185 = arith.constant 0 : i32
        %dma_wait3A_186 = arith.constant 0 : i32
        %dma_wait3A_187 = tpu.memref_slice %arg3[%add3A_14, %dma_wait3A_185, %dma_wait3A_186] : memref<1024x8x128xi32, #tpu.memory_space<hbm>> -> memref<1x8x128xi32, #tpu.memory_space<hbm>>
        %dma_wait3A_188 = tpu.memref_squeeze %dma_wait3A_187 : memref<1x8x128xi32, #tpu.memory_space<hbm>> -> memref<8x128xi32, #tpu.memory_space<hbm>>
        tpu.wait_dma2 semaphore(%run_scoped3A : memref<!tpu.dma_semaphore, #tpu.memory_space<semaphore_mem>>) src(%dma_wait3A_188 : memref<8x128xi32, #tpu.memory_space<hbm>>) dst(%arg5 : memref<8x128xi32, #tpu.memory_space<vmem>>)
        tpu.yield
      }) : () -> ()
      %dma_start3A = arith.constant 0 : i32
      %dma_start3A_15 = arith.constant 0 : i32
      %dma_start3A_16 = arith.constant 0 : i32
      %dma_start3A_17 = tpu.memref_slice %arg6[%dma_start3A_15, %dma_start3A_16] : memref<1024x64xf32, #tpu.memory_space<vmem>> -> memref<128x64xf32, #tpu.memory_space<vmem>>
      %dma_start3A_18 = arith.constant 0 : i32
      %dma_start3A_19 = tpu.memref_slice %arg5[%dma_start3A, %dma_start3A_18] : memref<8x128xi32, #tpu.memory_space<vmem>> -> memref<1x128xi32, #tpu.memory_space<vmem>>
      %dma_start3A_20 = tpu.memref_squeeze %dma_start3A_19 : memref<1x128xi32, #tpu.memory_space<vmem>> -> memref<128xi32, #tpu.memory_space<vmem>>
      %dma_start3A_21 = arith.constant 0 : i32
      %dma_start3A_22 = arith.constant 0 : i32
      %dma_start3A_23 = tpu.memref_slice %arg2[%dma_start3A_21, %dma_start3A_22] : memref<16384x64xf32, #tpu.memory_space<hbm>> -> memref<16384x64xf32, #tpu.memory_space<hbm>>
      tpu.enqueue_indirect_dma source(%dma_start3A_23 : memref<16384x64xf32, #tpu.memory_space<hbm>>) target(%dma_start3A_17 : memref<128x64xf32, #tpu.memory_space<vmem>>) offsets(%dma_start3A_20 : memref<128xi32, #tpu.memory_space<vmem>>) semaphore(%arg7 : memref<!tpu.dma_semaphore, #tpu.memory_space<semaphore_mem>>)
      %dma_start3A_24 = arith.constant 1 : i32
      %dma_start3A_25 = arith.constant 128 : i32
      %dma_start3A_26 = arith.constant 0 : i32
      %dma_start3A_27 = tpu.memref_slice %arg6[%dma_start3A_25, %dma_start3A_26] : memref<1024x64xf32, #tpu.memory_space<vmem>> -> memref<128x64xf32, #tpu.memory_space<vmem>>
      %dma_start3A_28 = arith.constant 0 : i32
      %dma_start3A_29 = tpu.memref_slice %arg5[%dma_start3A_24, %dma_start3A_28] : memref<8x128xi32, #tpu.memory_space<vmem>> -> memref<1x128xi32, #tpu.memory_space<vmem>>
      %dma_start3A_30 = tpu.memref_squeeze %dma_start3A_29 : memref<1x128xi32, #tpu.memory_space<vmem>> -> memref<128xi32, #tpu.memory_space<vmem>>
      %dma_start3A_31 = arith.constant 0 : i32
      %dma_start3A_32 = arith.constant 0 : i32
      %dma_start3A_33 = tpu.memref_slice %arg2[%dma_start3A_31, %dma_start3A_32] : memref<16384x64xf32, #tpu.memory_space<hbm>> -> memref<16384x64xf32, #tpu.memory_space<hbm>>
      tpu.enqueue_indirect_dma source(%dma_start3A_33 : memref<16384x64xf32, #tpu.memory_space<hbm>>) target(%dma_start3A_27 : memref<128x64xf32, #tpu.memory_space<vmem>>) offsets(%dma_start3A_30 : memref<128xi32, #tpu.memory_space<vmem>>) semaphore(%arg7 : memref<!tpu.dma_semaphore, #tpu.memory_space<semaphore_mem>>)
      %dma_start3A_34 = arith.constant 2 : i32
      %dma_start3A_35 = arith.constant 256 : i32
      %dma_start3A_36 = arith.constant 0 : i32
      %dma_start3A_37 = tpu.memref_slice %arg6[%dma_start3A_35, %dma_start3A_36] : memref<1024x64xf32, #tpu.memory_space<vmem>> -> memref<128x64xf32, #tpu.memory_space<vmem>>
      %dma_start3A_38 = arith.constant 0 : i32
      %dma_start3A_39 = tpu.memref_slice %arg5[%dma_start3A_34, %dma_start3A_38] : memref<8x128xi32, #tpu.memory_space<vmem>> -> memref<1x128xi32, #tpu.memory_space<vmem>>
      %dma_start3A_40 = tpu.memref_squeeze %dma_start3A_39 : memref<1x128xi32, #tpu.memory_space<vmem>> -> memref<128xi32, #tpu.memory_space<vmem>>
      %dma_start3A_41 = arith.constant 0 : i32
      %dma_start3A_42 = arith.constant 0 : i32
      %dma_start3A_43 = tpu.memref_slice %arg2[%dma_start3A_41, %dma_start3A_42] : memref<16384x64xf32, #tpu.memory_space<hbm>> -> memref<16384x64xf32, #tpu.memory_space<hbm>>
      tpu.enqueue_indirect_dma source(%dma_start3A_43 : memref<16384x64xf32, #tpu.memory_space<hbm>>) target(%dma_start3A_37 : memref<128x64xf32, #tpu.memory_space<vmem>>) offsets(%dma_start3A_40 : memref<128xi32, #tpu.memory_space<vmem>>) semaphore(%arg7 : memref<!tpu.dma_semaphore, #tpu.memory_space<semaphore_mem>>)
      %dma_start3A_44 = arith.constant 3 : i32
      %dma_start3A_45 = arith.constant 384 : i32
      %dma_start3A_46 = arith.constant 0 : i32
      %dma_start3A_47 = tpu.memref_slice %arg6[%dma_start3A_45, %dma_start3A_46] : memref<1024x64xf32, #tpu.memory_space<vmem>> -> memref<128x64xf32, #tpu.memory_space<vmem>>
      %dma_start3A_48 = arith.constant 0 : i32
      %dma_start3A_49 = tpu.memref_slice %arg5[%dma_start3A_44, %dma_start3A_48] : memref<8x128xi32, #tpu.memory_space<vmem>> -> memref<1x128xi32, #tpu.memory_space<vmem>>
      %dma_start3A_50 = tpu.memref_squeeze %dma_start3A_49 : memref<1x128xi32, #tpu.memory_space<vmem>> -> memref<128xi32, #tpu.memory_space<vmem>>
      %dma_start3A_51 = arith.constant 0 : i32
      %dma_start3A_52 = arith.constant 0 : i32
      %dma_start3A_53 = tpu.memref_slice %arg2[%dma_start3A_51, %dma_start3A_52] : memref<16384x64xf32, #tpu.memory_space<hbm>> -> memref<16384x64xf32, #tpu.memory_space<hbm>>
      tpu.enqueue_indirect_dma source(%dma_start3A_53 : memref<16384x64xf32, #tpu.memory_space<hbm>>) target(%dma_start3A_47 : memref<128x64xf32, #tpu.memory_space<vmem>>) offsets(%dma_start3A_50 : memref<128xi32, #tpu.memory_space<vmem>>) semaphore(%arg7 : memref<!tpu.dma_semaphore, #tpu.memory_space<semaphore_mem>>)
      %dma_start3A_54 = arith.constant 4 : i32
      %dma_start3A_55 = arith.constant 512 : i32
      %dma_start3A_56 = arith.constant 0 : i32
      %dma_start3A_57 = tpu.memref_slice %arg6[%dma_start3A_55, %dma_start3A_56] : memref<1024x64xf32, #tpu.memory_space<vmem>> -> memref<128x64xf32, #tpu.memory_space<vmem>>
      %dma_start3A_58 = arith.constant 0 : i32
      %dma_start3A_59 = tpu.memref_slice %arg5[%dma_start3A_54, %dma_start3A_58] : memref<8x128xi32, #tpu.memory_space<vmem>> -> memref<1x128xi32, #tpu.memory_space<vmem>>
      %dma_start3A_60 = tpu.memref_squeeze %dma_start3A_59 : memref<1x128xi32, #tpu.memory_space<vmem>> -> memref<128xi32, #tpu.memory_space<vmem>>
      %dma_start3A_61 = arith.constant 0 : i32
      %dma_start3A_62 = arith.constant 0 : i32
      %dma_start3A_63 = tpu.memref_slice %arg2[%dma_start3A_61, %dma_start3A_62] : memref<16384x64xf32, #tpu.memory_space<hbm>> -> memref<16384x64xf32, #tpu.memory_space<hbm>>
      tpu.enqueue_indirect_dma source(%dma_start3A_63 : memref<16384x64xf32, #tpu.memory_space<hbm>>) target(%dma_start3A_57 : memref<128x64xf32, #tpu.memory_space<vmem>>) offsets(%dma_start3A_60 : memref<128xi32, #tpu.memory_space<vmem>>) semaphore(%arg7 : memref<!tpu.dma_semaphore, #tpu.memory_space<semaphore_mem>>)
      %dma_start3A_64 = arith.constant 5 : i32
      %dma_start3A_65 = arith.constant 640 : i32
      %dma_start3A_66 = arith.constant 0 : i32
      %dma_start3A_67 = tpu.memref_slice %arg6[%dma_start3A_65, %dma_start3A_66] : memref<1024x64xf32, #tpu.memory_space<vmem>> -> memref<128x64xf32, #tpu.memory_space<vmem>>
      %dma_start3A_68 = arith.constant 0 : i32
      %dma_start3A_69 = tpu.memref_slice %arg5[%dma_start3A_64, %dma_start3A_68] : memref<8x128xi32, #tpu.memory_space<vmem>> -> memref<1x128xi32, #tpu.memory_space<vmem>>
      %dma_start3A_70 = tpu.memref_squeeze %dma_start3A_69 : memref<1x128xi32, #tpu.memory_space<vmem>> -> memref<128xi32, #tpu.memory_space<vmem>>
      %dma_start3A_71 = arith.constant 0 : i32
      %dma_start3A_72 = arith.constant 0 : i32
      %dma_start3A_73 = tpu.memref_slice %arg2[%dma_start3A_71, %dma_start3A_72] : memref<16384x64xf32, #tpu.memory_space<hbm>> -> memref<16384x64xf32, #tpu.memory_space<hbm>>
      tpu.enqueue_indirect_dma source(%dma_start3A_73 : memref<16384x64xf32, #tpu.memory_space<hbm>>) target(%dma_start3A_67 : memref<128x64xf32, #tpu.memory_space<vmem>>) offsets(%dma_start3A_70 : memref<128xi32, #tpu.memory_space<vmem>>) semaphore(%arg7 : memref<!tpu.dma_semaphore, #tpu.memory_space<semaphore_mem>>)
      %dma_start3A_74 = arith.constant 6 : i32
      %dma_start3A_75 = arith.constant 768 : i32
      %dma_start3A_76 = arith.constant 0 : i32
      %dma_start3A_77 = tpu.memref_slice %arg6[%dma_start3A_75, %dma_start3A_76] : memref<1024x64xf32, #tpu.memory_space<vmem>> -> memref<128x64xf32, #tpu.memory_space<vmem>>
      %dma_start3A_78 = arith.constant 0 : i32
      %dma_start3A_79 = tpu.memref_slice %arg5[%dma_start3A_74, %dma_start3A_78] : memref<8x128xi32, #tpu.memory_space<vmem>> -> memref<1x128xi32, #tpu.memory_space<vmem>>
      %dma_start3A_80 = tpu.memref_squeeze %dma_start3A_79 : memref<1x128xi32, #tpu.memory_space<vmem>> -> memref<128xi32, #tpu.memory_space<vmem>>
      %dma_start3A_81 = arith.constant 0 : i32
      %dma_start3A_82 = arith.constant 0 : i32
      %dma_start3A_83 = tpu.memref_slice %arg2[%dma_start3A_81, %dma_start3A_82] : memref<16384x64xf32, #tpu.memory_space<hbm>> -> memref<16384x64xf32, #tpu.memory_space<hbm>>
      tpu.enqueue_indirect_dma source(%dma_start3A_83 : memref<16384x64xf32, #tpu.memory_space<hbm>>) target(%dma_start3A_77 : memref<128x64xf32, #tpu.memory_space<vmem>>) offsets(%dma_start3A_80 : memref<128xi32, #tpu.memory_space<vmem>>) semaphore(%arg7 : memref<!tpu.dma_semaphore, #tpu.memory_space<semaphore_mem>>)
      %dma_start3A_84 = arith.constant 7 : i32
      %dma_start3A_85 = arith.constant 896 : i32
      %dma_start3A_86 = arith.constant 0 : i32
      %dma_start3A_87 = tpu.memref_slice %arg6[%dma_start3A_85, %dma_start3A_86] : memref<1024x64xf32, #tpu.memory_space<vmem>> -> memref<128x64xf32, #tpu.memory_space<vmem>>
      %dma_start3A_88 = arith.constant 0 : i32
      %dma_start3A_89 = tpu.memref_slice %arg5[%dma_start3A_84, %dma_start3A_88] : memref<8x128xi32, #tpu.memory_space<vmem>> -> memref<1x128xi32, #tpu.memory_space<vmem>>
      %dma_start3A_90 = tpu.memref_squeeze %dma_start3A_89 : memref<1x128xi32, #tpu.memory_space<vmem>> -> memref<128xi32, #tpu.memory_space<vmem>>
      %dma_start3A_91 = arith.constant 0 : i32
      %dma_start3A_92 = arith.constant 0 : i32
      %dma_start3A_93 = tpu.memref_slice %arg2[%dma_start3A_91, %dma_start3A_92] : memref<16384x64xf32, #tpu.memory_space<hbm>> -> memref<16384x64xf32, #tpu.memory_space<hbm>>
      tpu.enqueue_indirect_dma source(%dma_start3A_93 : memref<16384x64xf32, #tpu.memory_space<hbm>>) target(%dma_start3A_87 : memref<128x64xf32, #tpu.memory_space<vmem>>) offsets(%dma_start3A_90 : memref<128xi32, #tpu.memory_space<vmem>>) semaphore(%arg7 : memref<!tpu.dma_semaphore, #tpu.memory_space<semaphore_mem>>)
      %dma_wait3A = arith.constant 0 : i32
      %dma_wait3A_94 = arith.constant 0 : i32
      %dma_wait3A_95 = arith.constant 0 : i32
      %dma_wait3A_96 = tpu.memref_slice %arg6[%dma_wait3A_94, %dma_wait3A_95] : memref<1024x64xf32, #tpu.memory_space<vmem>> -> memref<128x64xf32, #tpu.memory_space<vmem>>
      %dma_wait3A_97 = arith.constant 0 : i32
      %dma_wait3A_98 = tpu.memref_slice %arg5[%dma_wait3A, %dma_wait3A_97] : memref<8x128xi32, #tpu.memory_space<vmem>> -> memref<1x128xi32, #tpu.memory_space<vmem>>
      %dma_wait3A_99 = tpu.memref_squeeze %dma_wait3A_98 : memref<1x128xi32, #tpu.memory_space<vmem>> -> memref<128xi32, #tpu.memory_space<vmem>>
      %dma_wait3A_100 = arith.constant 0 : i32
      %dma_wait3A_101 = arith.constant 0 : i32
      %dma_wait3A_102 = tpu.memref_slice %arg2[%dma_wait3A_100, %dma_wait3A_101] : memref<16384x64xf32, #tpu.memory_space<hbm>> -> memref<16384x64xf32, #tpu.memory_space<hbm>>
      tpu.wait_indirect_dma semaphore(%arg7 : memref<!tpu.dma_semaphore, #tpu.memory_space<semaphore_mem>>) src(%dma_wait3A_102 : memref<16384x64xf32, #tpu.memory_space<hbm>>) dst(%dma_wait3A_96 : memref<128x64xf32, #tpu.memory_space<vmem>>)
      %dma_wait3A_103 = arith.constant 1 : i32
      %dma_wait3A_104 = arith.constant 128 : i32
      %dma_wait3A_105 = arith.constant 0 : i32
      %dma_wait3A_106 = tpu.memref_slice %arg6[%dma_wait3A_104, %dma_wait3A_105] : memref<1024x64xf32, #tpu.memory_space<vmem>> -> memref<128x64xf32, #tpu.memory_space<vmem>>
      %dma_wait3A_107 = arith.constant 0 : i32
      %dma_wait3A_108 = tpu.memref_slice %arg5[%dma_wait3A_103, %dma_wait3A_107] : memref<8x128xi32, #tpu.memory_space<vmem>> -> memref<1x128xi32, #tpu.memory_space<vmem>>
      %dma_wait3A_109 = tpu.memref_squeeze %dma_wait3A_108 : memref<1x128xi32, #tpu.memory_space<vmem>> -> memref<128xi32, #tpu.memory_space<vmem>>
      %dma_wait3A_110 = arith.constant 0 : i32
      %dma_wait3A_111 = arith.constant 0 : i32
      %dma_wait3A_112 = tpu.memref_slice %arg2[%dma_wait3A_110, %dma_wait3A_111] : memref<16384x64xf32, #tpu.memory_space<hbm>> -> memref<16384x64xf32, #tpu.memory_space<hbm>>
      tpu.wait_indirect_dma semaphore(%arg7 : memref<!tpu.dma_semaphore, #tpu.memory_space<semaphore_mem>>) src(%dma_wait3A_112 : memref<16384x64xf32, #tpu.memory_space<hbm>>) dst(%dma_wait3A_106 : memref<128x64xf32, #tpu.memory_space<vmem>>)
      %dma_wait3A_113 = arith.constant 2 : i32
      %dma_wait3A_114 = arith.constant 256 : i32
      %dma_wait3A_115 = arith.constant 0 : i32
      %dma_wait3A_116 = tpu.memref_slice %arg6[%dma_wait3A_114, %dma_wait3A_115] : memref<1024x64xf32, #tpu.memory_space<vmem>> -> memref<128x64xf32, #tpu.memory_space<vmem>>
      %dma_wait3A_117 = arith.constant 0 : i32
      %dma_wait3A_118 = tpu.memref_slice %arg5[%dma_wait3A_113, %dma_wait3A_117] : memref<8x128xi32, #tpu.memory_space<vmem>> -> memref<1x128xi32, #tpu.memory_space<vmem>>
      %dma_wait3A_119 = tpu.memref_squeeze %dma_wait3A_118 : memref<1x128xi32, #tpu.memory_space<vmem>> -> memref<128xi32, #tpu.memory_space<vmem>>
      %dma_wait3A_120 = arith.constant 0 : i32
      %dma_wait3A_121 = arith.constant 0 : i32
      %dma_wait3A_122 = tpu.memref_slice %arg2[%dma_wait3A_120, %dma_wait3A_121] : memref<16384x64xf32, #tpu.memory_space<hbm>> -> memref<16384x64xf32, #tpu.memory_space<hbm>>
      tpu.wait_indirect_dma semaphore(%arg7 : memref<!tpu.dma_semaphore, #tpu.memory_space<semaphore_mem>>) src(%dma_wait3A_122 : memref<16384x64xf32, #tpu.memory_space<hbm>>) dst(%dma_wait3A_116 : memref<128x64xf32, #tpu.memory_space<vmem>>)
      %dma_wait3A_123 = arith.constant 3 : i32
      %dma_wait3A_124 = arith.constant 384 : i32
      %dma_wait3A_125 = arith.constant 0 : i32
      %dma_wait3A_126 = tpu.memref_slice %arg6[%dma_wait3A_124, %dma_wait3A_125] : memref<1024x64xf32, #tpu.memory_space<vmem>> -> memref<128x64xf32, #tpu.memory_space<vmem>>
      %dma_wait3A_127 = arith.constant 0 : i32
      %dma_wait3A_128 = tpu.memref_slice %arg5[%dma_wait3A_123, %dma_wait3A_127] : memref<8x128xi32, #tpu.memory_space<vmem>> -> memref<1x128xi32, #tpu.memory_space<vmem>>
      %dma_wait3A_129 = tpu.memref_squeeze %dma_wait3A_128 : memref<1x128xi32, #tpu.memory_space<vmem>> -> memref<128xi32, #tpu.memory_space<vmem>>
      %dma_wait3A_130 = arith.constant 0 : i32
      %dma_wait3A_131 = arith.constant 0 : i32
      %dma_wait3A_132 = tpu.memref_slice %arg2[%dma_wait3A_130, %dma_wait3A_131] : memref<16384x64xf32, #tpu.memory_space<hbm>> -> memref<16384x64xf32, #tpu.memory_space<hbm>>
      tpu.wait_indirect_dma semaphore(%arg7 : memref<!tpu.dma_semaphore, #tpu.memory_space<semaphore_mem>>) src(%dma_wait3A_132 : memref<16384x64xf32, #tpu.memory_space<hbm>>) dst(%dma_wait3A_126 : memref<128x64xf32, #tpu.memory_space<vmem>>)
      %dma_wait3A_133 = arith.constant 4 : i32
      %dma_wait3A_134 = arith.constant 512 : i32
      %dma_wait3A_135 = arith.constant 0 : i32
      %dma_wait3A_136 = tpu.memref_slice %arg6[%dma_wait3A_134, %dma_wait3A_135] : memref<1024x64xf32, #tpu.memory_space<vmem>> -> memref<128x64xf32, #tpu.memory_space<vmem>>
      %dma_wait3A_137 = arith.constant 0 : i32
      %dma_wait3A_138 = tpu.memref_slice %arg5[%dma_wait3A_133, %dma_wait3A_137] : memref<8x128xi32, #tpu.memory_space<vmem>> -> memref<1x128xi32, #tpu.memory_space<vmem>>
      %dma_wait3A_139 = tpu.memref_squeeze %dma_wait3A_138 : memref<1x128xi32, #tpu.memory_space<vmem>> -> memref<128xi32, #tpu.memory_space<vmem>>
      %dma_wait3A_140 = arith.constant 0 : i32
      %dma_wait3A_141 = arith.constant 0 : i32
      %dma_wait3A_142 = tpu.memref_slice %arg2[%dma_wait3A_140, %dma_wait3A_141] : memref<16384x64xf32, #tpu.memory_space<hbm>> -> memref<16384x64xf32, #tpu.memory_space<hbm>>
      tpu.wait_indirect_dma semaphore(%arg7 : memref<!tpu.dma_semaphore, #tpu.memory_space<semaphore_mem>>) src(%dma_wait3A_142 : memref<16384x64xf32, #tpu.memory_space<hbm>>) dst(%dma_wait3A_136 : memref<128x64xf32, #tpu.memory_space<vmem>>)
      %dma_wait3A_143 = arith.constant 5 : i32
      %dma_wait3A_144 = arith.constant 640 : i32
      %dma_wait3A_145 = arith.constant 0 : i32
      %dma_wait3A_146 = tpu.memref_slice %arg6[%dma_wait3A_144, %dma_wait3A_145] : memref<1024x64xf32, #tpu.memory_space<vmem>> -> memref<128x64xf32, #tpu.memory_space<vmem>>
      %dma_wait3A_147 = arith.constant 0 : i32
      %dma_wait3A_148 = tpu.memref_slice %arg5[%dma_wait3A_143, %dma_wait3A_147] : memref<8x128xi32, #tpu.memory_space<vmem>> -> memref<1x128xi32, #tpu.memory_space<vmem>>
      %dma_wait3A_149 = tpu.memref_squeeze %dma_wait3A_148 : memref<1x128xi32, #tpu.memory_space<vmem>> -> memref<128xi32, #tpu.memory_space<vmem>>
      %dma_wait3A_150 = arith.constant 0 : i32
      %dma_wait3A_151 = arith.constant 0 : i32
      %dma_wait3A_152 = tpu.memref_slice %arg2[%dma_wait3A_150, %dma_wait3A_151] : memref<16384x64xf32, #tpu.memory_space<hbm>> -> memref<16384x64xf32, #tpu.memory_space<hbm>>
      tpu.wait_indirect_dma semaphore(%arg7 : memref<!tpu.dma_semaphore, #tpu.memory_space<semaphore_mem>>) src(%dma_wait3A_152 : memref<16384x64xf32, #tpu.memory_space<hbm>>) dst(%dma_wait3A_146 : memref<128x64xf32, #tpu.memory_space<vmem>>)
      %dma_wait3A_153 = arith.constant 6 : i32
      %dma_wait3A_154 = arith.constant 768 : i32
      %dma_wait3A_155 = arith.constant 0 : i32
      %dma_wait3A_156 = tpu.memref_slice %arg6[%dma_wait3A_154, %dma_wait3A_155] : memref<1024x64xf32, #tpu.memory_space<vmem>> -> memref<128x64xf32, #tpu.memory_space<vmem>>
      %dma_wait3A_157 = arith.constant 0 : i32
      %dma_wait3A_158 = tpu.memref_slice %arg5[%dma_wait3A_153, %dma_wait3A_157] : memref<8x128xi32, #tpu.memory_space<vmem>> -> memref<1x128xi32, #tpu.memory_space<vmem>>
      %dma_wait3A_159 = tpu.memref_squeeze %dma_wait3A_158 : memref<1x128xi32, #tpu.memory_space<vmem>> -> memref<128xi32, #tpu.memory_space<vmem>>
      %dma_wait3A_160 = arith.constant 0 : i32
      %dma_wait3A_161 = arith.constant 0 : i32
      %dma_wait3A_162 = tpu.memref_slice %arg2[%dma_wait3A_160, %dma_wait3A_161] : memref<16384x64xf32, #tpu.memory_space<hbm>> -> memref<16384x64xf32, #tpu.memory_space<hbm>>
      tpu.wait_indirect_dma semaphore(%arg7 : memref<!tpu.dma_semaphore, #tpu.memory_space<semaphore_mem>>) src(%dma_wait3A_162 : memref<16384x64xf32, #tpu.memory_space<hbm>>) dst(%dma_wait3A_156 : memref<128x64xf32, #tpu.memory_space<vmem>>)
      %dma_wait3A_163 = arith.constant 7 : i32
      %dma_wait3A_164 = arith.constant 896 : i32
      %dma_wait3A_165 = arith.constant 0 : i32
      %dma_wait3A_166 = tpu.memref_slice %arg6[%dma_wait3A_164, %dma_wait3A_165] : memref<1024x64xf32, #tpu.memory_space<vmem>> -> memref<128x64xf32, #tpu.memory_space<vmem>>
      %dma_wait3A_167 = arith.constant 0 : i32
      %dma_wait3A_168 = tpu.memref_slice %arg5[%dma_wait3A_163, %dma_wait3A_167] : memref<8x128xi32, #tpu.memory_space<vmem>> -> memref<1x128xi32, #tpu.memory_space<vmem>>
      %dma_wait3A_169 = tpu.memref_squeeze %dma_wait3A_168 : memref<1x128xi32, #tpu.memory_space<vmem>> -> memref<128xi32, #tpu.memory_space<vmem>>
      %dma_wait3A_170 = arith.constant 0 : i32
      %dma_wait3A_171 = arith.constant 0 : i32
      %dma_wait3A_172 = tpu.memref_slice %arg2[%dma_wait3A_170, %dma_wait3A_171] : memref<16384x64xf32, #tpu.memory_space<hbm>> -> memref<16384x64xf32, #tpu.memory_space<hbm>>
      tpu.wait_indirect_dma semaphore(%arg7 : memref<!tpu.dma_semaphore, #tpu.memory_space<semaphore_mem>>) src(%dma_wait3A_172 : memref<16384x64xf32, #tpu.memory_space<hbm>>) dst(%dma_wait3A_166 : memref<128x64xf32, #tpu.memory_space<vmem>>)
      "tpu.region"() ({
        %run_scoped3A = tpu.sem_alloc : memref<!tpu.dma_semaphore, #tpu.memory_space<semaphore_mem>>
        %dma_start3A_173 = arith.constant 0 : i32
        %dma_start3A_174 = tpu.memref_slice %arg4[%add3A_11, %dma_start3A_173] : memref<1048576x64xf32, #tpu.memory_space<hbm>> -> memref<1024x64xf32, #tpu.memory_space<hbm>>
        %dma_start3A_175 = arith.constant 0 : i32
        %dma_start3A_176 = tpu.memref_slice %arg4[%add3A_11, %dma_start3A_175] : memref<1048576x64xf32, #tpu.memory_space<hbm>> -> memref<1024x64xf32, #tpu.memory_space<hbm>>
        tpu.enqueue_dma source(%arg6 : memref<1024x64xf32, #tpu.memory_space<vmem>>) target(%dma_start3A_176 : memref<1024x64xf32, #tpu.memory_space<hbm>>) target_semaphore(%run_scoped3A : memref<!tpu.dma_semaphore, #tpu.memory_space<semaphore_mem>>)
        %dma_wait3A_177 = arith.constant 0 : i32
        %dma_wait3A_178 = tpu.memref_slice %arg4[%add3A_11, %dma_wait3A_177] : memref<1048576x64xf32, #tpu.memory_space<hbm>> -> memref<1024x64xf32, #tpu.memory_space<hbm>>
        %dma_wait3A_179 = arith.constant 0 : i32
        %dma_wait3A_180 = tpu.memref_slice %arg4[%add3A_11, %dma_wait3A_179] : memref<1048576x64xf32, #tpu.memory_space<hbm>> -> memref<1024x64xf32, #tpu.memory_space<hbm>>
        tpu.wait_dma2 semaphore(%run_scoped3A : memref<!tpu.dma_semaphore, #tpu.memory_space<semaphore_mem>>) src(%arg6 : memref<1024x64xf32, #tpu.memory_space<vmem>>) dst(%dma_wait3A_180 : memref<1024x64xf32, #tpu.memory_space<hbm>>)
        tpu.yield
      }) : () -> ()
    }
    %scan3A_5 = arith.constant 32 : i32
    return
  }
}

#map = affine_map<(d0, d1) -> (0, 0)>
#map1 = affine_map<(d0, d1) -> (0, 0, 0)>
module attributes {stable_mosaic.version = 14 : i64} {
  func.func @gather_kernel(%arg0: i32, %arg1: i32, %arg2: memref<8192x128xf32, #tpu.memory_space<hbm>>, %arg3: memref<512x4x128xi32, #tpu.memory_space<hbm>>, %arg4: memref<262144x128xf32, #tpu.memory_space<hbm>>, %arg5: memref<4x128xi32, #tpu.memory_space<vmem>>, %arg6: memref<512x128xf32, #tpu.memory_space<vmem>>, %arg7: memref<!tpu.dma_semaphore, #tpu.memory_space<semaphore_mem>>) attributes {dimension_semantics = [#tpu.dimension_semantics<core_parallel>, #tpu.dimension_semantics<subcore_parallel>], iteration_bounds = array<i64: 2, 16>, scalar_prefetch = 0 : i64, scratch_operands = 3 : i64, tpu.core_type = #tpu.core_type<sc_vector_subcore>, window_params = [{transform_indices = #map}, {transform_indices = #map1}, {transform_indices = #map}]} {
    %mul3A = arith.constant 2 : i32
    %mul3A_0 = arith.muli %arg1, %mul3A : i32
    %add3A = arith.addi %mul3A_0, %arg0 : i32
    %scan3A = arith.constant 0 : i32
    %scan3A_1 = arith.constant 0 : i32
    %scan3A_2 = arith.constant 16 : i32
    %scan3A_3 = arith.addi %scan3A_1, %scan3A_2 : i32
    %scan3A_4 = arith.constant 1 : i32
    scf.for %scan3A_6 = %scan3A_1 to %scan3A_3 step %scan3A_4  : i32 {
      %mul3A_7 = arith.constant 8192 : i32
      %mul3A_8 = arith.muli %add3A, %mul3A_7 : i32
      %mul3A_9 = arith.constant 512 : i32
      %mul3A_10 = arith.muli %scan3A_6, %mul3A_9 : i32
      %add3A_11 = arith.addi %mul3A_8, %mul3A_10 : i32
      %mul3A_12 = arith.constant 16 : i32
      %mul3A_13 = arith.muli %add3A, %mul3A_12 : i32
      %add3A_14 = arith.addi %mul3A_13, %scan3A_6 : i32
      "tpu.region"() ({
        %run_scoped3A = tpu.sem_alloc : memref<!tpu.dma_semaphore, #tpu.memory_space<semaphore_mem>>
        %dma_start3A_93 = arith.constant 0 : i32
        %dma_start3A_94 = arith.constant 0 : i32
        %dma_start3A_95 = tpu.memref_slice %arg3[%add3A_14, %dma_start3A_93, %dma_start3A_94] : memref<512x4x128xi32, #tpu.memory_space<hbm>> -> memref<1x4x128xi32, #tpu.memory_space<hbm>>
        %dma_start3A_96 = tpu.memref_squeeze %dma_start3A_95 : memref<1x4x128xi32, #tpu.memory_space<hbm>> -> memref<4x128xi32, #tpu.memory_space<hbm>>
        %dma_start3A_97 = arith.constant 0 : i32
        %dma_start3A_98 = arith.constant 0 : i32
        %dma_start3A_99 = tpu.memref_slice %arg3[%add3A_14, %dma_start3A_97, %dma_start3A_98] : memref<512x4x128xi32, #tpu.memory_space<hbm>> -> memref<1x4x128xi32, #tpu.memory_space<hbm>>
        %dma_start3A_100 = tpu.memref_squeeze %dma_start3A_99 : memref<1x4x128xi32, #tpu.memory_space<hbm>> -> memref<4x128xi32, #tpu.memory_space<hbm>>
        tpu.enqueue_dma source(%dma_start3A_100 : memref<4x128xi32, #tpu.memory_space<hbm>>) target(%arg5 : memref<4x128xi32, #tpu.memory_space<vmem>>) target_semaphore(%run_scoped3A : memref<!tpu.dma_semaphore, #tpu.memory_space<semaphore_mem>>)
        %dma_wait3A_101 = arith.constant 0 : i32
        %dma_wait3A_102 = arith.constant 0 : i32
        %dma_wait3A_103 = tpu.memref_slice %arg3[%add3A_14, %dma_wait3A_101, %dma_wait3A_102] : memref<512x4x128xi32, #tpu.memory_space<hbm>> -> memref<1x4x128xi32, #tpu.memory_space<hbm>>
        %dma_wait3A_104 = tpu.memref_squeeze %dma_wait3A_103 : memref<1x4x128xi32, #tpu.memory_space<hbm>> -> memref<4x128xi32, #tpu.memory_space<hbm>>
        %dma_wait3A_105 = arith.constant 0 : i32
        %dma_wait3A_106 = arith.constant 0 : i32
        %dma_wait3A_107 = tpu.memref_slice %arg3[%add3A_14, %dma_wait3A_105, %dma_wait3A_106] : memref<512x4x128xi32, #tpu.memory_space<hbm>> -> memref<1x4x128xi32, #tpu.memory_space<hbm>>
        %dma_wait3A_108 = tpu.memref_squeeze %dma_wait3A_107 : memref<1x4x128xi32, #tpu.memory_space<hbm>> -> memref<4x128xi32, #tpu.memory_space<hbm>>
        tpu.wait_dma2 semaphore(%run_scoped3A : memref<!tpu.dma_semaphore, #tpu.memory_space<semaphore_mem>>) src(%dma_wait3A_108 : memref<4x128xi32, #tpu.memory_space<hbm>>) dst(%arg5 : memref<4x128xi32, #tpu.memory_space<vmem>>)
        tpu.yield
      }) : () -> ()
      %dma_start3A = arith.constant 0 : i32
      %dma_start3A_15 = arith.constant 0 : i32
      %dma_start3A_16 = arith.constant 0 : i32
      %dma_start3A_17 = tpu.memref_slice %arg6[%dma_start3A_15, %dma_start3A_16] : memref<512x128xf32, #tpu.memory_space<vmem>> -> memref<128x128xf32, #tpu.memory_space<vmem>>
      %dma_start3A_18 = arith.constant 0 : i32
      %dma_start3A_19 = tpu.memref_slice %arg5[%dma_start3A, %dma_start3A_18] : memref<4x128xi32, #tpu.memory_space<vmem>> -> memref<1x128xi32, #tpu.memory_space<vmem>>
      %dma_start3A_20 = tpu.memref_squeeze %dma_start3A_19 : memref<1x128xi32, #tpu.memory_space<vmem>> -> memref<128xi32, #tpu.memory_space<vmem>>
      %dma_start3A_21 = arith.constant 0 : i32
      %dma_start3A_22 = arith.constant 0 : i32
      %dma_start3A_23 = tpu.memref_slice %arg2[%dma_start3A_21, %dma_start3A_22] : memref<8192x128xf32, #tpu.memory_space<hbm>> -> memref<8192x128xf32, #tpu.memory_space<hbm>>
      tpu.enqueue_indirect_dma source(%dma_start3A_23 : memref<8192x128xf32, #tpu.memory_space<hbm>>) target(%dma_start3A_17 : memref<128x128xf32, #tpu.memory_space<vmem>>) offsets(%dma_start3A_20 : memref<128xi32, #tpu.memory_space<vmem>>) semaphore(%arg7 : memref<!tpu.dma_semaphore, #tpu.memory_space<semaphore_mem>>)
      %dma_start3A_24 = arith.constant 1 : i32
      %dma_start3A_25 = arith.constant 128 : i32
      %dma_start3A_26 = arith.constant 0 : i32
      %dma_start3A_27 = tpu.memref_slice %arg6[%dma_start3A_25, %dma_start3A_26] : memref<512x128xf32, #tpu.memory_space<vmem>> -> memref<128x128xf32, #tpu.memory_space<vmem>>
      %dma_start3A_28 = arith.constant 0 : i32
      %dma_start3A_29 = tpu.memref_slice %arg5[%dma_start3A_24, %dma_start3A_28] : memref<4x128xi32, #tpu.memory_space<vmem>> -> memref<1x128xi32, #tpu.memory_space<vmem>>
      %dma_start3A_30 = tpu.memref_squeeze %dma_start3A_29 : memref<1x128xi32, #tpu.memory_space<vmem>> -> memref<128xi32, #tpu.memory_space<vmem>>
      %dma_start3A_31 = arith.constant 0 : i32
      %dma_start3A_32 = arith.constant 0 : i32
      %dma_start3A_33 = tpu.memref_slice %arg2[%dma_start3A_31, %dma_start3A_32] : memref<8192x128xf32, #tpu.memory_space<hbm>> -> memref<8192x128xf32, #tpu.memory_space<hbm>>
      tpu.enqueue_indirect_dma source(%dma_start3A_33 : memref<8192x128xf32, #tpu.memory_space<hbm>>) target(%dma_start3A_27 : memref<128x128xf32, #tpu.memory_space<vmem>>) offsets(%dma_start3A_30 : memref<128xi32, #tpu.memory_space<vmem>>) semaphore(%arg7 : memref<!tpu.dma_semaphore, #tpu.memory_space<semaphore_mem>>)
      %dma_start3A_34 = arith.constant 2 : i32
      %dma_start3A_35 = arith.constant 256 : i32
      %dma_start3A_36 = arith.constant 0 : i32
      %dma_start3A_37 = tpu.memref_slice %arg6[%dma_start3A_35, %dma_start3A_36] : memref<512x128xf32, #tpu.memory_space<vmem>> -> memref<128x128xf32, #tpu.memory_space<vmem>>
      %dma_start3A_38 = arith.constant 0 : i32
      %dma_start3A_39 = tpu.memref_slice %arg5[%dma_start3A_34, %dma_start3A_38] : memref<4x128xi32, #tpu.memory_space<vmem>> -> memref<1x128xi32, #tpu.memory_space<vmem>>
      %dma_start3A_40 = tpu.memref_squeeze %dma_start3A_39 : memref<1x128xi32, #tpu.memory_space<vmem>> -> memref<128xi32, #tpu.memory_space<vmem>>
      %dma_start3A_41 = arith.constant 0 : i32
      %dma_start3A_42 = arith.constant 0 : i32
      %dma_start3A_43 = tpu.memref_slice %arg2[%dma_start3A_41, %dma_start3A_42] : memref<8192x128xf32, #tpu.memory_space<hbm>> -> memref<8192x128xf32, #tpu.memory_space<hbm>>
      tpu.enqueue_indirect_dma source(%dma_start3A_43 : memref<8192x128xf32, #tpu.memory_space<hbm>>) target(%dma_start3A_37 : memref<128x128xf32, #tpu.memory_space<vmem>>) offsets(%dma_start3A_40 : memref<128xi32, #tpu.memory_space<vmem>>) semaphore(%arg7 : memref<!tpu.dma_semaphore, #tpu.memory_space<semaphore_mem>>)
      %dma_start3A_44 = arith.constant 3 : i32
      %dma_start3A_45 = arith.constant 384 : i32
      %dma_start3A_46 = arith.constant 0 : i32
      %dma_start3A_47 = tpu.memref_slice %arg6[%dma_start3A_45, %dma_start3A_46] : memref<512x128xf32, #tpu.memory_space<vmem>> -> memref<128x128xf32, #tpu.memory_space<vmem>>
      %dma_start3A_48 = arith.constant 0 : i32
      %dma_start3A_49 = tpu.memref_slice %arg5[%dma_start3A_44, %dma_start3A_48] : memref<4x128xi32, #tpu.memory_space<vmem>> -> memref<1x128xi32, #tpu.memory_space<vmem>>
      %dma_start3A_50 = tpu.memref_squeeze %dma_start3A_49 : memref<1x128xi32, #tpu.memory_space<vmem>> -> memref<128xi32, #tpu.memory_space<vmem>>
      %dma_start3A_51 = arith.constant 0 : i32
      %dma_start3A_52 = arith.constant 0 : i32
      %dma_start3A_53 = tpu.memref_slice %arg2[%dma_start3A_51, %dma_start3A_52] : memref<8192x128xf32, #tpu.memory_space<hbm>> -> memref<8192x128xf32, #tpu.memory_space<hbm>>
      tpu.enqueue_indirect_dma source(%dma_start3A_53 : memref<8192x128xf32, #tpu.memory_space<hbm>>) target(%dma_start3A_47 : memref<128x128xf32, #tpu.memory_space<vmem>>) offsets(%dma_start3A_50 : memref<128xi32, #tpu.memory_space<vmem>>) semaphore(%arg7 : memref<!tpu.dma_semaphore, #tpu.memory_space<semaphore_mem>>)
      %dma_wait3A = arith.constant 0 : i32
      %dma_wait3A_54 = arith.constant 0 : i32
      %dma_wait3A_55 = arith.constant 0 : i32
      %dma_wait3A_56 = tpu.memref_slice %arg6[%dma_wait3A_54, %dma_wait3A_55] : memref<512x128xf32, #tpu.memory_space<vmem>> -> memref<128x128xf32, #tpu.memory_space<vmem>>
      %dma_wait3A_57 = arith.constant 0 : i32
      %dma_wait3A_58 = tpu.memref_slice %arg5[%dma_wait3A, %dma_wait3A_57] : memref<4x128xi32, #tpu.memory_space<vmem>> -> memref<1x128xi32, #tpu.memory_space<vmem>>
      %dma_wait3A_59 = tpu.memref_squeeze %dma_wait3A_58 : memref<1x128xi32, #tpu.memory_space<vmem>> -> memref<128xi32, #tpu.memory_space<vmem>>
      %dma_wait3A_60 = arith.constant 0 : i32
      %dma_wait3A_61 = arith.constant 0 : i32
      %dma_wait3A_62 = tpu.memref_slice %arg2[%dma_wait3A_60, %dma_wait3A_61] : memref<8192x128xf32, #tpu.memory_space<hbm>> -> memref<8192x128xf32, #tpu.memory_space<hbm>>
      tpu.wait_indirect_dma semaphore(%arg7 : memref<!tpu.dma_semaphore, #tpu.memory_space<semaphore_mem>>) src(%dma_wait3A_62 : memref<8192x128xf32, #tpu.memory_space<hbm>>) dst(%dma_wait3A_56 : memref<128x128xf32, #tpu.memory_space<vmem>>)
      %dma_wait3A_63 = arith.constant 1 : i32
      %dma_wait3A_64 = arith.constant 128 : i32
      %dma_wait3A_65 = arith.constant 0 : i32
      %dma_wait3A_66 = tpu.memref_slice %arg6[%dma_wait3A_64, %dma_wait3A_65] : memref<512x128xf32, #tpu.memory_space<vmem>> -> memref<128x128xf32, #tpu.memory_space<vmem>>
      %dma_wait3A_67 = arith.constant 0 : i32
      %dma_wait3A_68 = tpu.memref_slice %arg5[%dma_wait3A_63, %dma_wait3A_67] : memref<4x128xi32, #tpu.memory_space<vmem>> -> memref<1x128xi32, #tpu.memory_space<vmem>>
      %dma_wait3A_69 = tpu.memref_squeeze %dma_wait3A_68 : memref<1x128xi32, #tpu.memory_space<vmem>> -> memref<128xi32, #tpu.memory_space<vmem>>
      %dma_wait3A_70 = arith.constant 0 : i32
      %dma_wait3A_71 = arith.constant 0 : i32
      %dma_wait3A_72 = tpu.memref_slice %arg2[%dma_wait3A_70, %dma_wait3A_71] : memref<8192x128xf32, #tpu.memory_space<hbm>> -> memref<8192x128xf32, #tpu.memory_space<hbm>>
      tpu.wait_indirect_dma semaphore(%arg7 : memref<!tpu.dma_semaphore, #tpu.memory_space<semaphore_mem>>) src(%dma_wait3A_72 : memref<8192x128xf32, #tpu.memory_space<hbm>>) dst(%dma_wait3A_66 : memref<128x128xf32, #tpu.memory_space<vmem>>)
      %dma_wait3A_73 = arith.constant 2 : i32
      %dma_wait3A_74 = arith.constant 256 : i32
      %dma_wait3A_75 = arith.constant 0 : i32
      %dma_wait3A_76 = tpu.memref_slice %arg6[%dma_wait3A_74, %dma_wait3A_75] : memref<512x128xf32, #tpu.memory_space<vmem>> -> memref<128x128xf32, #tpu.memory_space<vmem>>
      %dma_wait3A_77 = arith.constant 0 : i32
      %dma_wait3A_78 = tpu.memref_slice %arg5[%dma_wait3A_73, %dma_wait3A_77] : memref<4x128xi32, #tpu.memory_space<vmem>> -> memref<1x128xi32, #tpu.memory_space<vmem>>
      %dma_wait3A_79 = tpu.memref_squeeze %dma_wait3A_78 : memref<1x128xi32, #tpu.memory_space<vmem>> -> memref<128xi32, #tpu.memory_space<vmem>>
      %dma_wait3A_80 = arith.constant 0 : i32
      %dma_wait3A_81 = arith.constant 0 : i32
      %dma_wait3A_82 = tpu.memref_slice %arg2[%dma_wait3A_80, %dma_wait3A_81] : memref<8192x128xf32, #tpu.memory_space<hbm>> -> memref<8192x128xf32, #tpu.memory_space<hbm>>
      tpu.wait_indirect_dma semaphore(%arg7 : memref<!tpu.dma_semaphore, #tpu.memory_space<semaphore_mem>>) src(%dma_wait3A_82 : memref<8192x128xf32, #tpu.memory_space<hbm>>) dst(%dma_wait3A_76 : memref<128x128xf32, #tpu.memory_space<vmem>>)
      %dma_wait3A_83 = arith.constant 3 : i32
      %dma_wait3A_84 = arith.constant 384 : i32
      %dma_wait3A_85 = arith.constant 0 : i32
      %dma_wait3A_86 = tpu.memref_slice %arg6[%dma_wait3A_84, %dma_wait3A_85] : memref<512x128xf32, #tpu.memory_space<vmem>> -> memref<128x128xf32, #tpu.memory_space<vmem>>
      %dma_wait3A_87 = arith.constant 0 : i32
      %dma_wait3A_88 = tpu.memref_slice %arg5[%dma_wait3A_83, %dma_wait3A_87] : memref<4x128xi32, #tpu.memory_space<vmem>> -> memref<1x128xi32, #tpu.memory_space<vmem>>
      %dma_wait3A_89 = tpu.memref_squeeze %dma_wait3A_88 : memref<1x128xi32, #tpu.memory_space<vmem>> -> memref<128xi32, #tpu.memory_space<vmem>>
      %dma_wait3A_90 = arith.constant 0 : i32
      %dma_wait3A_91 = arith.constant 0 : i32
      %dma_wait3A_92 = tpu.memref_slice %arg2[%dma_wait3A_90, %dma_wait3A_91] : memref<8192x128xf32, #tpu.memory_space<hbm>> -> memref<8192x128xf32, #tpu.memory_space<hbm>>
      tpu.wait_indirect_dma semaphore(%arg7 : memref<!tpu.dma_semaphore, #tpu.memory_space<semaphore_mem>>) src(%dma_wait3A_92 : memref<8192x128xf32, #tpu.memory_space<hbm>>) dst(%dma_wait3A_86 : memref<128x128xf32, #tpu.memory_space<vmem>>)
      "tpu.region"() ({
        %run_scoped3A = tpu.sem_alloc : memref<!tpu.dma_semaphore, #tpu.memory_space<semaphore_mem>>
        %dma_start3A_93 = arith.constant 0 : i32
        %dma_start3A_94 = tpu.memref_slice %arg4[%add3A_11, %dma_start3A_93] : memref<262144x128xf32, #tpu.memory_space<hbm>> -> memref<512x128xf32, #tpu.memory_space<hbm>>
        %dma_start3A_95 = arith.constant 0 : i32
        %dma_start3A_96 = tpu.memref_slice %arg4[%add3A_11, %dma_start3A_95] : memref<262144x128xf32, #tpu.memory_space<hbm>> -> memref<512x128xf32, #tpu.memory_space<hbm>>
        tpu.enqueue_dma source(%arg6 : memref<512x128xf32, #tpu.memory_space<vmem>>) target(%dma_start3A_96 : memref<512x128xf32, #tpu.memory_space<hbm>>) target_semaphore(%run_scoped3A : memref<!tpu.dma_semaphore, #tpu.memory_space<semaphore_mem>>)
        %dma_wait3A_97 = arith.constant 0 : i32
        %dma_wait3A_98 = tpu.memref_slice %arg4[%add3A_11, %dma_wait3A_97] : memref<262144x128xf32, #tpu.memory_space<hbm>> -> memref<512x128xf32, #tpu.memory_space<hbm>>
        %dma_wait3A_99 = arith.constant 0 : i32
        %dma_wait3A_100 = tpu.memref_slice %arg4[%add3A_11, %dma_wait3A_99] : memref<262144x128xf32, #tpu.memory_space<hbm>> -> memref<512x128xf32, #tpu.memory_space<hbm>>
        tpu.wait_dma2 semaphore(%run_scoped3A : memref<!tpu.dma_semaphore, #tpu.memory_space<semaphore_mem>>) src(%arg6 : memref<512x128xf32, #tpu.memory_space<vmem>>) dst(%dma_wait3A_100 : memref<512x128xf32, #tpu.memory_space<hbm>>)
        tpu.yield
      }) : () -> ()
    }
    %scan3A_5 = arith.constant 16 : i32
    return
  }
}

#map = affine_map<(d0, d1) -> (0, 0)>
#map1 = affine_map<(d0, d1) -> (0, 0, 0)>
module attributes {stable_mosaic.version = 14 : i64} {
  func.func @gather_kernel(%arg0: i32, %arg1: i32, %arg2: memref<8192x128xf32, #tpu.memory_space<hbm>>, %arg3: memref<1024x4x128xi32, #tpu.memory_space<hbm>>, %arg4: memref<524288x128xf32, #tpu.memory_space<hbm>>, %arg5: memref<4x128xi32, #tpu.memory_space<vmem>>, %arg6: memref<512x128xf32, #tpu.memory_space<vmem>>, %arg7: memref<!tpu.dma_semaphore, #tpu.memory_space<semaphore_mem>>) attributes {dimension_semantics = [#tpu.dimension_semantics<core_parallel>, #tpu.dimension_semantics<subcore_parallel>], iteration_bounds = array<i64: 2, 16>, scalar_prefetch = 0 : i64, scratch_operands = 3 : i64, tpu.core_type = #tpu.core_type<sc_vector_subcore>, window_params = [{transform_indices = #map}, {transform_indices = #map1}, {transform_indices = #map}]} {
    %mul3A = arith.constant 2 : i32
    %mul3A_0 = arith.muli %arg1, %mul3A : i32
    %add3A = arith.addi %mul3A_0, %arg0 : i32
    %scan3A = arith.constant 0 : i32
    %scan3A_1 = arith.constant 0 : i32
    %scan3A_2 = arith.constant 32 : i32
    %scan3A_3 = arith.addi %scan3A_1, %scan3A_2 : i32
    %scan3A_4 = arith.constant 1 : i32
    scf.for %scan3A_6 = %scan3A_1 to %scan3A_3 step %scan3A_4  : i32 {
      %mul3A_7 = arith.constant 16384 : i32
      %mul3A_8 = arith.muli %add3A, %mul3A_7 : i32
      %mul3A_9 = arith.constant 512 : i32
      %mul3A_10 = arith.muli %scan3A_6, %mul3A_9 : i32
      %add3A_11 = arith.addi %mul3A_8, %mul3A_10 : i32
      %mul3A_12 = arith.constant 32 : i32
      %mul3A_13 = arith.muli %add3A, %mul3A_12 : i32
      %add3A_14 = arith.addi %mul3A_13, %scan3A_6 : i32
      "tpu.region"() ({
        %run_scoped3A = tpu.sem_alloc : memref<!tpu.dma_semaphore, #tpu.memory_space<semaphore_mem>>
        %dma_start3A_93 = arith.constant 0 : i32
        %dma_start3A_94 = arith.constant 0 : i32
        %dma_start3A_95 = tpu.memref_slice %arg3[%add3A_14, %dma_start3A_93, %dma_start3A_94] : memref<1024x4x128xi32, #tpu.memory_space<hbm>> -> memref<1x4x128xi32, #tpu.memory_space<hbm>>
        %dma_start3A_96 = tpu.memref_squeeze %dma_start3A_95 : memref<1x4x128xi32, #tpu.memory_space<hbm>> -> memref<4x128xi32, #tpu.memory_space<hbm>>
        %dma_start3A_97 = arith.constant 0 : i32
        %dma_start3A_98 = arith.constant 0 : i32
        %dma_start3A_99 = tpu.memref_slice %arg3[%add3A_14, %dma_start3A_97, %dma_start3A_98] : memref<1024x4x128xi32, #tpu.memory_space<hbm>> -> memref<1x4x128xi32, #tpu.memory_space<hbm>>
        %dma_start3A_100 = tpu.memref_squeeze %dma_start3A_99 : memref<1x4x128xi32, #tpu.memory_space<hbm>> -> memref<4x128xi32, #tpu.memory_space<hbm>>
        tpu.enqueue_dma source(%dma_start3A_100 : memref<4x128xi32, #tpu.memory_space<hbm>>) target(%arg5 : memref<4x128xi32, #tpu.memory_space<vmem>>) target_semaphore(%run_scoped3A : memref<!tpu.dma_semaphore, #tpu.memory_space<semaphore_mem>>)
        %dma_wait3A_101 = arith.constant 0 : i32
        %dma_wait3A_102 = arith.constant 0 : i32
        %dma_wait3A_103 = tpu.memref_slice %arg3[%add3A_14, %dma_wait3A_101, %dma_wait3A_102] : memref<1024x4x128xi32, #tpu.memory_space<hbm>> -> memref<1x4x128xi32, #tpu.memory_space<hbm>>
        %dma_wait3A_104 = tpu.memref_squeeze %dma_wait3A_103 : memref<1x4x128xi32, #tpu.memory_space<hbm>> -> memref<4x128xi32, #tpu.memory_space<hbm>>
        %dma_wait3A_105 = arith.constant 0 : i32
        %dma_wait3A_106 = arith.constant 0 : i32
        %dma_wait3A_107 = tpu.memref_slice %arg3[%add3A_14, %dma_wait3A_105, %dma_wait3A_106] : memref<1024x4x128xi32, #tpu.memory_space<hbm>> -> memref<1x4x128xi32, #tpu.memory_space<hbm>>
        %dma_wait3A_108 = tpu.memref_squeeze %dma_wait3A_107 : memref<1x4x128xi32, #tpu.memory_space<hbm>> -> memref<4x128xi32, #tpu.memory_space<hbm>>
        tpu.wait_dma2 semaphore(%run_scoped3A : memref<!tpu.dma_semaphore, #tpu.memory_space<semaphore_mem>>) src(%dma_wait3A_108 : memref<4x128xi32, #tpu.memory_space<hbm>>) dst(%arg5 : memref<4x128xi32, #tpu.memory_space<vmem>>)
        tpu.yield
      }) : () -> ()
      %dma_start3A = arith.constant 0 : i32
      %dma_start3A_15 = arith.constant 0 : i32
      %dma_start3A_16 = arith.constant 0 : i32
      %dma_start3A_17 = tpu.memref_slice %arg6[%dma_start3A_15, %dma_start3A_16] : memref<512x128xf32, #tpu.memory_space<vmem>> -> memref<128x128xf32, #tpu.memory_space<vmem>>
      %dma_start3A_18 = arith.constant 0 : i32
      %dma_start3A_19 = tpu.memref_slice %arg5[%dma_start3A, %dma_start3A_18] : memref<4x128xi32, #tpu.memory_space<vmem>> -> memref<1x128xi32, #tpu.memory_space<vmem>>
      %dma_start3A_20 = tpu.memref_squeeze %dma_start3A_19 : memref<1x128xi32, #tpu.memory_space<vmem>> -> memref<128xi32, #tpu.memory_space<vmem>>
      %dma_start3A_21 = arith.constant 0 : i32
      %dma_start3A_22 = arith.constant 0 : i32
      %dma_start3A_23 = tpu.memref_slice %arg2[%dma_start3A_21, %dma_start3A_22] : memref<8192x128xf32, #tpu.memory_space<hbm>> -> memref<8192x128xf32, #tpu.memory_space<hbm>>
      tpu.enqueue_indirect_dma source(%dma_start3A_23 : memref<8192x128xf32, #tpu.memory_space<hbm>>) target(%dma_start3A_17 : memref<128x128xf32, #tpu.memory_space<vmem>>) offsets(%dma_start3A_20 : memref<128xi32, #tpu.memory_space<vmem>>) semaphore(%arg7 : memref<!tpu.dma_semaphore, #tpu.memory_space<semaphore_mem>>)
      %dma_start3A_24 = arith.constant 1 : i32
      %dma_start3A_25 = arith.constant 128 : i32
      %dma_start3A_26 = arith.constant 0 : i32
      %dma_start3A_27 = tpu.memref_slice %arg6[%dma_start3A_25, %dma_start3A_26] : memref<512x128xf32, #tpu.memory_space<vmem>> -> memref<128x128xf32, #tpu.memory_space<vmem>>
      %dma_start3A_28 = arith.constant 0 : i32
      %dma_start3A_29 = tpu.memref_slice %arg5[%dma_start3A_24, %dma_start3A_28] : memref<4x128xi32, #tpu.memory_space<vmem>> -> memref<1x128xi32, #tpu.memory_space<vmem>>
      %dma_start3A_30 = tpu.memref_squeeze %dma_start3A_29 : memref<1x128xi32, #tpu.memory_space<vmem>> -> memref<128xi32, #tpu.memory_space<vmem>>
      %dma_start3A_31 = arith.constant 0 : i32
      %dma_start3A_32 = arith.constant 0 : i32
      %dma_start3A_33 = tpu.memref_slice %arg2[%dma_start3A_31, %dma_start3A_32] : memref<8192x128xf32, #tpu.memory_space<hbm>> -> memref<8192x128xf32, #tpu.memory_space<hbm>>
      tpu.enqueue_indirect_dma source(%dma_start3A_33 : memref<8192x128xf32, #tpu.memory_space<hbm>>) target(%dma_start3A_27 : memref<128x128xf32, #tpu.memory_space<vmem>>) offsets(%dma_start3A_30 : memref<128xi32, #tpu.memory_space<vmem>>) semaphore(%arg7 : memref<!tpu.dma_semaphore, #tpu.memory_space<semaphore_mem>>)
      %dma_start3A_34 = arith.constant 2 : i32
      %dma_start3A_35 = arith.constant 256 : i32
      %dma_start3A_36 = arith.constant 0 : i32
      %dma_start3A_37 = tpu.memref_slice %arg6[%dma_start3A_35, %dma_start3A_36] : memref<512x128xf32, #tpu.memory_space<vmem>> -> memref<128x128xf32, #tpu.memory_space<vmem>>
      %dma_start3A_38 = arith.constant 0 : i32
      %dma_start3A_39 = tpu.memref_slice %arg5[%dma_start3A_34, %dma_start3A_38] : memref<4x128xi32, #tpu.memory_space<vmem>> -> memref<1x128xi32, #tpu.memory_space<vmem>>
      %dma_start3A_40 = tpu.memref_squeeze %dma_start3A_39 : memref<1x128xi32, #tpu.memory_space<vmem>> -> memref<128xi32, #tpu.memory_space<vmem>>
      %dma_start3A_41 = arith.constant 0 : i32
      %dma_start3A_42 = arith.constant 0 : i32
      %dma_start3A_43 = tpu.memref_slice %arg2[%dma_start3A_41, %dma_start3A_42] : memref<8192x128xf32, #tpu.memory_space<hbm>> -> memref<8192x128xf32, #tpu.memory_space<hbm>>
      tpu.enqueue_indirect_dma source(%dma_start3A_43 : memref<8192x128xf32, #tpu.memory_space<hbm>>) target(%dma_start3A_37 : memref<128x128xf32, #tpu.memory_space<vmem>>) offsets(%dma_start3A_40 : memref<128xi32, #tpu.memory_space<vmem>>) semaphore(%arg7 : memref<!tpu.dma_semaphore, #tpu.memory_space<semaphore_mem>>)
      %dma_start3A_44 = arith.constant 3 : i32
      %dma_start3A_45 = arith.constant 384 : i32
      %dma_start3A_46 = arith.constant 0 : i32
      %dma_start3A_47 = tpu.memref_slice %arg6[%dma_start3A_45, %dma_start3A_46] : memref<512x128xf32, #tpu.memory_space<vmem>> -> memref<128x128xf32, #tpu.memory_space<vmem>>
      %dma_start3A_48 = arith.constant 0 : i32
      %dma_start3A_49 = tpu.memref_slice %arg5[%dma_start3A_44, %dma_start3A_48] : memref<4x128xi32, #tpu.memory_space<vmem>> -> memref<1x128xi32, #tpu.memory_space<vmem>>
      %dma_start3A_50 = tpu.memref_squeeze %dma_start3A_49 : memref<1x128xi32, #tpu.memory_space<vmem>> -> memref<128xi32, #tpu.memory_space<vmem>>
      %dma_start3A_51 = arith.constant 0 : i32
      %dma_start3A_52 = arith.constant 0 : i32
      %dma_start3A_53 = tpu.memref_slice %arg2[%dma_start3A_51, %dma_start3A_52] : memref<8192x128xf32, #tpu.memory_space<hbm>> -> memref<8192x128xf32, #tpu.memory_space<hbm>>
      tpu.enqueue_indirect_dma source(%dma_start3A_53 : memref<8192x128xf32, #tpu.memory_space<hbm>>) target(%dma_start3A_47 : memref<128x128xf32, #tpu.memory_space<vmem>>) offsets(%dma_start3A_50 : memref<128xi32, #tpu.memory_space<vmem>>) semaphore(%arg7 : memref<!tpu.dma_semaphore, #tpu.memory_space<semaphore_mem>>)
      %dma_wait3A = arith.constant 0 : i32
      %dma_wait3A_54 = arith.constant 0 : i32
      %dma_wait3A_55 = arith.constant 0 : i32
      %dma_wait3A_56 = tpu.memref_slice %arg6[%dma_wait3A_54, %dma_wait3A_55] : memref<512x128xf32, #tpu.memory_space<vmem>> -> memref<128x128xf32, #tpu.memory_space<vmem>>
      %dma_wait3A_57 = arith.constant 0 : i32
      %dma_wait3A_58 = tpu.memref_slice %arg5[%dma_wait3A, %dma_wait3A_57] : memref<4x128xi32, #tpu.memory_space<vmem>> -> memref<1x128xi32, #tpu.memory_space<vmem>>
      %dma_wait3A_59 = tpu.memref_squeeze %dma_wait3A_58 : memref<1x128xi32, #tpu.memory_space<vmem>> -> memref<128xi32, #tpu.memory_space<vmem>>
      %dma_wait3A_60 = arith.constant 0 : i32
      %dma_wait3A_61 = arith.constant 0 : i32
      %dma_wait3A_62 = tpu.memref_slice %arg2[%dma_wait3A_60, %dma_wait3A_61] : memref<8192x128xf32, #tpu.memory_space<hbm>> -> memref<8192x128xf32, #tpu.memory_space<hbm>>
      tpu.wait_indirect_dma semaphore(%arg7 : memref<!tpu.dma_semaphore, #tpu.memory_space<semaphore_mem>>) src(%dma_wait3A_62 : memref<8192x128xf32, #tpu.memory_space<hbm>>) dst(%dma_wait3A_56 : memref<128x128xf32, #tpu.memory_space<vmem>>)
      %dma_wait3A_63 = arith.constant 1 : i32
      %dma_wait3A_64 = arith.constant 128 : i32
      %dma_wait3A_65 = arith.constant 0 : i32
      %dma_wait3A_66 = tpu.memref_slice %arg6[%dma_wait3A_64, %dma_wait3A_65] : memref<512x128xf32, #tpu.memory_space<vmem>> -> memref<128x128xf32, #tpu.memory_space<vmem>>
      %dma_wait3A_67 = arith.constant 0 : i32
      %dma_wait3A_68 = tpu.memref_slice %arg5[%dma_wait3A_63, %dma_wait3A_67] : memref<4x128xi32, #tpu.memory_space<vmem>> -> memref<1x128xi32, #tpu.memory_space<vmem>>
      %dma_wait3A_69 = tpu.memref_squeeze %dma_wait3A_68 : memref<1x128xi32, #tpu.memory_space<vmem>> -> memref<128xi32, #tpu.memory_space<vmem>>
      %dma_wait3A_70 = arith.constant 0 : i32
      %dma_wait3A_71 = arith.constant 0 : i32
      %dma_wait3A_72 = tpu.memref_slice %arg2[%dma_wait3A_70, %dma_wait3A_71] : memref<8192x128xf32, #tpu.memory_space<hbm>> -> memref<8192x128xf32, #tpu.memory_space<hbm>>
      tpu.wait_indirect_dma semaphore(%arg7 : memref<!tpu.dma_semaphore, #tpu.memory_space<semaphore_mem>>) src(%dma_wait3A_72 : memref<8192x128xf32, #tpu.memory_space<hbm>>) dst(%dma_wait3A_66 : memref<128x128xf32, #tpu.memory_space<vmem>>)
      %dma_wait3A_73 = arith.constant 2 : i32
      %dma_wait3A_74 = arith.constant 256 : i32
      %dma_wait3A_75 = arith.constant 0 : i32
      %dma_wait3A_76 = tpu.memref_slice %arg6[%dma_wait3A_74, %dma_wait3A_75] : memref<512x128xf32, #tpu.memory_space<vmem>> -> memref<128x128xf32, #tpu.memory_space<vmem>>
      %dma_wait3A_77 = arith.constant 0 : i32
      %dma_wait3A_78 = tpu.memref_slice %arg5[%dma_wait3A_73, %dma_wait3A_77] : memref<4x128xi32, #tpu.memory_space<vmem>> -> memref<1x128xi32, #tpu.memory_space<vmem>>
      %dma_wait3A_79 = tpu.memref_squeeze %dma_wait3A_78 : memref<1x128xi32, #tpu.memory_space<vmem>> -> memref<128xi32, #tpu.memory_space<vmem>>
      %dma_wait3A_80 = arith.constant 0 : i32
      %dma_wait3A_81 = arith.constant 0 : i32
      %dma_wait3A_82 = tpu.memref_slice %arg2[%dma_wait3A_80, %dma_wait3A_81] : memref<8192x128xf32, #tpu.memory_space<hbm>> -> memref<8192x128xf32, #tpu.memory_space<hbm>>
      tpu.wait_indirect_dma semaphore(%arg7 : memref<!tpu.dma_semaphore, #tpu.memory_space<semaphore_mem>>) src(%dma_wait3A_82 : memref<8192x128xf32, #tpu.memory_space<hbm>>) dst(%dma_wait3A_76 : memref<128x128xf32, #tpu.memory_space<vmem>>)
      %dma_wait3A_83 = arith.constant 3 : i32
      %dma_wait3A_84 = arith.constant 384 : i32
      %dma_wait3A_85 = arith.constant 0 : i32
      %dma_wait3A_86 = tpu.memref_slice %arg6[%dma_wait3A_84, %dma_wait3A_85] : memref<512x128xf32, #tpu.memory_space<vmem>> -> memref<128x128xf32, #tpu.memory_space<vmem>>
      %dma_wait3A_87 = arith.constant 0 : i32
      %dma_wait3A_88 = tpu.memref_slice %arg5[%dma_wait3A_83, %dma_wait3A_87] : memref<4x128xi32, #tpu.memory_space<vmem>> -> memref<1x128xi32, #tpu.memory_space<vmem>>
      %dma_wait3A_89 = tpu.memref_squeeze %dma_wait3A_88 : memref<1x128xi32, #tpu.memory_space<vmem>> -> memref<128xi32, #tpu.memory_space<vmem>>
      %dma_wait3A_90 = arith.constant 0 : i32
      %dma_wait3A_91 = arith.constant 0 : i32
      %dma_wait3A_92 = tpu.memref_slice %arg2[%dma_wait3A_90, %dma_wait3A_91] : memref<8192x128xf32, #tpu.memory_space<hbm>> -> memref<8192x128xf32, #tpu.memory_space<hbm>>
      tpu.wait_indirect_dma semaphore(%arg7 : memref<!tpu.dma_semaphore, #tpu.memory_space<semaphore_mem>>) src(%dma_wait3A_92 : memref<8192x128xf32, #tpu.memory_space<hbm>>) dst(%dma_wait3A_86 : memref<128x128xf32, #tpu.memory_space<vmem>>)
      "tpu.region"() ({
        %run_scoped3A = tpu.sem_alloc : memref<!tpu.dma_semaphore, #tpu.memory_space<semaphore_mem>>
        %dma_start3A_93 = arith.constant 0 : i32
        %dma_start3A_94 = tpu.memref_slice %arg4[%add3A_11, %dma_start3A_93] : memref<524288x128xf32, #tpu.memory_space<hbm>> -> memref<512x128xf32, #tpu.memory_space<hbm>>
        %dma_start3A_95 = arith.constant 0 : i32
        %dma_start3A_96 = tpu.memref_slice %arg4[%add3A_11, %dma_start3A_95] : memref<524288x128xf32, #tpu.memory_space<hbm>> -> memref<512x128xf32, #tpu.memory_space<hbm>>
        tpu.enqueue_dma source(%arg6 : memref<512x128xf32, #tpu.memory_space<vmem>>) target(%dma_start3A_96 : memref<512x128xf32, #tpu.memory_space<hbm>>) target_semaphore(%run_scoped3A : memref<!tpu.dma_semaphore, #tpu.memory_space<semaphore_mem>>)
        %dma_wait3A_97 = arith.constant 0 : i32
        %dma_wait3A_98 = tpu.memref_slice %arg4[%add3A_11, %dma_wait3A_97] : memref<524288x128xf32, #tpu.memory_space<hbm>> -> memref<512x128xf32, #tpu.memory_space<hbm>>
        %dma_wait3A_99 = arith.constant 0 : i32
        %dma_wait3A_100 = tpu.memref_slice %arg4[%add3A_11, %dma_wait3A_99] : memref<524288x128xf32, #tpu.memory_space<hbm>> -> memref<512x128xf32, #tpu.memory_space<hbm>>
        tpu.wait_dma2 semaphore(%run_scoped3A : memref<!tpu.dma_semaphore, #tpu.memory_space<semaphore_mem>>) src(%arg6 : memref<512x128xf32, #tpu.memory_space<vmem>>) dst(%dma_wait3A_100 : memref<512x128xf32, #tpu.memory_space<hbm>>)
        tpu.yield
      }) : () -> ()
    }
    %scan3A_5 = arith.constant 32 : i32
    return
  }
}

module attributes {stable_mosaic.version = 14 : i64} {
  func.func @_fps_body(%arg0: i32, %arg1: memref<8x2048xf32, #tpu.memory_space<vmem>>, %arg2: memref<8x2048xf32, #tpu.memory_space<vmem>>, %arg3: memref<8x2048xf32, #tpu.memory_space<vmem>>, %arg4: memref<8x2048xi32, #tpu.memory_space<vmem>>, %arg5: memref<8x1024xi32, #tpu.memory_space<vmem>>, %arg6: memref<8x1024xi32, #tpu.memory_space<vmem>>, %arg7: memref<8x1024xf32, #tpu.memory_space<vmem>>, %arg8: memref<8x1024xf32, #tpu.memory_space<vmem>>, %arg9: memref<8x1024xf32, #tpu.memory_space<vmem>>) attributes {dimension_semantics = [#tpu.dimension_semantics<arbitrary>], iteration_bounds = array<i64: 1>, scalar_prefetch = 0 : i64, scratch_operands = 0 : i64, tpu.core_type = #tpu.core_type<tc>, window_params = [{pipeline_mode = #tpu.pipeline_mode<synchronous>, transform_indices = @transform_0, window_bounds = array<i64: 8, 2048>}, {pipeline_mode = #tpu.pipeline_mode<synchronous>, transform_indices = @transform_1, window_bounds = array<i64: 8, 2048>}, {pipeline_mode = #tpu.pipeline_mode<synchronous>, transform_indices = @transform_2, window_bounds = array<i64: 8, 2048>}, {pipeline_mode = #tpu.pipeline_mode<synchronous>, transform_indices = @transform_3, window_bounds = array<i64: 8, 2048>}, {pipeline_mode = #tpu.pipeline_mode<synchronous>, transform_indices = @transform_4, window_bounds = array<i64: 8, 1024>}, {pipeline_mode = #tpu.pipeline_mode<synchronous>, transform_indices = @transform_5, window_bounds = array<i64: 8, 1024>}, {pipeline_mode = #tpu.pipeline_mode<synchronous>, transform_indices = @transform_6, window_bounds = array<i64: 8, 1024>}, {pipeline_mode = #tpu.pipeline_mode<synchronous>, transform_indices = @transform_7, window_bounds = array<i64: 8, 1024>}, {pipeline_mode = #tpu.pipeline_mode<synchronous>, transform_indices = @transform_8, window_bounds = array<i64: 8, 1024>}]} {
    %get3A = arith.constant 0 : index
    %get3A_0 = arith.constant 0 : index
    %get3A_1 = vector.load %arg1[%get3A, %get3A_0] : memref<8x2048xf32, #tpu.memory_space<vmem>>, vector<8x2048xf32>
    %get3A_2 = arith.constant 0 : index
    %get3A_3 = arith.constant 0 : index
    %get3A_4 = vector.load %arg2[%get3A_2, %get3A_3] : memref<8x2048xf32, #tpu.memory_space<vmem>>, vector<8x2048xf32>
    %get3A_5 = arith.constant 0 : index
    %get3A_6 = arith.constant 0 : index
    %get3A_7 = vector.load %arg3[%get3A_5, %get3A_6] : memref<8x2048xf32, #tpu.memory_space<vmem>>, vector<8x2048xf32>
    %get3A_8 = arith.constant 0 : index
    %get3A_9 = arith.constant 0 : index
    %get3A_10 = vector.load %arg4[%get3A_8, %get3A_9] : memref<8x2048xi32, #tpu.memory_space<vmem>>, vector<8x2048xi32>
    %get3A_11 = arith.constant 0 : index
    %get3A_12 = arith.constant 0 : index
    %get3A_13 = vector.load %arg5[%get3A_11, %get3A_12] : memref<8x1024xi32, #tpu.memory_space<vmem>>, vector<8x1024xi32>
    %broadcast_in_dim3A = arith.constant 1.000000e+10 : f32
    %broadcast_in_dim3A_14 = vector.broadcast %broadcast_in_dim3A : f32 to vector<8x2048xf32>
    %broadcast_in_dim3A_15 = arith.constant 0 : i32
    %broadcast_in_dim3A_16 = vector.broadcast %broadcast_in_dim3A_15 : i32 to vector<8x1xi32>
    %broadcast_in_dim3A_17 = arith.constant 0 : i32
    %broadcast_in_dim3A_18 = vector.broadcast %broadcast_in_dim3A_17 : i32 to vector<8x1024xi32>
    %broadcast_in_dim3A_19 = arith.constant 0.000000e+00 : f32
    %broadcast_in_dim3A_20 = vector.broadcast %broadcast_in_dim3A_19 : f32 to vector<8x1024xf32>
    %broadcast_in_dim3A_21 = arith.constant 0.000000e+00 : f32
    %broadcast_in_dim3A_22 = vector.broadcast %broadcast_in_dim3A_21 : f32 to vector<8x1024xf32>
    %broadcast_in_dim3A_23 = arith.constant 0.000000e+00 : f32
    %broadcast_in_dim3A_24 = vector.broadcast %broadcast_in_dim3A_23 : f32 to vector<8x1024xf32>
    %scan3A = arith.constant 0 : i32
    %scan3A_25 = arith.constant 1024 : i32
    %scan3A_26 = arith.addi %scan3A, %scan3A_25 : i32
    %scan3A_27 = arith.constant 1 : i32
    %scan3A_28:6 = scf.for %scan3A_41 = %scan3A to %scan3A_26 step %scan3A_27 iter_args(%scan3A_42 = %broadcast_in_dim3A_14, %scan3A_43 = %broadcast_in_dim3A_16, %scan3A_44 = %broadcast_in_dim3A_18, %scan3A_45 = %broadcast_in_dim3A_20, %scan3A_46 = %broadcast_in_dim3A_22, %scan3A_47 = %broadcast_in_dim3A_24) -> (vector<8x2048xf32>, vector<8x1xi32>, vector<8x1024xi32>, vector<8x1024xf32>, vector<8x1024xf32>, vector<8x1024xf32>)  : i32 {
      %eq3A = vector.broadcast %scan3A_43 : vector<8x1xi32> to vector<8x2048xi32>
      %eq3A_48 = arith.cmpi eq, %get3A_10, %eq3A : vector<8x2048xi32>
      %jit3A = arith.constant 0.000000e+00 : f32
      %broadcast_in_dim3A_49 = vector.broadcast %jit3A : f32 to vector<8x2048xf32>
      %select_n3A = arith.select %eq3A_48, %get3A_1, %broadcast_in_dim3A_49 : vector<8x2048xi1>, vector<8x2048xf32>
      %reduce_sum3A = arith.constant dense<0.000000e+00> : vector<8xf32>
      %reduce_sum3A_50 = vector.multi_reduction <add>, %select_n3A, %reduce_sum3A [1] : vector<8x2048xf32> to vector<8xf32>
      %broadcast_in_dim3A_51 = vector.shape_cast %reduce_sum3A_50 : vector<8xf32> to vector<8x1xf32>
      %jit3A_52 = arith.constant 0.000000e+00 : f32
      %broadcast_in_dim3A_53 = vector.broadcast %jit3A_52 : f32 to vector<8x2048xf32>
      %select_n3A_54 = arith.select %eq3A_48, %get3A_4, %broadcast_in_dim3A_53 : vector<8x2048xi1>, vector<8x2048xf32>
      %reduce_sum3A_55 = arith.constant dense<0.000000e+00> : vector<8xf32>
      %reduce_sum3A_56 = vector.multi_reduction <add>, %select_n3A_54, %reduce_sum3A_55 [1] : vector<8x2048xf32> to vector<8xf32>
      %broadcast_in_dim3A_57 = vector.shape_cast %reduce_sum3A_56 : vector<8xf32> to vector<8x1xf32>
      %jit3A_58 = arith.constant 0.000000e+00 : f32
      %broadcast_in_dim3A_59 = vector.broadcast %jit3A_58 : f32 to vector<8x2048xf32>
      %select_n3A_60 = arith.select %eq3A_48, %get3A_7, %broadcast_in_dim3A_59 : vector<8x2048xi1>, vector<8x2048xf32>
      %reduce_sum3A_61 = arith.constant dense<0.000000e+00> : vector<8xf32>
      %reduce_sum3A_62 = vector.multi_reduction <add>, %select_n3A_60, %reduce_sum3A_61 [1] : vector<8x2048xf32> to vector<8xf32>
      %broadcast_in_dim3A_63 = vector.shape_cast %reduce_sum3A_62 : vector<8xf32> to vector<8x1xf32>
      %sub3A = vector.broadcast %broadcast_in_dim3A_51 : vector<8x1xf32> to vector<8x2048xf32>
      %sub3A_64 = arith.subf %get3A_1, %sub3A : vector<8x2048xf32>
      %sub3A_65 = vector.broadcast %broadcast_in_dim3A_57 : vector<8x1xf32> to vector<8x2048xf32>
      %sub3A_66 = arith.subf %get3A_4, %sub3A_65 : vector<8x2048xf32>
      %sub3A_67 = vector.broadcast %broadcast_in_dim3A_63 : vector<8x1xf32> to vector<8x2048xf32>
      %sub3A_68 = arith.subf %get3A_7, %sub3A_67 : vector<8x2048xf32>
      %mul3A = arith.mulf %sub3A_64, %sub3A_64 : vector<8x2048xf32>
      %mul3A_69 = arith.mulf %sub3A_66, %sub3A_66 : vector<8x2048xf32>
      %add3A = arith.addf %mul3A, %mul3A_69 : vector<8x2048xf32>
      %mul3A_70 = arith.mulf %sub3A_68, %sub3A_68 : vector<8x2048xf32>
      %add3A_71 = arith.addf %add3A, %mul3A_70 : vector<8x2048xf32>
      %min3A = arith.minimumf %scan3A_42, %add3A_71 : vector<8x2048xf32>
      %reduce_max3A = arith.constant dense<0xFF800000> : vector<8xf32>
      %reduce_max3A_72 = vector.multi_reduction <maximumf>, %min3A, %reduce_max3A [1] : vector<8x2048xf32> to vector<8xf32>
      %broadcast_in_dim3A_73 = vector.shape_cast %reduce_max3A_72 : vector<8xf32> to vector<8x1xf32>
      %eq3A_74 = vector.broadcast %broadcast_in_dim3A_73 : vector<8x1xf32> to vector<8x2048xf32>
      %eq3A_75 = arith.cmpf oeq, %min3A, %eq3A_74 : vector<8x2048xf32>
      %jit3A_76 = arith.constant 2048 : i32
      %broadcast_in_dim3A_77 = vector.broadcast %jit3A_76 : i32 to vector<8x2048xi32>
      %select_n3A_78 = arith.select %eq3A_75, %get3A_10, %broadcast_in_dim3A_77 : vector<8x2048xi1>, vector<8x2048xi32>
      %reduce_min3A = arith.constant dense<2147483647> : vector<8xi32>
      %reduce_min3A_79 = vector.multi_reduction <minsi>, %select_n3A_78, %reduce_min3A [1] : vector<8x2048xi32> to vector<8xi32>
      %broadcast_in_dim3A_80 = vector.shape_cast %reduce_min3A_79 : vector<8xi32> to vector<8x1xi32>
      %eq3A_81 = vector.broadcast %scan3A_41 : i32 to vector<8x1024xi32>
      %eq3A_82 = arith.cmpi eq, %get3A_13, %eq3A_81 : vector<8x1024xi32>
      %convert_element_type3A = arith.extui %eq3A_82 : vector<8x1024xi1> to vector<8x1024xi32>
      %convert_element_type3A_83 = arith.sitofp %convert_element_type3A : vector<8x1024xi32> to vector<8x1024xf32>
      %sub3A_84 = vector.broadcast %scan3A_43 : vector<8x1xi32> to vector<8x1024xi32>
      %sub3A_85 = arith.subi %sub3A_84, %scan3A_44 : vector<8x1024xi32>
      %mul3A_86 = arith.muli %convert_element_type3A, %sub3A_85 : vector<8x1024xi32>
      %add3A_87 = arith.addi %scan3A_44, %mul3A_86 : vector<8x1024xi32>
      %sub3A_88 = vector.broadcast %broadcast_in_dim3A_51 : vector<8x1xf32> to vector<8x1024xf32>
      %sub3A_89 = arith.subf %sub3A_88, %scan3A_45 : vector<8x1024xf32>
      %mul3A_90 = arith.mulf %convert_element_type3A_83, %sub3A_89 : vector<8x1024xf32>
      %add3A_91 = arith.addf %scan3A_45, %mul3A_90 : vector<8x1024xf32>
      %sub3A_92 = vector.broadcast %broadcast_in_dim3A_57 : vector<8x1xf32> to vector<8x1024xf32>
      %sub3A_93 = arith.subf %sub3A_92, %scan3A_46 : vector<8x1024xf32>
      %mul3A_94 = arith.mulf %convert_element_type3A_83, %sub3A_93 : vector<8x1024xf32>
      %add3A_95 = arith.addf %scan3A_46, %mul3A_94 : vector<8x1024xf32>
      %sub3A_96 = vector.broadcast %broadcast_in_dim3A_63 : vector<8x1xf32> to vector<8x1024xf32>
      %sub3A_97 = arith.subf %sub3A_96, %scan3A_47 : vector<8x1024xf32>
      %mul3A_98 = arith.mulf %convert_element_type3A_83, %sub3A_97 : vector<8x1024xf32>
      %add3A_99 = arith.addf %scan3A_47, %mul3A_98 : vector<8x1024xf32>
      scf.yield %min3A, %broadcast_in_dim3A_80, %add3A_87, %add3A_91, %add3A_95, %add3A_99 : vector<8x2048xf32>, vector<8x1xi32>, vector<8x1024xi32>, vector<8x1024xf32>, vector<8x1024xf32>, vector<8x1024xf32>
    }
    %scan3A_29 = arith.constant 1024 : i32
    %swap3A = arith.constant 0 : index
    %swap3A_30 = arith.constant 0 : index
    %swap3A_31 = vector.load %arg6[%swap3A, %swap3A_30] : memref<8x1024xi32, #tpu.memory_space<vmem>>, vector<8x1024xi32>
    tpu.vector_store %arg6[%swap3A, %swap3A_30], %scan3A_28#2 {strides = array<i32>} : memref<8x1024xi32, #tpu.memory_space<vmem>>, vector<8x1024xi32>,
    %swap3A_32 = arith.constant 0 : index
    %swap3A_33 = arith.constant 0 : index
    %swap3A_34 = vector.load %arg7[%swap3A_32, %swap3A_33] : memref<8x1024xf32, #tpu.memory_space<vmem>>, vector<8x1024xf32>
    tpu.vector_store %arg7[%swap3A_32, %swap3A_33], %scan3A_28#3 {strides = array<i32>} : memref<8x1024xf32, #tpu.memory_space<vmem>>, vector<8x1024xf32>,
    %swap3A_35 = arith.constant 0 : index
    %swap3A_36 = arith.constant 0 : index
    %swap3A_37 = vector.load %arg8[%swap3A_35, %swap3A_36] : memref<8x1024xf32, #tpu.memory_space<vmem>>, vector<8x1024xf32>
    tpu.vector_store %arg8[%swap3A_35, %swap3A_36], %scan3A_28#4 {strides = array<i32>} : memref<8x1024xf32, #tpu.memory_space<vmem>>, vector<8x1024xf32>,
    %swap3A_38 = arith.constant 0 : index
    %swap3A_39 = arith.constant 0 : index
    %swap3A_40 = vector.load %arg9[%swap3A_38, %swap3A_39] : memref<8x1024xf32, #tpu.memory_space<vmem>>, vector<8x1024xf32>
    tpu.vector_store %arg9[%swap3A_38, %swap3A_39], %scan3A_28#5 {strides = array<i32>} : memref<8x1024xf32, #tpu.memory_space<vmem>>, vector<8x1024xf32>,
    return
  }
  func.func @transform_0(%arg0: i32) -> (i32, i32) {
    %c0_i32 = arith.constant 0 : i32
    %c0_i32_0 = arith.constant 0 : i32
    %c0_i32_1 = arith.constant 0 : i32
    return %c0_i32, %c0_i32_0 : i32, i32
  }
  func.func @transform_1(%arg0: i32) -> (i32, i32) {
    %c0_i32 = arith.constant 0 : i32
    %c0_i32_0 = arith.constant 0 : i32
    %c0_i32_1 = arith.constant 0 : i32
    return %c0_i32, %c0_i32_0 : i32, i32
  }
  func.func @transform_2(%arg0: i32) -> (i32, i32) {
    %c0_i32 = arith.constant 0 : i32
    %c0_i32_0 = arith.constant 0 : i32
    %c0_i32_1 = arith.constant 0 : i32
    return %c0_i32, %c0_i32_0 : i32, i32
  }
  func.func @transform_3(%arg0: i32) -> (i32, i32) {
    %c0_i32 = arith.constant 0 : i32
    %c0_i32_0 = arith.constant 0 : i32
    %c0_i32_1 = arith.constant 0 : i32
    return %c0_i32, %c0_i32_0 : i32, i32
  }
  func.func @transform_4(%arg0: i32) -> (i32, i32) {
    %c0_i32 = arith.constant 0 : i32
    %c0_i32_0 = arith.constant 0 : i32
    %c0_i32_1 = arith.constant 0 : i32
    return %c0_i32, %c0_i32_0 : i32, i32
  }
  func.func @transform_5(%arg0: i32) -> (i32, i32) {
    %c0_i32 = arith.constant 0 : i32
    %c0_i32_0 = arith.constant 0 : i32
    %c0_i32_1 = arith.constant 0 : i32
    return %c0_i32, %c0_i32_0 : i32, i32
  }
  func.func @transform_6(%arg0: i32) -> (i32, i32) {
    %c0_i32 = arith.constant 0 : i32
    %c0_i32_0 = arith.constant 0 : i32
    %c0_i32_1 = arith.constant 0 : i32
    return %c0_i32, %c0_i32_0 : i32, i32
  }
  func.func @transform_7(%arg0: i32) -> (i32, i32) {
    %c0_i32 = arith.constant 0 : i32
    %c0_i32_0 = arith.constant 0 : i32
    %c0_i32_1 = arith.constant 0 : i32
    return %c0_i32, %c0_i32_0 : i32, i32
  }
  func.func @transform_8(%arg0: i32) -> (i32, i32) {
    %c0_i32 = arith.constant 0 : i32
    %c0_i32_0 = arith.constant 0 : i32
    %c0_i32_1 = arith.constant 0 : i32
    return %c0_i32, %c0_i32_0 : i32, i32
  }
}

module attributes {stable_mosaic.version = 14 : i64} {
  func.func @_fps_body(%arg0: i32, %arg1: memref<8x1024xf32, #tpu.memory_space<vmem>>, %arg2: memref<8x1024xf32, #tpu.memory_space<vmem>>, %arg3: memref<8x1024xf32, #tpu.memory_space<vmem>>, %arg4: memref<8x1024xi32, #tpu.memory_space<vmem>>, %arg5: memref<8x512xi32, #tpu.memory_space<vmem>>, %arg6: memref<8x512xi32, #tpu.memory_space<vmem>>, %arg7: memref<8x512xf32, #tpu.memory_space<vmem>>, %arg8: memref<8x512xf32, #tpu.memory_space<vmem>>, %arg9: memref<8x512xf32, #tpu.memory_space<vmem>>) attributes {dimension_semantics = [#tpu.dimension_semantics<arbitrary>], iteration_bounds = array<i64: 1>, scalar_prefetch = 0 : i64, scratch_operands = 0 : i64, tpu.core_type = #tpu.core_type<tc>, window_params = [{pipeline_mode = #tpu.pipeline_mode<synchronous>, transform_indices = @transform_0, window_bounds = array<i64: 8, 1024>}, {pipeline_mode = #tpu.pipeline_mode<synchronous>, transform_indices = @transform_1, window_bounds = array<i64: 8, 1024>}, {pipeline_mode = #tpu.pipeline_mode<synchronous>, transform_indices = @transform_2, window_bounds = array<i64: 8, 1024>}, {pipeline_mode = #tpu.pipeline_mode<synchronous>, transform_indices = @transform_3, window_bounds = array<i64: 8, 1024>}, {pipeline_mode = #tpu.pipeline_mode<synchronous>, transform_indices = @transform_4, window_bounds = array<i64: 8, 512>}, {pipeline_mode = #tpu.pipeline_mode<synchronous>, transform_indices = @transform_5, window_bounds = array<i64: 8, 512>}, {pipeline_mode = #tpu.pipeline_mode<synchronous>, transform_indices = @transform_6, window_bounds = array<i64: 8, 512>}, {pipeline_mode = #tpu.pipeline_mode<synchronous>, transform_indices = @transform_7, window_bounds = array<i64: 8, 512>}, {pipeline_mode = #tpu.pipeline_mode<synchronous>, transform_indices = @transform_8, window_bounds = array<i64: 8, 512>}]} {
    %get3A = arith.constant 0 : index
    %get3A_0 = arith.constant 0 : index
    %get3A_1 = vector.load %arg1[%get3A, %get3A_0] : memref<8x1024xf32, #tpu.memory_space<vmem>>, vector<8x1024xf32>
    %get3A_2 = arith.constant 0 : index
    %get3A_3 = arith.constant 0 : index
    %get3A_4 = vector.load %arg2[%get3A_2, %get3A_3] : memref<8x1024xf32, #tpu.memory_space<vmem>>, vector<8x1024xf32>
    %get3A_5 = arith.constant 0 : index
    %get3A_6 = arith.constant 0 : index
    %get3A_7 = vector.load %arg3[%get3A_5, %get3A_6] : memref<8x1024xf32, #tpu.memory_space<vmem>>, vector<8x1024xf32>
    %get3A_8 = arith.constant 0 : index
    %get3A_9 = arith.constant 0 : index
    %get3A_10 = vector.load %arg4[%get3A_8, %get3A_9] : memref<8x1024xi32, #tpu.memory_space<vmem>>, vector<8x1024xi32>
    %get3A_11 = arith.constant 0 : index
    %get3A_12 = arith.constant 0 : index
    %get3A_13 = vector.load %arg5[%get3A_11, %get3A_12] : memref<8x512xi32, #tpu.memory_space<vmem>>, vector<8x512xi32>
    %broadcast_in_dim3A = arith.constant 1.000000e+10 : f32
    %broadcast_in_dim3A_14 = vector.broadcast %broadcast_in_dim3A : f32 to vector<8x1024xf32>
    %broadcast_in_dim3A_15 = arith.constant 0 : i32
    %broadcast_in_dim3A_16 = vector.broadcast %broadcast_in_dim3A_15 : i32 to vector<8x1xi32>
    %broadcast_in_dim3A_17 = arith.constant 0 : i32
    %broadcast_in_dim3A_18 = vector.broadcast %broadcast_in_dim3A_17 : i32 to vector<8x512xi32>
    %broadcast_in_dim3A_19 = arith.constant 0.000000e+00 : f32
    %broadcast_in_dim3A_20 = vector.broadcast %broadcast_in_dim3A_19 : f32 to vector<8x512xf32>
    %broadcast_in_dim3A_21 = arith.constant 0.000000e+00 : f32
    %broadcast_in_dim3A_22 = vector.broadcast %broadcast_in_dim3A_21 : f32 to vector<8x512xf32>
    %broadcast_in_dim3A_23 = arith.constant 0.000000e+00 : f32
    %broadcast_in_dim3A_24 = vector.broadcast %broadcast_in_dim3A_23 : f32 to vector<8x512xf32>
    %scan3A = arith.constant 0 : i32
    %scan3A_25 = arith.constant 512 : i32
    %scan3A_26 = arith.addi %scan3A, %scan3A_25 : i32
    %scan3A_27 = arith.constant 1 : i32
    %scan3A_28:6 = scf.for %scan3A_41 = %scan3A to %scan3A_26 step %scan3A_27 iter_args(%scan3A_42 = %broadcast_in_dim3A_14, %scan3A_43 = %broadcast_in_dim3A_16, %scan3A_44 = %broadcast_in_dim3A_18, %scan3A_45 = %broadcast_in_dim3A_20, %scan3A_46 = %broadcast_in_dim3A_22, %scan3A_47 = %broadcast_in_dim3A_24) -> (vector<8x1024xf32>, vector<8x1xi32>, vector<8x512xi32>, vector<8x512xf32>, vector<8x512xf32>, vector<8x512xf32>)  : i32 {
      %eq3A = vector.broadcast %scan3A_43 : vector<8x1xi32> to vector<8x1024xi32>
      %eq3A_48 = arith.cmpi eq, %get3A_10, %eq3A : vector<8x1024xi32>
      %jit3A = arith.constant 0.000000e+00 : f32
      %broadcast_in_dim3A_49 = vector.broadcast %jit3A : f32 to vector<8x1024xf32>
      %select_n3A = arith.select %eq3A_48, %get3A_1, %broadcast_in_dim3A_49 : vector<8x1024xi1>, vector<8x1024xf32>
      %reduce_sum3A = arith.constant dense<0.000000e+00> : vector<8xf32>
      %reduce_sum3A_50 = vector.multi_reduction <add>, %select_n3A, %reduce_sum3A [1] : vector<8x1024xf32> to vector<8xf32>
      %broadcast_in_dim3A_51 = vector.shape_cast %reduce_sum3A_50 : vector<8xf32> to vector<8x1xf32>
      %jit3A_52 = arith.constant 0.000000e+00 : f32
      %broadcast_in_dim3A_53 = vector.broadcast %jit3A_52 : f32 to vector<8x1024xf32>
      %select_n3A_54 = arith.select %eq3A_48, %get3A_4, %broadcast_in_dim3A_53 : vector<8x1024xi1>, vector<8x1024xf32>
      %reduce_sum3A_55 = arith.constant dense<0.000000e+00> : vector<8xf32>
      %reduce_sum3A_56 = vector.multi_reduction <add>, %select_n3A_54, %reduce_sum3A_55 [1] : vector<8x1024xf32> to vector<8xf32>
      %broadcast_in_dim3A_57 = vector.shape_cast %reduce_sum3A_56 : vector<8xf32> to vector<8x1xf32>
      %jit3A_58 = arith.constant 0.000000e+00 : f32
      %broadcast_in_dim3A_59 = vector.broadcast %jit3A_58 : f32 to vector<8x1024xf32>
      %select_n3A_60 = arith.select %eq3A_48, %get3A_7, %broadcast_in_dim3A_59 : vector<8x1024xi1>, vector<8x1024xf32>
      %reduce_sum3A_61 = arith.constant dense<0.000000e+00> : vector<8xf32>
      %reduce_sum3A_62 = vector.multi_reduction <add>, %select_n3A_60, %reduce_sum3A_61 [1] : vector<8x1024xf32> to vector<8xf32>
      %broadcast_in_dim3A_63 = vector.shape_cast %reduce_sum3A_62 : vector<8xf32> to vector<8x1xf32>
      %sub3A = vector.broadcast %broadcast_in_dim3A_51 : vector<8x1xf32> to vector<8x1024xf32>
      %sub3A_64 = arith.subf %get3A_1, %sub3A : vector<8x1024xf32>
      %sub3A_65 = vector.broadcast %broadcast_in_dim3A_57 : vector<8x1xf32> to vector<8x1024xf32>
      %sub3A_66 = arith.subf %get3A_4, %sub3A_65 : vector<8x1024xf32>
      %sub3A_67 = vector.broadcast %broadcast_in_dim3A_63 : vector<8x1xf32> to vector<8x1024xf32>
      %sub3A_68 = arith.subf %get3A_7, %sub3A_67 : vector<8x1024xf32>
      %mul3A = arith.mulf %sub3A_64, %sub3A_64 : vector<8x1024xf32>
      %mul3A_69 = arith.mulf %sub3A_66, %sub3A_66 : vector<8x1024xf32>
      %add3A = arith.addf %mul3A, %mul3A_69 : vector<8x1024xf32>
      %mul3A_70 = arith.mulf %sub3A_68, %sub3A_68 : vector<8x1024xf32>
      %add3A_71 = arith.addf %add3A, %mul3A_70 : vector<8x1024xf32>
      %min3A = arith.minimumf %scan3A_42, %add3A_71 : vector<8x1024xf32>
      %reduce_max3A = arith.constant dense<0xFF800000> : vector<8xf32>
      %reduce_max3A_72 = vector.multi_reduction <maximumf>, %min3A, %reduce_max3A [1] : vector<8x1024xf32> to vector<8xf32>
      %broadcast_in_dim3A_73 = vector.shape_cast %reduce_max3A_72 : vector<8xf32> to vector<8x1xf32>
      %eq3A_74 = vector.broadcast %broadcast_in_dim3A_73 : vector<8x1xf32> to vector<8x1024xf32>
      %eq3A_75 = arith.cmpf oeq, %min3A, %eq3A_74 : vector<8x1024xf32>
      %jit3A_76 = arith.constant 1024 : i32
      %broadcast_in_dim3A_77 = vector.broadcast %jit3A_76 : i32 to vector<8x1024xi32>
      %select_n3A_78 = arith.select %eq3A_75, %get3A_10, %broadcast_in_dim3A_77 : vector<8x1024xi1>, vector<8x1024xi32>
      %reduce_min3A = arith.constant dense<2147483647> : vector<8xi32>
      %reduce_min3A_79 = vector.multi_reduction <minsi>, %select_n3A_78, %reduce_min3A [1] : vector<8x1024xi32> to vector<8xi32>
      %broadcast_in_dim3A_80 = vector.shape_cast %reduce_min3A_79 : vector<8xi32> to vector<8x1xi32>
      %eq3A_81 = vector.broadcast %scan3A_41 : i32 to vector<8x512xi32>
      %eq3A_82 = arith.cmpi eq, %get3A_13, %eq3A_81 : vector<8x512xi32>
      %convert_element_type3A = arith.extui %eq3A_82 : vector<8x512xi1> to vector<8x512xi32>
      %convert_element_type3A_83 = arith.sitofp %convert_element_type3A : vector<8x512xi32> to vector<8x512xf32>
      %sub3A_84 = vector.broadcast %scan3A_43 : vector<8x1xi32> to vector<8x512xi32>
      %sub3A_85 = arith.subi %sub3A_84, %scan3A_44 : vector<8x512xi32>
      %mul3A_86 = arith.muli %convert_element_type3A, %sub3A_85 : vector<8x512xi32>
      %add3A_87 = arith.addi %scan3A_44, %mul3A_86 : vector<8x512xi32>
      %sub3A_88 = vector.broadcast %broadcast_in_dim3A_51 : vector<8x1xf32> to vector<8x512xf32>
      %sub3A_89 = arith.subf %sub3A_88, %scan3A_45 : vector<8x512xf32>
      %mul3A_90 = arith.mulf %convert_element_type3A_83, %sub3A_89 : vector<8x512xf32>
      %add3A_91 = arith.addf %scan3A_45, %mul3A_90 : vector<8x512xf32>
      %sub3A_92 = vector.broadcast %broadcast_in_dim3A_57 : vector<8x1xf32> to vector<8x512xf32>
      %sub3A_93 = arith.subf %sub3A_92, %scan3A_46 : vector<8x512xf32>
      %mul3A_94 = arith.mulf %convert_element_type3A_83, %sub3A_93 : vector<8x512xf32>
      %add3A_95 = arith.addf %scan3A_46, %mul3A_94 : vector<8x512xf32>
      %sub3A_96 = vector.broadcast %broadcast_in_dim3A_63 : vector<8x1xf32> to vector<8x512xf32>
      %sub3A_97 = arith.subf %sub3A_96, %scan3A_47 : vector<8x512xf32>
      %mul3A_98 = arith.mulf %convert_element_type3A_83, %sub3A_97 : vector<8x512xf32>
      %add3A_99 = arith.addf %scan3A_47, %mul3A_98 : vector<8x512xf32>
      scf.yield %min3A, %broadcast_in_dim3A_80, %add3A_87, %add3A_91, %add3A_95, %add3A_99 : vector<8x1024xf32>, vector<8x1xi32>, vector<8x512xi32>, vector<8x512xf32>, vector<8x512xf32>, vector<8x512xf32>
    }
    %scan3A_29 = arith.constant 512 : i32
    %swap3A = arith.constant 0 : index
    %swap3A_30 = arith.constant 0 : index
    %swap3A_31 = vector.load %arg6[%swap3A, %swap3A_30] : memref<8x512xi32, #tpu.memory_space<vmem>>, vector<8x512xi32>
    tpu.vector_store %arg6[%swap3A, %swap3A_30], %scan3A_28#2 {strides = array<i32>} : memref<8x512xi32, #tpu.memory_space<vmem>>, vector<8x512xi32>,
    %swap3A_32 = arith.constant 0 : index
    %swap3A_33 = arith.constant 0 : index
    %swap3A_34 = vector.load %arg7[%swap3A_32, %swap3A_33] : memref<8x512xf32, #tpu.memory_space<vmem>>, vector<8x512xf32>
    tpu.vector_store %arg7[%swap3A_32, %swap3A_33], %scan3A_28#3 {strides = array<i32>} : memref<8x512xf32, #tpu.memory_space<vmem>>, vector<8x512xf32>,
    %swap3A_35 = arith.constant 0 : index
    %swap3A_36 = arith.constant 0 : index
    %swap3A_37 = vector.load %arg8[%swap3A_35, %swap3A_36] : memref<8x512xf32, #tpu.memory_space<vmem>>, vector<8x512xf32>
    tpu.vector_store %arg8[%swap3A_35, %swap3A_36], %scan3A_28#4 {strides = array<i32>} : memref<8x512xf32, #tpu.memory_space<vmem>>, vector<8x512xf32>,
    %swap3A_38 = arith.constant 0 : index
    %swap3A_39 = arith.constant 0 : index
    %swap3A_40 = vector.load %arg9[%swap3A_38, %swap3A_39] : memref<8x512xf32, #tpu.memory_space<vmem>>, vector<8x512xf32>
    tpu.vector_store %arg9[%swap3A_38, %swap3A_39], %scan3A_28#5 {strides = array<i32>} : memref<8x512xf32, #tpu.memory_space<vmem>>, vector<8x512xf32>,
    return
  }
  func.func @transform_0(%arg0: i32) -> (i32, i32) {
    %c0_i32 = arith.constant 0 : i32
    %c0_i32_0 = arith.constant 0 : i32
    %c0_i32_1 = arith.constant 0 : i32
    return %c0_i32, %c0_i32_0 : i32, i32
  }
  func.func @transform_1(%arg0: i32) -> (i32, i32) {
    %c0_i32 = arith.constant 0 : i32
    %c0_i32_0 = arith.constant 0 : i32
    %c0_i32_1 = arith.constant 0 : i32
    return %c0_i32, %c0_i32_0 : i32, i32
  }
  func.func @transform_2(%arg0: i32) -> (i32, i32) {
    %c0_i32 = arith.constant 0 : i32
    %c0_i32_0 = arith.constant 0 : i32
    %c0_i32_1 = arith.constant 0 : i32
    return %c0_i32, %c0_i32_0 : i32, i32
  }
  func.func @transform_3(%arg0: i32) -> (i32, i32) {
    %c0_i32 = arith.constant 0 : i32
    %c0_i32_0 = arith.constant 0 : i32
    %c0_i32_1 = arith.constant 0 : i32
    return %c0_i32, %c0_i32_0 : i32, i32
  }
  func.func @transform_4(%arg0: i32) -> (i32, i32) {
    %c0_i32 = arith.constant 0 : i32
    %c0_i32_0 = arith.constant 0 : i32
    %c0_i32_1 = arith.constant 0 : i32
    return %c0_i32, %c0_i32_0 : i32, i32
  }
  func.func @transform_5(%arg0: i32) -> (i32, i32) {
    %c0_i32 = arith.constant 0 : i32
    %c0_i32_0 = arith.constant 0 : i32
    %c0_i32_1 = arith.constant 0 : i32
    return %c0_i32, %c0_i32_0 : i32, i32
  }
  func.func @transform_6(%arg0: i32) -> (i32, i32) {
    %c0_i32 = arith.constant 0 : i32
    %c0_i32_0 = arith.constant 0 : i32
    %c0_i32_1 = arith.constant 0 : i32
    return %c0_i32, %c0_i32_0 : i32, i32
  }
  func.func @transform_7(%arg0: i32) -> (i32, i32) {
    %c0_i32 = arith.constant 0 : i32
    %c0_i32_0 = arith.constant 0 : i32
    %c0_i32_1 = arith.constant 0 : i32
    return %c0_i32, %c0_i32_0 : i32, i32
  }
  func.func @transform_8(%arg0: i32) -> (i32, i32) {
    %c0_i32 = arith.constant 0 : i32
    %c0_i32_0 = arith.constant 0 : i32
    %c0_i32_1 = arith.constant 0 : i32
    return %c0_i32, %c0_i32_0 : i32, i32
  }
}

module attributes {stable_mosaic.version = 14 : i64} {
  func.func @_head_body(%arg0: i32, %arg1: memref<2048x128xf32, #tpu.memory_space<vmem>>, %arg2: memref<128x128xf32, #tpu.memory_space<vmem>>, %arg3: memref<1x128xf32, #tpu.memory_space<vmem>>, %arg4: memref<1x128xf32, #tpu.memory_space<vmem>>, %arg5: memref<1x128xf32, #tpu.memory_space<vmem>>, %arg6: memref<128x50xf32, #tpu.memory_space<vmem>>, %arg7: memref<1x50xf32, #tpu.memory_space<vmem>>, %arg8: memref<2048x50xf32, #tpu.memory_space<vmem>>) attributes {dimension_semantics = [#tpu.dimension_semantics<arbitrary>], iteration_bounds = array<i64: 8>, scalar_prefetch = 0 : i64, scratch_operands = 0 : i64, tpu.core_type = #tpu.core_type<tc>, window_params = [{transform_indices = @transform_0, window_bounds = array<i64: 2048, 128>}, {pipeline_mode = #tpu.pipeline_mode<synchronous>, transform_indices = @transform_1, window_bounds = array<i64: 128, 128>}, {pipeline_mode = #tpu.pipeline_mode<synchronous>, transform_indices = @transform_2, window_bounds = array<i64: 1, 128>}, {pipeline_mode = #tpu.pipeline_mode<synchronous>, transform_indices = @transform_3, window_bounds = array<i64: 1, 128>}, {pipeline_mode = #tpu.pipeline_mode<synchronous>, transform_indices = @transform_4, window_bounds = array<i64: 1, 128>}, {pipeline_mode = #tpu.pipeline_mode<synchronous>, transform_indices = @transform_5, window_bounds = array<i64: 128, 50>}, {pipeline_mode = #tpu.pipeline_mode<synchronous>, transform_indices = @transform_6, window_bounds = array<i64: 1, 50>}, {transform_indices = @transform_7, window_bounds = array<i64: 2048, 50>}]} {
    %get3A = arith.constant 0 : index
    %get3A_0 = arith.constant 0 : index
    %get3A_1 = vector.load %arg1[%get3A, %get3A_0] : memref<2048x128xf32, #tpu.memory_space<vmem>>, vector<2048x128xf32>
    %get3A_2 = arith.constant 0 : index
    %get3A_3 = arith.constant 0 : index
    %get3A_4 = vector.load %arg2[%get3A_2, %get3A_3] : memref<128x128xf32, #tpu.memory_space<vmem>>, vector<128x128xf32>
    %dot_general3A = arith.constant dense<0.000000e+00> : vector<2048x128xf32>
    %dot_general3A_5 = tpu.matmul %get3A_1, %get3A_4, %dot_general3A {dimension_numbers = #tpu.dot_dimension_numbers<[1], [0], [0], [1], [0, 0, 1, 1], [], []>, transpose_lhs_hint = false} : vector<2048x128xf32>, vector<128x128xf32>, vector<2048x128xf32> -> vector<2048x128xf32>
    %get3A_6 = arith.constant 0 : index
    %get3A_7 = arith.constant 0 : index
    %get3A_8 = vector.load %arg3[%get3A_6, %get3A_7] : memref<1x128xf32, #tpu.memory_space<vmem>>, vector<1x128xf32>
    %add3A = vector.broadcast %get3A_8 : vector<1x128xf32> to vector<2048x128xf32>
    %add3A_9 = arith.addf %dot_general3A_5, %add3A : vector<2048x128xf32>
    %div3A = arith.constant 1.00000501 : f32
    %div3A_10 = vector.broadcast %div3A : f32 to vector<2048x128xf32>
    %div3A_11 = arith.divf %add3A_9, %div3A_10 : vector<2048x128xf32>
    %get3A_12 = arith.constant 0 : index
    %get3A_13 = arith.constant 0 : index
    %get3A_14 = vector.load %arg4[%get3A_12, %get3A_13] : memref<1x128xf32, #tpu.memory_space<vmem>>, vector<1x128xf32>
    %mul3A = vector.broadcast %get3A_14 : vector<1x128xf32> to vector<2048x128xf32>
    %mul3A_15 = arith.mulf %div3A_11, %mul3A : vector<2048x128xf32>
    %get3A_16 = arith.constant 0 : index
    %get3A_17 = arith.constant 0 : index
    %get3A_18 = vector.load %arg5[%get3A_16, %get3A_17] : memref<1x128xf32, #tpu.memory_space<vmem>>, vector<1x128xf32>
    %add3A_19 = vector.broadcast %get3A_18 : vector<1x128xf32> to vector<2048x128xf32>
    %add3A_20 = arith.addf %mul3A_15, %add3A_19 : vector<2048x128xf32>
    %max3A = arith.constant 0.000000e+00 : f32
    %max3A_21 = vector.broadcast %max3A : f32 to vector<2048x128xf32>
    %max3A_22 = arith.maximumf %add3A_20, %max3A_21 : vector<2048x128xf32>
    %get3A_23 = arith.constant 0 : index
    %get3A_24 = arith.constant 0 : index
    %get3A_25 = vector.load %arg6[%get3A_23, %get3A_24] : memref<128x50xf32, #tpu.memory_space<vmem>>, vector<128x50xf32>
    %dot_general3A_26 = arith.constant dense<0.000000e+00> : vector<2048x50xf32>
    %dot_general3A_27 = tpu.matmul %max3A_22, %get3A_25, %dot_general3A_26 {dimension_numbers = #tpu.dot_dimension_numbers<[1], [0], [0], [1], [0, 0, 1, 1], [], []>, transpose_lhs_hint = false} : vector<2048x128xf32>, vector<128x50xf32>, vector<2048x50xf32> -> vector<2048x50xf32>
    %get3A_28 = arith.constant 0 : index
    %get3A_29 = arith.constant 0 : index
    %get3A_30 = vector.load %arg7[%get3A_28, %get3A_29] : memref<1x50xf32, #tpu.memory_space<vmem>>, vector<1x50xf32>
    %add3A_31 = vector.broadcast %get3A_30 : vector<1x50xf32> to vector<2048x50xf32>
    %add3A_32 = arith.addf %dot_general3A_27, %add3A_31 : vector<2048x50xf32>
    %reduce_max3A = arith.constant dense<0xFF800000> : vector<2048xf32>
    %reduce_max3A_33 = vector.multi_reduction <maximumf>, %add3A_32, %reduce_max3A [1] : vector<2048x50xf32> to vector<2048xf32>
    %broadcast_in_dim3A = vector.shape_cast %reduce_max3A_33 : vector<2048xf32> to vector<2048x1xf32>
    %sub3A = vector.broadcast %broadcast_in_dim3A : vector<2048x1xf32> to vector<2048x50xf32>
    %sub3A_34 = arith.subf %add3A_32, %sub3A : vector<2048x50xf32>
    %exp3A = math.exp %sub3A_34 : vector<2048x50xf32>
    %reduce_sum3A = arith.constant dense<0.000000e+00> : vector<2048xf32>
    %reduce_sum3A_35 = vector.multi_reduction <add>, %exp3A, %reduce_sum3A [1] : vector<2048x50xf32> to vector<2048xf32>
    %broadcast_in_dim3A_36 = vector.shape_cast %reduce_sum3A_35 : vector<2048xf32> to vector<2048x1xf32>
    %log3A = math.log %broadcast_in_dim3A_36 : vector<2048x1xf32>
    %sub3A_37 = vector.broadcast %log3A : vector<2048x1xf32> to vector<2048x50xf32>
    %sub3A_38 = arith.subf %sub3A_34, %sub3A_37 : vector<2048x50xf32>
    %swap3A = arith.constant 0 : index
    %swap3A_39 = arith.constant 0 : index
    %swap3A_40 = vector.load %arg8[%swap3A, %swap3A_39] : memref<2048x50xf32, #tpu.memory_space<vmem>>, vector<2048x50xf32>
    tpu.vector_store %arg8[%swap3A, %swap3A_39], %sub3A_38 {strides = array<i32>} : memref<2048x50xf32, #tpu.memory_space<vmem>>, vector<2048x50xf32>,
    return
  }
  func.func @transform_0(%arg0: i32) -> (i32, i32) {
    %c0_i32 = arith.constant 0 : i32
    %c0_i32_0 = arith.constant 0 : i32
    return %arg0, %c0_i32 : i32, i32
  }
  func.func @transform_1(%arg0: i32) -> (i32, i32) {
    %c0_i32 = arith.constant 0 : i32
    %c0_i32_0 = arith.constant 0 : i32
    %c0_i32_1 = arith.constant 0 : i32
    return %c0_i32, %c0_i32_0 : i32, i32
  }
  func.func @transform_2(%arg0: i32) -> (i32, i32) {
    %c0_i32 = arith.constant 0 : i32
    %c0_i32_0 = arith.constant 0 : i32
    %c0_i32_1 = arith.constant 0 : i32
    return %c0_i32, %c0_i32_0 : i32, i32
  }
  func.func @transform_3(%arg0: i32) -> (i32, i32) {
    %c0_i32 = arith.constant 0 : i32
    %c0_i32_0 = arith.constant 0 : i32
    %c0_i32_1 = arith.constant 0 : i32
    return %c0_i32, %c0_i32_0 : i32, i32
  }
  func.func @transform_4(%arg0: i32) -> (i32, i32) {
    %c0_i32 = arith.constant 0 : i32
    %c0_i32_0 = arith.constant 0 : i32
    %c0_i32_1 = arith.constant 0 : i32
    return %c0_i32, %c0_i32_0 : i32, i32
  }
  func.func @transform_5(%arg0: i32) -> (i32, i32) {
    %c0_i32 = arith.constant 0 : i32
    %c0_i32_0 = arith.constant 0 : i32
    %c0_i32_1 = arith.constant 0 : i32
    return %c0_i32, %c0_i32_0 : i32, i32
  }
  func.func @transform_6(%arg0: i32) -> (i32, i32) {
    %c0_i32 = arith.constant 0 : i32
    %c0_i32_0 = arith.constant 0 : i32
    %c0_i32_1 = arith.constant 0 : i32
    return %c0_i32, %c0_i32_0 : i32, i32
  }
  func.func @transform_7(%arg0: i32) -> (i32, i32) {
    %c0_i32 = arith.constant 0 : i32
    %c0_i32_0 = arith.constant 0 : i32
    return %arg0, %c0_i32 : i32, i32
  }
}

</mosaic_0001>

<sc_bundles>
// kernel: _forward.10.cloned.1.call-start
scs
__scs_entry_jumppad:
0x0: {  	(pc) =	sbr.rel $0x88, $3  }
0x1: {  	(tag) =	ssettag $0x0;
	lr =	simm.s32 $0x1  }
0x2: {  	[smem:$0x3F39] =	sst lr;
	_ =	strace $0xD0000000  }
0x3: {  	_ = 	snop  }
0x4: {  	_ = 	snop  }
0x5: {  	_ = 	snop  }
0x6: {  	_ = 	snop  }
0x7: {  	_ = 	snop  }
__scs_overlays_trampoline_lowered:
0x8: {  	[smem:$0x3F48] =	sst s0  }
0x9: {  	[smem:$0x3F49] =	sst s1  }
0xa: {  	[smem:$0x3F4A] =	sst s2  }
0xb: {  	[smem:$0x3F4B] =	sst s3  }
0xc: {  	[smem:$0x3F4C] =	sst s4  }
0xd: {  	[smem:$0x3F4D] =	sst s5  }
0xe: {  	[smem:$0x3F4E] =	sst s6  }
0xf: {  	[smem:$0x3F4F] =	sst s7  }
0x10: {  	[smem:$0x3F50] =	sst s8  }
0x11: {  	[smem:$0x3F51] =	sst s9;
	s0 =	simm.s32 @!p0 $0x0  }
0x12: {  	s1 =	sld [smem:$0x3F37];
	s0 =	simm.s32 @p0 $0x1  }
0x13: {  	[smem:$0x3F52] =	sst s0;
	s0 =	simm.s32 @!p1 $0x0  }
0x14: {  	s2 =	sld [smem:$0x3F36];
	s0 =	simm.s32 @p1 $0x1  }
0x15: {  	[smem:$0x3F53] =	sst s0;
	s0 =	simm.s32 @!p2 $0x0  }
0x16: {  	s3 =	sld [smem:$0x3FDB];
	s0 =	simm.s32 @p2 $0x1  }
0x17: {  	s4 =	simm.s32 $0x1BF5;
	[smem:$0x3F55] =	sst s0  }
0x18: {  	s0 =	sld [smem:$0x3F38];
	_ =	swait.ge [sflag:s4], $0x0  }
0x19: {  	s7 =	sld [smem:$0x3F39]  }
0x1a: {  	s8 =	sadd.s32 $0xFFFFE003, lr  }
0x1b: {  	s9 =	sadd.s32 $0xFFFFFEF7, lr;
	s5 =	simm.s32 $0xFFFFFFFF;
	p2 =	slt.u32 s8, $0xFFFFF086  }
0x1c: {  	p1 =	slt.u32 s9, $0xF7A;
	s5 =	simm.s32 @!p2 $0x0  }
0x1d: {  	s5 =	simm.s32 @p1 $0x1;
	p0 =	seq.s32 s7, s2  }
0x1e: {  	s7 =	smul.u32 @!p0 $0xF7A, s2;
	p2 =	seq.s32 @!p0 s5, $0x0  }
0x1f: {  	s9 =	smul.u32 $0xF7A, s1;
	s8 =	simm.s32 @!p0 $0x1BF5;
	p2 =	por !p2, p0  }
0x20: {  	[sflag:s8] =	ssyncset.s32 @!p0 $0xFFFFF086;
	s6 =	sadd.s32 @!p0 s3, s7;
	s7 =	simm.s32 @!p0 $0x108  }
0x21: {  	s3 =	sadd.s32 s3, s9;
	s6 =	sadd.s32 @!p0 $0x88, s6;
	s7 =	simm.s32 @p2 $0x1082  }
0x22: {  	[simem:s7], [sflag:s8] =	dma.local @!p0 [hbm:s6], $0xF7A  }
0x23: {  	s9 =	sor.u32 $0xD0000000, s2;
	s6 =	simm.s32 $0x108;
	_ =	swait.ge @!p0 [sflag:s8], $0x0  }
0x24: {  	s3 =	sadd.s32 $0x88, s3;
	s6 =	simm.s32 @!p1 $0x1082;
	[sflag:s4] =	ssyncset.s32 $0xFFFFF086  }
0x25: {  	[simem:s6], [sflag:s4] =	dma.local [hbm:s3], $0xF7A  }
0x26: {  	[smem:$0x3F39] =	sst s1;
	(tag) =	ssettag s2;
	_ =	strace s9  }
0x27: {  	s1 =	sld [smem:$0x3F49]  }
0x28: {  	s2 =	sld [smem:$0x3F4A]  }
0x29: {  	s4 =	sld [smem:$0x3F4C]  }
0x2a: {  	p0 =	seq.s32 s5, $0x0;
	s5 =	sld [smem:$0x3F4D]  }
0x2b: {  	s6 =	sld [smem:$0x3F4E]  }
0x2c: {  	s7 =	sld [smem:$0x3F4F]  }
0x2d: {  	s3 =	simm.s32 $0x108;
	s8 =	sld [smem:$0x3F50]  }
0x2e: {  	s3 =	simm.s32 @!p0 $0x1082;
	s9 =	sld [smem:$0x3F51]  }
0x2f: {  	lr =	sadd.s32 s0, s3;
	s0 =	sld [smem:$0x3F48]  }
0x30: {  	s3 =	sld [smem:$0x3F4B]  }
0x31: {  	[smem:$0x3F54] =	sst s10  }
0x32: {  	s10 =	sld [smem:$0x3F52];
	_ =	sdelay $0x3  }
0x33: {  	p0 =	seq.s32 s10, $0x1;
	s10 =	sld [smem:$0x3F54];
	_ =	sdelay $0x3  }
0x34: {  	[smem:$0x3F54] =	sst s10  }
0x35: {  	s10 =	sld [smem:$0x3F53];
	_ =	sdelay $0x3  }
0x36: {  	p1 =	seq.s32 s10, $0x1;
	s10 =	sld [smem:$0x3F54];
	_ =	sdelay $0x3  }
0x37: {  	[smem:$0x3F54] =	sst s10  }
0x38: {  	s10 =	sld [smem:$0x3F55]  }
0x39: {  	_ = 	snop;
	(pc) =	sbr.ind lr, $3  }
0x3a: {  	_ = 	snop  }
0x3b: {  	_ = 	snop  }
0x3c: {  	p2 =	seq.s32 s10, $0x1;
	s10 =	sld [smem:$0x3F54]  }
0x3d: {  	_ =	shalt  }
0x3e: {  	_ =	shalt  }
0x3f: {  	_ =	shalt  }
0x40: {  	_ =	shalt  }
0x41: {  	_ =	shalt  }
0x42: {  	_ =	shalt  }
0x43: {  	_ =	shalt  }
0x44: {  	_ =	shalt  }
0x45: {  	_ =	shalt  }
0x46: {  	_ =	shalt  }
0x47: {  	_ =	shalt  }
0x48: {  	_ =	shalt  }
0x49: {  	_ =	shalt  }
0x4a: {  	_ =	shalt  }
0x4b: {  	_ =	shalt  }
0x4c: {  	_ =	shalt  }
0x4d: {  	_ =	shalt  }
0x4e: {  	_ =	shalt  }
0x4f: {  	_ =	shalt  }
0x50: {  	_ =	shalt  }
0x51: {  	_ =	shalt  }
0x52: {  	_ =	shalt  }
0x53: {  	_ =	shalt  }
0x54: {  	_ =	shalt  }
0x55: {  	_ =	shalt  }
0x56: {  	_ =	shalt  }
0x57: {  	_ =	shalt  }
0x58: {  	_ =	shalt  }
0x59: {  	_ =	shalt  }
0x5a: {  	_ =	shalt  }
0x5b: {  	_ =	shalt  }
0x5c: {  	_ =	shalt  }
0x5d: {  	_ =	shalt  }
0x5e: {  	_ =	shalt  }
0x5f: {  	_ =	shalt  }
0x60: {  	_ =	shalt  }
0x61: {  	_ =	shalt  }
0x62: {  	_ =	shalt  }
0x63: {  	_ =	shalt  }
0x64: {  	_ =	shalt  }
0x65: {  	_ =	shalt  }
0x66: {  	_ =	shalt  }
0x67: {  	_ =	shalt  }
0x68: {  	_ =	shalt  }
0x69: {  	_ =	shalt  }
0x6a: {  	_ =	shalt  }
0x6b: {  	_ =	shalt  }
0x6c: {  	_ =	shalt  }
0x6d: {  	_ =	shalt  }
0x6e: {  	_ =	shalt  }
0x6f: {  	_ =	shalt  }
0x70: {  	_ =	shalt  }
0x71: {  	_ =	shalt  }
0x72: {  	_ =	shalt  }
0x73: {  	_ =	shalt  }
0x74: {  	_ =	shalt  }
0x75: {  	_ =	shalt  }
0x76: {  	_ =	shalt  }
0x77: {  	_ =	shalt  }
0x78: {  	_ =	shalt  }
0x79: {  	_ =	shalt  }
0x7a: {  	_ =	shalt  }
0x7b: {  	_ =	shalt  }
0x7c: {  	_ =	shalt  }
0x7d: {  	_ =	shalt  }
0x7e: {  	_ =	shalt  }
0x7f: {  	_ =	shalt  }
0x80: {  	_ =	shalt  }
0x81: {  	_ =	shalt  }
0x82: {  	_ =	shalt  }
0x83: {  	_ =	shalt  }
0x84: {  	_ =	shalt  }
0x85: {  	_ =	shalt  }
0x86: {  	_ =	shalt  }
0x87: {  	_ =	shalt  }
.Lfunc_end0:
.L_simem_size_0:
called_computation.3_lowered:
.L_overlay_start_0:
0x88: {  	s2 =	sld [smem:$0x3FD9]  }
0x89: {  	s3 =	sld [smem:$0x3FFE];
	_ =	sdelay $0x1  }
0x8a: {  	s1 =	srdreg.scid  }
0x8b: {  	s0 =	sand.u32 $0x1, s1  }
0x8c: {  	s16 =	sshll.u32 s0, $0xA;
	s2 =	sadd.s32 s3, s2  }
0x8d: {  	s2 =	sadd.s32 s2, s16  }
0x8e: {  	[smem:$0x3F60] =	sst s2  }
0x8f: {  	_ = 	snop  }
0x90: {  	(tm) =	ssettm $0x1  }
0x91: {  	s17 =	sld [smem:$0x3FFB];
	_ =	sdelay $0x3  }
0x92: {  	_ =	strace s17  }
0x93: {  	s2 =	sld [smem:$0x3FFC];
	_ =	sdelay $0x3  }
0x94: {  	_ =	strace s2  }
0x95: {  	s2 =	sld [smem:$0x3FFD];
	_ =	sdelay $0x3  }
0x96: {  	_ =	strace s2  }
0x97: {  	_ =	strace $0x8FFFFFFF  }
0x98: {  	s18 =	sld [smem:$0x3FDB];
	_ =	sdelay $0x1  }
0x99: {  	s19 =	simm.s32 $_scs_section_size  }
0x9a: {  	s4 =	simm.s32 $_size__tile_overlayer_lowered;
	s5 =	simm.s32 $_tile_overlayer_lowered  }
0x9b: {  	s22 =	simm.s32 $0x1BFF;
	s21 =	sshll.u32 s5, $0x1;
	s2 =	sadd.s32 s19, s18  }
0x9c: {  	s6 =	simm.s32 $0x0;
	s20 =	sshll.u32 s4, $0x1;
	s4 =	sadd.s32 s21, s2  }
0x9d: {  	[timem:s6], [sflag:s22] =	dma.local [hbm:s4], s20  }
0x9e: {  	_ =	swait.ge [sflag:s22], s20  }
0x9f: {  	s3 =	ssub.s32 $0x0, s20;
	[sflag:s22] =	ssyncset.done $0x0  }
0xa0: {  	[sflag:s22] =	ssyncadd.s32 s3;
	_ =	sdelay $0x1  }
0xa1: {  	s23 =	simm.s32 $0x1B8B  }
0xa2: {  	_ =	swait.ge [sflag:s23], $0x1  }
0xa3: {  	[sflag:s23] =	ssyncset.done $0x0  }
0xa4: {  	s25 =	simm.s32 $0x1B8E;
	s24 =	sld [smem:$0x3FFE];
	[sflag:s23] =	ssyncadd.s32 $0xFFFFFFFF  }
0xa5: {  	s26 =	simm.s32 $execute0_lowered;
	[smem:$0x3FD2] =	sst s25  }
0xa6: {  	s4 =	sshll.u32 s26, $0x1;
	_ =	strace $0x80000046;
	[dreg:$0x1] =	wrdreg $0xFFFFFFFF  }
0xa7: {  	s28 =	simm.s32 $_size_execute0_lowered;
	s2 =	sadd.s32 s2, s4;
	[dreg:$0x0] =	wrdreg $0x0  }
0xa8: {  	s4 =	sshll.u32 s28, $0x1;
	[dreg:$0x2] =	wrdreg s2  }
0xa9: {  	[dreg:$0x3] =	wrdreg s4  }
0xaa: {  	[dreg:$0x4] =	wrdreg $0xC0  }
0xab: {  	_ =	task [dreg:s6], $0x5FFFF  }
0xac: {  	[dreg:$0x1] =	wrdreg $0xFFFFFFFF  }
0xad: {  	[dreg:$0x0] =	wrdreg $0x60  }
0xae: {  	[dreg:$0x2] =	wrdreg s24  }
0xaf: {  	[dreg:$0x3] =	wrdreg $0x9  }
0xb0: {  	_ =	task.clear_ibuf [dreg:s6], $0x4FFFF;
	_ =	strace $0x90000046  }
0xb1: {  	s29 =	simm.s32 $0x9;
	_ =	strace $0x80000048  }
0xb2: {  	_ =	swait.ge [sflag:s29], $0x1  }
0xb3: {  	[sflag:s29] =	ssyncadd.s32 $0xFFFFFFFF  }
0xb4: {  	_ =	strace $0x90000048  }
0xb5: {  	_ =	sfence  }
0xb6: {  	s30 =	sld [smem:$0x0];
	_ =	sdelay $0x2  }
0xb7: {  	s31 =	sshll.u32 s1, $0xD;
	s1 =	sshrl.u32 s1, $0x2  }
0xb8: {  	s3 =	sand.u32 $0x4000, s31;
	s1 =	sadd.s32 s1, s30  }
0xb9: {  	s0 =	sor.u32 s3, s0;
	s1 =	sshll.u32 s1, $0x11  }
0xba: {  	s0 =	sor.u32 s1, s0  }
0xbb: {  	s0 =	sadd.s32 $0x8F2B, s0  }
0xbc: {  	[sflag:s0] =	ssyncadd.remote.s32 $0x1  }
0xbd: {  	_ =	sfence.sel $0xFFFF  }
0xbe: {  	[dreg:$0x0] =	wrdreg $0xFFFFFFFF;
	(pc) =	sbr.abs _section_cstart, $3  }
0xbf: {  	[dreg:$0x1] =	wrdreg $0xFFFFFFFF  }
0xc0: {  	_ =	task.clear_ibuf [dreg:s6], $0x2FFFF;
	_ =	strace $0x9FFFFFFF  }
0xc1: {  	(tm) =	ssettm $0x7FFFFFFF  }
tec
execute0_lowered:
.L_overlay_start_1:
0x0: {  	(tag) =	ssettag $0x1  }
0x1: {  	s0 =	rddreg [dreg:$0x0];
	s5 =	stileid.u32  }
0x2: {  	s1 =	srdreg.scid;
	s2 =	simm.s32 $0x0;
	s19 =	simm.s32 $0x1800  }
0x3: {  	s20 =	simm.s32 $0x100;
	s21 =	simm.s32 $0x2800;
	s22 =	simm.s32 $0x180  }
0x4: {  	s23 =	simm.s32 $0x3800;
	s24 =	simm.s32 $0x200;
	s25 =	simm.s32 $0x4800  }
0x5: {  	s26 =	simm.s32 $0x280;
	s7 =	simm.s32 $0x80;
	s31 =	simm.s32 $0x5800  }
0x6: {  	s8 =	simm.s32 $0x800;
	s9 =	simm.s32 $0x300;
	s10 =	simm.s32 $0x6800  }
0x7: {  	s11 =	simm.s32 $0x380;
	s12 =	simm.s32 $0x7800;
	[smem:$0x7FF] =	sst s2  }
0x8: {  	s13 =	simm.s32 $0x400;
	_ =	strace $0x80000047;
	[dreg:$0x3] =	wrdreg s19  }
0x9: {  	s14 =	simm.s32 $0x8800;
	s15 =	simm.s32 $0x480;
	[dreg:$0x4] =	wrdreg s20  }
0xa: {  	s16 =	simm.s32 $0x9800;
	s17 =	simm.s32 $0x500;
	[dreg:$0x5] =	wrdreg s21  }
0xb: {  	s28 =	simm.s32 $0x780;
	s29 =	simm.s32 $0xF800;
	[dreg:$0x6] =	wrdreg s22  }
0xc: {  	s30 =	simm.s32 $0x1;
	s3 =	sshll.u32 s5, $0xB;
	[dreg:$0x7] =	wrdreg s23  }
0xd: {  	s1 =	sand.u32 $0x1, s1;
	s5 =	sshll.u32 s5, $0x10;
	[dreg:$0x8] =	wrdreg s24  }
0xe: {  	s3 =	sadd.s32 s3, s0;
	s4 =	sshll.u32 s1, $0xA;
	[dreg:$0x9] =	wrdreg s25  }
0xf: {  	s18 =	ssub.s32 $0x2, s1;
	s1 =	sshll.u32 s1, $0xF;
	[dreg:$0xa] =	wrdreg s26  }
0x10: {  	[dreg:$0xb] =	wrdreg s31;
	s19 =	simm.s32 $0x580;
	s20 =	simm.s32 $0xB800  }
0x11: {  	s21 =	simm.s32 $0x600;
	s22 =	simm.s32 $0xC800;
	s23 =	simm.s32 $0x680  }
0x12: {  	s24 =	simm.s32 $0xD800;
	s25 =	simm.s32 $0x700;
	s26 =	simm.s32 $0xE800  }
0x13: {  	s4 =	sadd.s32 s4, s3;
	s3 =	sadd.s32 $0x9E00, s0;
	s6 =	sshrl.u32 s18, $0x1  }
0x14: {  	s0 =	sadd.s32 s5, s0;
	s4 =	sadd.s32 $0x819E00, s4;
	s5 =	ssub.s32 s18, s6  }
0x15: {  	s0 =	sadd.s32 s1, s0;
	[dreg:$0x2] =	wrdreg s4;
	s5 =	smax.u32 s5, $0x1  }
0x16: {  	s6 =	simm.s32 $0x2;
	s0 =	sadd.s32 $0x821E00, s0;
	[dreg:$0xc] =	wrdreg s5  }
0x17: {  	s18 =	simm.s32 $0xA800;
	s1 =	simm.s32 $0x0;
	[dreg:$0xd] =	wrdreg s0  }
.LBB2_1:
0x18: {  	s0 =	rddreg [dreg:$0x2]  }
0x19: {  	[dreg:$0xe] =	wrdreg s1;
	s0 =	sadd.s32 $0x0, s0  }
0x1a: {  	[tilespmem:s2], [sflag:$0x2] =	stream.linear.gather [hbm4b:s0+s2], $0x800, $0x38;
	[tilespmem:$0x10800] =	vst v63  }
0x1b: {  	_ =	swait.ge [sflag:s6], $0x800  }
0x1c: {  	s0 =	rddreg [dreg:$0x4]  }
0x1d: {  	[sflag:s6] =	ssyncset.done $0x0;
	s31 =	rddreg [dreg:$0x3]  }
0x1e: {  	s5 =	rddreg [dreg:$0x5];
	[sflag:s6] =	ssyncadd.s32 $0xFFFFF800  }
0x1f: {  	[tilespmem:s8], [sflag:$0x1] =	stream.indirect.gather [hbm4b:s3+s7], $0x20, s2, s7, $0xb8;
	[tilespmem:$0x10800] =	vst v63  }
0x20: {  	s4 =	rddreg [dreg:$0x7]  }
0x21: {  	[tilespmem:s31], [sflag:$0x1] =	stream.indirect.gather [hbm4b:s3+s7], $0x20, s7, s7, $0xb8;
	[tilespmem:$0x10800] =	vst v63  }
0x22: {  	s31 =	rddreg [dreg:$0x6]  }
0x23: {  	[tilespmem:s5], [sflag:$0x1] =	stream.indirect.gather [hbm4b:s3+s7], $0x20, s0, s7, $0xb8;
	[tilespmem:$0x10800] =	vst v63  }
0x24: {  	s0 =	rddreg [dreg:$0x9]  }
0x25: {  	s5 =	rddreg [dreg:$0x8]  }
0x26: {  	[tilespmem:s4], [sflag:$0x1] =	stream.indirect.gather [hbm4b:s3+s7], $0x20, s31, s7, $0xb8;
	[tilespmem:$0x10800] =	vst v63  }
0x27: {  	s4 =	rddreg [dreg:$0xb]  }
0x28: {  	[tilespmem:s0], [sflag:$0x1] =	stream.indirect.gather [hbm4b:s3+s7], $0x20, s5, s7, $0xb8;
	[tilespmem:$0x10800] =	vst v63  }
0x29: {  	s31 =	rddreg [dreg:$0xa]  }
0x2a: {  	[tilespmem:s4], [sflag:$0x1] =	stream.indirect.gather [hbm4b:s3+s7], $0x20, s31, s7, $0xb8;
	[tilespmem:$0x10800] =	vst v63  }
0x2b: {  	_ = 	snop  }
0x2c: {  	[tilespmem:s10], [sflag:$0x1] =	stream.indirect.gather [hbm4b:s3+s7], $0x20, s9, s7, $0xb8;
	[tilespmem:$0x10800] =	vst v63  }
0x2d: {  	_ = 	snop  }
0x2e: {  	[tilespmem:s12], [sflag:$0x1] =	stream.indirect.gather [hbm4b:s3+s7], $0x20, s11, s7, $0xb8;
	[tilespmem:$0x10800] =	vst v63  }
0x2f: {  	_ = 	snop  }
0x30: {  	[tilespmem:s14], [sflag:$0x1] =	stream.indirect.gather [hbm4b:s3+s7], $0x20, s13, s7, $0xb8;
	[tilespmem:$0x10800] =	vst v63  }
0x31: {  	_ = 	snop  }
0x32: {  	[tilespmem:s16], [sflag:$0x1] =	stream.indirect.gather [hbm4b:s3+s7], $0x20, s15, s7, $0xb8;
	[tilespmem:$0x10800] =	vst v63  }
0x33: {  	_ = 	snop  }
0x34: {  	[tilespmem:s18], [sflag:$0x1] =	stream.indirect.gather [hbm4b:s3+s7], $0x20, s17, s7, $0xb8;
	[tilespmem:$0x10800] =	vst v63  }
0x35: {  	_ = 	snop  }
0x36: {  	[tilespmem:s20], [sflag:$0x1] =	stream.indirect.gather [hbm4b:s3+s7], $0x20, s19, s7, $0xb8;
	[tilespmem:$0x10800] =	vst v63  }
0x37: {  	_ = 	snop  }
0x38: {  	[tilespmem:s22], [sflag:$0x1] =	stream.indirect.gather [hbm4b:s3+s7], $0x20, s21, s7, $0xb8;
	[tilespmem:$0x10800] =	vst v63  }
0x39: {  	_ = 	snop  }
0x3a: {  	[tilespmem:s24], [sflag:$0x1] =	stream.indirect.gather [hbm4b:s3+s7], $0x20, s23, s7, $0xb8;
	[tilespmem:$0x10800] =	vst v63  }
0x3b: {  	_ = 	snop  }
0x3c: {  	[tilespmem:s26], [sflag:$0x1] =	stream.indirect.gather [hbm4b:s3+s7], $0x20, s25, s7, $0xb8;
	[tilespmem:$0x10800] =	vst v63  }
0x3d: {  	_ = 	snop  }
0x3e: {  	[tilespmem:s29], [sflag:$0x1] =	stream.indirect.gather [hbm4b:s3+s7], $0x20, s28, s7, $0xb8;
	[tilespmem:$0x10800] =	vst v63  }
0x3f: {  	_ =	swait.ge [sflag:s30], $0x1000  }
0x40: {  	[sflag:s30] =	ssyncset.done $0x0  }
0x41: {  	[sflag:s30] =	ssyncadd.s32 $0xFFFFF000  }
0x42: {  	_ =	swait.ge [sflag:s30], $0x1000  }
0x43: {  	[sflag:s30] =	ssyncset.done $0x0  }
0x44: {  	[sflag:s30] =	ssyncadd.s32 $0xFFFFF000  }
0x45: {  	_ =	swait.ge [sflag:s30], $0x1000  }
0x46: {  	[sflag:s30] =	ssyncset.done $0x0  }
0x47: {  	[sflag:s30] =	ssyncadd.s32 $0xFFFFF000  }
0x48: {  	_ =	swait.ge [sflag:s30], $0x1000  }
0x49: {  	[sflag:s30] =	ssyncset.done $0x0  }
0x4a: {  	[sflag:s30] =	ssyncadd.s32 $0xFFFFF000  }
0x4b: {  	_ =	swait.ge [sflag:s30], $0x1000  }
0x4c: {  	[sflag:s30] =	ssyncset.done $0x0  }
0x4d: {  	[sflag:s30] =	ssyncadd.s32 $0xFFFFF000  }
0x4e: {  	_ =	swait.ge [sflag:s30], $0x1000  }
0x4f: {  	[sflag:s30] =	ssyncset.done $0x0  }
0x50: {  	[sflag:s30] =	ssyncadd.s32 $0xFFFFF000  }
0x51: {  	_ =	swait.ge [sflag:s30], $0x1000  }
0x52: {  	[sflag:s30] =	ssyncset.done $0x0  }
0x53: {  	[sflag:s30] =	ssyncadd.s32 $0xFFFFF000  }
0x54: {  	_ =	swait.ge [sflag:s30], $0x1000  }
0x55: {  	[sflag:s30] =	ssyncset.done $0x0  }
0x56: {  	[sflag:s30] =	ssyncadd.s32 $0xFFFFF000  }
0x57: {  	_ =	swait.ge [sflag:s30], $0x1000  }
0x58: {  	[sflag:s30] =	ssyncset.done $0x0  }
0x59: {  	[sflag:s30] =	ssyncadd.s32 $0xFFFFF000  }
0x5a: {  	_ =	swait.ge [sflag:s30], $0x1000  }
0x5b: {  	[sflag:s30] =	ssyncset.done $0x0  }
0x5c: {  	[sflag:s30] =	ssyncadd.s32 $0xFFFFF000  }
0x5d: {  	_ =	swait.ge [sflag:s30], $0x1000  }
0x5e: {  	[sflag:s30] =	ssyncset.done $0x0  }
0x5f: {  	[sflag:s30] =	ssyncadd.s32 $0xFFFFF000  }
0x60: {  	_ =	swait.ge [sflag:s30], $0x1000  }
0x61: {  	[sflag:s30] =	ssyncset.done $0x0  }
0x62: {  	[sflag:s30] =	ssyncadd.s32 $0xFFFFF000  }
0x63: {  	_ =	swait.ge [sflag:s30], $0x1000  }
0x64: {  	[sflag:s30] =	ssyncset.done $0x0  }
0x65: {  	[sflag:s30] =	ssyncadd.s32 $0xFFFFF000  }
0x66: {  	_ =	swait.ge [sflag:s30], $0x1000  }
0x67: {  	[sflag:s30] =	ssyncset.done $0x0  }
0x68: {  	[sflag:s30] =	ssyncadd.s32 $0xFFFFF000  }
0x69: {  	_ =	swait.ge [sflag:s30], $0x1000  }
0x6a: {  	[sflag:s30] =	ssyncset.done $0x0  }
0x6b: {  	[sflag:s30] =	ssyncadd.s32 $0xFFFFF000  }
0x6c: {  	_ =	swait.ge [sflag:s30], $0x1000  }
0x6d: {  	[sflag:s30] =	ssyncset.done $0x0;
	s5 =	rddreg [dreg:$0xd]  }
0x6e: {  	s0 =	simm.s32 $0x100;
	[sflag:s30] =	ssyncadd.s32 $0xFFFFF000;
	s1 =	sadd.s32 $0x2000, s5  }
.LBB2_2:
0x6f: {  	[hbm4b:s5+s2] =	stream.linear.scatter [tilespmem:s8], [sflag:$0x2], $0x10000, $0x38;
	[tilespmem:$0x10800] =	vst v63  }
0x70: {  	_ =	swait.ge [sflag:s6], $0x10000  }
0x71: {  	s4 =	smov.u32 s0;
	s31 =	rddreg [dreg:$0x2];
	[sflag:s6] =	ssyncset.done $0x0  }
0x72: {  	[sflag:s6] =	ssyncadd.s32 $0xFFFF0000;
	s4 =	sadd.s32 s4, s31  }
0x73: {  	[tilespmem:s2], [sflag:$0x2] =	stream.linear.gather [hbm4b:s4+s2], $0x800, $0x38;
	[tilespmem:$0x10800] =	vst v63  }
0x74: {  	_ =	swait.ge [sflag:s6], $0x800  }
0x75: {  	s4 =	rddreg [dreg:$0xb]  }
0x76: {  	s31 =	rddreg [dreg:$0x9]  }
0x77: {  	[sflag:s6] =	ssyncset.done $0x0;
	s9 =	rddreg [dreg:$0x4]  }
0x78: {  	s10 =	rddreg [dreg:$0x3];
	[sflag:s6] =	ssyncadd.s32 $0xFFFFF800  }
0x79: {  	[tilespmem:s8], [sflag:$0x1] =	stream.indirect.gather [hbm4b:s3+s7], $0x20, s2, s7, $0xb8;
	[tilespmem:$0x10800] =	vst v63  }
0x7a: {  	s11 =	rddreg [dreg:$0x5]  }
0x7b: {  	[tilespmem:s10], [sflag:$0x1] =	stream.indirect.gather [hbm4b:s3+s7], $0x20, s7, s7, $0xb8;
	[tilespmem:$0x10800] =	vst v63  }
0x7c: {  	s12 =	rddreg [dreg:$0x7]  }
0x7d: {  	[tilespmem:s11], [sflag:$0x1] =	stream.indirect.gather [hbm4b:s3+s7], $0x20, s9, s7, $0xb8;
	[tilespmem:$0x10800] =	vst v63  }
0x7e: {  	s10 =	rddreg [dreg:$0x6]  }
0x7f: {  	[tilespmem:s12], [sflag:$0x1] =	stream.indirect.gather [hbm4b:s3+s7], $0x20, s10, s7, $0xb8;
	[tilespmem:$0x10800] =	vst v63  }
0x80: {  	s9 =	rddreg [dreg:$0x8]  }
0x81: {  	[tilespmem:s31], [sflag:$0x1] =	stream.indirect.gather [hbm4b:s3+s7], $0x20, s9, s7, $0xb8;
	[tilespmem:$0x10800] =	vst v63  }
0x82: {  	s10 =	rddreg [dreg:$0xa]  }
0x83: {  	[tilespmem:s4], [sflag:$0x1] =	stream.indirect.gather [hbm4b:s3+s7], $0x20, s10, s7, $0xb8;
	[tilespmem:$0x10800] =	vst v63  }
0x84: {  	s9 =	simm.s32 $0x300;
	s10 =	simm.s32 $0x6800  }
0x85: {  	[tilespmem:s10], [sflag:$0x1] =	stream.indirect.gather [hbm4b:s3+s7], $0x20, s9, s7, $0xb8;
	[tilespmem:$0x10800] =	vst v63  }
0x86: {  	s11 =	simm.s32 $0x380;
	s12 =	simm.s32 $0x7800  }
0x87: {  	[tilespmem:s12], [sflag:$0x1] =	stream.indirect.gather [hbm4b:s3+s7], $0x20, s11, s7, $0xb8;
	[tilespmem:$0x10800] =	vst v63  }
0x88: {  	_ = 	snop  }
0x89: {  	[tilespmem:s14], [sflag:$0x1] =	stream.indirect.gather [hbm4b:s3+s7], $0x20, s13, s7, $0xb8;
	[tilespmem:$0x10800] =	vst v63  }
0x8a: {  	_ = 	snop  }
0x8b: {  	[tilespmem:s16], [sflag:$0x1] =	stream.indirect.gather [hbm4b:s3+s7], $0x20, s15, s7, $0xb8;
	[tilespmem:$0x10800] =	vst v63  }
0x8c: {  	_ = 	snop  }
0x8d: {  	[tilespmem:s18], [sflag:$0x1] =	stream.indirect.gather [hbm4b:s3+s7], $0x20, s17, s7, $0xb8;
	[tilespmem:$0x10800] =	vst v63  }
0x8e: {  	_ = 	snop  }
0x8f: {  	[tilespmem:s20], [sflag:$0x1] =	stream.indirect.gather [hbm4b:s3+s7], $0x20, s19, s7, $0xb8;
	[tilespmem:$0x10800] =	vst v63  }
0x90: {  	_ = 	snop  }
0x91: {  	[tilespmem:s22], [sflag:$0x1] =	stream.indirect.gather [hbm4b:s3+s7], $0x20, s21, s7, $0xb8;
	[tilespmem:$0x10800] =	vst v63  }
0x92: {  	_ = 	snop  }
0x93: {  	[tilespmem:s24], [sflag:$0x1] =	stream.indirect.gather [hbm4b:s3+s7], $0x20, s23, s7, $0xb8;
	[tilespmem:$0x10800] =	vst v63  }
0x94: {  	_ = 	snop  }
0x95: {  	[tilespmem:s26], [sflag:$0x1] =	stream.indirect.gather [hbm4b:s3+s7], $0x20, s25, s7, $0xb8;
	[tilespmem:$0x10800] =	vst v63  }
0x96: {  	_ = 	snop  }
0x97: {  	[tilespmem:s29], [sflag:$0x1] =	stream.indirect.gather [hbm4b:s3+s7], $0x20, s28, s7, $0xb8;
	[tilespmem:$0x10800] =	vst v63  }
0x98: {  	_ =	swait.ge [sflag:s30], $0x1000  }
0x99: {  	[sflag:s30] =	ssyncset.done $0x0  }
0x9a: {  	[sflag:s30] =	ssyncadd.s32 $0xFFFFF000  }
0x9b: {  	_ =	swait.ge [sflag:s30], $0x1000  }
0x9c: {  	[sflag:s30] =	ssyncset.done $0x0  }
0x9d: {  	[sflag:s30] =	ssyncadd.s32 $0xFFFFF000  }
0x9e: {  	_ =	swait.ge [sflag:s30], $0x1000  }
0x9f: {  	[sflag:s30] =	ssyncset.done $0x0  }
0xa0: {  	[sflag:s30] =	ssyncadd.s32 $0xFFFFF000  }
0xa1: {  	_ =	swait.ge [sflag:s30], $0x1000  }
0xa2: {  	[sflag:s30] =	ssyncset.done $0x0  }
0xa3: {  	[sflag:s30] =	ssyncadd.s32 $0xFFFFF000  }
0xa4: {  	_ =	swait.ge [sflag:s30], $0x1000  }
0xa5: {  	[sflag:s30] =	ssyncset.done $0x0  }
0xa6: {  	[sflag:s30] =	ssyncadd.s32 $0xFFFFF000  }
0xa7: {  	_ =	swait.ge [sflag:s30], $0x1000  }
0xa8: {  	[sflag:s30] =	ssyncset.done $0x0  }
0xa9: {  	[sflag:s30] =	ssyncadd.s32 $0xFFFFF000  }
0xaa: {  	_ =	swait.ge [sflag:s30], $0x1000  }
0xab: {  	[sflag:s30] =	ssyncset.done $0x0  }
0xac: {  	[sflag:s30] =	ssyncadd.s32 $0xFFFFF000  }
0xad: {  	_ =	swait.ge [sflag:s30], $0x1000  }
0xae: {  	[sflag:s30] =	ssyncset.done $0x0  }
0xaf: {  	[sflag:s30] =	ssyncadd.s32 $0xFFFFF000  }
0xb0: {  	_ =	swait.ge [sflag:s30], $0x1000  }
0xb1: {  	[sflag:s30] =	ssyncset.done $0x0  }
0xb2: {  	[sflag:s30] =	ssyncadd.s32 $0xFFFFF000  }
0xb3: {  	_ =	swait.ge [sflag:s30], $0x1000  }
0xb4: {  	[sflag:s30] =	ssyncset.done $0x0  }
0xb5: {  	[sflag:s30] =	ssyncadd.s32 $0xFFFFF000  }
0xb6: {  	_ =	swait.ge [sflag:s30], $0x1000  }
0xb7: {  	[sflag:s30] =	ssyncset.done $0x0  }
0xb8: {  	[sflag:s30] =	ssyncadd.s32 $0xFFFFF000  }
0xb9: {  	_ =	swait.ge [sflag:s30], $0x1000  }
0xba: {  	[sflag:s30] =	ssyncset.done $0x0  }
0xbb: {  	[sflag:s30] =	ssyncadd.s32 $0xFFFFF000  }
0xbc: {  	_ =	swait.ge [sflag:s30], $0x1000  }
0xbd: {  	[sflag:s30] =	ssyncset.done $0x0  }
0xbe: {  	[sflag:s30] =	ssyncadd.s32 $0xFFFFF000  }
0xbf: {  	_ =	swait.ge [sflag:s30], $0x1000  }
0xc0: {  	[sflag:s30] =	ssyncset.done $0x0  }
0xc1: {  	[sflag:s30] =	ssyncadd.s32 $0xFFFFF000  }
0xc2: {  	p0 =	sne.s32 s0, $0x300;
	_ =	swait.ge [sflag:s30], $0x1000  }
.Ltmp0:
0xc3: {  	[sflag:s30] =	ssyncset.done $0x0;
	(pc) =	sbr.rel @p0 .LBB2_2-.Ltmp0, $4  }
0xc4: {  	[sflag:s30] =	ssyncadd.s32 $0xFFFFF000  }
0xc5: {  	_ =	swait.ge [sflag:s30], $0x1000  }
0xc6: {  	s5 =	smov.u32 s1;
	[sflag:s30] =	ssyncset.done $0x0  }
0xc7: {  	s0 =	sadd.s32 $0x100, s0;
	s1 =	sadd.s32 $0x2000, s1;
	[sflag:s30] =	ssyncadd.s32 $0xFFFFF000  }
0xc8: {  	[hbm4b:s5+s2] =	stream.linear.scatter [tilespmem:s8], [sflag:$0x2], $0x10000, $0x38;
	[tilespmem:$0x10800] =	vst v63  }
0xc9: {  	_ =	swait.ge [sflag:s6], $0x10000  }
0xca: {  	s1 =	rddreg [dreg:$0xe]  }
0xcb: {  	s0 =	rddreg [dreg:$0xc];
	s1 =	sadd.s32 $0x1, s1  }
0xcc: {  	p0 =	sne.s32 s1, s0  }
.Ltmp1:
0xcd: {  	_ = 	snop;
	(pc) =	sbr.rel @p0 .LBB2_1-.Ltmp1, $3  }
0xce: {  	_ =	sdelay $0x1  }
0xcf: {  	[sflag:s6] =	ssyncset.done $0x0  }
0xd0: {  	[sflag:s6] =	ssyncadd.s32 $0xFFFF0000  }
0xd1: {  	_ =	sfence.sel $0x180000  }
0xd2: {  	[bflag:$0x0] =	sbarrier.arrive $0xFFFF  }
0xd3: {  	_ =	strace $0x90000047  }
0xd4: {  	s0 =	stileid.u32;
	[bflag:$0x2] =	sbarrier.arrive $0xFFFF  }
0xd5: {  	p0 =	sne.s32 s0, $0x0;
	s0 =	rddreg [dreg:$0x1]  }
0xd6: {  	s0 =	sadd.s32 @!p0 $0x100000, s0  }
0xd7: {  	[sflag:s0] =	ssyncadd.tile.s32 @!p0 $0x1;
	_ =	shalt  }
.Lfunc_end2:
_tile_overlayer_lowered:
.L_overlay_start_2:
0xd8: {  	(tag) =	ssettag $0x2  }
0xd9: {  	s0 =	rddreg [dreg:$0x0];
	s2 =	stileid.u32  }
0xda: {  	s1 =	rddreg [dreg:$0x1];
	p0 =	sne.s32 s2, $0x0  }
0xdb: {  	s3 =	rddreg [dreg:$0x2];
	[bflag:$0x3] =	sbarrier.arrive $0xFFFF;
	s2 =	simm.s32 @!p0 $0x1C02  }
0xdc: {  	[timem:s3], [sflag:s2] =	dma.local @!p0 [hbm:s0], s1  }
0xdd: {  	s0 =	simm.s32 @!p0 $0x2  }
0xde: {  	_ =	swait.ge @!p0 [sflag:s0], s1  }
0xdf: {  	s1 =	ssub.s32 @!p0 $0x0, s1;
	[sflag:s0] =	ssyncset.done @!p0 $0x0  }
0xe0: {  	[sflag:s0] =	ssyncadd.s32 @!p0 s1  }
0xe1: {  	[bflag:$0x3] =	sbarrier.arrive $0xFFFF  }
0xe2: {  	_ =	shalt  }

// kernel: _forward.13.cloned.1.call-start
scs
__scs_entry_jumppad:
0x0: {  	(pc) =	sbr.rel $0x88, $3  }
0x1: {  	(tag) =	ssettag $0x0;
	lr =	simm.s32 $0x1  }
0x2: {  	[smem:$0x3F39] =	sst lr;
	_ =	strace $0xD0000000  }
0x3: {  	_ = 	snop  }
0x4: {  	_ = 	snop  }
0x5: {  	_ = 	snop  }
0x6: {  	_ = 	snop  }
0x7: {  	_ = 	snop  }
__scs_overlays_trampoline_lowered:
0x8: {  	[smem:$0x3F48] =	sst s0  }
0x9: {  	[smem:$0x3F49] =	sst s1  }
0xa: {  	[smem:$0x3F4A] =	sst s2  }
0xb: {  	[smem:$0x3F4B] =	sst s3  }
0xc: {  	[smem:$0x3F4C] =	sst s4  }
0xd: {  	[smem:$0x3F4D] =	sst s5  }
0xe: {  	[smem:$0x3F4E] =	sst s6  }
0xf: {  	[smem:$0x3F4F] =	sst s7  }
0x10: {  	[smem:$0x3F50] =	sst s8  }
0x11: {  	[smem:$0x3F51] =	sst s9;
	s0 =	simm.s32 @!p0 $0x0  }
0x12: {  	s1 =	sld [smem:$0x3F37];
	s0 =	simm.s32 @p0 $0x1  }
0x13: {  	[smem:$0x3F52] =	sst s0;
	s0 =	simm.s32 @!p1 $0x0  }
0x14: {  	s2 =	sld [smem:$0x3F36];
	s0 =	simm.s32 @p1 $0x1  }
0x15: {  	[smem:$0x3F53] =	sst s0;
	s0 =	simm.s32 @!p2 $0x0  }
0x16: {  	s3 =	sld [smem:$0x3FDB];
	s0 =	simm.s32 @p2 $0x1  }
0x17: {  	s4 =	simm.s32 $0x1BF5;
	[smem:$0x3F55] =	sst s0  }
0x18: {  	s0 =	sld [smem:$0x3F38];
	_ =	swait.ge [sflag:s4], $0x0  }
0x19: {  	s7 =	sld [smem:$0x3F39]  }
0x1a: {  	s8 =	sadd.s32 $0xFFFFE003, lr  }
0x1b: {  	s9 =	sadd.s32 $0xFFFFFEF7, lr;
	s5 =	simm.s32 $0xFFFFFFFF;
	p2 =	slt.u32 s8, $0xFFFFF086  }
0x1c: {  	p1 =	slt.u32 s9, $0xF7A;
	s5 =	simm.s32 @!p2 $0x0  }
0x1d: {  	s5 =	simm.s32 @p1 $0x1;
	p0 =	seq.s32 s7, s2  }
0x1e: {  	s7 =	smul.u32 @!p0 $0xF7A, s2;
	p2 =	seq.s32 @!p0 s5, $0x0  }
0x1f: {  	s9 =	smul.u32 $0xF7A, s1;
	s8 =	simm.s32 @!p0 $0x1BF5;
	p2 =	por !p2, p0  }
0x20: {  	[sflag:s8] =	ssyncset.s32 @!p0 $0xFFFFF086;
	s6 =	sadd.s32 @!p0 s3, s7;
	s7 =	simm.s32 @!p0 $0x108  }
0x21: {  	s3 =	sadd.s32 s3, s9;
	s6 =	sadd.s32 @!p0 $0x88, s6;
	s7 =	simm.s32 @p2 $0x1082  }
0x22: {  	[simem:s7], [sflag:s8] =	dma.local @!p0 [hbm:s6], $0xF7A  }
0x23: {  	s9 =	sor.u32 $0xD0000000, s2;
	s6 =	simm.s32 $0x108;
	_ =	swait.ge @!p0 [sflag:s8], $0x0  }
0x24: {  	s3 =	sadd.s32 $0x88, s3;
	s6 =	simm.s32 @!p1 $0x1082;
	[sflag:s4] =	ssyncset.s32 $0xFFFFF086  }
0x25: {  	[simem:s6], [sflag:s4] =	dma.local [hbm:s3], $0xF7A  }
0x26: {  	[smem:$0x3F39] =	sst s1;
	(tag) =	ssettag s2;
	_ =	strace s9  }
0x27: {  	s1 =	sld [smem:$0x3F49]  }
0x28: {  	s2 =	sld [smem:$0x3F4A]  }
0x29: {  	s4 =	sld [smem:$0x3F4C]  }
0x2a: {  	p0 =	seq.s32 s5, $0x0;
	s5 =	sld [smem:$0x3F4D]  }
0x2b: {  	s6 =	sld [smem:$0x3F4E]  }
0x2c: {  	s7 =	sld [smem:$0x3F4F]  }
0x2d: {  	s3 =	simm.s32 $0x108;
	s8 =	sld [smem:$0x3F50]  }
0x2e: {  	s3 =	simm.s32 @!p0 $0x1082;
	s9 =	sld [smem:$0x3F51]  }
0x2f: {  	lr =	sadd.s32 s0, s3;
	s0 =	sld [smem:$0x3F48]  }
0x30: {  	s3 =	sld [smem:$0x3F4B]  }
0x31: {  	[smem:$0x3F54] =	sst s10  }
0x32: {  	s10 =	sld [smem:$0x3F52];
	_ =	sdelay $0x3  }
0x33: {  	p0 =	seq.s32 s10, $0x1;
	s10 =	sld [smem:$0x3F54];
	_ =	sdelay $0x3  }
0x34: {  	[smem:$0x3F54] =	sst s10  }
0x35: {  	s10 =	sld [smem:$0x3F53];
	_ =	sdelay $0x3  }
0x36: {  	p1 =	seq.s32 s10, $0x1;
	s10 =	sld [smem:$0x3F54];
	_ =	sdelay $0x3  }
0x37: {  	[smem:$0x3F54] =	sst s10  }
0x38: {  	s10 =	sld [smem:$0x3F55]  }
0x39: {  	_ = 	snop;
	(pc) =	sbr.ind lr, $3  }
0x3a: {  	_ = 	snop  }
0x3b: {  	_ = 	snop  }
0x3c: {  	p2 =	seq.s32 s10, $0x1;
	s10 =	sld [smem:$0x3F54]  }
0x3d: {  	_ =	shalt  }
0x3e: {  	_ =	shalt  }
0x3f: {  	_ =	shalt  }
0x40: {  	_ =	shalt  }
0x41: {  	_ =	shalt  }
0x42: {  	_ =	shalt  }
0x43: {  	_ =	shalt  }
0x44: {  	_ =	shalt  }
0x45: {  	_ =	shalt  }
0x46: {  	_ =	shalt  }
0x47: {  	_ =	shalt  }
0x48: {  	_ =	shalt  }
0x49: {  	_ =	shalt  }
0x4a: {  	_ =	shalt  }
0x4b: {  	_ =	shalt  }
0x4c: {  	_ =	shalt  }
0x4d: {  	_ =	shalt  }
0x4e: {  	_ =	shalt  }
0x4f: {  	_ =	shalt  }
0x50: {  	_ =	shalt  }
0x51: {  	_ =	shalt  }
0x52: {  	_ =	shalt  }
0x53: {  	_ =	shalt  }
0x54: {  	_ =	shalt  }
0x55: {  	_ =	shalt  }
0x56: {  	_ =	shalt  }
0x57: {  	_ =	shalt  }
0x58: {  	_ =	shalt  }
0x59: {  	_ =	shalt  }
0x5a: {  	_ =	shalt  }
0x5b: {  	_ =	shalt  }
0x5c: {  	_ =	shalt  }
0x5d: {  	_ =	shalt  }
0x5e: {  	_ =	shalt  }
0x5f: {  	_ =	shalt  }
0x60: {  	_ =	shalt  }
0x61: {  	_ =	shalt  }
0x62: {  	_ =	shalt  }
0x63: {  	_ =	shalt  }
0x64: {  	_ =	shalt  }
0x65: {  	_ =	shalt  }
0x66: {  	_ =	shalt  }
0x67: {  	_ =	shalt  }
0x68: {  	_ =	shalt  }
0x69: {  	_ =	shalt  }
0x6a: {  	_ =	shalt  }
0x6b: {  	_ =	shalt  }
0x6c: {  	_ =	shalt  }
0x6d: {  	_ =	shalt  }
0x6e: {  	_ =	shalt  }
0x6f: {  	_ =	shalt  }
0x70: {  	_ =	shalt  }
0x71: {  	_ =	shalt  }
0x72: {  	_ =	shalt  }
0x73: {  	_ =	shalt  }
0x74: {  	_ =	shalt  }
0x75: {  	_ =	shalt  }
0x76: {  	_ =	shalt  }
0x77: {  	_ =	shalt  }
0x78: {  	_ =	shalt  }
0x79: {  	_ =	shalt  }
0x7a: {  	_ =	shalt  }
0x7b: {  	_ =	shalt  }
0x7c: {  	_ =	shalt  }
0x7d: {  	_ =	shalt  }
0x7e: {  	_ =	shalt  }
0x7f: {  	_ =	shalt  }
0x80: {  	_ =	shalt  }
0x81: {  	_ =	shalt  }
0x82: {  	_ =	shalt  }
0x83: {  	_ =	shalt  }
0x84: {  	_ =	shalt  }
0x85: {  	_ =	shalt  }
0x86: {  	_ =	shalt  }
0x87: {  	_ =	shalt  }
.Lfunc_end0:
.L_simem_size_0:
called_computation.4_lowered:
.L_overlay_start_0:
0x88: {  	s2 =	sld [smem:$0x3FD9]  }
0x89: {  	s3 =	sld [smem:$0x3FFE];
	_ =	sdelay $0x1  }
0x8a: {  	s1 =	srdreg.scid  }
0x8b: {  	s0 =	sand.u32 $0x1, s1  }
0x8c: {  	s17 =	sshll.u32 s0, $0xA;
	s2 =	sadd.s32 s3, s2  }
0x8d: {  	s2 =	sadd.s32 s2, s17  }
0x8e: {  	[smem:$0x3F60] =	sst s2  }
0x8f: {  	_ = 	snop  }
0x90: {  	(tm) =	ssettm $0x1  }
0x91: {  	s18 =	sld [smem:$0x3FFB];
	_ =	sdelay $0x3  }
0x92: {  	_ =	strace s18  }
0x93: {  	s2 =	sld [smem:$0x3FFC];
	_ =	sdelay $0x3  }
0x94: {  	_ =	strace s2  }
0x95: {  	s2 =	sld [smem:$0x3FFD];
	_ =	sdelay $0x3  }
0x96: {  	_ =	strace s2  }
0x97: {  	_ =	strace $0x8FFFFFFF  }
0x98: {  	s19 =	sld [smem:$0x3FDB];
	_ =	sdelay $0x1  }
0x99: {  	s20 =	simm.s32 $_scs_section_size  }
0x9a: {  	s4 =	simm.s32 $_size__tile_overlayer_lowered;
	s5 =	simm.s32 $_tile_overlayer_lowered  }
0x9b: {  	s6 =	simm.s32 $0x1BFF;
	s21 =	sshll.u32 s5, $0x1;
	s3 =	sadd.s32 s20, s19  }
0x9c: {  	s22 =	simm.s32 $0x0;
	s4 =	sshll.u32 s4, $0x1;
	s5 =	sadd.s32 s21, s3  }
0x9d: {  	[timem:s22], [sflag:s6] =	dma.local [hbm:s5], s4  }
0x9e: {  	_ =	swait.ge [sflag:s6], s4  }
0x9f: {  	s4 =	ssub.s32 $0x0, s4;
	[sflag:s6] =	ssyncset.done $0x0  }
0xa0: {  	[sflag:s6] =	ssyncadd.s32 s4;
	_ =	sdelay $0x1  }
0xa1: {  	s23 =	simm.s32 $0x1B8B  }
0xa2: {  	_ =	swait.ge [sflag:s23], $0x1  }
0xa3: {  	[sflag:s23] =	ssyncset.done $0x0  }
0xa4: {  	[sflag:s23] =	ssyncadd.s32 $0xFFFFFFFF  }
0xa5: {  	s4 =	sld [smem:$0x0]  }
0xa6: {  	s5 =	sand.u32 $0xFFFFFFFE, s1  }
0xa7: {  	p0 =	sne.s32 s1, s5  }
0xa8: {  	s5 =	sshll.u32 @p0 s5, $0xE  }
0xa9: {  	s5 =	sadd.s32 @p0 $0x11B8D, s5;
	s6 =	sshll.u32 @p0 s4, $0x11  }
0xaa: {  	s5 =	sor.u32 @p0 s6, s5  }
0xab: {  	[sflag:s5] =	ssyncadd.remote.s32 @p0 $0x1;
	_ =	sdelay $0x1  }
0xac: {  	s5 =	simm.s32 @p0 $0x1B8D  }
0xad: {  	_ =	swait.eq @p0 [sflag:s5], $0x1  }
0xae: {  	[sflag:s5] =	ssyncadd.s32 @p0 $0xFFFFFFFF  }
0xaf: {  	s6 =	sshll.u32 @!p0 s1, $0xE  }
0xb0: {  	s6 =	sor.u32 @!p0 $0x4000, s6;
	s5 =	simm.s32 @!p0 $0x1B8D  }
0xb1: {  	s4 =	sshll.u32 @!p0 s4, $0x11;
	s6 =	sadd.s32 @!p0 $0x11B8D, s6;
	_ =	swait.eq @!p0 [sflag:s5], $0x1  }
0xb2: {  	s4 =	sor.u32 @!p0 s4, s6;
	[sflag:s5] =	ssyncadd.s32 @!p0 $0xFFFFFFFF  }
0xb3: {  	s25 =	simm.s32 $0x1B8E;
	s24 =	sld [smem:$0x3FFE];
	[sflag:s4] =	ssyncadd.remote.s32 @!p0 $0x1  }
0xb4: {  	s26 =	simm.s32 $execute0_lowered;
	[smem:$0x3FD2] =	sst s25  }
0xb5: {  	s5 =	sshll.u32 s26, $0x1;
	_ =	strace $0x80000049;
	[dreg:$0x1] =	wrdreg $0xFFFFFFFF  }
0xb6: {  	s28 =	simm.s32 $_size_execute0_lowered;
	s3 =	sadd.s32 s3, s5;
	[dreg:$0x0] =	wrdreg $0x0  }
0xb7: {  	s5 =	sshll.u32 s28, $0x1;
	[dreg:$0x2] =	wrdreg s3  }
0xb8: {  	[dreg:$0x3] =	wrdreg s5  }
0xb9: {  	[dreg:$0x4] =	wrdreg $0xC0  }
0xba: {  	_ =	task [dreg:s22], $0x5FFFF  }
0xbb: {  	[dreg:$0x1] =	wrdreg $0xFFFFFFFF  }
0xbc: {  	[dreg:$0x0] =	wrdreg $0x60  }
0xbd: {  	[dreg:$0x2] =	wrdreg s24  }
0xbe: {  	[dreg:$0x3] =	wrdreg $0xB  }
0xbf: {  	_ =	task.clear_ibuf [dreg:s22], $0x4FFFF;
	_ =	strace $0x90000049  }
0xc0: {  	s29 =	simm.s32 $0xB;
	_ =	strace $0x8000004B  }
0xc1: {  	_ =	swait.ge [sflag:s29], $0x1  }
0xc2: {  	[sflag:s29] =	ssyncadd.s32 $0xFFFFFFFF  }
0xc3: {  	_ =	strace $0x9000004B  }
0xc4: {  	_ =	sfence  }
0xc5: {  	s30 =	sld [smem:$0x0];
	_ =	sdelay $0x2  }
0xc6: {  	s31 =	sshll.u32 s1, $0xD;
	s1 =	sshrl.u32 s1, $0x2  }
0xc7: {  	s4 =	sand.u32 $0x4000, s31;
	s1 =	sadd.s32 s1, s30  }
0xc8: {  	s0 =	sor.u32 s4, s0;
	s1 =	sshll.u32 s1, $0x11  }
0xc9: {  	s0 =	sor.u32 s1, s0  }
0xca: {  	s0 =	sadd.s32 $0x8F2B, s0  }
0xcb: {  	[sflag:s0] =	ssyncadd.remote.s32 $0x1  }
0xcc: {  	_ =	sfence.sel $0xFFFF  }
0xcd: {  	[dreg:$0x0] =	wrdreg $0xFFFFFFFF;
	(pc) =	sbr.abs _section_cstart, $3  }
0xce: {  	[dreg:$0x1] =	wrdreg $0xFFFFFFFF  }
0xcf: {  	_ =	task.clear_ibuf [dreg:s22], $0x2FFFF;
	_ =	strace $0x9FFFFFFF  }
0xd0: {  	(tm) =	ssettm $0x7FFFFFFF  }
0xd1: {  	_ =	shalt  }
tec
execute0_lowered:
.L_overlay_start_1:
0x0: {  	(tag) =	ssettag $0x1  }
0x1: {  	s4 =	rddreg [dreg:$0x0]  }
0x2: {  	s0 =	rddreg [dreg:$0x1]  }
0x3: {  	s2 =	simm.s32 $0x0;
	s1 =	stileid.u32;
	s5 =	srdreg.scid  }
0x4: {  	s10 =	simm.s32 $0x2400;
	s11 =	simm.s32 $0x100;
	s12 =	simm.s32 $0x4400  }
0x5: {  	s13 =	simm.s32 $0x180;
	s14 =	simm.s32 $0x6400;
	s15 =	simm.s32 $0x200  }
0x6: {  	s16 =	simm.s32 $0x8400;
	s17 =	simm.s32 $0x280;
	s18 =	simm.s32 $0xA400  }
0x7: {  	s19 =	simm.s32 $0x300;
	s20 =	simm.s32 $0xC400;
	s21 =	simm.s32 $0x380  }
0x8: {  	s22 =	simm.s32 $0xE400;
	s23 =	simm.s32 $0x1;
	s24 =	simm.s32 $0x0  }
0x9: {  	[smem:$0x7FF] =	sst s2;
	s3 =	sadd.s32 $0x921E00, s4;
	s6 =	sshll.u32 s1, $0xC  }
0xa: {  	s7 =	sshll.u32 s1, $0x12;
	s5 =	sand.u32 $0x1, s5;
	_ =	strace $0x8000004A  }
0xb: {  	s6 =	sadd.s32 s6, s4;
	s4 =	sadd.s32 s7, s4;
	s30 =	ssub.s32 $0x2, s5  }
0xc: {  	s9 =	sshll.u32 s5, $0xB;
	s5 =	sshll.u32 s5, $0x11;
	s8 =	sshrl.u32 s30, $0x1  }
0xd: {  	s6 =	sadd.s32 s9, s6;
	s31 =	sadd.s32 s5, s4;
	s9 =	simm.s32 $0x400  }
0xe: {  	s7 =	ssub.s32 s30, s8;
	s5 =	sadd.s32 $0x219E00, s6;
	s6 =	sadd.s32 $0x941E00, s31  }
0xf: {  	s8 =	simm.s32 $0x80;
	s4 =	smax.u32 s7, $0x1;
	s7 =	simm.s32 $0x2  }
.LBB2_1:
0x10: {  	s25 =	sadd.s32 $0x0, s5  }
0x11: {  	[tilespmem:s2], [sflag:$0x2] =	stream.linear.gather [hbm4b:s25+s2], $0x400, $0x38;
	[tilespmem:$0x10400] =	vst v63  }
0x12: {  	_ =	swait.ge [sflag:s7], $0x400  }
0x13: {  	[sflag:s7] =	ssyncset.done $0x0  }
0x14: {  	[sflag:s7] =	ssyncadd.s32 $0xFFFFFC00  }
0x15: {  	[tilespmem:s9], [sflag:$0x1] =	stream.indirect.gather [hbm4b:s3+s8], $0x40, s2, s8, $0xb8;
	[tilespmem:$0x10400] =	vst v63  }
0x16: {  	_ = 	snop  }
0x17: {  	[tilespmem:s10], [sflag:$0x1] =	stream.indirect.gather [hbm4b:s3+s8], $0x40, s8, s8, $0xb8;
	[tilespmem:$0x10400] =	vst v63  }
0x18: {  	_ = 	snop  }
0x19: {  	[tilespmem:s12], [sflag:$0x1] =	stream.indirect.gather [hbm4b:s3+s8], $0x40, s11, s8, $0xb8;
	[tilespmem:$0x10400] =	vst v63  }
0x1a: {  	_ = 	snop  }
0x1b: {  	[tilespmem:s14], [sflag:$0x1] =	stream.indirect.gather [hbm4b:s3+s8], $0x40, s13, s8, $0xb8;
	[tilespmem:$0x10400] =	vst v63  }
0x1c: {  	_ = 	snop  }
0x1d: {  	[tilespmem:s16], [sflag:$0x1] =	stream.indirect.gather [hbm4b:s3+s8], $0x40, s15, s8, $0xb8;
	[tilespmem:$0x10400] =	vst v63  }
0x1e: {  	_ = 	snop  }
0x1f: {  	[tilespmem:s18], [sflag:$0x1] =	stream.indirect.gather [hbm4b:s3+s8], $0x40, s17, s8, $0xb8;
	[tilespmem:$0x10400] =	vst v63  }
0x20: {  	_ = 	snop  }
0x21: {  	[tilespmem:s20], [sflag:$0x1] =	stream.indirect.gather [hbm4b:s3+s8], $0x40, s19, s8, $0xb8;
	[tilespmem:$0x10400] =	vst v63  }
0x22: {  	_ = 	snop  }
0x23: {  	[tilespmem:s22], [sflag:$0x1] =	stream.indirect.gather [hbm4b:s3+s8], $0x40, s21, s8, $0xb8;
	[tilespmem:$0x10400] =	vst v63  }
0x24: {  	_ =	swait.ge [sflag:s23], $0x2000  }
0x25: {  	[sflag:s23] =	ssyncset.done $0x0  }
0x26: {  	[sflag:s23] =	ssyncadd.s32 $0xFFFFE000  }
0x27: {  	_ =	swait.ge [sflag:s23], $0x2000  }
0x28: {  	[sflag:s23] =	ssyncset.done $0x0  }
0x29: {  	[sflag:s23] =	ssyncadd.s32 $0xFFFFE000  }
0x2a: {  	_ =	swait.ge [sflag:s23], $0x2000  }
0x2b: {  	[sflag:s23] =	ssyncset.done $0x0  }
0x2c: {  	[sflag:s23] =	ssyncadd.s32 $0xFFFFE000  }
0x2d: {  	_ =	swait.ge [sflag:s23], $0x2000  }
0x2e: {  	[sflag:s23] =	ssyncset.done $0x0  }
0x2f: {  	[sflag:s23] =	ssyncadd.s32 $0xFFFFE000  }
0x30: {  	_ =	swait.ge [sflag:s23], $0x2000  }
0x31: {  	[sflag:s23] =	ssyncset.done $0x0  }
0x32: {  	[sflag:s23] =	ssyncadd.s32 $0xFFFFE000  }
0x33: {  	_ =	swait.ge [sflag:s23], $0x2000  }
0x34: {  	[sflag:s23] =	ssyncset.done $0x0  }
0x35: {  	[sflag:s23] =	ssyncadd.s32 $0xFFFFE000  }
0x36: {  	_ =	swait.ge [sflag:s23], $0x2000  }
0x37: {  	[sflag:s23] =	ssyncset.done $0x0  }
0x38: {  	[sflag:s23] =	ssyncadd.s32 $0xFFFFE000  }
0x39: {  	_ =	swait.ge [sflag:s23], $0x2000  }
0x3a: {  	[sflag:s23] =	ssyncset.done $0x0  }
0x3b: {  	[sflag:s23] =	ssyncadd.s32 $0xFFFFE000  }
0x3c: {  	[hbm4b:s6+s2] =	stream.linear.scatter [tilespmem:s9], [sflag:$0x2], $0x10000, $0x38;
	[tilespmem:$0x10400] =	vst v63  }
0x3d: {  	s26 =	simm.s32 $0x80;
	_ =	swait.ge [sflag:s7], $0x10000  }
0x3e: {  	s29 =	simm.s32 $0x100;
	s25 =	sadd.s32 $0x2000, s6;
	[sflag:s7] =	ssyncset.done $0x0  }
.LBB2_2:
0x3f: {  	s30 =	sadd.s32 s26, s5  }
0x40: {  	[sflag:s7] =	ssyncadd.s32 $0xFFFF0000;
	s26 =	smov.u32 s29;
	s28 =	sadd.s32 $0x80, s29  }
0x41: {  	[tilespmem:s2], [sflag:$0x2] =	stream.linear.gather [hbm4b:s30+s2], $0x400, $0x38;
	[tilespmem:$0x10400] =	vst v63  }
0x42: {  	p0 =	sne.s32 s29, $0x780;
	_ =	swait.ge [sflag:s7], $0x400  }
0x43: {  	[sflag:s7] =	ssyncset.done $0x0  }
0x44: {  	[sflag:s7] =	ssyncadd.s32 $0xFFFFFC00  }
0x45: {  	[tilespmem:s9], [sflag:$0x1] =	stream.indirect.gather [hbm4b:s3+s8], $0x40, s2, s8, $0xb8;
	[tilespmem:$0x10400] =	vst v63  }
0x46: {  	_ = 	snop  }
0x47: {  	[tilespmem:s10], [sflag:$0x1] =	stream.indirect.gather [hbm4b:s3+s8], $0x40, s8, s8, $0xb8;
	[tilespmem:$0x10400] =	vst v63  }
0x48: {  	_ = 	snop  }
0x49: {  	[tilespmem:s12], [sflag:$0x1] =	stream.indirect.gather [hbm4b:s3+s8], $0x40, s11, s8, $0xb8;
	[tilespmem:$0x10400] =	vst v63  }
0x4a: {  	_ = 	snop  }
0x4b: {  	[tilespmem:s14], [sflag:$0x1] =	stream.indirect.gather [hbm4b:s3+s8], $0x40, s13, s8, $0xb8;
	[tilespmem:$0x10400] =	vst v63  }
0x4c: {  	_ = 	snop  }
0x4d: {  	[tilespmem:s16], [sflag:$0x1] =	stream.indirect.gather [hbm4b:s3+s8], $0x40, s15, s8, $0xb8;
	[tilespmem:$0x10400] =	vst v63  }
0x4e: {  	_ = 	snop  }
0x4f: {  	[tilespmem:s18], [sflag:$0x1] =	stream.indirect.gather [hbm4b:s3+s8], $0x40, s17, s8, $0xb8;
	[tilespmem:$0x10400] =	vst v63  }
0x50: {  	_ = 	snop  }
0x51: {  	[tilespmem:s20], [sflag:$0x1] =	stream.indirect.gather [hbm4b:s3+s8], $0x40, s19, s8, $0xb8;
	[tilespmem:$0x10400] =	vst v63  }
0x52: {  	_ = 	snop  }
0x53: {  	[tilespmem:s22], [sflag:$0x1] =	stream.indirect.gather [hbm4b:s3+s8], $0x40, s21, s8, $0xb8;
	[tilespmem:$0x10400] =	vst v63  }
0x54: {  	_ =	swait.ge [sflag:s23], $0x2000  }
0x55: {  	[sflag:s23] =	ssyncset.done $0x0  }
0x56: {  	[sflag:s23] =	ssyncadd.s32 $0xFFFFE000  }
0x57: {  	_ =	swait.ge [sflag:s23], $0x2000  }
0x58: {  	[sflag:s23] =	ssyncset.done $0x0  }
0x59: {  	[sflag:s23] =	ssyncadd.s32 $0xFFFFE000  }
0x5a: {  	_ =	swait.ge [sflag:s23], $0x2000  }
0x5b: {  	[sflag:s23] =	ssyncset.done $0x0  }
0x5c: {  	[sflag:s23] =	ssyncadd.s32 $0xFFFFE000  }
0x5d: {  	_ =	swait.ge [sflag:s23], $0x2000  }
0x5e: {  	[sflag:s23] =	ssyncset.done $0x0  }
0x5f: {  	[sflag:s23] =	ssyncadd.s32 $0xFFFFE000  }
0x60: {  	_ =	swait.ge [sflag:s23], $0x2000  }
0x61: {  	[sflag:s23] =	ssyncset.done $0x0  }
0x62: {  	[sflag:s23] =	ssyncadd.s32 $0xFFFFE000  }
0x63: {  	_ =	swait.ge [sflag:s23], $0x2000  }
0x64: {  	[sflag:s23] =	ssyncset.done $0x0  }
0x65: {  	[sflag:s23] =	ssyncadd.s32 $0xFFFFE000  }
0x66: {  	_ =	swait.ge [sflag:s23], $0x2000  }
0x67: {  	[sflag:s23] =	ssyncset.done $0x0  }
0x68: {  	[sflag:s23] =	ssyncadd.s32 $0xFFFFE000  }
0x69: {  	_ =	swait.ge [sflag:s23], $0x2000  }
.Ltmp0:
0x6a: {  	[sflag:s23] =	ssyncset.done $0x0;
	(pc) =	sbr.rel @p0 .LBB2_2-.Ltmp0, $4  }
0x6b: {  	[sflag:s23] =	ssyncadd.s32 $0xFFFFE000  }
0x6c: {  	[hbm4b:s25+s2] =	stream.linear.scatter [tilespmem:s9], [sflag:$0x2], $0x10000, $0x38;
	[tilespmem:$0x10400] =	vst v63  }
0x6d: {  	_ =	swait.ge [sflag:s7], $0x10000  }
0x6e: {  	s29 =	smov.u32 s28;
	s25 =	sadd.s32 $0x2000, s25;
	[sflag:s7] =	ssyncset.done $0x0  }
0x6f: {  	s26 =	sadd.s32 s26, s5;
	[sflag:s7] =	ssyncadd.s32 $0xFFFF0000  }
0x70: {  	[tilespmem:s2], [sflag:$0x2] =	stream.linear.gather [hbm4b:s26+s2], $0x400, $0x38;
	[tilespmem:$0x10400] =	vst v63  }
0x71: {  	_ =	swait.ge [sflag:s7], $0x400  }
0x72: {  	[sflag:s7] =	ssyncset.done $0x0  }
0x73: {  	[sflag:s7] =	ssyncadd.s32 $0xFFFFFC00  }
0x74: {  	[tilespmem:s9], [sflag:$0x1] =	stream.indirect.gather [hbm4b:s3+s8], $0x40, s2, s8, $0xb8;
	[tilespmem:$0x10400] =	vst v63  }
0x75: {  	_ = 	snop  }
0x76: {  	[tilespmem:s10], [sflag:$0x1] =	stream.indirect.gather [hbm4b:s3+s8], $0x40, s8, s8, $0xb8;
	[tilespmem:$0x10400] =	vst v63  }
0x77: {  	_ = 	snop  }
0x78: {  	[tilespmem:s12], [sflag:$0x1] =	stream.indirect.gather [hbm4b:s3+s8], $0x40, s11, s8, $0xb8;
	[tilespmem:$0x10400] =	vst v63  }
0x79: {  	_ = 	snop  }
0x7a: {  	[tilespmem:s14], [sflag:$0x1] =	stream.indirect.gather [hbm4b:s3+s8], $0x40, s13, s8, $0xb8;
	[tilespmem:$0x10400] =	vst v63  }
0x7b: {  	_ = 	snop  }
0x7c: {  	[tilespmem:s16], [sflag:$0x1] =	stream.indirect.gather [hbm4b:s3+s8], $0x40, s15, s8, $0xb8;
	[tilespmem:$0x10400] =	vst v63  }
0x7d: {  	_ = 	snop  }
0x7e: {  	[tilespmem:s18], [sflag:$0x1] =	stream.indirect.gather [hbm4b:s3+s8], $0x40, s17, s8, $0xb8;
	[tilespmem:$0x10400] =	vst v63  }
0x7f: {  	_ = 	snop  }
0x80: {  	[tilespmem:s20], [sflag:$0x1] =	stream.indirect.gather [hbm4b:s3+s8], $0x40, s19, s8, $0xb8;
	[tilespmem:$0x10400] =	vst v63  }
0x81: {  	_ = 	snop  }
0x82: {  	[tilespmem:s22], [sflag:$0x1] =	stream.indirect.gather [hbm4b:s3+s8], $0x40, s21, s8, $0xb8;
	[tilespmem:$0x10400] =	vst v63  }
0x83: {  	_ =	swait.ge [sflag:s23], $0x2000  }
0x84: {  	[sflag:s23] =	ssyncset.done $0x0  }
0x85: {  	[sflag:s23] =	ssyncadd.s32 $0xFFFFE000  }
0x86: {  	_ =	swait.ge [sflag:s23], $0x2000  }
0x87: {  	[sflag:s23] =	ssyncset.done $0x0  }
0x88: {  	[sflag:s23] =	ssyncadd.s32 $0xFFFFE000  }
0x89: {  	_ =	swait.ge [sflag:s23], $0x2000  }
0x8a: {  	[sflag:s23] =	ssyncset.done $0x0  }
0x8b: {  	[sflag:s23] =	ssyncadd.s32 $0xFFFFE000  }
0x8c: {  	_ =	swait.ge [sflag:s23], $0x2000  }
0x8d: {  	[sflag:s23] =	ssyncset.done $0x0  }
0x8e: {  	[sflag:s23] =	ssyncadd.s32 $0xFFFFE000  }
0x8f: {  	_ =	swait.ge [sflag:s23], $0x2000  }
0x90: {  	[sflag:s23] =	ssyncset.done $0x0  }
0x91: {  	[sflag:s23] =	ssyncadd.s32 $0xFFFFE000  }
0x92: {  	_ =	swait.ge [sflag:s23], $0x2000  }
0x93: {  	[sflag:s23] =	ssyncset.done $0x0  }
0x94: {  	[sflag:s23] =	ssyncadd.s32 $0xFFFFE000  }
0x95: {  	_ =	swait.ge [sflag:s23], $0x2000  }
0x96: {  	[sflag:s23] =	ssyncset.done $0x0  }
0x97: {  	[sflag:s23] =	ssyncadd.s32 $0xFFFFE000  }
0x98: {  	s24 =	sadd.s32 $0x1, s24;
	_ =	swait.ge [sflag:s23], $0x2000  }
0x99: {  	p0 =	sne.s32 s24, s4;
	[sflag:s23] =	ssyncset.done $0x0  }
.Ltmp1:
0x9a: {  	[sflag:s23] =	ssyncadd.s32 $0xFFFFE000;
	(pc) =	sbr.rel @p0 .LBB2_1-.Ltmp1, $4  }
0x9b: {  	[hbm4b:s25+s2] =	stream.linear.scatter [tilespmem:s9], [sflag:$0x2], $0x10000, $0x38;
	[tilespmem:$0x10400] =	vst v63  }
0x9c: {  	_ =	swait.ge [sflag:s7], $0x10000  }
0x9d: {  	[sflag:s7] =	ssyncset.done $0x0  }
0x9e: {  	[sflag:s7] =	ssyncadd.s32 $0xFFFF0000  }
0x9f: {  	_ =	sfence.sel $0x180000  }
0xa0: {  	[bflag:$0x0] =	sbarrier.arrive $0xFFFF  }
0xa1: {  	p0 =	sne.s32 s1, $0x0;
	_ =	strace $0x9000004A  }
0xa2: {  	s0 =	sadd.s32 @!p0 $0x100000, s0;
	[bflag:$0x2] =	sbarrier.arrive $0xFFFF  }
0xa3: {  	[sflag:s0] =	ssyncadd.tile.s32 @!p0 $0x1;
	_ =	shalt  }
.Lfunc_end2:
_tile_overlayer_lowered:
.L_overlay_start_2:
0xa4: {  	(tag) =	ssettag $0x2  }
0xa5: {  	s0 =	rddreg [dreg:$0x0];
	s2 =	stileid.u32  }
0xa6: {  	s1 =	rddreg [dreg:$0x1];
	p0 =	sne.s32 s2, $0x0  }
0xa7: {  	s3 =	rddreg [dreg:$0x2];
	[bflag:$0x3] =	sbarrier.arrive $0xFFFF;
	s2 =	simm.s32 @!p0 $0x1C02  }
0xa8: {  	[timem:s3], [sflag:s2] =	dma.local @!p0 [hbm:s0], s1  }
0xa9: {  	s0 =	simm.s32 @!p0 $0x2  }
0xaa: {  	_ =	swait.ge @!p0 [sflag:s0], s1  }
0xab: {  	s1 =	ssub.s32 @!p0 $0x0, s1;
	[sflag:s0] =	ssyncset.done @!p0 $0x0  }
0xac: {  	[sflag:s0] =	ssyncadd.s32 @!p0 s1  }
0xad: {  	[bflag:$0x3] =	sbarrier.arrive $0xFFFF  }
0xae: {  	_ =	shalt  }

// kernel: _forward.16.cloned.1.call-start
scs
__scs_entry_jumppad:
0x0: {  	(pc) =	sbr.rel $0x88, $3  }
0x1: {  	(tag) =	ssettag $0x0;
	lr =	simm.s32 $0x1  }
0x2: {  	[smem:$0x3F39] =	sst lr;
	_ =	strace $0xD0000000  }
0x3: {  	_ = 	snop  }
0x4: {  	_ = 	snop  }
0x5: {  	_ = 	snop  }
0x6: {  	_ = 	snop  }
0x7: {  	_ = 	snop  }
__scs_overlays_trampoline_lowered:
0x8: {  	[smem:$0x3F48] =	sst s0  }
0x9: {  	[smem:$0x3F49] =	sst s1  }
0xa: {  	[smem:$0x3F4A] =	sst s2  }
0xb: {  	[smem:$0x3F4B] =	sst s3  }
0xc: {  	[smem:$0x3F4C] =	sst s4  }
0xd: {  	[smem:$0x3F4D] =	sst s5  }
0xe: {  	[smem:$0x3F4E] =	sst s6  }
0xf: {  	[smem:$0x3F4F] =	sst s7  }
0x10: {  	[smem:$0x3F50] =	sst s8  }
0x11: {  	[smem:$0x3F51] =	sst s9;
	s0 =	simm.s32 @!p0 $0x0  }
0x12: {  	s1 =	sld [smem:$0x3F37];
	s0 =	simm.s32 @p0 $0x1  }
0x13: {  	[smem:$0x3F52] =	sst s0;
	s0 =	simm.s32 @!p1 $0x0  }
0x14: {  	s2 =	sld [smem:$0x3F36];
	s0 =	simm.s32 @p1 $0x1  }
0x15: {  	[smem:$0x3F53] =	sst s0;
	s0 =	simm.s32 @!p2 $0x0  }
0x16: {  	s3 =	sld [smem:$0x3FDB];
	s0 =	simm.s32 @p2 $0x1  }
0x17: {  	s4 =	simm.s32 $0x1BF5;
	[smem:$0x3F55] =	sst s0  }
0x18: {  	s0 =	sld [smem:$0x3F38];
	_ =	swait.ge [sflag:s4], $0x0  }
0x19: {  	s7 =	sld [smem:$0x3F39]  }
0x1a: {  	s8 =	sadd.s32 $0xFFFFE003, lr  }
0x1b: {  	s9 =	sadd.s32 $0xFFFFFEF7, lr;
	s5 =	simm.s32 $0xFFFFFFFF;
	p2 =	slt.u32 s8, $0xFFFFF086  }
0x1c: {  	p1 =	slt.u32 s9, $0xF7A;
	s5 =	simm.s32 @!p2 $0x0  }
0x1d: {  	s5 =	simm.s32 @p1 $0x1;
	p0 =	seq.s32 s7, s2  }
0x1e: {  	s7 =	smul.u32 @!p0 $0xF7A, s2;
	p2 =	seq.s32 @!p0 s5, $0x0  }
0x1f: {  	s9 =	smul.u32 $0xF7A, s1;
	s8 =	simm.s32 @!p0 $0x1BF5;
	p2 =	por !p2, p0  }
0x20: {  	[sflag:s8] =	ssyncset.s32 @!p0 $0xFFFFF086;
	s6 =	sadd.s32 @!p0 s3, s7;
	s7 =	simm.s32 @!p0 $0x108  }
0x21: {  	s3 =	sadd.s32 s3, s9;
	s6 =	sadd.s32 @!p0 $0x88, s6;
	s7 =	simm.s32 @p2 $0x1082  }
0x22: {  	[simem:s7], [sflag:s8] =	dma.local @!p0 [hbm:s6], $0xF7A  }
0x23: {  	s9 =	sor.u32 $0xD0000000, s2;
	s6 =	simm.s32 $0x108;
	_ =	swait.ge @!p0 [sflag:s8], $0x0  }
0x24: {  	s3 =	sadd.s32 $0x88, s3;
	s6 =	simm.s32 @!p1 $0x1082;
	[sflag:s4] =	ssyncset.s32 $0xFFFFF086  }
0x25: {  	[simem:s6], [sflag:s4] =	dma.local [hbm:s3], $0xF7A  }
0x26: {  	[smem:$0x3F39] =	sst s1;
	(tag) =	ssettag s2;
	_ =	strace s9  }
0x27: {  	s1 =	sld [smem:$0x3F49]  }
0x28: {  	s2 =	sld [smem:$0x3F4A]  }
0x29: {  	s4 =	sld [smem:$0x3F4C]  }
0x2a: {  	p0 =	seq.s32 s5, $0x0;
	s5 =	sld [smem:$0x3F4D]  }
0x2b: {  	s6 =	sld [smem:$0x3F4E]  }
0x2c: {  	s7 =	sld [smem:$0x3F4F]  }
0x2d: {  	s3 =	simm.s32 $0x108;
	s8 =	sld [smem:$0x3F50]  }
0x2e: {  	s3 =	simm.s32 @!p0 $0x1082;
	s9 =	sld [smem:$0x3F51]  }
0x2f: {  	lr =	sadd.s32 s0, s3;
	s0 =	sld [smem:$0x3F48]  }
0x30: {  	s3 =	sld [smem:$0x3F4B]  }
0x31: {  	[smem:$0x3F54] =	sst s10  }
0x32: {  	s10 =	sld [smem:$0x3F52];
	_ =	sdelay $0x3  }
0x33: {  	p0 =	seq.s32 s10, $0x1;
	s10 =	sld [smem:$0x3F54];
	_ =	sdelay $0x3  }
0x34: {  	[smem:$0x3F54] =	sst s10  }
0x35: {  	s10 =	sld [smem:$0x3F53];
	_ =	sdelay $0x3  }
0x36: {  	p1 =	seq.s32 s10, $0x1;
	s10 =	sld [smem:$0x3F54];
	_ =	sdelay $0x3  }
0x37: {  	[smem:$0x3F54] =	sst s10  }
0x38: {  	s10 =	sld [smem:$0x3F55]  }
0x39: {  	_ = 	snop;
	(pc) =	sbr.ind lr, $3  }
0x3a: {  	_ = 	snop  }
0x3b: {  	_ = 	snop  }
0x3c: {  	p2 =	seq.s32 s10, $0x1;
	s10 =	sld [smem:$0x3F54]  }
0x3d: {  	_ =	shalt  }
0x3e: {  	_ =	shalt  }
0x3f: {  	_ =	shalt  }
0x40: {  	_ =	shalt  }
0x41: {  	_ =	shalt  }
0x42: {  	_ =	shalt  }
0x43: {  	_ =	shalt  }
0x44: {  	_ =	shalt  }
0x45: {  	_ =	shalt  }
0x46: {  	_ =	shalt  }
0x47: {  	_ =	shalt  }
0x48: {  	_ =	shalt  }
0x49: {  	_ =	shalt  }
0x4a: {  	_ =	shalt  }
0x4b: {  	_ =	shalt  }
0x4c: {  	_ =	shalt  }
0x4d: {  	_ =	shalt  }
0x4e: {  	_ =	shalt  }
0x4f: {  	_ =	shalt  }
0x50: {  	_ =	shalt  }
0x51: {  	_ =	shalt  }
0x52: {  	_ =	shalt  }
0x53: {  	_ =	shalt  }
0x54: {  	_ =	shalt  }
0x55: {  	_ =	shalt  }
0x56: {  	_ =	shalt  }
0x57: {  	_ =	shalt  }
0x58: {  	_ =	shalt  }
0x59: {  	_ =	shalt  }
0x5a: {  	_ =	shalt  }
0x5b: {  	_ =	shalt  }
0x5c: {  	_ =	shalt  }
0x5d: {  	_ =	shalt  }
0x5e: {  	_ =	shalt  }
0x5f: {  	_ =	shalt  }
0x60: {  	_ =	shalt  }
0x61: {  	_ =	shalt  }
0x62: {  	_ =	shalt  }
0x63: {  	_ =	shalt  }
0x64: {  	_ =	shalt  }
0x65: {  	_ =	shalt  }
0x66: {  	_ =	shalt  }
0x67: {  	_ =	shalt  }
0x68: {  	_ =	shalt  }
0x69: {  	_ =	shalt  }
0x6a: {  	_ =	shalt  }
0x6b: {  	_ =	shalt  }
0x6c: {  	_ =	shalt  }
0x6d: {  	_ =	shalt  }
0x6e: {  	_ =	shalt  }
0x6f: {  	_ =	shalt  }
0x70: {  	_ =	shalt  }
0x71: {  	_ =	shalt  }
0x72: {  	_ =	shalt  }
0x73: {  	_ =	shalt  }
0x74: {  	_ =	shalt  }
0x75: {  	_ =	shalt  }
0x76: {  	_ =	shalt  }
0x77: {  	_ =	shalt  }
0x78: {  	_ =	shalt  }
0x79: {  	_ =	shalt  }
0x7a: {  	_ =	shalt  }
0x7b: {  	_ =	shalt  }
0x7c: {  	_ =	shalt  }
0x7d: {  	_ =	shalt  }
0x7e: {  	_ =	shalt  }
0x7f: {  	_ =	shalt  }
0x80: {  	_ =	shalt  }
0x81: {  	_ =	shalt  }
0x82: {  	_ =	shalt  }
0x83: {  	_ =	shalt  }
0x84: {  	_ =	shalt  }
0x85: {  	_ =	shalt  }
0x86: {  	_ =	shalt  }
0x87: {  	_ =	shalt  }
.Lfunc_end0:
.L_simem_size_0:
called_computation.5_lowered:
.L_overlay_start_0:
0x88: {  	s2 =	sld [smem:$0x3FD9]  }
0x89: {  	s3 =	sld [smem:$0x3FFE];
	_ =	sdelay $0x1  }
0x8a: {  	s1 =	srdreg.scid  }
0x8b: {  	s0 =	sand.u32 $0x1, s1  }
0x8c: {  	s17 =	sshll.u32 s0, $0xA;
	s2 =	sadd.s32 s3, s2  }
0x8d: {  	s2 =	sadd.s32 s2, s17  }
0x8e: {  	[smem:$0x3F60] =	sst s2  }
0x8f: {  	_ = 	snop  }
0x90: {  	(tm) =	ssettm $0x1  }
0x91: {  	s18 =	sld [smem:$0x3FFB];
	_ =	sdelay $0x3  }
0x92: {  	_ =	strace s18  }
0x93: {  	s2 =	sld [smem:$0x3FFC];
	_ =	sdelay $0x3  }
0x94: {  	_ =	strace s2  }
0x95: {  	s2 =	sld [smem:$0x3FFD];
	_ =	sdelay $0x3  }
0x96: {  	_ =	strace s2  }
0x97: {  	_ =	strace $0x8FFFFFFF  }
0x98: {  	s19 =	sld [smem:$0x3FDB];
	_ =	sdelay $0x1  }
0x99: {  	s20 =	simm.s32 $_scs_section_size  }
0x9a: {  	s4 =	simm.s32 $_size__tile_overlayer_lowered;
	s5 =	simm.s32 $_tile_overlayer_lowered  }
0x9b: {  	s6 =	simm.s32 $0x1BFF;
	s21 =	sshll.u32 s5, $0x1;
	s3 =	sadd.s32 s20, s19  }
0x9c: {  	s22 =	simm.s32 $0x0;
	s4 =	sshll.u32 s4, $0x1;
	s5 =	sadd.s32 s21, s3  }
0x9d: {  	[timem:s22], [sflag:s6] =	dma.local [hbm:s5], s4  }
0x9e: {  	_ =	swait.ge [sflag:s6], s4  }
0x9f: {  	s4 =	ssub.s32 $0x0, s4;
	[sflag:s6] =	ssyncset.done $0x0  }
0xa0: {  	[sflag:s6] =	ssyncadd.s32 s4;
	_ =	sdelay $0x1  }
0xa1: {  	s23 =	simm.s32 $0x1B8B  }
0xa2: {  	_ =	swait.ge [sflag:s23], $0x1  }
0xa3: {  	[sflag:s23] =	ssyncset.done $0x0  }
0xa4: {  	[sflag:s23] =	ssyncadd.s32 $0xFFFFFFFF  }
0xa5: {  	s4 =	sld [smem:$0x0]  }
0xa6: {  	s5 =	sand.u32 $0xFFFFFFFE, s1  }
0xa7: {  	p0 =	sne.s32 s1, s5  }
0xa8: {  	s5 =	sshll.u32 @p0 s5, $0xE  }
0xa9: {  	s5 =	sadd.s32 @p0 $0x11B8D, s5;
	s6 =	sshll.u32 @p0 s4, $0x11  }
0xaa: {  	s5 =	sor.u32 @p0 s6, s5  }
0xab: {  	[sflag:s5] =	ssyncadd.remote.s32 @p0 $0x1;
	_ =	sdelay $0x1  }
0xac: {  	s5 =	simm.s32 @p0 $0x1B8D  }
0xad: {  	_ =	swait.eq @p0 [sflag:s5], $0x1  }
0xae: {  	[sflag:s5] =	ssyncadd.s32 @p0 $0xFFFFFFFF  }
0xaf: {  	s6 =	sshll.u32 @!p0 s1, $0xE  }
0xb0: {  	s6 =	sor.u32 @!p0 $0x4000, s6;
	s5 =	simm.s32 @!p0 $0x1B8D  }
0xb1: {  	s4 =	sshll.u32 @!p0 s4, $0x11;
	s6 =	sadd.s32 @!p0 $0x11B8D, s6;
	_ =	swait.eq @!p0 [sflag:s5], $0x1  }
0xb2: {  	s4 =	sor.u32 @!p0 s4, s6;
	[sflag:s5] =	ssyncadd.s32 @!p0 $0xFFFFFFFF  }
0xb3: {  	s25 =	simm.s32 $0x1B8E;
	s24 =	sld [smem:$0x3FFE];
	[sflag:s4] =	ssyncadd.remote.s32 @!p0 $0x1  }
0xb4: {  	s26 =	simm.s32 $execute0_lowered;
	[smem:$0x3FD2] =	sst s25  }
0xb5: {  	s5 =	sshll.u32 s26, $0x1;
	_ =	strace $0x8000004C;
	[dreg:$0x1] =	wrdreg $0xFFFFFFFF  }
0xb6: {  	s28 =	simm.s32 $_size_execute0_lowered;
	s3 =	sadd.s32 s3, s5;
	[dreg:$0x0] =	wrdreg $0x0  }
0xb7: {  	s5 =	sshll.u32 s28, $0x1;
	[dreg:$0x2] =	wrdreg s3  }
0xb8: {  	[dreg:$0x3] =	wrdreg s5  }
0xb9: {  	[dreg:$0x4] =	wrdreg $0xC0  }
0xba: {  	_ =	task [dreg:s22], $0x5FFFF  }
0xbb: {  	[dreg:$0x1] =	wrdreg $0xFFFFFFFF  }
0xbc: {  	[dreg:$0x0] =	wrdreg $0x60  }
0xbd: {  	[dreg:$0x2] =	wrdreg s24  }
0xbe: {  	[dreg:$0x3] =	wrdreg $0xA  }
0xbf: {  	_ =	task.clear_ibuf [dreg:s22], $0x4FFFF;
	_ =	strace $0x9000004C  }
0xc0: {  	s29 =	simm.s32 $0xA;
	_ =	strace $0x8000004E  }
0xc1: {  	_ =	swait.ge [sflag:s29], $0x1  }
0xc2: {  	[sflag:s29] =	ssyncadd.s32 $0xFFFFFFFF  }
0xc3: {  	_ =	strace $0x9000004E  }
0xc4: {  	_ =	sfence  }
0xc5: {  	s30 =	sld [smem:$0x0];
	_ =	sdelay $0x2  }
0xc6: {  	s31 =	sshll.u32 s1, $0xD;
	s1 =	sshrl.u32 s1, $0x2  }
0xc7: {  	s4 =	sand.u32 $0x4000, s31;
	s1 =	sadd.s32 s1, s30  }
0xc8: {  	s0 =	sor.u32 s4, s0;
	s1 =	sshll.u32 s1, $0x11  }
0xc9: {  	s0 =	sor.u32 s1, s0  }
0xca: {  	s0 =	sadd.s32 $0x8F2B, s0  }
0xcb: {  	[sflag:s0] =	ssyncadd.remote.s32 $0x1  }
0xcc: {  	_ =	sfence.sel $0xFFFF  }
0xcd: {  	[dreg:$0x0] =	wrdreg $0xFFFFFFFF;
	(pc) =	sbr.abs _section_cstart, $3  }
0xce: {  	[dreg:$0x1] =	wrdreg $0xFFFFFFFF  }
0xcf: {  	_ =	task.clear_ibuf [dreg:s22], $0x2FFFF;
	_ =	strace $0x9FFFFFFF  }
0xd0: {  	(tm) =	ssettm $0x7FFFFFFF  }
0xd1: {  	_ =	shalt  }
tec
execute0_lowered:
.L_overlay_start_1:
0x0: {  	(tag) =	ssettag $0x1  }
0x1: {  	s4 =	rddreg [dreg:$0x0]  }
0x2: {  	s0 =	rddreg [dreg:$0x1]  }
0x3: {  	s2 =	simm.s32 $0x0;
	s1 =	stileid.u32;
	s5 =	srdreg.scid  }
0x4: {  	s10 =	simm.s32 $0x2400;
	s11 =	simm.s32 $0x100;
	s12 =	simm.s32 $0x4400  }
0x5: {  	s13 =	simm.s32 $0x180;
	s14 =	simm.s32 $0x6400;
	s15 =	simm.s32 $0x200  }
0x6: {  	s16 =	simm.s32 $0x8400;
	s17 =	simm.s32 $0x280;
	s18 =	simm.s32 $0xA400  }
0x7: {  	s19 =	simm.s32 $0x300;
	s20 =	simm.s32 $0xC400;
	s21 =	simm.s32 $0x380  }
0x8: {  	s22 =	simm.s32 $0xE400;
	s23 =	simm.s32 $0x1;
	s24 =	simm.s32 $0x0  }
0x9: {  	[smem:$0x7FF] =	sst s2;
	s3 =	sadd.s32 $0x229E00, s4;
	s6 =	sshll.u32 s1, $0xD  }
0xa: {  	s7 =	sshll.u32 s1, $0x13;
	s5 =	sand.u32 $0x1, s5;
	_ =	strace $0x8000004D  }
0xb: {  	s6 =	sadd.s32 s6, s4;
	s4 =	sadd.s32 s7, s4;
	s30 =	ssub.s32 $0x2, s5  }
0xc: {  	s9 =	sshll.u32 s5, $0xC;
	s5 =	sshll.u32 s5, $0x12;
	s8 =	sshrl.u32 s30, $0x1  }
0xd: {  	s6 =	sadd.s32 s9, s6;
	s31 =	sadd.s32 s5, s4;
	s9 =	simm.s32 $0x400  }
0xe: {  	s7 =	ssub.s32 s30, s8;
	s5 =	sadd.s32 $0x249E00, s6;
	s6 =	sadd.s32 $0xD41E00, s31  }
0xf: {  	s8 =	simm.s32 $0x80;
	s4 =	smax.u32 s7, $0x1;
	s7 =	simm.s32 $0x2  }
.LBB2_1:
0x10: {  	s25 =	sadd.s32 $0x0, s5  }
0x11: {  	[tilespmem:s2], [sflag:$0x2] =	stream.linear.gather [hbm4b:s25+s2], $0x400, $0x38;
	[tilespmem:$0x10400] =	vst v63  }
0x12: {  	_ =	swait.ge [sflag:s7], $0x400  }
0x13: {  	[sflag:s7] =	ssyncset.done $0x0  }
0x14: {  	[sflag:s7] =	ssyncadd.s32 $0xFFFFFC00  }
0x15: {  	[tilespmem:s9], [sflag:$0x1] =	stream.indirect.gather [hbm4b:s3+s8], $0x40, s2, s8, $0xb8;
	[tilespmem:$0x10400] =	vst v63  }
0x16: {  	_ = 	snop  }
0x17: {  	[tilespmem:s10], [sflag:$0x1] =	stream.indirect.gather [hbm4b:s3+s8], $0x40, s8, s8, $0xb8;
	[tilespmem:$0x10400] =	vst v63  }
0x18: {  	_ = 	snop  }
0x19: {  	[tilespmem:s12], [sflag:$0x1] =	stream.indirect.gather [hbm4b:s3+s8], $0x40, s11, s8, $0xb8;
	[tilespmem:$0x10400] =	vst v63  }
0x1a: {  	_ = 	snop  }
0x1b: {  	[tilespmem:s14], [sflag:$0x1] =	stream.indirect.gather [hbm4b:s3+s8], $0x40, s13, s8, $0xb8;
	[tilespmem:$0x10400] =	vst v63  }
0x1c: {  	_ = 	snop  }
0x1d: {  	[tilespmem:s16], [sflag:$0x1] =	stream.indirect.gather [hbm4b:s3+s8], $0x40, s15, s8, $0xb8;
	[tilespmem:$0x10400] =	vst v63  }
0x1e: {  	_ = 	snop  }
0x1f: {  	[tilespmem:s18], [sflag:$0x1] =	stream.indirect.gather [hbm4b:s3+s8], $0x40, s17, s8, $0xb8;
	[tilespmem:$0x10400] =	vst v63  }
0x20: {  	_ = 	snop  }
0x21: {  	[tilespmem:s20], [sflag:$0x1] =	stream.indirect.gather [hbm4b:s3+s8], $0x40, s19, s8, $0xb8;
	[tilespmem:$0x10400] =	vst v63  }
0x22: {  	_ = 	snop  }
0x23: {  	[tilespmem:s22], [sflag:$0x1] =	stream.indirect.gather [hbm4b:s3+s8], $0x40, s21, s8, $0xb8;
	[tilespmem:$0x10400] =	vst v63  }
0x24: {  	_ =	swait.ge [sflag:s23], $0x2000  }
0x25: {  	[sflag:s23] =	ssyncset.done $0x0  }
0x26: {  	[sflag:s23] =	ssyncadd.s32 $0xFFFFE000  }
0x27: {  	_ =	swait.ge [sflag:s23], $0x2000  }
0x28: {  	[sflag:s23] =	ssyncset.done $0x0  }
0x29: {  	[sflag:s23] =	ssyncadd.s32 $0xFFFFE000  }
0x2a: {  	_ =	swait.ge [sflag:s23], $0x2000  }
0x2b: {  	[sflag:s23] =	ssyncset.done $0x0  }
0x2c: {  	[sflag:s23] =	ssyncadd.s32 $0xFFFFE000  }
0x2d: {  	_ =	swait.ge [sflag:s23], $0x2000  }
0x2e: {  	[sflag:s23] =	ssyncset.done $0x0  }
0x2f: {  	[sflag:s23] =	ssyncadd.s32 $0xFFFFE000  }
0x30: {  	_ =	swait.ge [sflag:s23], $0x2000  }
0x31: {  	[sflag:s23] =	ssyncset.done $0x0  }
0x32: {  	[sflag:s23] =	ssyncadd.s32 $0xFFFFE000  }
0x33: {  	_ =	swait.ge [sflag:s23], $0x2000  }
0x34: {  	[sflag:s23] =	ssyncset.done $0x0  }
0x35: {  	[sflag:s23] =	ssyncadd.s32 $0xFFFFE000  }
0x36: {  	_ =	swait.ge [sflag:s23], $0x2000  }
0x37: {  	[sflag:s23] =	ssyncset.done $0x0  }
0x38: {  	[sflag:s23] =	ssyncadd.s32 $0xFFFFE000  }
0x39: {  	_ =	swait.ge [sflag:s23], $0x2000  }
0x3a: {  	[sflag:s23] =	ssyncset.done $0x0  }
0x3b: {  	[sflag:s23] =	ssyncadd.s32 $0xFFFFE000  }
0x3c: {  	[hbm4b:s6+s2] =	stream.linear.scatter [tilespmem:s9], [sflag:$0x2], $0x10000, $0x38;
	[tilespmem:$0x10400] =	vst v63  }
0x3d: {  	s26 =	simm.s32 $0x80;
	_ =	swait.ge [sflag:s7], $0x10000  }
0x3e: {  	s29 =	simm.s32 $0x100;
	s25 =	sadd.s32 $0x2000, s6;
	[sflag:s7] =	ssyncset.done $0x0  }
.LBB2_2:
0x3f: {  	s30 =	sadd.s32 s26, s5  }
0x40: {  	[sflag:s7] =	ssyncadd.s32 $0xFFFF0000;
	s26 =	smov.u32 s29;
	s28 =	sadd.s32 $0x80, s29  }
0x41: {  	[tilespmem:s2], [sflag:$0x2] =	stream.linear.gather [hbm4b:s30+s2], $0x400, $0x38;
	[tilespmem:$0x10400] =	vst v63  }
0x42: {  	p0 =	sne.s32 s29, $0xF80;
	_ =	swait.ge [sflag:s7], $0x400  }
0x43: {  	[sflag:s7] =	ssyncset.done $0x0  }
0x44: {  	[sflag:s7] =	ssyncadd.s32 $0xFFFFFC00  }
0x45: {  	[tilespmem:s9], [sflag:$0x1] =	stream.indirect.gather [hbm4b:s3+s8], $0x40, s2, s8, $0xb8;
	[tilespmem:$0x10400] =	vst v63  }
0x46: {  	_ = 	snop  }
0x47: {  	[tilespmem:s10], [sflag:$0x1] =	stream.indirect.gather [hbm4b:s3+s8], $0x40, s8, s8, $0xb8;
	[tilespmem:$0x10400] =	vst v63  }
0x48: {  	_ = 	snop  }
0x49: {  	[tilespmem:s12], [sflag:$0x1] =	stream.indirect.gather [hbm4b:s3+s8], $0x40, s11, s8, $0xb8;
	[tilespmem:$0x10400] =	vst v63  }
0x4a: {  	_ = 	snop  }
0x4b: {  	[tilespmem:s14], [sflag:$0x1] =	stream.indirect.gather [hbm4b:s3+s8], $0x40, s13, s8, $0xb8;
	[tilespmem:$0x10400] =	vst v63  }
0x4c: {  	_ = 	snop  }
0x4d: {  	[tilespmem:s16], [sflag:$0x1] =	stream.indirect.gather [hbm4b:s3+s8], $0x40, s15, s8, $0xb8;
	[tilespmem:$0x10400] =	vst v63  }
0x4e: {  	_ = 	snop  }
0x4f: {  	[tilespmem:s18], [sflag:$0x1] =	stream.indirect.gather [hbm4b:s3+s8], $0x40, s17, s8, $0xb8;
	[tilespmem:$0x10400] =	vst v63  }
0x50: {  	_ = 	snop  }
0x51: {  	[tilespmem:s20], [sflag:$0x1] =	stream.indirect.gather [hbm4b:s3+s8], $0x40, s19, s8, $0xb8;
	[tilespmem:$0x10400] =	vst v63  }
0x52: {  	_ = 	snop  }
0x53: {  	[tilespmem:s22], [sflag:$0x1] =	stream.indirect.gather [hbm4b:s3+s8], $0x40, s21, s8, $0xb8;
	[tilespmem:$0x10400] =	vst v63  }
0x54: {  	_ =	swait.ge [sflag:s23], $0x2000  }
0x55: {  	[sflag:s23] =	ssyncset.done $0x0  }
0x56: {  	[sflag:s23] =	ssyncadd.s32 $0xFFFFE000  }
0x57: {  	_ =	swait.ge [sflag:s23], $0x2000  }
0x58: {  	[sflag:s23] =	ssyncset.done $0x0  }
0x59: {  	[sflag:s23] =	ssyncadd.s32 $0xFFFFE000  }
0x5a: {  	_ =	swait.ge [sflag:s23], $0x2000  }
0x5b: {  	[sflag:s23] =	ssyncset.done $0x0  }
0x5c: {  	[sflag:s23] =	ssyncadd.s32 $0xFFFFE000  }
0x5d: {  	_ =	swait.ge [sflag:s23], $0x2000  }
0x5e: {  	[sflag:s23] =	ssyncset.done $0x0  }
0x5f: {  	[sflag:s23] =	ssyncadd.s32 $0xFFFFE000  }
0x60: {  	_ =	swait.ge [sflag:s23], $0x2000  }
0x61: {  	[sflag:s23] =	ssyncset.done $0x0  }
0x62: {  	[sflag:s23] =	ssyncadd.s32 $0xFFFFE000  }
0x63: {  	_ =	swait.ge [sflag:s23], $0x2000  }
0x64: {  	[sflag:s23] =	ssyncset.done $0x0  }
0x65: {  	[sflag:s23] =	ssyncadd.s32 $0xFFFFE000  }
0x66: {  	_ =	swait.ge [sflag:s23], $0x2000  }
0x67: {  	[sflag:s23] =	ssyncset.done $0x0  }
0x68: {  	[sflag:s23] =	ssyncadd.s32 $0xFFFFE000  }
0x69: {  	_ =	swait.ge [sflag:s23], $0x2000  }
.Ltmp0:
0x6a: {  	[sflag:s23] =	ssyncset.done $0x0;
	(pc) =	sbr.rel @p0 .LBB2_2-.Ltmp0, $4  }
0x6b: {  	[sflag:s23] =	ssyncadd.s32 $0xFFFFE000  }
0x6c: {  	[hbm4b:s25+s2] =	stream.linear.scatter [tilespmem:s9], [sflag:$0x2], $0x10000, $0x38;
	[tilespmem:$0x10400] =	vst v63  }
0x6d: {  	_ =	swait.ge [sflag:s7], $0x10000  }
0x6e: {  	s29 =	smov.u32 s28;
	s25 =	sadd.s32 $0x2000, s25;
	[sflag:s7] =	ssyncset.done $0x0  }
0x6f: {  	s26 =	sadd.s32 s26, s5;
	[sflag:s7] =	ssyncadd.s32 $0xFFFF0000  }
0x70: {  	[tilespmem:s2], [sflag:$0x2] =	stream.linear.gather [hbm4b:s26+s2], $0x400, $0x38;
	[tilespmem:$0x10400] =	vst v63  }
0x71: {  	_ =	swait.ge [sflag:s7], $0x400  }
0x72: {  	[sflag:s7] =	ssyncset.done $0x0  }
0x73: {  	[sflag:s7] =	ssyncadd.s32 $0xFFFFFC00  }
0x74: {  	[tilespmem:s9], [sflag:$0x1] =	stream.indirect.gather [hbm4b:s3+s8], $0x40, s2, s8, $0xb8;
	[tilespmem:$0x10400] =	vst v63  }
0x75: {  	_ = 	snop  }
0x76: {  	[tilespmem:s10], [sflag:$0x1] =	stream.indirect.gather [hbm4b:s3+s8], $0x40, s8, s8, $0xb8;
	[tilespmem:$0x10400] =	vst v63  }
0x77: {  	_ = 	snop  }
0x78: {  	[tilespmem:s12], [sflag:$0x1] =	stream.indirect.gather [hbm4b:s3+s8], $0x40, s11, s8, $0xb8;
	[tilespmem:$0x10400] =	vst v63  }
0x79: {  	_ = 	snop  }
0x7a: {  	[tilespmem:s14], [sflag:$0x1] =	stream.indirect.gather [hbm4b:s3+s8], $0x40, s13, s8, $0xb8;
	[tilespmem:$0x10400] =	vst v63  }
0x7b: {  	_ = 	snop  }
0x7c: {  	[tilespmem:s16], [sflag:$0x1] =	stream.indirect.gather [hbm4b:s3+s8], $0x40, s15, s8, $0xb8;
	[tilespmem:$0x10400] =	vst v63  }
0x7d: {  	_ = 	snop  }
0x7e: {  	[tilespmem:s18], [sflag:$0x1] =	stream.indirect.gather [hbm4b:s3+s8], $0x40, s17, s8, $0xb8;
	[tilespmem:$0x10400] =	vst v63  }
0x7f: {  	_ = 	snop  }
0x80: {  	[tilespmem:s20], [sflag:$0x1] =	stream.indirect.gather [hbm4b:s3+s8], $0x40, s19, s8, $0xb8;
	[tilespmem:$0x10400] =	vst v63  }
0x81: {  	_ = 	snop  }
0x82: {  	[tilespmem:s22], [sflag:$0x1] =	stream.indirect.gather [hbm4b:s3+s8], $0x40, s21, s8, $0xb8;
	[tilespmem:$0x10400] =	vst v63  }
0x83: {  	_ =	swait.ge [sflag:s23], $0x2000  }
0x84: {  	[sflag:s23] =	ssyncset.done $0x0  }
0x85: {  	[sflag:s23] =	ssyncadd.s32 $0xFFFFE000  }
0x86: {  	_ =	swait.ge [sflag:s23], $0x2000  }
0x87: {  	[sflag:s23] =	ssyncset.done $0x0  }
0x88: {  	[sflag:s23] =	ssyncadd.s32 $0xFFFFE000  }
0x89: {  	_ =	swait.ge [sflag:s23], $0x2000  }
0x8a: {  	[sflag:s23] =	ssyncset.done $0x0  }
0x8b: {  	[sflag:s23] =	ssyncadd.s32 $0xFFFFE000  }
0x8c: {  	_ =	swait.ge [sflag:s23], $0x2000  }
0x8d: {  	[sflag:s23] =	ssyncset.done $0x0  }
0x8e: {  	[sflag:s23] =	ssyncadd.s32 $0xFFFFE000  }
0x8f: {  	_ =	swait.ge [sflag:s23], $0x2000  }
0x90: {  	[sflag:s23] =	ssyncset.done $0x0  }
0x91: {  	[sflag:s23] =	ssyncadd.s32 $0xFFFFE000  }
0x92: {  	_ =	swait.ge [sflag:s23], $0x2000  }
0x93: {  	[sflag:s23] =	ssyncset.done $0x0  }
0x94: {  	[sflag:s23] =	ssyncadd.s32 $0xFFFFE000  }
0x95: {  	_ =	swait.ge [sflag:s23], $0x2000  }
0x96: {  	[sflag:s23] =	ssyncset.done $0x0  }
0x97: {  	[sflag:s23] =	ssyncadd.s32 $0xFFFFE000  }
0x98: {  	s24 =	sadd.s32 $0x1, s24;
	_ =	swait.ge [sflag:s23], $0x2000  }
0x99: {  	p0 =	sne.s32 s24, s4;
	[sflag:s23] =	ssyncset.done $0x0  }
.Ltmp1:
0x9a: {  	[sflag:s23] =	ssyncadd.s32 $0xFFFFE000;
	(pc) =	sbr.rel @p0 .LBB2_1-.Ltmp1, $4  }
0x9b: {  	[hbm4b:s25+s2] =	stream.linear.scatter [tilespmem:s9], [sflag:$0x2], $0x10000, $0x38;
	[tilespmem:$0x10400] =	vst v63  }
0x9c: {  	_ =	swait.ge [sflag:s7], $0x10000  }
0x9d: {  	[sflag:s7] =	ssyncset.done $0x0  }
0x9e: {  	[sflag:s7] =	ssyncadd.s32 $0xFFFF0000  }
0x9f: {  	_ =	sfence.sel $0x180000  }
0xa0: {  	[bflag:$0x0] =	sbarrier.arrive $0xFFFF  }
0xa1: {  	p0 =	sne.s32 s1, $0x0;
	_ =	strace $0x9000004D  }
0xa2: {  	s0 =	sadd.s32 @!p0 $0x100000, s0;
	[bflag:$0x2] =	sbarrier.arrive $0xFFFF  }
0xa3: {  	[sflag:s0] =	ssyncadd.tile.s32 @!p0 $0x1;
	_ =	shalt  }
.Lfunc_end2:
_tile_overlayer_lowered:
.L_overlay_start_2:
0xa4: {  	(tag) =	ssettag $0x2  }
0xa5: {  	s0 =	rddreg [dreg:$0x0];
	s2 =	stileid.u32  }
0xa6: {  	s1 =	rddreg [dreg:$0x1];
	p0 =	sne.s32 s2, $0x0  }
0xa7: {  	s3 =	rddreg [dreg:$0x2];
	[bflag:$0x3] =	sbarrier.arrive $0xFFFF;
	s2 =	simm.s32 @!p0 $0x1C02  }
0xa8: {  	[timem:s3], [sflag:s2] =	dma.local @!p0 [hbm:s0], s1  }
0xa9: {  	s0 =	simm.s32 @!p0 $0x2  }
0xaa: {  	_ =	swait.ge @!p0 [sflag:s0], s1  }
0xab: {  	s1 =	ssub.s32 @!p0 $0x0, s1;
	[sflag:s0] =	ssyncset.done @!p0 $0x0  }
0xac: {  	[sflag:s0] =	ssyncadd.s32 @!p0 s1  }
0xad: {  	[bflag:$0x3] =	sbarrier.arrive $0xFFFF  }
0xae: {  	_ =	shalt  }

// kernel: _forward.19.cloned.1.call-start
scs
__scs_entry_jumppad:
0x0: {  	(pc) =	sbr.rel $0x88, $3  }
0x1: {  	(tag) =	ssettag $0x0;
	lr =	simm.s32 $0x1  }
0x2: {  	[smem:$0x3F39] =	sst lr;
	_ =	strace $0xD0000000  }
0x3: {  	_ = 	snop  }
0x4: {  	_ = 	snop  }
0x5: {  	_ = 	snop  }
0x6: {  	_ = 	snop  }
0x7: {  	_ = 	snop  }
__scs_overlays_trampoline_lowered:
0x8: {  	[smem:$0x3F48] =	sst s0  }
0x9: {  	[smem:$0x3F49] =	sst s1  }
0xa: {  	[smem:$0x3F4A] =	sst s2  }
0xb: {  	[smem:$0x3F4B] =	sst s3  }
0xc: {  	[smem:$0x3F4C] =	sst s4  }
0xd: {  	[smem:$0x3F4D] =	sst s5  }
0xe: {  	[smem:$0x3F4E] =	sst s6  }
0xf: {  	[smem:$0x3F4F] =	sst s7  }
0x10: {  	[smem:$0x3F50] =	sst s8  }
0x11: {  	[smem:$0x3F51] =	sst s9;
	s0 =	simm.s32 @!p0 $0x0  }
0x12: {  	s1 =	sld [smem:$0x3F37];
	s0 =	simm.s32 @p0 $0x1  }
0x13: {  	[smem:$0x3F52] =	sst s0;
	s0 =	simm.s32 @!p1 $0x0  }
0x14: {  	s2 =	sld [smem:$0x3F36];
	s0 =	simm.s32 @p1 $0x1  }
0x15: {  	[smem:$0x3F53] =	sst s0;
	s0 =	simm.s32 @!p2 $0x0  }
0x16: {  	s3 =	sld [smem:$0x3FDB];
	s0 =	simm.s32 @p2 $0x1  }
0x17: {  	s4 =	simm.s32 $0x1BF5;
	[smem:$0x3F55] =	sst s0  }
0x18: {  	s0 =	sld [smem:$0x3F38];
	_ =	swait.ge [sflag:s4], $0x0  }
0x19: {  	s7 =	sld [smem:$0x3F39]  }
0x1a: {  	s8 =	sadd.s32 $0xFFFFE003, lr  }
0x1b: {  	s9 =	sadd.s32 $0xFFFFFEF7, lr;
	s5 =	simm.s32 $0xFFFFFFFF;
	p2 =	slt.u32 s8, $0xFFFFF086  }
0x1c: {  	p1 =	slt.u32 s9, $0xF7A;
	s5 =	simm.s32 @!p2 $0x0  }
0x1d: {  	s5 =	simm.s32 @p1 $0x1;
	p0 =	seq.s32 s7, s2  }
0x1e: {  	s7 =	smul.u32 @!p0 $0xF7A, s2;
	p2 =	seq.s32 @!p0 s5, $0x0  }
0x1f: {  	s9 =	smul.u32 $0xF7A, s1;
	s8 =	simm.s32 @!p0 $0x1BF5;
	p2 =	por !p2, p0  }
0x20: {  	[sflag:s8] =	ssyncset.s32 @!p0 $0xFFFFF086;
	s6 =	sadd.s32 @!p0 s3, s7;
	s7 =	simm.s32 @!p0 $0x108  }
0x21: {  	s3 =	sadd.s32 s3, s9;
	s6 =	sadd.s32 @!p0 $0x88, s6;
	s7 =	simm.s32 @p2 $0x1082  }
0x22: {  	[simem:s7], [sflag:s8] =	dma.local @!p0 [hbm:s6], $0xF7A  }
0x23: {  	s9 =	sor.u32 $0xD0000000, s2;
	s6 =	simm.s32 $0x108;
	_ =	swait.ge @!p0 [sflag:s8], $0x0  }
0x24: {  	s3 =	sadd.s32 $0x88, s3;
	s6 =	simm.s32 @!p1 $0x1082;
	[sflag:s4] =	ssyncset.s32 $0xFFFFF086  }
0x25: {  	[simem:s6], [sflag:s4] =	dma.local [hbm:s3], $0xF7A  }
0x26: {  	[smem:$0x3F39] =	sst s1;
	(tag) =	ssettag s2;
	_ =	strace s9  }
0x27: {  	s1 =	sld [smem:$0x3F49]  }
0x28: {  	s2 =	sld [smem:$0x3F4A]  }
0x29: {  	s4 =	sld [smem:$0x3F4C]  }
0x2a: {  	p0 =	seq.s32 s5, $0x0;
	s5 =	sld [smem:$0x3F4D]  }
0x2b: {  	s6 =	sld [smem:$0x3F4E]  }
0x2c: {  	s7 =	sld [smem:$0x3F4F]  }
0x2d: {  	s3 =	simm.s32 $0x108;
	s8 =	sld [smem:$0x3F50]  }
0x2e: {  	s3 =	simm.s32 @!p0 $0x1082;
	s9 =	sld [smem:$0x3F51]  }
0x2f: {  	lr =	sadd.s32 s0, s3;
	s0 =	sld [smem:$0x3F48]  }
0x30: {  	s3 =	sld [smem:$0x3F4B]  }
0x31: {  	[smem:$0x3F54] =	sst s10  }
0x32: {  	s10 =	sld [smem:$0x3F52];
	_ =	sdelay $0x3  }
0x33: {  	p0 =	seq.s32 s10, $0x1;
	s10 =	sld [smem:$0x3F54];
	_ =	sdelay $0x3  }
0x34: {  	[smem:$0x3F54] =	sst s10  }
0x35: {  	s10 =	sld [smem:$0x3F53];
	_ =	sdelay $0x3  }
0x36: {  	p1 =	seq.s32 s10, $0x1;
	s10 =	sld [smem:$0x3F54];
	_ =	sdelay $0x3  }
0x37: {  	[smem:$0x3F54] =	sst s10  }
0x38: {  	s10 =	sld [smem:$0x3F55]  }
0x39: {  	_ = 	snop;
	(pc) =	sbr.ind lr, $3  }
0x3a: {  	_ = 	snop  }
0x3b: {  	_ = 	snop  }
0x3c: {  	p2 =	seq.s32 s10, $0x1;
	s10 =	sld [smem:$0x3F54]  }
0x3d: {  	_ =	shalt  }
0x3e: {  	_ =	shalt  }
0x3f: {  	_ =	shalt  }
0x40: {  	_ =	shalt  }
0x41: {  	_ =	shalt  }
0x42: {  	_ =	shalt  }
0x43: {  	_ =	shalt  }
0x44: {  	_ =	shalt  }
0x45: {  	_ =	shalt  }
0x46: {  	_ =	shalt  }
0x47: {  	_ =	shalt  }
0x48: {  	_ =	shalt  }
0x49: {  	_ =	shalt  }
0x4a: {  	_ =	shalt  }
0x4b: {  	_ =	shalt  }
0x4c: {  	_ =	shalt  }
0x4d: {  	_ =	shalt  }
0x4e: {  	_ =	shalt  }
0x4f: {  	_ =	shalt  }
0x50: {  	_ =	shalt  }
0x51: {  	_ =	shalt  }
0x52: {  	_ =	shalt  }
0x53: {  	_ =	shalt  }
0x54: {  	_ =	shalt  }
0x55: {  	_ =	shalt  }
0x56: {  	_ =	shalt  }
0x57: {  	_ =	shalt  }
0x58: {  	_ =	shalt  }
0x59: {  	_ =	shalt  }
0x5a: {  	_ =	shalt  }
0x5b: {  	_ =	shalt  }
0x5c: {  	_ =	shalt  }
0x5d: {  	_ =	shalt  }
0x5e: {  	_ =	shalt  }
0x5f: {  	_ =	shalt  }
0x60: {  	_ =	shalt  }
0x61: {  	_ =	shalt  }
0x62: {  	_ =	shalt  }
0x63: {  	_ =	shalt  }
0x64: {  	_ =	shalt  }
0x65: {  	_ =	shalt  }
0x66: {  	_ =	shalt  }
0x67: {  	_ =	shalt  }
0x68: {  	_ =	shalt  }
0x69: {  	_ =	shalt  }
0x6a: {  	_ =	shalt  }
0x6b: {  	_ =	shalt  }
0x6c: {  	_ =	shalt  }
0x6d: {  	_ =	shalt  }
0x6e: {  	_ =	shalt  }
0x6f: {  	_ =	shalt  }
0x70: {  	_ =	shalt  }
0x71: {  	_ =	shalt  }
0x72: {  	_ =	shalt  }
0x73: {  	_ =	shalt  }
0x74: {  	_ =	shalt  }
0x75: {  	_ =	shalt  }
0x76: {  	_ =	shalt  }
0x77: {  	_ =	shalt  }
0x78: {  	_ =	shalt  }
0x79: {  	_ =	shalt  }
0x7a: {  	_ =	shalt  }
0x7b: {  	_ =	shalt  }
0x7c: {  	_ =	shalt  }
0x7d: {  	_ =	shalt  }
0x7e: {  	_ =	shalt  }
0x7f: {  	_ =	shalt  }
0x80: {  	_ =	shalt  }
0x81: {  	_ =	shalt  }
0x82: {  	_ =	shalt  }
0x83: {  	_ =	shalt  }
0x84: {  	_ =	shalt  }
0x85: {  	_ =	shalt  }
0x86: {  	_ =	shalt  }
0x87: {  	_ =	shalt  }
.Lfunc_end0:
.L_simem_size_0:
called_computation.6_lowered:
.L_overlay_start_0:
0x88: {  	s2 =	sld [smem:$0x3FD9]  }
0x89: {  	s3 =	sld [smem:$0x3FFE];
	_ =	sdelay $0x1  }
0x8a: {  	s1 =	srdreg.scid  }
0x8b: {  	s0 =	sand.u32 $0x1, s1  }
0x8c: {  	s16 =	sshll.u32 s0, $0xA;
	s2 =	sadd.s32 s3, s2  }
0x8d: {  	s2 =	sadd.s32 s2, s16  }
0x8e: {  	[smem:$0x3F60] =	sst s2  }
0x8f: {  	_ = 	snop  }
0x90: {  	(tm) =	ssettm $0x1  }
0x91: {  	s17 =	sld [smem:$0x3FFB];
	_ =	sdelay $0x3  }
0x92: {  	_ =	strace s17  }
0x93: {  	s2 =	sld [smem:$0x3FFC];
	_ =	sdelay $0x3  }
0x94: {  	_ =	strace s2  }
0x95: {  	s2 =	sld [smem:$0x3FFD];
	_ =	sdelay $0x3  }
0x96: {  	_ =	strace s2  }
0x97: {  	_ =	strace $0x8FFFFFFF  }
0x98: {  	s18 =	sld [smem:$0x3FDB];
	_ =	sdelay $0x1  }
0x99: {  	s19 =	simm.s32 $_scs_section_size  }
0x9a: {  	s4 =	simm.s32 $_size__tile_overlayer_lowered;
	s5 =	simm.s32 $_tile_overlayer_lowered  }
0x9b: {  	s22 =	simm.s32 $0x1BFF;
	s21 =	sshll.u32 s5, $0x1;
	s2 =	sadd.s32 s19, s18  }
0x9c: {  	s6 =	simm.s32 $0x0;
	s20 =	sshll.u32 s4, $0x1;
	s4 =	sadd.s32 s21, s2  }
0x9d: {  	[timem:s6], [sflag:s22] =	dma.local [hbm:s4], s20  }
0x9e: {  	_ =	swait.ge [sflag:s22], s20  }
0x9f: {  	s3 =	ssub.s32 $0x0, s20;
	[sflag:s22] =	ssyncset.done $0x0  }
0xa0: {  	[sflag:s22] =	ssyncadd.s32 s3;
	_ =	sdelay $0x1  }
0xa1: {  	s23 =	simm.s32 $0x1B8B  }
0xa2: {  	_ =	swait.ge [sflag:s23], $0x1  }
0xa3: {  	[sflag:s23] =	ssyncset.done $0x0  }
0xa4: {  	s25 =	simm.s32 $0x1B8E;
	s24 =	sld [smem:$0x3FFE];
	[sflag:s23] =	ssyncadd.s32 $0xFFFFFFFF  }
0xa5: {  	s26 =	simm.s32 $execute0_lowered;
	[smem:$0x3FD2] =	sst s25  }
0xa6: {  	s4 =	sshll.u32 s26, $0x1;
	_ =	strace $0x80000058;
	[dreg:$0x1] =	wrdreg $0xFFFFFFFF  }
0xa7: {  	s28 =	simm.s32 $_size_execute0_lowered;
	s2 =	sadd.s32 s2, s4;
	[dreg:$0x0] =	wrdreg $0x0  }
0xa8: {  	s4 =	sshll.u32 s28, $0x1;
	[dreg:$0x2] =	wrdreg s2  }
0xa9: {  	[dreg:$0x3] =	wrdreg s4  }
0xaa: {  	[dreg:$0x4] =	wrdreg $0xC0  }
0xab: {  	_ =	task [dreg:s6], $0x5FFFF  }
0xac: {  	[dreg:$0x1] =	wrdreg $0xFFFFFFFF  }
0xad: {  	[dreg:$0x0] =	wrdreg $0x60  }
0xae: {  	[dreg:$0x2] =	wrdreg s24  }
0xaf: {  	[dreg:$0x3] =	wrdreg $0x9  }
0xb0: {  	_ =	task.clear_ibuf [dreg:s6], $0x4FFFF;
	_ =	strace $0x90000058  }
0xb1: {  	s29 =	simm.s32 $0x9;
	_ =	strace $0x8000005A  }
0xb2: {  	_ =	swait.ge [sflag:s29], $0x1  }
0xb3: {  	[sflag:s29] =	ssyncadd.s32 $0xFFFFFFFF  }
0xb4: {  	_ =	strace $0x9000005A  }
0xb5: {  	_ =	sfence  }
0xb6: {  	s30 =	sld [smem:$0x0];
	_ =	sdelay $0x2  }
0xb7: {  	s31 =	sshll.u32 s1, $0xD;
	s1 =	sshrl.u32 s1, $0x2  }
0xb8: {  	s3 =	sand.u32 $0x4000, s31;
	s1 =	sadd.s32 s1, s30  }
0xb9: {  	s0 =	sor.u32 s3, s0;
	s1 =	sshll.u32 s1, $0x11  }
0xba: {  	s0 =	sor.u32 s1, s0  }
0xbb: {  	s0 =	sadd.s32 $0x8F2B, s0  }
0xbc: {  	[sflag:s0] =	ssyncadd.remote.s32 $0x1  }
0xbd: {  	_ =	sfence.sel $0xFFFF  }
0xbe: {  	[dreg:$0x0] =	wrdreg $0xFFFFFFFF;
	(pc) =	sbr.abs _section_cstart, $3  }
0xbf: {  	[dreg:$0x1] =	wrdreg $0xFFFFFFFF  }
0xc0: {  	_ =	task.clear_ibuf [dreg:s6], $0x2FFFF;
	_ =	strace $0x9FFFFFFF  }
0xc1: {  	(tm) =	ssettm $0x7FFFFFFF  }
tec
execute0_lowered:
.L_overlay_start_1:
0x0: {  	(tag) =	ssettag $0x1  }
0x1: {  	s4 =	rddreg [dreg:$0x0]  }
0x2: {  	s0 =	rddreg [dreg:$0x1];
	s1 =	simm.s32 $0x0  }
0x3: {  	s5 =	srdreg.scid;
	s2 =	stileid.u32;
	s9 =	simm.s32 $0x200  }
0x4: {  	s10 =	simm.s32 $0x4200;
	s11 =	simm.s32 $0x100;
	s12 =	simm.s32 $0x8200  }
0x5: {  	s13 =	simm.s32 $0x180;
	s14 =	simm.s32 $0xC200;
	s15 =	simm.s32 $0x1  }
0x6: {  	s16 =	simm.s32 $0x0;
	[smem:$0x7FF] =	sst s1;
	s3 =	sadd.s32 $0x19E00, s4  }
0x7: {  	s5 =	sand.u32 $0x1, s5;
	s6 =	sshll.u32 s2, $0xB;
	s7 =	sshll.u32 s2, $0x12  }
0x8: {  	_ =	strace $0x80000059;
	s8 =	ssub.s32 $0x2, s5;
	s6 =	sadd.s32 s6, s4  }
0x9: {  	s7 =	sadd.s32 s7, s4;
	s31 =	sshll.u32 s5, $0xA;
	s5 =	sshll.u32 s5, $0x11  }
0xa: {  	s30 =	sshrl.u32 s8, $0x1;
	s6 =	sadd.s32 s31, s6;
	s7 =	sadd.s32 s5, s7  }
0xb: {  	s4 =	ssub.s32 s8, s30;
	s5 =	sadd.s32 $0x1A1E00, s6;
	s6 =	sadd.s32 $0x1A9E00, s7  }
0xc: {  	s7 =	simm.s32 $0x2;
	s8 =	simm.s32 $0x80;
	s4 =	smax.u32 s4, $0x1  }
.LBB2_1:
0xd: {  	s17 =	sadd.s32 $0x0, s5  }
0xe: {  	[tilespmem:s1], [sflag:$0x2] =	stream.linear.gather [hbm4b:s17+s1], $0x200, $0x38;
	[tilespmem:$0x10200] =	vst v63  }
0xf: {  	_ =	swait.ge [sflag:s7], $0x200  }
0x10: {  	[sflag:s7] =	ssyncset.done $0x0  }
0x11: {  	[sflag:s7] =	ssyncadd.s32 $0xFFFFFE00  }
0x12: {  	[tilespmem:s9], [sflag:$0x1] =	stream.indirect.gather [hbm4b:s3+s8], $0x80, s1, s8, $0xb8;
	[tilespmem:$0x10200] =	vst v63  }
0x13: {  	_ = 	snop  }
0x14: {  	[tilespmem:s10], [sflag:$0x1] =	stream.indirect.gather [hbm4b:s3+s8], $0x80, s8, s8, $0xb8;
	[tilespmem:$0x10200] =	vst v63  }
0x15: {  	_ = 	snop  }
0x16: {  	[tilespmem:s12], [sflag:$0x1] =	stream.indirect.gather [hbm4b:s3+s8], $0x80, s11, s8, $0xb8;
	[tilespmem:$0x10200] =	vst v63  }
0x17: {  	_ = 	snop  }
0x18: {  	[tilespmem:s14], [sflag:$0x1] =	stream.indirect.gather [hbm4b:s3+s8], $0x80, s13, s8, $0xb8;
	[tilespmem:$0x10200] =	vst v63  }
0x19: {  	_ =	swait.ge [sflag:s15], $0x4000  }
0x1a: {  	[sflag:s15] =	ssyncset.done $0x0  }
0x1b: {  	[sflag:s15] =	ssyncadd.s32 $0xFFFFC000  }
0x1c: {  	_ =	swait.ge [sflag:s15], $0x4000  }
0x1d: {  	[sflag:s15] =	ssyncset.done $0x0  }
0x1e: {  	[sflag:s15] =	ssyncadd.s32 $0xFFFFC000  }
0x1f: {  	_ =	swait.ge [sflag:s15], $0x4000  }
0x20: {  	[sflag:s15] =	ssyncset.done $0x0  }
0x21: {  	[sflag:s15] =	ssyncadd.s32 $0xFFFFC000  }
0x22: {  	_ =	swait.ge [sflag:s15], $0x4000  }
0x23: {  	[sflag:s15] =	ssyncset.done $0x0  }
0x24: {  	[sflag:s15] =	ssyncadd.s32 $0xFFFFC000  }
0x25: {  	[hbm4b:s6+s1] =	stream.linear.scatter [tilespmem:s9], [sflag:$0x2], $0x10000, $0x38;
	[tilespmem:$0x10200] =	vst v63  }
0x26: {  	s18 =	simm.s32 $0x40;
	_ =	swait.ge [sflag:s7], $0x10000  }
0x27: {  	s19 =	simm.s32 $0x80;
	s17 =	sadd.s32 $0x2000, s6;
	[sflag:s7] =	ssyncset.done $0x0  }
.LBB2_2:
0x28: {  	s20 =	sadd.s32 s18, s5  }
0x29: {  	[sflag:s7] =	ssyncadd.s32 $0xFFFF0000;
	s18 =	smov.u32 s19;
	s21 =	sadd.s32 $0x40, s19  }
0x2a: {  	[tilespmem:s1], [sflag:$0x2] =	stream.linear.gather [hbm4b:s20+s1], $0x200, $0x38;
	[tilespmem:$0x10200] =	vst v63  }
0x2b: {  	p0 =	sne.s32 s19, $0x3C0;
	_ =	swait.ge [sflag:s7], $0x200  }
0x2c: {  	[sflag:s7] =	ssyncset.done $0x0  }
0x2d: {  	[sflag:s7] =	ssyncadd.s32 $0xFFFFFE00  }
0x2e: {  	[tilespmem:s9], [sflag:$0x1] =	stream.indirect.gather [hbm4b:s3+s8], $0x80, s1, s8, $0xb8;
	[tilespmem:$0x10200] =	vst v63  }
0x2f: {  	_ = 	snop  }
0x30: {  	[tilespmem:s10], [sflag:$0x1] =	stream.indirect.gather [hbm4b:s3+s8], $0x80, s8, s8, $0xb8;
	[tilespmem:$0x10200] =	vst v63  }
0x31: {  	_ = 	snop  }
0x32: {  	[tilespmem:s12], [sflag:$0x1] =	stream.indirect.gather [hbm4b:s3+s8], $0x80, s11, s8, $0xb8;
	[tilespmem:$0x10200] =	vst v63  }
0x33: {  	_ = 	snop  }
0x34: {  	[tilespmem:s14], [sflag:$0x1] =	stream.indirect.gather [hbm4b:s3+s8], $0x80, s13, s8, $0xb8;
	[tilespmem:$0x10200] =	vst v63  }
0x35: {  	_ =	swait.ge [sflag:s15], $0x4000  }
0x36: {  	[sflag:s15] =	ssyncset.done $0x0  }
0x37: {  	[sflag:s15] =	ssyncadd.s32 $0xFFFFC000  }
0x38: {  	_ =	swait.ge [sflag:s15], $0x4000  }
0x39: {  	[sflag:s15] =	ssyncset.done $0x0  }
0x3a: {  	[sflag:s15] =	ssyncadd.s32 $0xFFFFC000  }
0x3b: {  	_ =	swait.ge [sflag:s15], $0x4000  }
0x3c: {  	[sflag:s15] =	ssyncset.done $0x0  }
0x3d: {  	[sflag:s15] =	ssyncadd.s32 $0xFFFFC000  }
0x3e: {  	_ =	swait.ge [sflag:s15], $0x4000  }
.Ltmp0:
0x3f: {  	[sflag:s15] =	ssyncset.done $0x0;
	(pc) =	sbr.rel @p0 .LBB2_2-.Ltmp0, $4  }
0x40: {  	[sflag:s15] =	ssyncadd.s32 $0xFFFFC000  }
0x41: {  	[hbm4b:s17+s1] =	stream.linear.scatter [tilespmem:s9], [sflag:$0x2], $0x10000, $0x38;
	[tilespmem:$0x10200] =	vst v63  }
0x42: {  	_ =	swait.ge [sflag:s7], $0x10000  }
0x43: {  	s19 =	smov.u32 s21;
	s17 =	sadd.s32 $0x2000, s17;
	[sflag:s7] =	ssyncset.done $0x0  }
0x44: {  	s18 =	sadd.s32 s18, s5;
	[sflag:s7] =	ssyncadd.s32 $0xFFFF0000  }
0x45: {  	[tilespmem:s1], [sflag:$0x2] =	stream.linear.gather [hbm4b:s18+s1], $0x200, $0x38;
	[tilespmem:$0x10200] =	vst v63  }
0x46: {  	_ =	swait.ge [sflag:s7], $0x200  }
0x47: {  	[sflag:s7] =	ssyncset.done $0x0  }
0x48: {  	[sflag:s7] =	ssyncadd.s32 $0xFFFFFE00  }
0x49: {  	[tilespmem:s9], [sflag:$0x1] =	stream.indirect.gather [hbm4b:s3+s8], $0x80, s1, s8, $0xb8;
	[tilespmem:$0x10200] =	vst v63  }
0x4a: {  	_ = 	snop  }
0x4b: {  	[tilespmem:s10], [sflag:$0x1] =	stream.indirect.gather [hbm4b:s3+s8], $0x80, s8, s8, $0xb8;
	[tilespmem:$0x10200] =	vst v63  }
0x4c: {  	_ = 	snop  }
0x4d: {  	[tilespmem:s12], [sflag:$0x1] =	stream.indirect.gather [hbm4b:s3+s8], $0x80, s11, s8, $0xb8;
	[tilespmem:$0x10200] =	vst v63  }
0x4e: {  	_ = 	snop  }
0x4f: {  	[tilespmem:s14], [sflag:$0x1] =	stream.indirect.gather [hbm4b:s3+s8], $0x80, s13, s8, $0xb8;
	[tilespmem:$0x10200] =	vst v63  }
0x50: {  	_ =	swait.ge [sflag:s15], $0x4000  }
0x51: {  	[sflag:s15] =	ssyncset.done $0x0  }
0x52: {  	[sflag:s15] =	ssyncadd.s32 $0xFFFFC000  }
0x53: {  	_ =	swait.ge [sflag:s15], $0x4000  }
0x54: {  	[sflag:s15] =	ssyncset.done $0x0  }
0x55: {  	[sflag:s15] =	ssyncadd.s32 $0xFFFFC000  }
0x56: {  	_ =	swait.ge [sflag:s15], $0x4000  }
0x57: {  	[sflag:s15] =	ssyncset.done $0x0  }
0x58: {  	[sflag:s15] =	ssyncadd.s32 $0xFFFFC000  }
0x59: {  	s16 =	sadd.s32 $0x1, s16;
	_ =	swait.ge [sflag:s15], $0x4000  }
0x5a: {  	p0 =	sne.s32 s16, s4;
	[sflag:s15] =	ssyncset.done $0x0  }
.Ltmp1:
0x5b: {  	[sflag:s15] =	ssyncadd.s32 $0xFFFFC000;
	(pc) =	sbr.rel @p0 .LBB2_1-.Ltmp1, $4  }
0x5c: {  	[hbm4b:s17+s1] =	stream.linear.scatter [tilespmem:s9], [sflag:$0x2], $0x10000, $0x38;
	[tilespmem:$0x10200] =	vst v63  }
0x5d: {  	_ =	swait.ge [sflag:s7], $0x10000  }
0x5e: {  	[sflag:s7] =	ssyncset.done $0x0  }
0x5f: {  	[sflag:s7] =	ssyncadd.s32 $0xFFFF0000  }
0x60: {  	_ =	sfence.sel $0x180000  }
0x61: {  	[bflag:$0x0] =	sbarrier.arrive $0xFFFF  }
0x62: {  	p0 =	sne.s32 s2, $0x0;
	_ =	strace $0x90000059  }
0x63: {  	s0 =	sadd.s32 @!p0 $0x100000, s0;
	[bflag:$0x2] =	sbarrier.arrive $0xFFFF  }
0x64: {  	[sflag:s0] =	ssyncadd.tile.s32 @!p0 $0x1;
	_ =	shalt  }
.Lfunc_end2:
_tile_overlayer_lowered:
.L_overlay_start_2:
0x65: {  	(tag) =	ssettag $0x2  }
0x66: {  	s0 =	rddreg [dreg:$0x0];
	s2 =	stileid.u32  }
0x67: {  	s1 =	rddreg [dreg:$0x1];
	p0 =	sne.s32 s2, $0x0  }
0x68: {  	s3 =	rddreg [dreg:$0x2];
	[bflag:$0x3] =	sbarrier.arrive $0xFFFF;
	s2 =	simm.s32 @!p0 $0x1C02  }
0x69: {  	[timem:s3], [sflag:s2] =	dma.local @!p0 [hbm:s0], s1  }
0x6a: {  	s0 =	simm.s32 @!p0 $0x2  }
0x6b: {  	_ =	swait.ge @!p0 [sflag:s0], s1  }
0x6c: {  	s1 =	ssub.s32 @!p0 $0x0, s1;
	[sflag:s0] =	ssyncset.done @!p0 $0x0  }
0x6d: {  	[sflag:s0] =	ssyncadd.s32 @!p0 s1  }
0x6e: {  	[bflag:$0x3] =	sbarrier.arrive $0xFFFF  }
0x6f: {  	_ =	shalt  }

// kernel: _forward.22.cloned.1.call-start
scs
__scs_entry_jumppad:
0x0: {  	(pc) =	sbr.rel $0x88, $3  }
0x1: {  	(tag) =	ssettag $0x0;
	lr =	simm.s32 $0x1  }
0x2: {  	[smem:$0x3F39] =	sst lr;
	_ =	strace $0xD0000000  }
0x3: {  	_ = 	snop  }
0x4: {  	_ = 	snop  }
0x5: {  	_ = 	snop  }
0x6: {  	_ = 	snop  }
0x7: {  	_ = 	snop  }
__scs_overlays_trampoline_lowered:
0x8: {  	[smem:$0x3F48] =	sst s0  }
0x9: {  	[smem:$0x3F49] =	sst s1  }
0xa: {  	[smem:$0x3F4A] =	sst s2  }
0xb: {  	[smem:$0x3F4B] =	sst s3  }
0xc: {  	[smem:$0x3F4C] =	sst s4  }
0xd: {  	[smem:$0x3F4D] =	sst s5  }
0xe: {  	[smem:$0x3F4E] =	sst s6  }
0xf: {  	[smem:$0x3F4F] =	sst s7  }
0x10: {  	[smem:$0x3F50] =	sst s8  }
0x11: {  	[smem:$0x3F51] =	sst s9;
	s0 =	simm.s32 @!p0 $0x0  }
0x12: {  	s1 =	sld [smem:$0x3F37];
	s0 =	simm.s32 @p0 $0x1  }
0x13: {  	[smem:$0x3F52] =	sst s0;
	s0 =	simm.s32 @!p1 $0x0  }
0x14: {  	s2 =	sld [smem:$0x3F36];
	s0 =	simm.s32 @p1 $0x1  }
0x15: {  	[smem:$0x3F53] =	sst s0;
	s0 =	simm.s32 @!p2 $0x0  }
0x16: {  	s3 =	sld [smem:$0x3FDB];
	s0 =	simm.s32 @p2 $0x1  }
0x17: {  	s4 =	simm.s32 $0x1BF5;
	[smem:$0x3F55] =	sst s0  }
0x18: {  	s0 =	sld [smem:$0x3F38];
	_ =	swait.ge [sflag:s4], $0x0  }
0x19: {  	s7 =	sld [smem:$0x3F39]  }
0x1a: {  	s8 =	sadd.s32 $0xFFFFE003, lr  }
0x1b: {  	s9 =	sadd.s32 $0xFFFFFEF7, lr;
	s5 =	simm.s32 $0xFFFFFFFF;
	p2 =	slt.u32 s8, $0xFFFFF086  }
0x1c: {  	p1 =	slt.u32 s9, $0xF7A;
	s5 =	simm.s32 @!p2 $0x0  }
0x1d: {  	s5 =	simm.s32 @p1 $0x1;
	p0 =	seq.s32 s7, s2  }
0x1e: {  	s7 =	smul.u32 @!p0 $0xF7A, s2;
	p2 =	seq.s32 @!p0 s5, $0x0  }
0x1f: {  	s9 =	smul.u32 $0xF7A, s1;
	s8 =	simm.s32 @!p0 $0x1BF5;
	p2 =	por !p2, p0  }
0x20: {  	[sflag:s8] =	ssyncset.s32 @!p0 $0xFFFFF086;
	s6 =	sadd.s32 @!p0 s3, s7;
	s7 =	simm.s32 @!p0 $0x108  }
0x21: {  	s3 =	sadd.s32 s3, s9;
	s6 =	sadd.s32 @!p0 $0x88, s6;
	s7 =	simm.s32 @p2 $0x1082  }
0x22: {  	[simem:s7], [sflag:s8] =	dma.local @!p0 [hbm:s6], $0xF7A  }
0x23: {  	s9 =	sor.u32 $0xD0000000, s2;
	s6 =	simm.s32 $0x108;
	_ =	swait.ge @!p0 [sflag:s8], $0x0  }
0x24: {  	s3 =	sadd.s32 $0x88, s3;
	s6 =	simm.s32 @!p1 $0x1082;
	[sflag:s4] =	ssyncset.s32 $0xFFFFF086  }
0x25: {  	[simem:s6], [sflag:s4] =	dma.local [hbm:s3], $0xF7A  }
0x26: {  	[smem:$0x3F39] =	sst s1;
	(tag) =	ssettag s2;
	_ =	strace s9  }
0x27: {  	s1 =	sld [smem:$0x3F49]  }
0x28: {  	s2 =	sld [smem:$0x3F4A]  }
0x29: {  	s4 =	sld [smem:$0x3F4C]  }
0x2a: {  	p0 =	seq.s32 s5, $0x0;
	s5 =	sld [smem:$0x3F4D]  }
0x2b: {  	s6 =	sld [smem:$0x3F4E]  }
0x2c: {  	s7 =	sld [smem:$0x3F4F]  }
0x2d: {  	s3 =	simm.s32 $0x108;
	s8 =	sld [smem:$0x3F50]  }
0x2e: {  	s3 =	simm.s32 @!p0 $0x1082;
	s9 =	sld [smem:$0x3F51]  }
0x2f: {  	lr =	sadd.s32 s0, s3;
	s0 =	sld [smem:$0x3F48]  }
0x30: {  	s3 =	sld [smem:$0x3F4B]  }
0x31: {  	[smem:$0x3F54] =	sst s10  }
0x32: {  	s10 =	sld [smem:$0x3F52];
	_ =	sdelay $0x3  }
0x33: {  	p0 =	seq.s32 s10, $0x1;
	s10 =	sld [smem:$0x3F54];
	_ =	sdelay $0x3  }
0x34: {  	[smem:$0x3F54] =	sst s10  }
0x35: {  	s10 =	sld [smem:$0x3F53];
	_ =	sdelay $0x3  }
0x36: {  	p1 =	seq.s32 s10, $0x1;
	s10 =	sld [smem:$0x3F54];
	_ =	sdelay $0x3  }
0x37: {  	[smem:$0x3F54] =	sst s10  }
0x38: {  	s10 =	sld [smem:$0x3F55]  }
0x39: {  	_ = 	snop;
	(pc) =	sbr.ind lr, $3  }
0x3a: {  	_ = 	snop  }
0x3b: {  	_ = 	snop  }
0x3c: {  	p2 =	seq.s32 s10, $0x1;
	s10 =	sld [smem:$0x3F54]  }
0x3d: {  	_ =	shalt  }
0x3e: {  	_ =	shalt  }
0x3f: {  	_ =	shalt  }
0x40: {  	_ =	shalt  }
0x41: {  	_ =	shalt  }
0x42: {  	_ =	shalt  }
0x43: {  	_ =	shalt  }
0x44: {  	_ =	shalt  }
0x45: {  	_ =	shalt  }
0x46: {  	_ =	shalt  }
0x47: {  	_ =	shalt  }
0x48: {  	_ =	shalt  }
0x49: {  	_ =	shalt  }
0x4a: {  	_ =	shalt  }
0x4b: {  	_ =	shalt  }
0x4c: {  	_ =	shalt  }
0x4d: {  	_ =	shalt  }
0x4e: {  	_ =	shalt  }
0x4f: {  	_ =	shalt  }
0x50: {  	_ =	shalt  }
0x51: {  	_ =	shalt  }
0x52: {  	_ =	shalt  }
0x53: {  	_ =	shalt  }
0x54: {  	_ =	shalt  }
0x55: {  	_ =	shalt  }
0x56: {  	_ =	shalt  }
0x57: {  	_ =	shalt  }
0x58: {  	_ =	shalt  }
0x59: {  	_ =	shalt  }
0x5a: {  	_ =	shalt  }
0x5b: {  	_ =	shalt  }
0x5c: {  	_ =	shalt  }
0x5d: {  	_ =	shalt  }
0x5e: {  	_ =	shalt  }
0x5f: {  	_ =	shalt  }
0x60: {  	_ =	shalt  }
0x61: {  	_ =	shalt  }
0x62: {  	_ =	shalt  }
0x63: {  	_ =	shalt  }
0x64: {  	_ =	shalt  }
0x65: {  	_ =	shalt  }
0x66: {  	_ =	shalt  }
0x67: {  	_ =	shalt  }
0x68: {  	_ =	shalt  }
0x69: {  	_ =	shalt  }
0x6a: {  	_ =	shalt  }
0x6b: {  	_ =	shalt  }
0x6c: {  	_ =	shalt  }
0x6d: {  	_ =	shalt  }
0x6e: {  	_ =	shalt  }
0x6f: {  	_ =	shalt  }
0x70: {  	_ =	shalt  }
0x71: {  	_ =	shalt  }
0x72: {  	_ =	shalt  }
0x73: {  	_ =	shalt  }
0x74: {  	_ =	shalt  }
0x75: {  	_ =	shalt  }
0x76: {  	_ =	shalt  }
0x77: {  	_ =	shalt  }
0x78: {  	_ =	shalt  }
0x79: {  	_ =	shalt  }
0x7a: {  	_ =	shalt  }
0x7b: {  	_ =	shalt  }
0x7c: {  	_ =	shalt  }
0x7d: {  	_ =	shalt  }
0x7e: {  	_ =	shalt  }
0x7f: {  	_ =	shalt  }
0x80: {  	_ =	shalt  }
0x81: {  	_ =	shalt  }
0x82: {  	_ =	shalt  }
0x83: {  	_ =	shalt  }
0x84: {  	_ =	shalt  }
0x85: {  	_ =	shalt  }
0x86: {  	_ =	shalt  }
0x87: {  	_ =	shalt  }
.Lfunc_end0:
.L_simem_size_0:
called_computation.7_lowered:
.L_overlay_start_0:
0x88: {  	s2 =	sld [smem:$0x3FD9]  }
0x89: {  	s3 =	sld [smem:$0x3FFE];
	_ =	sdelay $0x1  }
0x8a: {  	s1 =	srdreg.scid  }
0x8b: {  	s0 =	sand.u32 $0x1, s1  }
0x8c: {  	s17 =	sshll.u32 s0, $0xA;
	s2 =	sadd.s32 s3, s2  }
0x8d: {  	s2 =	sadd.s32 s2, s17  }
0x8e: {  	[smem:$0x3F60] =	sst s2  }
0x8f: {  	_ = 	snop  }
0x90: {  	(tm) =	ssettm $0x1  }
0x91: {  	s18 =	sld [smem:$0x3FFB];
	_ =	sdelay $0x3  }
0x92: {  	_ =	strace s18  }
0x93: {  	s2 =	sld [smem:$0x3FFC];
	_ =	sdelay $0x3  }
0x94: {  	_ =	strace s2  }
0x95: {  	s2 =	sld [smem:$0x3FFD];
	_ =	sdelay $0x3  }
0x96: {  	_ =	strace s2  }
0x97: {  	_ =	strace $0x8FFFFFFF  }
0x98: {  	s19 =	sld [smem:$0x3FDB];
	_ =	sdelay $0x1  }
0x99: {  	s20 =	simm.s32 $_scs_section_size  }
0x9a: {  	s4 =	simm.s32 $_size__tile_overlayer_lowered;
	s5 =	simm.s32 $_tile_overlayer_lowered  }
0x9b: {  	s6 =	simm.s32 $0x1BFF;
	s21 =	sshll.u32 s5, $0x1;
	s3 =	sadd.s32 s20, s19  }
0x9c: {  	s22 =	simm.s32 $0x0;
	s4 =	sshll.u32 s4, $0x1;
	s5 =	sadd.s32 s21, s3  }
0x9d: {  	[timem:s22], [sflag:s6] =	dma.local [hbm:s5], s4  }
0x9e: {  	_ =	swait.ge [sflag:s6], s4  }
0x9f: {  	s4 =	ssub.s32 $0x0, s4;
	[sflag:s6] =	ssyncset.done $0x0  }
0xa0: {  	[sflag:s6] =	ssyncadd.s32 s4;
	_ =	sdelay $0x1  }
0xa1: {  	s23 =	simm.s32 $0x1B8B  }
0xa2: {  	_ =	swait.ge [sflag:s23], $0x1  }
0xa3: {  	[sflag:s23] =	ssyncset.done $0x0  }
0xa4: {  	[sflag:s23] =	ssyncadd.s32 $0xFFFFFFFF  }
0xa5: {  	s4 =	sld [smem:$0x0]  }
0xa6: {  	s5 =	sand.u32 $0xFFFFFFFE, s1  }
0xa7: {  	p0 =	sne.s32 s1, s5  }
0xa8: {  	s5 =	sshll.u32 @p0 s5, $0xE  }
0xa9: {  	s5 =	sadd.s32 @p0 $0x11B8D, s5;
	s6 =	sshll.u32 @p0 s4, $0x11  }
0xaa: {  	s5 =	sor.u32 @p0 s6, s5  }
0xab: {  	[sflag:s5] =	ssyncadd.remote.s32 @p0 $0x1;
	_ =	sdelay $0x1  }
0xac: {  	s5 =	simm.s32 @p0 $0x1B8D  }
0xad: {  	_ =	swait.eq @p0 [sflag:s5], $0x1  }
0xae: {  	[sflag:s5] =	ssyncadd.s32 @p0 $0xFFFFFFFF  }
0xaf: {  	s6 =	sshll.u32 @!p0 s1, $0xE  }
0xb0: {  	s6 =	sor.u32 @!p0 $0x4000, s6;
	s5 =	simm.s32 @!p0 $0x1B8D  }
0xb1: {  	s4 =	sshll.u32 @!p0 s4, $0x11;
	s6 =	sadd.s32 @!p0 $0x11B8D, s6;
	_ =	swait.eq @!p0 [sflag:s5], $0x1  }
0xb2: {  	s4 =	sor.u32 @!p0 s4, s6;
	[sflag:s5] =	ssyncadd.s32 @!p0 $0xFFFFFFFF  }
0xb3: {  	s25 =	simm.s32 $0x1B8E;
	s24 =	sld [smem:$0x3FFE];
	[sflag:s4] =	ssyncadd.remote.s32 @!p0 $0x1  }
0xb4: {  	s26 =	simm.s32 $execute0_lowered;
	[smem:$0x3FD2] =	sst s25  }
0xb5: {  	s5 =	sshll.u32 s26, $0x1;
	_ =	strace $0x8000005B;
	[dreg:$0x1] =	wrdreg $0xFFFFFFFF  }
0xb6: {  	s28 =	simm.s32 $_size_execute0_lowered;
	s3 =	sadd.s32 s3, s5;
	[dreg:$0x0] =	wrdreg $0x0  }
0xb7: {  	s5 =	sshll.u32 s28, $0x1;
	[dreg:$0x2] =	wrdreg s3  }
0xb8: {  	[dreg:$0x3] =	wrdreg s5  }
0xb9: {  	[dreg:$0x4] =	wrdreg $0xC0  }
0xba: {  	_ =	task [dreg:s22], $0x5FFFF  }
0xbb: {  	[dreg:$0x1] =	wrdreg $0xFFFFFFFF  }
0xbc: {  	[dreg:$0x0] =	wrdreg $0x60  }
0xbd: {  	[dreg:$0x2] =	wrdreg s24  }
0xbe: {  	[dreg:$0x3] =	wrdreg $0xA  }
0xbf: {  	_ =	task.clear_ibuf [dreg:s22], $0x4FFFF;
	_ =	strace $0x9000005B  }
0xc0: {  	s29 =	simm.s32 $0xA;
	_ =	strace $0x8000005D  }
0xc1: {  	_ =	swait.ge [sflag:s29], $0x1  }
0xc2: {  	[sflag:s29] =	ssyncadd.s32 $0xFFFFFFFF  }
0xc3: {  	_ =	strace $0x9000005D  }
0xc4: {  	_ =	sfence  }
0xc5: {  	s30 =	sld [smem:$0x0];
	_ =	sdelay $0x2  }
0xc6: {  	s31 =	sshll.u32 s1, $0xD;
	s1 =	sshrl.u32 s1, $0x2  }
0xc7: {  	s4 =	sand.u32 $0x4000, s31;
	s1 =	sadd.s32 s1, s30  }
0xc8: {  	s0 =	sor.u32 s4, s0;
	s1 =	sshll.u32 s1, $0x11  }
0xc9: {  	s0 =	sor.u32 s1, s0  }
0xca: {  	s0 =	sadd.s32 $0x8F2B, s0  }
0xcb: {  	[sflag:s0] =	ssyncadd.remote.s32 $0x1  }
0xcc: {  	_ =	sfence.sel $0xFFFF  }
0xcd: {  	[dreg:$0x0] =	wrdreg $0xFFFFFFFF;
	(pc) =	sbr.abs _section_cstart, $3  }
0xce: {  	[dreg:$0x1] =	wrdreg $0xFFFFFFFF  }
0xcf: {  	_ =	task.clear_ibuf [dreg:s22], $0x2FFFF;
	_ =	strace $0x9FFFFFFF  }
0xd0: {  	(tm) =	ssettm $0x7FFFFFFF  }
0xd1: {  	_ =	shalt  }
tec
execute0_lowered:
.L_overlay_start_1:
0x0: {  	(tag) =	ssettag $0x1  }
0x1: {  	s4 =	rddreg [dreg:$0x0]  }
0x2: {  	s0 =	rddreg [dreg:$0x1];
	s1 =	simm.s32 $0x0  }
0x3: {  	s5 =	srdreg.scid;
	s2 =	stileid.u32;
	s9 =	simm.s32 $0x200  }
0x4: {  	s10 =	simm.s32 $0x4200;
	s11 =	simm.s32 $0x100;
	s12 =	simm.s32 $0x8200  }
0x5: {  	s13 =	simm.s32 $0x180;
	s14 =	simm.s32 $0xC200;
	s15 =	simm.s32 $0x1  }
0x6: {  	s16 =	simm.s32 $0x0;
	[smem:$0x7FF] =	sst s1;
	s3 =	sadd.s32 $0x49E00, s4  }
0x7: {  	s5 =	sand.u32 $0x1, s5;
	s6 =	sshll.u32 s2, $0xC;
	s7 =	sshll.u32 s2, $0x13  }
0x8: {  	_ =	strace $0x8000005C;
	s8 =	ssub.s32 $0x2, s5;
	s6 =	sadd.s32 s6, s4  }
0x9: {  	s7 =	sadd.s32 s7, s4;
	s31 =	sshll.u32 s5, $0xB;
	s5 =	sshll.u32 s5, $0x12  }
0xa: {  	s30 =	sshrl.u32 s8, $0x1;
	s6 =	sadd.s32 s31, s6;
	s7 =	sadd.s32 s5, s7  }
0xb: {  	s4 =	ssub.s32 s8, s30;
	s5 =	sadd.s32 $0x39E00, s6;
	s6 =	sadd.s32 $0xD28000, s7  }
0xc: {  	s7 =	simm.s32 $0x2;
	s8 =	simm.s32 $0x80;
	s4 =	smax.u32 s4, $0x1  }
.LBB2_1:
0xd: {  	s17 =	sadd.s32 $0x0, s5  }
0xe: {  	[tilespmem:s1], [sflag:$0x2] =	stream.linear.gather [hbm4b:s17+s1], $0x200, $0x38;
	[tilespmem:$0x10200] =	vst v63  }
0xf: {  	_ =	swait.ge [sflag:s7], $0x200  }
0x10: {  	[sflag:s7] =	ssyncset.done $0x0  }
0x11: {  	[sflag:s7] =	ssyncadd.s32 $0xFFFFFE00  }
0x12: {  	[tilespmem:s9], [sflag:$0x1] =	stream.indirect.gather [hbm4b:s3+s8], $0x80, s1, s8, $0xb8;
	[tilespmem:$0x10200] =	vst v63  }
0x13: {  	_ = 	snop  }
0x14: {  	[tilespmem:s10], [sflag:$0x1] =	stream.indirect.gather [hbm4b:s3+s8], $0x80, s8, s8, $0xb8;
	[tilespmem:$0x10200] =	vst v63  }
0x15: {  	_ = 	snop  }
0x16: {  	[tilespmem:s12], [sflag:$0x1] =	stream.indirect.gather [hbm4b:s3+s8], $0x80, s11, s8, $0xb8;
	[tilespmem:$0x10200] =	vst v63  }
0x17: {  	_ = 	snop  }
0x18: {  	[tilespmem:s14], [sflag:$0x1] =	stream.indirect.gather [hbm4b:s3+s8], $0x80, s13, s8, $0xb8;
	[tilespmem:$0x10200] =	vst v63  }
0x19: {  	_ =	swait.ge [sflag:s15], $0x4000  }
0x1a: {  	[sflag:s15] =	ssyncset.done $0x0  }
0x1b: {  	[sflag:s15] =	ssyncadd.s32 $0xFFFFC000  }
0x1c: {  	_ =	swait.ge [sflag:s15], $0x4000  }
0x1d: {  	[sflag:s15] =	ssyncset.done $0x0  }
0x1e: {  	[sflag:s15] =	ssyncadd.s32 $0xFFFFC000  }
0x1f: {  	_ =	swait.ge [sflag:s15], $0x4000  }
0x20: {  	[sflag:s15] =	ssyncset.done $0x0  }
0x21: {  	[sflag:s15] =	ssyncadd.s32 $0xFFFFC000  }
0x22: {  	_ =	swait.ge [sflag:s15], $0x4000  }
0x23: {  	[sflag:s15] =	ssyncset.done $0x0  }
0x24: {  	[sflag:s15] =	ssyncadd.s32 $0xFFFFC000  }
0x25: {  	[hbm4b:s6+s1] =	stream.linear.scatter [tilespmem:s9], [sflag:$0x2], $0x10000, $0x38;
	[tilespmem:$0x10200] =	vst v63  }
0x26: {  	s18 =	simm.s32 $0x40;
	_ =	swait.ge [sflag:s7], $0x10000  }
0x27: {  	s19 =	simm.s32 $0x80;
	s17 =	sadd.s32 $0x2000, s6;
	[sflag:s7] =	ssyncset.done $0x0  }
.LBB2_2:
0x28: {  	s20 =	sadd.s32 s18, s5  }
0x29: {  	[sflag:s7] =	ssyncadd.s32 $0xFFFF0000;
	s18 =	smov.u32 s19;
	s21 =	sadd.s32 $0x40, s19  }
0x2a: {  	[tilespmem:s1], [sflag:$0x2] =	stream.linear.gather [hbm4b:s20+s1], $0x200, $0x38;
	[tilespmem:$0x10200] =	vst v63  }
0x2b: {  	p0 =	sne.s32 s19, $0x7C0;
	_ =	swait.ge [sflag:s7], $0x200  }
0x2c: {  	[sflag:s7] =	ssyncset.done $0x0  }
0x2d: {  	[sflag:s7] =	ssyncadd.s32 $0xFFFFFE00  }
0x2e: {  	[tilespmem:s9], [sflag:$0x1] =	stream.indirect.gather [hbm4b:s3+s8], $0x80, s1, s8, $0xb8;
	[tilespmem:$0x10200] =	vst v63  }
0x2f: {  	_ = 	snop  }
0x30: {  	[tilespmem:s10], [sflag:$0x1] =	stream.indirect.gather [hbm4b:s3+s8], $0x80, s8, s8, $0xb8;
	[tilespmem:$0x10200] =	vst v63  }
0x31: {  	_ = 	snop  }
0x32: {  	[tilespmem:s12], [sflag:$0x1] =	stream.indirect.gather [hbm4b:s3+s8], $0x80, s11, s8, $0xb8;
	[tilespmem:$0x10200] =	vst v63  }
0x33: {  	_ = 	snop  }
0x34: {  	[tilespmem:s14], [sflag:$0x1] =	stream.indirect.gather [hbm4b:s3+s8], $0x80, s13, s8, $0xb8;
	[tilespmem:$0x10200] =	vst v63  }
0x35: {  	_ =	swait.ge [sflag:s15], $0x4000  }
0x36: {  	[sflag:s15] =	ssyncset.done $0x0  }
0x37: {  	[sflag:s15] =	ssyncadd.s32 $0xFFFFC000  }
0x38: {  	_ =	swait.ge [sflag:s15], $0x4000  }
0x39: {  	[sflag:s15] =	ssyncset.done $0x0  }
0x3a: {  	[sflag:s15] =	ssyncadd.s32 $0xFFFFC000  }
0x3b: {  	_ =	swait.ge [sflag:s15], $0x4000  }
0x3c: {  	[sflag:s15] =	ssyncset.done $0x0  }
0x3d: {  	[sflag:s15] =	ssyncadd.s32 $0xFFFFC000  }
0x3e: {  	_ =	swait.ge [sflag:s15], $0x4000  }
.Ltmp0:
0x3f: {  	[sflag:s15] =	ssyncset.done $0x0;
	(pc) =	sbr.rel @p0 .LBB2_2-.Ltmp0, $4  }
0x40: {  	[sflag:s15] =	ssyncadd.s32 $0xFFFFC000  }
0x41: {  	[hbm4b:s17+s1] =	stream.linear.scatter [tilespmem:s9], [sflag:$0x2], $0x10000, $0x38;
	[tilespmem:$0x10200] =	vst v63  }
0x42: {  	_ =	swait.ge [sflag:s7], $0x10000  }
0x43: {  	s19 =	smov.u32 s21;
	s17 =	sadd.s32 $0x2000, s17;
	[sflag:s7] =	ssyncset.done $0x0  }
0x44: {  	s18 =	sadd.s32 s18, s5;
	[sflag:s7] =	ssyncadd.s32 $0xFFFF0000  }
0x45: {  	[tilespmem:s1], [sflag:$0x2] =	stream.linear.gather [hbm4b:s18+s1], $0x200, $0x38;
	[tilespmem:$0x10200] =	vst v63  }
0x46: {  	_ =	swait.ge [sflag:s7], $0x200  }
0x47: {  	[sflag:s7] =	ssyncset.done $0x0  }
0x48: {  	[sflag:s7] =	ssyncadd.s32 $0xFFFFFE00  }
0x49: {  	[tilespmem:s9], [sflag:$0x1] =	stream.indirect.gather [hbm4b:s3+s8], $0x80, s1, s8, $0xb8;
	[tilespmem:$0x10200] =	vst v63  }
0x4a: {  	_ = 	snop  }
0x4b: {  	[tilespmem:s10], [sflag:$0x1] =	stream.indirect.gather [hbm4b:s3+s8], $0x80, s8, s8, $0xb8;
	[tilespmem:$0x10200] =	vst v63  }
0x4c: {  	_ = 	snop  }
0x4d: {  	[tilespmem:s12], [sflag:$0x1] =	stream.indirect.gather [hbm4b:s3+s8], $0x80, s11, s8, $0xb8;
	[tilespmem:$0x10200] =	vst v63  }
0x4e: {  	_ = 	snop  }
0x4f: {  	[tilespmem:s14], [sflag:$0x1] =	stream.indirect.gather [hbm4b:s3+s8], $0x80, s13, s8, $0xb8;
	[tilespmem:$0x10200] =	vst v63  }
0x50: {  	_ =	swait.ge [sflag:s15], $0x4000  }
0x51: {  	[sflag:s15] =	ssyncset.done $0x0  }
0x52: {  	[sflag:s15] =	ssyncadd.s32 $0xFFFFC000  }
0x53: {  	_ =	swait.ge [sflag:s15], $0x4000  }
0x54: {  	[sflag:s15] =	ssyncset.done $0x0  }
0x55: {  	[sflag:s15] =	ssyncadd.s32 $0xFFFFC000  }
0x56: {  	_ =	swait.ge [sflag:s15], $0x4000  }
0x57: {  	[sflag:s15] =	ssyncset.done $0x0  }
0x58: {  	[sflag:s15] =	ssyncadd.s32 $0xFFFFC000  }
0x59: {  	s16 =	sadd.s32 $0x1, s16;
	_ =	swait.ge [sflag:s15], $0x4000  }
0x5a: {  	p0 =	sne.s32 s16, s4;
	[sflag:s15] =	ssyncset.done $0x0  }
.Ltmp1:
0x5b: {  	[sflag:s15] =	ssyncadd.s32 $0xFFFFC000;
	(pc) =	sbr.rel @p0 .LBB2_1-.Ltmp1, $4  }
0x5c: {  	[hbm4b:s17+s1] =	stream.linear.scatter [tilespmem:s9], [sflag:$0x2], $0x10000, $0x38;
	[tilespmem:$0x10200] =	vst v63  }
0x5d: {  	_ =	swait.ge [sflag:s7], $0x10000  }
0x5e: {  	[sflag:s7] =	ssyncset.done $0x0  }
0x5f: {  	[sflag:s7] =	ssyncadd.s32 $0xFFFF0000  }
0x60: {  	_ =	sfence.sel $0x180000  }
0x61: {  	[bflag:$0x0] =	sbarrier.arrive $0xFFFF  }
0x62: {  	p0 =	sne.s32 s2, $0x0;
	_ =	strace $0x9000005C  }
0x63: {  	s0 =	sadd.s32 @!p0 $0x100000, s0;
	[bflag:$0x2] =	sbarrier.arrive $0xFFFF  }
0x64: {  	[sflag:s0] =	ssyncadd.tile.s32 @!p0 $0x1;
	_ =	shalt  }
.Lfunc_end2:
_tile_overlayer_lowered:
.L_overlay_start_2:
0x65: {  	(tag) =	ssettag $0x2  }
0x66: {  	s0 =	rddreg [dreg:$0x0];
	s2 =	stileid.u32  }
0x67: {  	s1 =	rddreg [dreg:$0x1];
	p0 =	sne.s32 s2, $0x0  }
0x68: {  	s3 =	rddreg [dreg:$0x2];
	[bflag:$0x3] =	sbarrier.arrive $0xFFFF;
	s2 =	simm.s32 @!p0 $0x1C02  }
0x69: {  	[timem:s3], [sflag:s2] =	dma.local @!p0 [hbm:s0], s1  }
0x6a: {  	s0 =	simm.s32 @!p0 $0x2  }
0x6b: {  	_ =	swait.ge @!p0 [sflag:s0], s1  }
0x6c: {  	s1 =	ssub.s32 @!p0 $0x0, s1;
	[sflag:s0] =	ssyncset.done @!p0 $0x0  }
0x6d: {  	[sflag:s0] =	ssyncadd.s32 @!p0 s1  }
0x6e: {  	[bflag:$0x3] =	sbarrier.arrive $0xFFFF  }
0x6f: {  	_ =	shalt  }

// kernel: sparse-core-data-format-call.1.cloned.1.call-start
scs
called_computation.1_lowered:
.L_overlay_start_0:
0x0: {  	s2 =	sld [smem:$0x3FD9]  }
0x1: {  	s3 =	sld [smem:$0x3FFE];
	_ =	sdelay $0x1  }
0x2: {  	s1 =	srdreg.scid  }
0x3: {  	s0 =	sand.u32 $0x1, s1  }
0x4: {  	s18 =	sshll.u32 s0, $0xA;
	s2 =	sadd.s32 s3, s2  }
0x5: {  	s2 =	sadd.s32 s2, s18  }
0x6: {  	[smem:$0x3F60] =	sst s2  }
0x7: {  	_ = 	snop  }
0x8: {  	(tm) =	ssettm $0x1  }
0x9: {  	s19 =	sld [smem:$0x3FFB];
	_ =	sdelay $0x3  }
0xa: {  	_ =	strace s19  }
0xb: {  	s2 =	sld [smem:$0x3FFC];
	_ =	sdelay $0x3  }
0xc: {  	_ =	strace s2  }
0xd: {  	s2 =	sld [smem:$0x3FFD];
	_ =	sdelay $0x3  }
0xe: {  	_ =	strace s2  }
0xf: {  	_ =	strace $0x8FFFFFFF  }
0x10: {  	s20 =	sld [smem:$0x3FDB];
	_ =	sdelay $0x1  }
0x11: {  	s21 =	simm.s32 $_scs_section_size  }
0x12: {  	s4 =	simm.s32 $_size__tile_overlayer_lowered;
	s5 =	simm.s32 $_tile_overlayer_lowered  }
0x13: {  	s6 =	simm.s32 $0x1BFF;
	s22 =	sshll.u32 s5, $0x1;
	s3 =	sadd.s32 s21, s20  }
0x14: {  	s23 =	simm.s32 $0x0;
	s4 =	sshll.u32 s4, $0x1;
	s5 =	sadd.s32 s22, s3  }
0x15: {  	[timem:s23], [sflag:s6] =	dma.local [hbm:s5], s4  }
0x16: {  	_ =	swait.ge [sflag:s6], s4  }
0x17: {  	s4 =	ssub.s32 $0x0, s4;
	[sflag:s6] =	ssyncset.done $0x0  }
0x18: {  	[sflag:s6] =	ssyncadd.s32 s4;
	_ =	sdelay $0x1  }
0x19: {  	s24 =	simm.s32 $0x1B8B  }
0x1a: {  	_ =	swait.ge [sflag:s24], $0x1  }
0x1b: {  	[sflag:s24] =	ssyncset.done $0x0  }
0x1c: {  	[sflag:s24] =	ssyncadd.s32 $0xFFFFFFFF  }
0x1d: {  	s4 =	sld [smem:$0x0]  }
0x1e: {  	s5 =	sand.u32 $0xFFFFFFFE, s1  }
0x1f: {  	p0 =	sne.s32 s1, s5  }
0x20: {  	s5 =	sshll.u32 @p0 s5, $0xE  }
0x21: {  	s5 =	sadd.s32 @p0 $0x11B8D, s5;
	s6 =	sshll.u32 @p0 s4, $0x11  }
0x22: {  	s5 =	sor.u32 @p0 s6, s5  }
0x23: {  	[sflag:s5] =	ssyncadd.remote.s32 @p0 $0x1;
	_ =	sdelay $0x1  }
0x24: {  	s5 =	simm.s32 @p0 $0x1B8D  }
0x25: {  	_ =	swait.eq @p0 [sflag:s5], $0x1  }
0x26: {  	[sflag:s5] =	ssyncadd.s32 @p0 $0xFFFFFFFF  }
0x27: {  	s6 =	sshll.u32 @!p0 s1, $0xE  }
0x28: {  	s6 =	sor.u32 @!p0 $0x4000, s6;
	s5 =	simm.s32 @!p0 $0x1B8D  }
0x29: {  	s4 =	sshll.u32 @!p0 s4, $0x11;
	s6 =	sadd.s32 @!p0 $0x11B8D, s6;
	_ =	swait.eq @!p0 [sflag:s5], $0x1  }
0x2a: {  	s4 =	sor.u32 @!p0 s4, s6;
	[sflag:s5] =	ssyncadd.s32 @!p0 $0xFFFFFFFF  }
0x2b: {  	s26 =	simm.s32 $0x1B8E;
	s25 =	sld [smem:$0x3FFE];
	[sflag:s4] =	ssyncadd.remote.s32 @!p0 $0x1  }
0x2c: {  	s27 =	simm.s32 $execute0_lowered;
	[smem:$0x3FD2] =	sst s26  }
0x2d: {  	s5 =	sshll.u32 s27, $0x1;
	_ =	strace $0x80000052;
	[dreg:$0x1] =	wrdreg $0xFFFFFFFF  }
0x2e: {  	s28 =	simm.s32 $_size_execute0_lowered;
	s3 =	sadd.s32 s3, s5;
	[dreg:$0x0] =	wrdreg $0x0  }
0x2f: {  	s5 =	sshll.u32 s28, $0x1;
	[dreg:$0x2] =	wrdreg s3  }
0x30: {  	[dreg:$0x3] =	wrdreg s5  }
0x31: {  	[dreg:$0x4] =	wrdreg $0xC0  }
0x32: {  	_ =	task [dreg:s23], $0x5FFFF  }
0x33: {  	[dreg:$0x1] =	wrdreg $0xFFFFFFFF  }
0x34: {  	[dreg:$0x0] =	wrdreg $0x60  }
0x35: {  	[dreg:$0x2] =	wrdreg s25  }
0x36: {  	[dreg:$0x3] =	wrdreg $0xB  }
0x37: {  	_ =	task.clear_ibuf [dreg:s23], $0x4FFFF;
	_ =	strace $0x90000052  }
0x38: {  	s29 =	simm.s32 $0xB;
	_ =	strace $0x80000054  }
0x39: {  	_ =	swait.ge [sflag:s29], $0x1  }
0x3a: {  	[sflag:s29] =	ssyncadd.s32 $0xFFFFFFFF  }
0x3b: {  	_ =	strace $0x90000054  }
0x3c: {  	_ =	sfence  }
0x3d: {  	s30 =	sld [smem:$0x0];
	_ =	sdelay $0x2  }
0x3e: {  	s31 =	sshll.u32 s1, $0xD;
	s1 =	sshrl.u32 s1, $0x2  }
0x3f: {  	s4 =	sand.u32 $0x4000, s31;
	s1 =	sadd.s32 s1, s30  }
0x40: {  	s0 =	sor.u32 s4, s0;
	s1 =	sshll.u32 s1, $0x11  }
0x41: {  	s0 =	sor.u32 s1, s0  }
0x42: {  	s0 =	sadd.s32 $0x8F2B, s0  }
0x43: {  	[sflag:s0] =	ssyncadd.remote.s32 $0x1  }
0x44: {  	_ =	sfence.sel $0xFFFF  }
0x45: {  	[dreg:$0x0] =	wrdreg $0xFFFFFFFF;
	(pc) =	sbr.abs _section_cstart, $3  }
0x46: {  	[dreg:$0x1] =	wrdreg $0xFFFFFFFF  }
0x47: {  	_ =	task.clear_ibuf [dreg:s23], $0x2FFFF;
	_ =	strace $0x9FFFFFFF  }
0x48: {  	(tm) =	ssettm $0x7FFFFFFF  }
0x49: {  	_ =	shalt  }
tec
execute0_lowered:
.L_overlay_start_1:
0x0: {  	(tag) =	ssettag $0x1  }
0x1: {  	s0 =	stileid.u32;
	s1 =	srdreg.scid  }
0x2: {  	s4 =	rddreg [dreg:$0x0];
	s7 =	simm.s32 $0x1;
	s31 =	simm.s32 $0x2  }
0x3: {  	s15 =	simm.s32 $0x0;
	s2 =	sshll.u32 s0, $0x4;
	s1 =	sshll.u32 s1, $0x8  }
0x4: {  	s9 =	simm.s32 $0x2000;
	s14 =	simm.s32 $0x0;
	s1 =	sor.u32 s2, s1  }
0x5: {  	s16 =	simm.s32 $0x0;
	s10 =	simm.s32 $0x0;
	s2 =	sand.u32 $0x180, s1  }
0x6: {  	s13 =	simm.s32 $0x0;
	s3 =	sadd.s32 $0x1941E00, s4;
	s5 =	ssub.s32 $0x400, s2  }
0x7: {  	s4 =	sadd.s32 $0x919E00, s4;
	s1 =	rddreg [dreg:$0x1];
	s6 =	sand.u32 $0x180, s5  }
.Ltmp0:
0x8: {  	_ =	strace $0x80000053;
	p0 =	sne.s32 s6, $0x0;
	(pc) =	sbr.rel .LBB1_1-.Ltmp0, $4  }
0x9: {  	s11 =	smov.u32 s2;
	s8 =	sshrl.u32 s5, $0x9;
	s7 =	simm.s32 @!p0 $0x0  }
0xa: {  	s5 =	sand.u32 $0x7, s0;
	s6 =	simm.s32 $0x1;
	s7 =	sadd.s32 s7, s8  }
0xb: {  	s12 =	smov.u32 s5;
	[sflag:s6] =	ssyncpa.u1 $0x0;
	s7 =	sshll.u32 s7, $0x6  }
0xc: {  	p0 =	por $0x0, $0x0;
	[sflag:s31] =	ssyncpa.u1 $0x0;
	s8 =	sor.u32 $0x1, s7  }
.LBB1_4:
0xd: {  	s16 =	sshll.u32 s16, $0x13  }
0xe: {  	s19 =	sand.u32 $0x1F80, s14;
	s15 =	sshll.u32 s15, $0xD;
	s16 =	sadd.s32 s4, s16  }
0xf: {  	[tilespmem:s18+$0x810 ss:$0x81] =	vst.msk $0xffff, v2;
	s20 =	sshrl.u32 s14, $0x3;
	s30 =	sand.u32 $0x7, s14;
	s16 =	sadd.s32 s19, s16  }
0x10: {  	[tilespmem:s18+$0x1020 ss:$0x81] =	vst.msk $0xffff, v0;
	s31 =	sand.u32 $0xF, s20;
	s14 =	sshll.u32 s30, $0x12;
	s15 =	sadd.s32 s15, s16  }
0x11: {  	[tilespmem:s18+$0x0 ss:$0x81] =	vst.msk $0xffff, v1;
	s14 =	sor.u32 $0x400, s14;
	s15 =	sadd.s32 s31, s15  }
0x12: {  	[hbm4b:s15+s14] =	stream.strided.scatter [tilespmem:s17], [sflag:$0x2], $0x2000, s9, s14, $0x20;
	[tilespmem:$0x8080] =	vst v63  }
.LBB1_5:
0x13: {  	s17 =	sadd.s32 $0x1, s10  }
0x14: {  	s14 =	sadd.s32 $0x200, s11;
	s18 =	smov.u32 s11;
	p2 =	sgt.s32 s17, $0x3F  }
0x15: {  	s18 =	smov.u32 @p2 s14  }
0x16: {  	s20 =	smov.u32 s12;
	s14 =	sadd.s32 $0x8, s12;
	p3 =	sgt.s32 s18, $0x3FF  }
0x17: {  	s20 =	smov.u32 @p3 s14  }
0x18: {  	s17 =	simm.s32 @p2 $0x0;
	p2 =	sgt.s32 s20, $0x7  }
0x19: {  	p1 =	slt.u32 s13, $0x2;
	s20 =	smov.u32 @p2 s5;
	p2 =	sne.s32 s13, s8  }
.Ltmp1:
0x1a: {  	s19 =	simm.s32 @!p1 $0x2;
	(pc) =	sbr.rel @!p2 .LBB1_6-.Ltmp1, $4  }
0x1b: {  	s15 =	smov.u32 s10;
	s16 =	smov.u32 s12;
	_ =	swait.ge @!p1 [sflag:s19], $0x2000  }
0x1c: {  	p0 =	por !p0, !p0;
	[sflag:s19] =	ssyncset.done @!p1 $0x0;
	s10 =	smov.u32 s17  }
0x1d: {  	s18 =	smov.u32 @p3 s2;
	s14 =	smov.u32 s11;
	[sflag:s19] =	ssyncadd.s32 @!p1 $0xFFFFE000  }
0x1e: {  	s11 =	smov.u32 s18;
	s13 =	sadd.s32 $0x1, s13;
	s12 =	smov.u32 s20  }
.LBB1_1:
0x1f: {  	p1 =	sge.u32 s13, s7;
	s31 =	sadd.s32 $0xFFFFFFFF, s13  }
0x20: {  	s17 =	sxor.u32 @!p1 $0xFFFFFFFF, s13;
	s18 =	sshll.u32 @!p1 s12, $0x14;
	s19 =	sshll.u32 @!p1 s11, $0xA  }
0x21: {  	s20 =	sshll.u32 @!p1 s10, $0x4;
	s17 =	sshll.u32 @!p1 s17, $0xD;
	s18 =	sadd.s32 @!p1 s3, s18  }
0x22: {  	s20 =	sand.u32 @!p1 $0x3F0, s20;
	s17 =	sand.u32 @!p1 $0x2000, s17;
	s18 =	sadd.s32 @!p1 s19, s18  }
0x23: {  	s19 =	simm.s32 @!p1 $0x40;
	s18 =	sadd.s32 @!p1 s20, s18;
	s20 =	simm.s32 @!p1 $0x2000  }
0x24: {  	[tilespmem:s17], [sflag:$0x1] =	stream.strided.gather @!p1 [hbm4b:s18+s19], $0x2000, s20, s19, $0x38;
	[tilespmem:$0x8080] =	vst v63  }
0x25: {  	p1 =	sge.u32 s31, s7  }
.Ltmp2:
0x26: {  	_ = 	snop;
	(pc) =	sbr.rel @p1 .LBB1_5-.Ltmp2, $1  }
0x27: {  	_ =	sdelay $0x3  }
0x28: {  	s17 =	simm.s32 $0x1  }
0x29: {  	_ =	swait.ge [sflag:s6], $0x2000;
	s17 =	simm.s32 @!p0 $0x0  }
0x2a: {  	[sflag:s6] =	ssyncset.done $0x0;
	s18 =	sshll.u32 s17, $0xD  }
0x2b: {  	[sflag:s6] =	ssyncadd.s32 $0xFFFFE000;
	s21 =	sor.u32 $0x20, s18  }
0x2c: {  	s17 =	smul.u32 $0x8100, s17;
	v3 =	vld [tilespmem:s21+$0x10]  }
0x2d: {  	s30 =	sand.u32 $0x1, s13;
	v2 =	vld [tilespmem:s21+$0xFFFFFFF0]  }
0x2e: {  	s18 =	smul.u32 $0x8100, s30;
	s17 =	sshrl.u32 s17, $0x2;
	v0 =	vld [tilespmem:s21+$0x0]  }
0x2f: {  	v1 =	vld [tilespmem:s21+$0xFFFFFFE0];
	s19 =	sor.u32 $0x4000, s17  }
0x30: {  	s31 =	sshrl.u32 s18, $0x2;
	s18 =	sadd.s32 $0x0, s19  }
0x31: {  	s20 =	simm.s32 $0x4;
	s21 =	sadd.s32 $0x40, s21;
	s17 =	sor.u32 $0x4000, s31;
	[tilespmem:s18+$0x1830 ss:$0x81] =	vst.msk $0xffff, v3  }
.LBB1_3:
0x32: {  	v3 =	vld [tilespmem:s21+$0x10];
	p1 =	sne.s32 s20, $0x1FC;
	[tilespmem:s18+$0x810 ss:$0x81] =	vst.msk $0xffff, v2;
	s22 =	smov.u32 s20;
	s20 =	sadd.s32 $0x4, s20  }
.Ltmp3:
0x33: {  	v2 =	vld [tilespmem:s21+$0xFFFFFFF0];
	[tilespmem:s18+$0x1020 ss:$0x81] =	vst.msk $0xffff, v0;
	(pc) =	sbr.rel @p1 .LBB1_3-.Ltmp3, $4  }
0x34: {  	v0 =	vld [tilespmem:s21+$0x0];
	[tilespmem:s18+$0x0 ss:$0x81] =	vst.msk $0xffff, v1  }
0x35: {  	s18 =	sshra.s32 s22, $0x2;
	v1 =	vld [tilespmem:s21+$0xFFFFFFE0]  }
0x36: {  	s18 =	sadd.s32 s18, s19  }
0x37: {  	s21 =	sadd.s32 $0x40, s21;
	[tilespmem:s18+$0x1830 ss:$0x81] =	vst.msk $0xffff, v3  }
.Ltmp4:
0x38: {  	_ = 	snop;
	(pc) =	sbr.rel .LBB1_4-.Ltmp4, $1  }
0x39: {  	_ =	sdelay $0x3  }
.LBB1_6:
0x3a: {  	_ =	sfence.sel $0x180000  }
0x3b: {  	s2 =	simm.s32 $0x1;
	[bflag:$0x0] =	sbarrier.arrive $0xFFFF  }
0x3c: {  	s31 =	simm.s32 $0x2;
	[sflag:s2] =	ssyncpa.u1 $0x1  }
0x3d: {  	[sflag:s31] =	ssyncpa.u1 $0x1  }
0x3e: {  	p0 =	sne.s32 s0, $0x0;
	_ =	strace $0x90000053  }
0x3f: {  	s0 =	sadd.s32 @!p0 $0x100000, s1;
	[bflag:$0x2] =	sbarrier.arrive $0xFFFF  }
0x40: {  	[sflag:s0] =	ssyncadd.tile.s32 @!p0 $0x1;
	_ =	shalt  }
.Lfunc_end1:
_tile_overlayer_lowered:
.L_overlay_start_2:
0x41: {  	(tag) =	ssettag $0x2  }
0x42: {  	s0 =	rddreg [dreg:$0x0];
	s2 =	stileid.u32  }
0x43: {  	s1 =	rddreg [dreg:$0x1];
	p0 =	sne.s32 s2, $0x0  }
0x44: {  	s3 =	rddreg [dreg:$0x2];
	[bflag:$0x3] =	sbarrier.arrive $0xFFFF;
	s2 =	simm.s32 @!p0 $0x1C01  }
0x45: {  	[timem:s3], [sflag:s2] =	dma.local @!p0 [hbm:s0], s1  }
0x46: {  	s0 =	simm.s32 @!p0 $0x1  }
0x47: {  	_ =	swait.ge @!p0 [sflag:s0], s1  }
0x48: {  	s1 =	ssub.s32 @!p0 $0x0, s1;
	[sflag:s0] =	ssyncset.done @!p0 $0x0  }
0x49: {  	[sflag:s0] =	ssyncadd.s32 @!p0 s1  }
0x4a: {  	[bflag:$0x3] =	sbarrier.arrive $0xFFFF  }
0x4b: {  	_ =	shalt  }

// kernel: sparse-core-data-format-call.2.cloned.1.call-start
scs
called_computation.2_lowered:
.L_overlay_start_0:
0x0: {  	s2 =	sld [smem:$0x3FD9]  }
0x1: {  	s3 =	sld [smem:$0x3FFE];
	_ =	sdelay $0x1  }
0x2: {  	s1 =	srdreg.scid  }
0x3: {  	s0 =	sand.u32 $0x1, s1  }
0x4: {  	s18 =	sshll.u32 s0, $0xA;
	s2 =	sadd.s32 s3, s2  }
0x5: {  	s2 =	sadd.s32 s2, s18  }
0x6: {  	[smem:$0x3F60] =	sst s2  }
0x7: {  	_ = 	snop  }
0x8: {  	(tm) =	ssettm $0x1  }
0x9: {  	s19 =	sld [smem:$0x3FFB];
	_ =	sdelay $0x3  }
0xa: {  	_ =	strace s19  }
0xb: {  	s2 =	sld [smem:$0x3FFC];
	_ =	sdelay $0x3  }
0xc: {  	_ =	strace s2  }
0xd: {  	s2 =	sld [smem:$0x3FFD];
	_ =	sdelay $0x3  }
0xe: {  	_ =	strace s2  }
0xf: {  	_ =	strace $0x8FFFFFFF  }
0x10: {  	s20 =	sld [smem:$0x3FDB];
	_ =	sdelay $0x1  }
0x11: {  	s21 =	simm.s32 $_scs_section_size  }
0x12: {  	s4 =	simm.s32 $_size__tile_overlayer_lowered;
	s5 =	simm.s32 $_tile_overlayer_lowered  }
0x13: {  	s6 =	simm.s32 $0x1BFF;
	s22 =	sshll.u32 s5, $0x1;
	s3 =	sadd.s32 s21, s20  }
0x14: {  	s23 =	simm.s32 $0x0;
	s4 =	sshll.u32 s4, $0x1;
	s5 =	sadd.s32 s22, s3  }
0x15: {  	[timem:s23], [sflag:s6] =	dma.local [hbm:s5], s4  }
0x16: {  	_ =	swait.ge [sflag:s6], s4  }
0x17: {  	s4 =	ssub.s32 $0x0, s4;
	[sflag:s6] =	ssyncset.done $0x0  }
0x18: {  	[sflag:s6] =	ssyncadd.s32 s4;
	_ =	sdelay $0x1  }
0x19: {  	s24 =	simm.s32 $0x1B8B  }
0x1a: {  	_ =	swait.ge [sflag:s24], $0x1  }
0x1b: {  	[sflag:s24] =	ssyncset.done $0x0  }
0x1c: {  	[sflag:s24] =	ssyncadd.s32 $0xFFFFFFFF  }
0x1d: {  	s4 =	sld [smem:$0x0]  }
0x1e: {  	s5 =	sand.u32 $0xFFFFFFFE, s1  }
0x1f: {  	p0 =	sne.s32 s1, s5  }
0x20: {  	s5 =	sshll.u32 @p0 s5, $0xE  }
0x21: {  	s5 =	sadd.s32 @p0 $0x11B8D, s5;
	s6 =	sshll.u32 @p0 s4, $0x11  }
0x22: {  	s5 =	sor.u32 @p0 s6, s5  }
0x23: {  	[sflag:s5] =	ssyncadd.remote.s32 @p0 $0x1;
	_ =	sdelay $0x1  }
0x24: {  	s5 =	simm.s32 @p0 $0x1B8D  }
0x25: {  	_ =	swait.eq @p0 [sflag:s5], $0x1  }
0x26: {  	[sflag:s5] =	ssyncadd.s32 @p0 $0xFFFFFFFF  }
0x27: {  	s6 =	sshll.u32 @!p0 s1, $0xE  }
0x28: {  	s6 =	sor.u32 @!p0 $0x4000, s6;
	s5 =	simm.s32 @!p0 $0x1B8D  }
0x29: {  	s4 =	sshll.u32 @!p0 s4, $0x11;
	s6 =	sadd.s32 @!p0 $0x11B8D, s6;
	_ =	swait.eq @!p0 [sflag:s5], $0x1  }
0x2a: {  	s4 =	sor.u32 @!p0 s4, s6;
	[sflag:s5] =	ssyncadd.s32 @!p0 $0xFFFFFFFF  }
0x2b: {  	s26 =	simm.s32 $0x1B8E;
	s25 =	sld [smem:$0x3FFE];
	[sflag:s4] =	ssyncadd.remote.s32 @!p0 $0x1  }
0x2c: {  	s27 =	simm.s32 $execute0_lowered;
	[smem:$0x3FD2] =	sst s26  }
0x2d: {  	s5 =	sshll.u32 s27, $0x1;
	_ =	strace $0x80000055;
	[dreg:$0x1] =	wrdreg $0xFFFFFFFF  }
0x2e: {  	s28 =	simm.s32 $_size_execute0_lowered;
	s3 =	sadd.s32 s3, s5;
	[dreg:$0x0] =	wrdreg $0x0  }
0x2f: {  	s5 =	sshll.u32 s28, $0x1;
	[dreg:$0x2] =	wrdreg s3  }
0x30: {  	[dreg:$0x3] =	wrdreg s5  }
0x31: {  	[dreg:$0x4] =	wrdreg $0xC0  }
0x32: {  	_ =	task [dreg:s23], $0x5FFFF  }
0x33: {  	[dreg:$0x1] =	wrdreg $0xFFFFFFFF  }
0x34: {  	[dreg:$0x0] =	wrdreg $0x60  }
0x35: {  	[dreg:$0x2] =	wrdreg s25  }
0x36: {  	[dreg:$0x3] =	wrdreg $0xA  }
0x37: {  	_ =	task.clear_ibuf [dreg:s23], $0x4FFFF;
	_ =	strace $0x90000055  }
0x38: {  	s29 =	simm.s32 $0xA;
	_ =	strace $0x80000057  }
0x39: {  	_ =	swait.ge [sflag:s29], $0x1  }
0x3a: {  	[sflag:s29] =	ssyncadd.s32 $0xFFFFFFFF  }
0x3b: {  	_ =	strace $0x90000057  }
0x3c: {  	_ =	sfence  }
0x3d: {  	s30 =	sld [smem:$0x0];
	_ =	sdelay $0x2  }
0x3e: {  	s31 =	sshll.u32 s1, $0xD;
	s1 =	sshrl.u32 s1, $0x2  }
0x3f: {  	s4 =	sand.u32 $0x4000, s31;
	s1 =	sadd.s32 s1, s30  }
0x40: {  	s0 =	sor.u32 s4, s0;
	s1 =	sshll.u32 s1, $0x11  }
0x41: {  	s0 =	sor.u32 s1, s0  }
0x42: {  	s0 =	sadd.s32 $0x8F2B, s0  }
0x43: {  	[sflag:s0] =	ssyncadd.remote.s32 $0x1  }
0x44: {  	_ =	sfence.sel $0xFFFF  }
0x45: {  	[dreg:$0x0] =	wrdreg $0xFFFFFFFF;
	(pc) =	sbr.abs _section_cstart, $3  }
0x46: {  	[dreg:$0x1] =	wrdreg $0xFFFFFFFF  }
0x47: {  	_ =	task.clear_ibuf [dreg:s23], $0x2FFFF;
	_ =	strace $0x9FFFFFFF  }
0x48: {  	(tm) =	ssettm $0x7FFFFFFF  }
0x49: {  	_ =	shalt  }
tec
execute0_lowered:
.L_overlay_start_1:
0x0: {  	(tag) =	ssettag $0x1  }
0x1: {  	s1 =	srdreg.scid;
	s0 =	stileid.u32  }
0x2: {  	s4 =	rddreg [dreg:$0x0];
	s5 =	simm.s32 $0x1;
	s1 =	sshll.u32 s1, $0x4  }
0x3: {  	s8 =	simm.s32 $0x2;
	s13 =	simm.s32 $0x0;
	s2 =	sor.u32 s0, s1  }
0x4: {  	s14 =	simm.s32 $0x0;
	s12 =	simm.s32 $0x0;
	s2 =	sshrl.u32 s2, $0x2  }
0x5: {  	s3 =	sadd.s32 $0x2141E00, s4;
	s4 =	sadd.s32 $0xD30000, s4;
	s2 =	sand.u32 $0x6, s2  }
0x6: {  	s1 =	rddreg [dreg:$0x1];
	_ =	strace $0x80000056;
	s6 =	ssub.s32 $0x400, s2  }
.Ltmp0:
0x7: {  	[sflag:s5] =	ssyncpa.u1 $0x0;
	s7 =	sand.u32 $0x6, s6;
	(pc) =	sbr.rel .LBB1_1-.Ltmp0, $4  }
0x8: {  	[sflag:s8] =	ssyncpa.u1 $0x0;
	p0 =	sne.s32 s7, $0x0;
	s7 =	simm.s32 $0x1  }
0x9: {  	s9 =	sshrl.u32 s6, $0x3;
	s6 =	sand.u32 $0x7, s0;
	s7 =	simm.s32 @!p0 $0x0  }
0xa: {  	s10 =	smov.u32 s2;
	s11 =	smov.u32 s6;
	s7 =	sadd.s32 s7, s9  }
0xb: {  	p0 =	por $0x0, $0x0;
	s9 =	simm.s32 $0x0;
	s8 =	sadd.s32 $0x1, s7  }
.LBB1_7:
0xc: {  	s15 =	sadd.s32 $0x8, s10  }
0xd: {  	s13 =	sadd.s32 $0x8, s11;
	s17 =	smov.u32 s11;
	p2 =	sgt.s32 s15, $0x3FF  }
0xe: {  	s17 =	smov.u32 @p2 s13  }
0xf: {  	s15 =	smov.u32 @p2 s2;
	p2 =	sgt.s32 s17, $0x7  }
0x10: {  	s17 =	smov.u32 @p2 s6;
	p2 =	sne.s32 s12, s8  }
.Ltmp1:
0x11: {  	p1 =	slt.u32 s12, $0x2;
	(pc) =	sbr.rel @!p2 .LBB1_8-.Ltmp1, $4  }
0x12: {  	s16 =	simm.s32 @!p1 $0x2  }
0x13: {  	s14 =	smov.u32 s11;
	p0 =	por !p0, !p0;
	_ =	swait.ge @!p1 [sflag:s16], $0x4000  }
0x14: {  	s13 =	smov.u32 s10;
	[sflag:s16] =	ssyncset.done @!p1 $0x0;
	s10 =	smov.u32 s15  }
0x15: {  	s12 =	sadd.s32 $0x1, s12;
	[sflag:s16] =	ssyncadd.s32 @!p1 $0xFFFFC000;
	s11 =	smov.u32 s17  }
.LBB1_1:
0x16: {  	p1 =	sge.u32 s12, s7;
	s31 =	sadd.s32 $0xFFFFFFFF, s12  }
0x17: {  	s15 =	sxor.u32 @!p1 $0xFFFFFFFF, s12;
	s16 =	sshll.u32 @!p1 s11, $0x15;
	s17 =	sshll.u32 @!p1 s10, $0xB  }
0x18: {  	s18 =	simm.s32 @!p1 $0x80;
	s15 =	sshll.u32 @!p1 s15, $0xE;
	s16 =	sadd.s32 @!p1 s3, s16  }
0x19: {  	s15 =	sand.u32 @!p1 $0x4000, s15;
	s16 =	sadd.s32 @!p1 s17, s16;
	s17 =	simm.s32 @!p1 $0x40  }
0x1a: {  	[tilespmem:s15], [sflag:$0x1] =	stream.strided.gather @!p1 [hbm4b:s16+s17], $0x4000, s18, s17, $0x38;
	[tilespmem:$0x10100] =	vst v63  }
0x1b: {  	p1 =	sge.u32 s31, s7  }
.Ltmp2:
0x1c: {  	_ = 	snop;
	(pc) =	sbr.rel @p1 .LBB1_7-.Ltmp2, $1  }
0x1d: {  	_ =	sdelay $0x3  }
0x1e: {  	s15 =	simm.s32 $0x1;
	s17 =	sand.u32 $0x1, s12  }
0x1f: {  	_ =	swait.ge [sflag:s5], $0x4000;
	s15 =	simm.s32 @!p0 $0x0;
	s17 =	smul.u32 $0x10200, s17  }
0x20: {  	p2 =	por $0x1, $0x1;
	[sflag:s5] =	ssyncset.done $0x0;
	s16 =	smul.u32 $0x10200, s15  }
0x21: {  	s18 =	sshll.u32 s15, $0x10;
	[sflag:s5] =	ssyncadd.s32 $0xFFFFC000;
	s30 =	sshrl.u32 s17, $0x2  }
0x22: {  	s31 =	sshrl.u32 s18, $0x2;
	s18 =	simm.s32 $0x0;
	s16 =	sshrl.u32 s16, $0x2  }
0x23: {  	s15 =	sor.u32 $0x8000, s30;
	s17 =	sadd.s32 $0x20, s31;
	s16 =	sor.u32 $0x8000, s16  }
.LBB1_3:
0x24: {  	s19 =	sshll.u32 s18, $0xD  }
0x25: {  	s19 =	sand.u32 $0x3FFFE000, s19  }
0x26: {  	s21 =	sadd.s32 s19, s17  }
0x27: {  	s31 =	smul.u32 $0x8100, s18;
	v3 =	vld [tilespmem:s21+$0x10]  }
0x28: {  	v1 =	vld [tilespmem:s21+$0xFFFFFFF0]  }
0x29: {  	s18 =	sshra.s32 s31, $0x2;
	v0 =	vld [tilespmem:s21+$0x0]  }
0x2a: {  	s18 =	sadd.s32 s18, s16;
	v2 =	vld [tilespmem:s21+$0xFFFFFFE0]  }
0x2b: {  	s19 =	sadd.s32 $0x0, s18  }
0x2c: {  	p1 =	por p2, p2;
	s20 =	simm.s32 $0x4;
	s21 =	sadd.s32 $0x40, s21;
	[tilespmem:s19+$0x1830 ss:$0x81] =	vst.msk $0xffff, v3  }
.LBB1_4:
0x2d: {  	v3 =	vld [tilespmem:s21+$0x10];
	p2 =	sne.s32 s20, $0x1FC;
	[tilespmem:s19+$0x810 ss:$0x81] =	vst.msk $0xffff, v1;
	s22 =	smov.u32 s20;
	s20 =	sadd.s32 $0x4, s20  }
.Ltmp3:
0x2e: {  	v1 =	vld [tilespmem:s21+$0xFFFFFFF0];
	[tilespmem:s19+$0x1020 ss:$0x81] =	vst.msk $0xffff, v0;
	(pc) =	sbr.rel @p2 .LBB1_4-.Ltmp3, $4  }
0x2f: {  	v0 =	vld [tilespmem:s21+$0x0];
	[tilespmem:s19+$0x0 ss:$0x81] =	vst.msk $0xffff, v2  }
0x30: {  	s19 =	sshra.s32 s22, $0x2;
	v2 =	vld [tilespmem:s21+$0xFFFFFFE0]  }
0x31: {  	s19 =	sadd.s32 s19, s18  }
0x32: {  	s21 =	sadd.s32 $0x40, s21;
	[tilespmem:s19+$0x1830 ss:$0x81] =	vst.msk $0xffff, v3  }
.Ltmp4:
0x33: {  	(pc) =	sbr.rel @p1 .LBB1_3-.Ltmp4, $4  }
0x34: {  	_ = 	snop  }
0x35: {  	[tilespmem:s19+$0x810 ss:$0x81] =	vst.msk $0xffff, v1  }
0x36: {  	[tilespmem:s19+$0x1020 ss:$0x81] =	vst.msk $0xffff, v0  }
0x37: {  	s18 =	simm.s32 $0x1;
	p2 =	por $0x0, $0x0;
	[tilespmem:s19+$0x0 ss:$0x81] =	vst.msk $0xffff, v2  }
.Ltmp5:
0x38: {  	(pc) =	sbr.rel .LBB1_7-.Ltmp5, $4  }
0x39: {  	s14 =	sshll.u32 s14, $0x14  }
0x3a: {  	s13 =	sshll.u32 s13, $0xA;
	s14 =	sadd.s32 s4, s14  }
0x3b: {  	s13 =	sadd.s32 s13, s14  }
0x3c: {  	[hbm4b:s13+s9] =	stream.linear.scatter [tilespmem:s15], [sflag:$0x2], $0x4000, $0x20;
	[tilespmem:$0x10100] =	vst v63  }
.LBB1_8:
0x3d: {  	_ =	sfence.sel $0x180000  }
0x3e: {  	s2 =	simm.s32 $0x1;
	[bflag:$0x0] =	sbarrier.arrive $0xFFFF  }
0x3f: {  	s31 =	simm.s32 $0x2;
	[sflag:s2] =	ssyncpa.u1 $0x1  }
0x40: {  	[sflag:s31] =	ssyncpa.u1 $0x1  }
0x41: {  	p0 =	sne.s32 s0, $0x0;
	_ =	strace $0x90000056  }
0x42: {  	s0 =	sadd.s32 @!p0 $0x100000, s1;
	[bflag:$0x2] =	sbarrier.arrive $0xFFFF  }
0x43: {  	[sflag:s0] =	ssyncadd.tile.s32 @!p0 $0x1;
	_ =	shalt  }
.Lfunc_end1:
_tile_overlayer_lowered:
.L_overlay_start_2:
0x44: {  	(tag) =	ssettag $0x2  }
0x45: {  	s0 =	rddreg [dreg:$0x0];
	s2 =	stileid.u32  }
0x46: {  	s1 =	rddreg [dreg:$0x1];
	p0 =	sne.s32 s2, $0x0  }
0x47: {  	s3 =	rddreg [dreg:$0x2];
	[bflag:$0x3] =	sbarrier.arrive $0xFFFF;
	s2 =	simm.s32 @!p0 $0x1C01  }
0x48: {  	[timem:s3], [sflag:s2] =	dma.local @!p0 [hbm:s0], s1  }
0x49: {  	s0 =	simm.s32 @!p0 $0x1  }
0x4a: {  	_ =	swait.ge @!p0 [sflag:s0], s1  }
0x4b: {  	s1 =	ssub.s32 @!p0 $0x0, s1;
	[sflag:s0] =	ssyncset.done @!p0 $0x0  }
0x4c: {  	[sflag:s0] =	ssyncadd.s32 @!p0 s1  }
0x4d: {  	[bflag:$0x3] =	sbarrier.arrive $0xFFFF  }
0x4e: {  	_ =	shalt  }

// kernel: sparse-core-data-format-call.cloned.1.call-start
scs
called_computation_lowered:
.L_overlay_start_0:
0x0: {  	s2 =	sld [smem:$0x3FD9]  }
0x1: {  	s3 =	sld [smem:$0x3FFE];
	_ =	sdelay $0x1  }
0x2: {  	s1 =	srdreg.scid  }
0x3: {  	s0 =	sand.u32 $0x1, s1  }
0x4: {  	s18 =	sshll.u32 s0, $0xA;
	s2 =	sadd.s32 s3, s2  }
0x5: {  	s2 =	sadd.s32 s2, s18  }
0x6: {  	[smem:$0x3F60] =	sst s2  }
0x7: {  	_ = 	snop  }
0x8: {  	(tm) =	ssettm $0x1  }
0x9: {  	s19 =	sld [smem:$0x3FFB];
	_ =	sdelay $0x3  }
0xa: {  	_ =	strace s19  }
0xb: {  	s2 =	sld [smem:$0x3FFC];
	_ =	sdelay $0x3  }
0xc: {  	_ =	strace s2  }
0xd: {  	s2 =	sld [smem:$0x3FFD];
	_ =	sdelay $0x3  }
0xe: {  	_ =	strace s2  }
0xf: {  	_ =	strace $0x8FFFFFFF  }
0x10: {  	s20 =	sld [smem:$0x3FDB];
	_ =	sdelay $0x1  }
0x11: {  	s21 =	simm.s32 $_scs_section_size  }
0x12: {  	s4 =	simm.s32 $_size__tile_overlayer_lowered;
	s5 =	simm.s32 $_tile_overlayer_lowered  }
0x13: {  	s6 =	simm.s32 $0x1BFF;
	s22 =	sshll.u32 s5, $0x1;
	s3 =	sadd.s32 s21, s20  }
0x14: {  	s23 =	simm.s32 $0x0;
	s4 =	sshll.u32 s4, $0x1;
	s5 =	sadd.s32 s22, s3  }
0x15: {  	[timem:s23], [sflag:s6] =	dma.local [hbm:s5], s4  }
0x16: {  	_ =	swait.ge [sflag:s6], s4  }
0x17: {  	s4 =	ssub.s32 $0x0, s4;
	[sflag:s6] =	ssyncset.done $0x0  }
0x18: {  	[sflag:s6] =	ssyncadd.s32 s4;
	_ =	sdelay $0x1  }
0x19: {  	s24 =	simm.s32 $0x1B8B  }
0x1a: {  	_ =	swait.ge [sflag:s24], $0x1  }
0x1b: {  	[sflag:s24] =	ssyncset.done $0x0  }
0x1c: {  	[sflag:s24] =	ssyncadd.s32 $0xFFFFFFFF  }
0x1d: {  	s4 =	sld [smem:$0x0]  }
0x1e: {  	s5 =	sand.u32 $0xFFFFFFFE, s1  }
0x1f: {  	p0 =	sne.s32 s1, s5  }
0x20: {  	s5 =	sshll.u32 @p0 s5, $0xE  }
0x21: {  	s5 =	sadd.s32 @p0 $0x11B8D, s5;
	s6 =	sshll.u32 @p0 s4, $0x11  }
0x22: {  	s5 =	sor.u32 @p0 s6, s5  }
0x23: {  	[sflag:s5] =	ssyncadd.remote.s32 @p0 $0x1;
	_ =	sdelay $0x1  }
0x24: {  	s5 =	simm.s32 @p0 $0x1B8D  }
0x25: {  	_ =	swait.eq @p0 [sflag:s5], $0x1  }
0x26: {  	[sflag:s5] =	ssyncadd.s32 @p0 $0xFFFFFFFF  }
0x27: {  	s6 =	sshll.u32 @!p0 s1, $0xE  }
0x28: {  	s6 =	sor.u32 @!p0 $0x4000, s6;
	s5 =	simm.s32 @!p0 $0x1B8D  }
0x29: {  	s4 =	sshll.u32 @!p0 s4, $0x11;
	s6 =	sadd.s32 @!p0 $0x11B8D, s6;
	_ =	swait.eq @!p0 [sflag:s5], $0x1  }
0x2a: {  	s4 =	sor.u32 @!p0 s4, s6;
	[sflag:s5] =	ssyncadd.s32 @!p0 $0xFFFFFFFF  }
0x2b: {  	s26 =	simm.s32 $0x1B8E;
	s25 =	sld [smem:$0x3FFE];
	[sflag:s4] =	ssyncadd.remote.s32 @!p0 $0x1  }
0x2c: {  	s27 =	simm.s32 $execute0_lowered;
	[smem:$0x3FD2] =	sst s26  }
0x2d: {  	s5 =	sshll.u32 s27, $0x1;
	_ =	strace $0x8000004F;
	[dreg:$0x1] =	wrdreg $0xFFFFFFFF  }
0x2e: {  	s28 =	simm.s32 $_size_execute0_lowered;
	s3 =	sadd.s32 s3, s5;
	[dreg:$0x0] =	wrdreg $0x0  }
0x2f: {  	s5 =	sshll.u32 s28, $0x1;
	[dreg:$0x2] =	wrdreg s3  }
0x30: {  	[dreg:$0x3] =	wrdreg s5  }
0x31: {  	[dreg:$0x4] =	wrdreg $0xC0  }
0x32: {  	_ =	task [dreg:s23], $0x5FFFF  }
0x33: {  	[dreg:$0x1] =	wrdreg $0xFFFFFFFF  }
0x34: {  	[dreg:$0x0] =	wrdreg $0x60  }
0x35: {  	[dreg:$0x2] =	wrdreg s25  }
0x36: {  	[dreg:$0x3] =	wrdreg $0x9  }
0x37: {  	_ =	task.clear_ibuf [dreg:s23], $0x4FFFF;
	_ =	strace $0x9000004F  }
0x38: {  	s29 =	simm.s32 $0x9;
	_ =	strace $0x80000051  }
0x39: {  	_ =	swait.ge [sflag:s29], $0x1  }
0x3a: {  	[sflag:s29] =	ssyncadd.s32 $0xFFFFFFFF  }
0x3b: {  	_ =	strace $0x90000051  }
0x3c: {  	_ =	sfence  }
0x3d: {  	s30 =	sld [smem:$0x0];
	_ =	sdelay $0x2  }
0x3e: {  	s31 =	sshll.u32 s1, $0xD;
	s1 =	sshrl.u32 s1, $0x2  }
0x3f: {  	s4 =	sand.u32 $0x4000, s31;
	s1 =	sadd.s32 s1, s30  }
0x40: {  	s0 =	sor.u32 s4, s0;
	s1 =	sshll.u32 s1, $0x11  }
0x41: {  	s0 =	sor.u32 s1, s0  }
0x42: {  	s0 =	sadd.s32 $0x8F2B, s0  }
0x43: {  	[sflag:s0] =	ssyncadd.remote.s32 $0x1  }
0x44: {  	_ =	sfence.sel $0xFFFF  }
0x45: {  	[dreg:$0x0] =	wrdreg $0xFFFFFFFF;
	(pc) =	sbr.abs _section_cstart, $3  }
0x46: {  	[dreg:$0x1] =	wrdreg $0xFFFFFFFF  }
0x47: {  	_ =	task.clear_ibuf [dreg:s23], $0x2FFFF;
	_ =	strace $0x9FFFFFFF  }
0x48: {  	(tm) =	ssettm $0x7FFFFFFF  }
0x49: {  	_ =	shalt  }
tec
execute0_lowered:
.L_overlay_start_1:
0x0: {  	(tag) =	ssettag $0x1  }
0x1: {  	s0 =	stileid.u32;
	s1 =	srdreg.scid  }
0x2: {  	s4 =	rddreg [dreg:$0x0];
	s7 =	simm.s32 $0x1;
	s31 =	simm.s32 $0x2  }
0x3: {  	s14 =	simm.s32 $0x0;
	s2 =	sshll.u32 s0, $0x4;
	s1 =	sshll.u32 s1, $0x8  }
0x4: {  	s9 =	simm.s32 $0x2000;
	s15 =	simm.s32 $0x0;
	s1 =	sor.u32 s2, s1  }
0x5: {  	s16 =	simm.s32 $0x0;
	s10 =	simm.s32 $0x0;
	s2 =	sand.u32 $0x180, s1  }
0x6: {  	s13 =	simm.s32 $0x0;
	s3 =	sadd.s32 $0x1541E00, s4;
	s5 =	ssub.s32 $0x400, s2  }
0x7: {  	s4 =	sadd.s32 $0x819E00, s4;
	s1 =	rddreg [dreg:$0x1];
	s6 =	sand.u32 $0x180, s5  }
.Ltmp0:
0x8: {  	_ =	strace $0x80000050;
	p0 =	sne.s32 s6, $0x0;
	(pc) =	sbr.rel .LBB1_1-.Ltmp0, $4  }
0x9: {  	s11 =	smov.u32 s2;
	s8 =	sshrl.u32 s5, $0x9;
	s7 =	simm.s32 @!p0 $0x0  }
0xa: {  	s5 =	sand.u32 $0x7, s0;
	s6 =	simm.s32 $0x1;
	s7 =	sadd.s32 s7, s8  }
0xb: {  	s12 =	smov.u32 s5;
	[sflag:s6] =	ssyncpa.u1 $0x0;
	s7 =	sshll.u32 s7, $0x5  }
0xc: {  	p0 =	por $0x0, $0x0;
	[sflag:s31] =	ssyncpa.u1 $0x0;
	s8 =	sor.u32 $0x1, s7  }
.LBB1_4:
0xd: {  	s16 =	sshll.u32 s16, $0x11  }
0xe: {  	s19 =	sand.u32 $0xF80, s15;
	s14 =	sshll.u32 s14, $0xC;
	s16 =	sadd.s32 s4, s16  }
0xf: {  	s20 =	sshrl.u32 s15, $0x3;
	s30 =	sand.u32 $0x7, s15;
	s16 =	sadd.s32 s19, s16  }
0x10: {  	s31 =	sand.u32 $0xF, s20;
	s15 =	sshll.u32 s30, $0x12;
	s14 =	sadd.s32 s14, s16  }
0x11: {  	[tilespmem:s18+$0x0 ss:$0x81] =	vst.msk $0xffff, v0;
	s15 =	sor.u32 $0x400, s15;
	s14 =	sadd.s32 s31, s14  }
0x12: {  	[hbm4b:s14+s15] =	stream.strided.scatter [tilespmem:s17], [sflag:$0x2], $0x1000, s9, s15, $0x20;
	[tilespmem:$0x4040] =	vst v63  }
.LBB1_5:
0x13: {  	s17 =	sadd.s32 $0x1, s10  }
0x14: {  	s14 =	sadd.s32 $0x200, s11;
	s18 =	smov.u32 s11;
	p2 =	sgt.s32 s17, $0x1F  }
0x15: {  	s18 =	smov.u32 @p2 s14  }
0x16: {  	s20 =	smov.u32 s12;
	s14 =	sadd.s32 $0x8, s12;
	p3 =	sgt.s32 s18, $0x3FF  }
0x17: {  	s20 =	smov.u32 @p3 s14  }
0x18: {  	s17 =	simm.s32 @p2 $0x0;
	p2 =	sgt.s32 s20, $0x7  }
0x19: {  	p1 =	slt.u32 s13, $0x2;
	s20 =	smov.u32 @p2 s5;
	p2 =	sne.s32 s13, s8  }
.Ltmp1:
0x1a: {  	s19 =	simm.s32 @!p1 $0x2;
	(pc) =	sbr.rel @!p2 .LBB1_6-.Ltmp1, $4  }
0x1b: {  	s15 =	smov.u32 s11;
	s16 =	smov.u32 s12;
	_ =	swait.ge @!p1 [sflag:s19], $0x1000  }
0x1c: {  	p0 =	por !p0, !p0;
	[sflag:s19] =	ssyncset.done @!p1 $0x0;
	s18 =	smov.u32 @p3 s2  }
0x1d: {  	s14 =	smov.u32 s10;
	[sflag:s19] =	ssyncadd.s32 @!p1 $0xFFFFF000;
	s10 =	smov.u32 s17  }
0x1e: {  	s11 =	smov.u32 s18;
	s13 =	sadd.s32 $0x1, s13;
	s12 =	smov.u32 s20  }
.LBB1_1:
0x1f: {  	p1 =	sge.u32 s13, s7;
	s31 =	sadd.s32 $0xFFFFFFFF, s13  }
0x20: {  	s17 =	sxor.u32 @!p1 $0xFFFFFFFF, s13;
	s18 =	sshll.u32 @!p1 s12, $0x13;
	s19 =	sshll.u32 @!p1 s11, $0x9  }
0x21: {  	s20 =	sshll.u32 @!p1 s10, $0x4;
	s17 =	sshll.u32 @!p1 s17, $0xC;
	s18 =	sadd.s32 @!p1 s3, s18  }
0x22: {  	s20 =	sand.u32 @!p1 $0x1F0, s20;
	s17 =	sand.u32 @!p1 $0x1000, s17;
	s18 =	sadd.s32 @!p1 s19, s18  }
0x23: {  	s19 =	simm.s32 @!p1 $0x20;
	s18 =	sadd.s32 @!p1 s20, s18;
	s20 =	simm.s32 @!p1 $0x1000  }
0x24: {  	[tilespmem:s17], [sflag:$0x1] =	stream.strided.gather @!p1 [hbm4b:s18+s19], $0x1000, s20, s19, $0x38;
	[tilespmem:$0x4040] =	vst v63  }
0x25: {  	p1 =	sge.u32 s31, s7  }
.Ltmp2:
0x26: {  	_ = 	snop;
	(pc) =	sbr.rel @p1 .LBB1_5-.Ltmp2, $1  }
0x27: {  	_ =	sdelay $0x3  }
0x28: {  	s17 =	simm.s32 $0x1  }
0x29: {  	_ =	swait.ge [sflag:s6], $0x1000;
	s17 =	simm.s32 @!p0 $0x0  }
0x2a: {  	[sflag:s6] =	ssyncset.done $0x0;
	s18 =	sshll.u32 s17, $0xC  }
0x2b: {  	[sflag:s6] =	ssyncadd.s32 $0xFFFFF000;
	s21 =	sor.u32 $0x10, s18  }
0x2c: {  	s17 =	smul.u32 $0x4080, s17;
	v1 =	vld [tilespmem:s21+$0x0]  }
0x2d: {  	s30 =	sand.u32 $0x1, s13;
	v0 =	vld [tilespmem:s21+$0xFFFFFFF0]  }
0x2e: {  	s18 =	smul.u32 $0x4080, s30;
	s17 =	sshrl.u32 s17, $0x2  }
0x2f: {  	s19 =	sor.u32 $0x2000, s17  }
0x30: {  	s31 =	sshrl.u32 s18, $0x2;
	s18 =	sadd.s32 $0x0, s19  }
0x31: {  	s20 =	simm.s32 $0x4;
	s21 =	sadd.s32 $0x20, s21;
	s17 =	sor.u32 $0x2000, s31;
	[tilespmem:s18+$0x810 ss:$0x81] =	vst.msk $0xffff, v1  }
.LBB1_3:
0x32: {  	v1 =	vld [tilespmem:s21+$0x0];
	p1 =	sne.s32 s20, $0x1FC;
	[tilespmem:s18+$0x0 ss:$0x81] =	vst.msk $0xffff, v0;
	s18 =	smov.u32 s20;
	s20 =	sadd.s32 $0x4, s20  }
.Ltmp3:
0x33: {  	v0 =	vld [tilespmem:s21+$0xFFFFFFF0];
	(pc) =	sbr.rel @p1 .LBB1_3-.Ltmp3, $4  }
0x34: {  	_ = 	snop  }
0x35: {  	s18 =	sshra.s32 s18, $0x2  }
0x36: {  	s18 =	sadd.s32 s18, s19  }
0x37: {  	s21 =	sadd.s32 $0x20, s21;
	[tilespmem:s18+$0x810 ss:$0x81] =	vst.msk $0xffff, v1  }
.Ltmp4:
0x38: {  	_ = 	snop;
	(pc) =	sbr.rel .LBB1_4-.Ltmp4, $1  }
0x39: {  	_ =	sdelay $0x3  }
.LBB1_6:
0x3a: {  	_ =	sfence.sel $0x180000  }
0x3b: {  	s2 =	simm.s32 $0x1;
	[bflag:$0x0] =	sbarrier.arrive $0xFFFF  }
0x3c: {  	s31 =	simm.s32 $0x2;
	[sflag:s2] =	ssyncpa.u1 $0x1  }
0x3d: {  	[sflag:s31] =	ssyncpa.u1 $0x1  }
0x3e: {  	p0 =	sne.s32 s0, $0x0;
	_ =	strace $0x90000050  }
0x3f: {  	s0 =	sadd.s32 @!p0 $0x100000, s1;
	[bflag:$0x2] =	sbarrier.arrive $0xFFFF  }
0x40: {  	[sflag:s0] =	ssyncadd.tile.s32 @!p0 $0x1;
	_ =	shalt  }
.Lfunc_end1:
_tile_overlayer_lowered:
.L_overlay_start_2:
0x41: {  	(tag) =	ssettag $0x2  }
0x42: {  	s0 =	rddreg [dreg:$0x0];
	s2 =	stileid.u32  }
0x43: {  	s1 =	rddreg [dreg:$0x1];
	p0 =	sne.s32 s2, $0x0  }
0x44: {  	s3 =	rddreg [dreg:$0x2];
	[bflag:$0x3] =	sbarrier.arrive $0xFFFF;
	s2 =	simm.s32 @!p0 $0x1C01  }
0x45: {  	[timem:s3], [sflag:s2] =	dma.local @!p0 [hbm:s0], s1  }
0x46: {  	s0 =	simm.s32 @!p0 $0x1  }
0x47: {  	_ =	swait.ge @!p0 [sflag:s0], s1  }
0x48: {  	s1 =	ssub.s32 @!p0 $0x0, s1;
	[sflag:s0] =	ssyncset.done @!p0 $0x0  }
0x49: {  	[sflag:s0] =	ssyncadd.s32 @!p0 s1  }
0x4a: {  	[bflag:$0x3] =	sbarrier.arrive $0xFFFF  }
0x4b: {  	_ =	shalt  }

</sc_bundles>
